<compile_context>
chip_gen: v7x
topology: tpu7x:2x2x1
jax: 0.10.2.dev20260603
libtpu: 0.0.44.dev20260713+nightly
codegen_flags: <defaults>
</compile_context>

<pallas_src>
import functools

import jax
import jax.numpy as jnp
from jax import lax
from jax.experimental import pallas as pl
from jax.experimental.pallas import tpu as pltpu
from jax.experimental.pallas import tpu_sc as plsc

_K = 60
_R = 4096
_W = 8192
_NC = 2
_NS = 16
_NW = _NC * _NS
_RPW = _R // _NW
_CR = 8
_CW = 2048
_L = 16
_CPW = (_RPW // _CR) * (_W // _CW)


def _spline_body(
    x_hbm, ctab_hbm, out_hbm,
    ctab_v, crep_v, drep_v, xbuf0, xbuf1, obuf0, obuf1,
    isem0, isem1, osem0, osem1,
):
    wid = lax.axis_index("s") * _NC + lax.axis_index("c")
    row0 = wid * _RPW
    pltpu.sync_copy(ctab_hbm, ctab_v.at[pl.ds(_L, 64)])

    lane = lax.iota(jnp.int32, _L)
    for k in range(_K - 1):
        ck = plsc.load_gather(ctab_v, [jnp.full((_L,), _L + k, jnp.int32)])
        ck1 = plsc.load_gather(ctab_v, [jnp.full((_L,), _L + k + 1, jnp.int32)])
        crep_v[pl.ds(k * _L, _L)] = ck
        drep_v[pl.ds(k * _L, _L)] = ck1 - ck

    def compute(xb, ob):
        for r in range(_CR):
            @plsc.parallel_loop(0, _CW // _L, unroll=8)
            def vec_body(j):
                xv = xb[r, pl.ds(j * _L, _L)]
                t = jnp.maximum(xv, 0.0) * float(_K - 1)
                idx = jnp.minimum(t, float(_K - 1) - 1e-5).astype(jnp.int32)
                alpha = t - idx.astype(jnp.float32)
                idx2 = idx * _L + lane
                c0 = plsc.load_gather(crep_v, [idx2])
                d = plsc.load_gather(drep_v, [idx2])
                ob[r, pl.ds(j * _L, _L)] = c0 + alpha * d

    def src(g):
        r = row0 + (g // (_W // _CW)) * _CR
        c = (g % (_W // _CW)) * _CW
        return x_hbm.at[pl.ds(r, _CR), pl.ds(c, _CW)]

    def dst(g):
        r = row0 + (g // (_W // _CW)) * _CR
        c = (g % (_W // _CW)) * _CW
        return out_hbm.at[pl.ds(r, _CR), pl.ds(c, _CW)]

    bufs = ((xbuf0, obuf0, isem0, osem0), (xbuf1, obuf1, isem1, osem1))

    pltpu.async_copy(src(0), xbuf0, isem0)
    pltpu.async_copy(src(1), xbuf1, isem1)

    @pl.loop(0, _CPW, step=2)
    def chunk_pair(g):
        for b, (xb, ob, isem, osem) in enumerate(bufs):
            gg = g + b
            pltpu.make_async_copy(src(0), xb, isem).wait()
            @pl.when(gg >= 2)
            def _():
                pltpu.make_async_copy(ob, dst(0), osem).wait()

            compute(xb, ob)
            pltpu.async_copy(ob, dst(gg), osem)

            @pl.when(gg + 2 < _CPW)
            def _():
                pltpu.async_copy(src(gg + 2), xb, isem)

    for _, ob, _, osem in bufs:
        pltpu.make_async_copy(ob, dst(0), osem).wait()


_spline = functools.partial(
    pl.kernel,
    out_type=jax.ShapeDtypeStruct((_R, _W), jnp.float32),
    mesh=plsc.VectorSubcoreMesh(core_axis_name="c", subcore_axis_name="s"),
    scratch_types=[
        pltpu.VMEM((80,), jnp.float32),
        pltpu.VMEM((_K * _L,), jnp.float32),
        pltpu.VMEM((_K * _L,), jnp.float32),
        pltpu.VMEM((_CR, _CW), jnp.float32),
        pltpu.VMEM((_CR, _CW), jnp.float32),
        pltpu.VMEM((_CR, _CW), jnp.float32),
        pltpu.VMEM((_CR, _CW), jnp.float32),
        pltpu.SemaphoreType.DMA,
        pltpu.SemaphoreType.DMA,
        pltpu.SemaphoreType.DMA,
        pltpu.SemaphoreType.DMA,
    ],
    compiler_params=pltpu.CompilerParams(
        needs_layout_passes=False, use_tc_tiling_on_sc=True
    ),
)(_spline_body)


@jax.jit
def kernel(x, coeffs):
    ctab = jnp.pad(coeffs, (0, 64 - _K))
    return _spline(x, ctab)

# --- scband reference (transcript-rebuilt; emitter-appended) ---
"""Pipeline reference for scband-piecewise-linear-spline1-d-7198365188771 (READ-ONLY COPY).

The authoritative reference and input builder live on the scoring server;
editing this copy changes nothing except your own understanding.
"""

import jax, jax.numpy as jnp
import numpy as np

K = 60
IN_MIN = 0.0
IN_MAX = 1.0

def setup_inputs(seed: int = 0) -> dict:
    key = jax.random.key(seed)
    kx, = jax.random.split(key, 1)
    x = jax.random.uniform(kx, (4096, 8192), dtype=jnp.float32, minval=0.0, maxval=1.0)
    # init_identity=True -> coeffs initialized to the knot grid
    coeffs = jnp.linspace(IN_MIN, IN_MAX, K, dtype=jnp.float32)
    return {"x": x, "coeffs": coeffs}

def reference(x, coeffs):
    x = jnp.clip(x, IN_MIN, IN_MAX)
    t = (x - IN_MIN) / (IN_MAX - IN_MIN) * (K - 1)
    i0 = jnp.clip(jnp.floor(t).astype(jnp.int32), 0, K - 2)
    i1 = i0 + 1
    alpha = t - i0.astype(jnp.float32)
    c0 = jnp.take(coeffs, i0, axis=0)
    c1 = jnp.take(coeffs, i1, axis=0)
    return (1.0 - alpha) * c0 + alpha * c1

if __name__ == "__main__":
    import jax
    _d = setup_inputs()
    print(jax.jit(kernel)(*tuple(_d.values())))

</pallas_src>

<mosaic_0001>
#map = affine_map<(d0, d1) -> (0, 0)>
#map1 = affine_map<(d0, d1) -> (0)>
module attributes {stable_mosaic.version = 14 : i64} {
  func.func @_spline_body(%arg0: i32, %arg1: i32, %arg2: memref<4096x8192xf32, #tpu.memory_space<hbm>>, %arg3: memref<64xf32, #tpu.memory_space<hbm>>, %arg4: memref<4096x8192xf32, #tpu.memory_space<hbm>>, %arg5: memref<80xf32, #tpu.memory_space<vmem>>, %arg6: memref<960xf32, #tpu.memory_space<vmem>>, %arg7: memref<960xf32, #tpu.memory_space<vmem>>, %arg8: memref<8x2048xf32, #tpu.memory_space<vmem>>, %arg9: memref<8x2048xf32, #tpu.memory_space<vmem>>, %arg10: memref<8x2048xf32, #tpu.memory_space<vmem>>, %arg11: memref<8x2048xf32, #tpu.memory_space<vmem>>, %arg12: memref<!tpu.dma_semaphore, #tpu.memory_space<semaphore_mem>>, %arg13: memref<!tpu.dma_semaphore, #tpu.memory_space<semaphore_mem>>, %arg14: memref<!tpu.dma_semaphore, #tpu.memory_space<semaphore_mem>>, %arg15: memref<!tpu.dma_semaphore, #tpu.memory_space<semaphore_mem>>) attributes {dimension_semantics = [#tpu.dimension_semantics<core_parallel>, #tpu.dimension_semantics<subcore_parallel>], iteration_bounds = array<i64: 2, 16>, scalar_prefetch = 0 : i64, scratch_operands = 11 : i64, tpu.core_type = #tpu.core_type<sc_vector_subcore>, window_params = [{transform_indices = #map}, {transform_indices = #map1}, {transform_indices = #map}]} {
    %mul3A = arith.constant 2 : i32
    %mul3A_0 = arith.muli %arg1, %mul3A : i32
    %add3A = arith.addi %mul3A_0, %arg0 : i32
    %mul3A_1 = arith.constant 128 : i32
    %mul3A_2 = arith.muli %add3A, %mul3A_1 : i32
    "tpu.region"() ({
      %run_scoped3A = tpu.sem_alloc : memref<!tpu.dma_semaphore, #tpu.memory_space<semaphore_mem>>
      %dma_start3A_674 = arith.constant 16 : i32
      %dma_start3A_675 = tpu.memref_slice %arg5[%dma_start3A_674] : memref<80xf32, #tpu.memory_space<vmem>> -> memref<64xf32, #tpu.memory_space<vmem>>
      %dma_start3A_676 = arith.constant 16 : i32
      %dma_start3A_677 = tpu.memref_slice %arg5[%dma_start3A_676] : memref<80xf32, #tpu.memory_space<vmem>> -> memref<64xf32, #tpu.memory_space<vmem>>
      tpu.enqueue_dma source(%arg3 : memref<64xf32, #tpu.memory_space<hbm>>) target(%dma_start3A_677 : memref<64xf32, #tpu.memory_space<vmem>>) target_semaphore(%run_scoped3A : memref<!tpu.dma_semaphore, #tpu.memory_space<semaphore_mem>>)
      %dma_wait3A_678 = arith.constant 16 : i32
      %dma_wait3A_679 = tpu.memref_slice %arg5[%dma_wait3A_678] : memref<80xf32, #tpu.memory_space<vmem>> -> memref<64xf32, #tpu.memory_space<vmem>>
      %dma_wait3A_680 = arith.constant 16 : i32
      %dma_wait3A_681 = tpu.memref_slice %arg5[%dma_wait3A_680] : memref<80xf32, #tpu.memory_space<vmem>> -> memref<64xf32, #tpu.memory_space<vmem>>
      tpu.wait_dma2 semaphore(%run_scoped3A : memref<!tpu.dma_semaphore, #tpu.memory_space<semaphore_mem>>) src(%arg3 : memref<64xf32, #tpu.memory_space<hbm>>) dst(%dma_wait3A_681 : memref<64xf32, #tpu.memory_space<vmem>>)
      tpu.yield
    }) : () -> ()
    %iota3A = tpu.iota {dimensions = array<i32: 0>} : vector<16xi32>
    %broadcast_in_dim3A = arith.constant 16 : i32
    %broadcast_in_dim3A_3 = vector.broadcast %broadcast_in_dim3A : i32 to vector<16xi32>
    %gather3A = tpu.vector_load_idx %arg5[%broadcast_in_dim3A_3] : memref<80xf32, #tpu.memory_space<vmem>>[vector<16xi32>], vector<16xf32>,
    %broadcast_in_dim3A_4 = arith.constant 17 : i32
    %broadcast_in_dim3A_5 = vector.broadcast %broadcast_in_dim3A_4 : i32 to vector<16xi32>
    %gather3A_6 = tpu.vector_load_idx %arg5[%broadcast_in_dim3A_5] : memref<80xf32, #tpu.memory_space<vmem>>[vector<16xi32>], vector<16xf32>,
    %swap3A = arith.constant 0 : index
    %swap3A_7 = tpu.vector_load %arg6[%swap3A] {strides = array<i32>} : memref<960xf32, #tpu.memory_space<vmem>>, vector<16xf32>,
    tpu.vector_store %arg6[%swap3A], %gather3A {strides = array<i32>} : memref<960xf32, #tpu.memory_space<vmem>>, vector<16xf32>,
    %sub3A = arith.subf %gather3A_6, %gather3A : vector<16xf32>
    %swap3A_8 = arith.constant 0 : index
    %swap3A_9 = tpu.vector_load %arg7[%swap3A_8] {strides = array<i32>} : memref<960xf32, #tpu.memory_space<vmem>>, vector<16xf32>,
    tpu.vector_store %arg7[%swap3A_8], %sub3A {strides = array<i32>} : memref<960xf32, #tpu.memory_space<vmem>>, vector<16xf32>,
    %broadcast_in_dim3A_10 = arith.constant 17 : i32
    %broadcast_in_dim3A_11 = vector.broadcast %broadcast_in_dim3A_10 : i32 to vector<16xi32>
    %gather3A_12 = tpu.vector_load_idx %arg5[%broadcast_in_dim3A_11] : memref<80xf32, #tpu.memory_space<vmem>>[vector<16xi32>], vector<16xf32>,
    %broadcast_in_dim3A_13 = arith.constant 18 : i32
    %broadcast_in_dim3A_14 = vector.broadcast %broadcast_in_dim3A_13 : i32 to vector<16xi32>
    %gather3A_15 = tpu.vector_load_idx %arg5[%broadcast_in_dim3A_14] : memref<80xf32, #tpu.memory_space<vmem>>[vector<16xi32>], vector<16xf32>,
    %swap3A_16 = arith.constant 16 : index
    %swap3A_17 = tpu.vector_load %arg6[%swap3A_16] {strides = array<i32>} : memref<960xf32, #tpu.memory_space<vmem>>, vector<16xf32>,
    tpu.vector_store %arg6[%swap3A_16], %gather3A_12 {strides = array<i32>} : memref<960xf32, #tpu.memory_space<vmem>>, vector<16xf32>,
    %sub3A_18 = arith.subf %gather3A_15, %gather3A_12 : vector<16xf32>
    %swap3A_19 = arith.constant 16 : index
    %swap3A_20 = tpu.vector_load %arg7[%swap3A_19] {strides = array<i32>} : memref<960xf32, #tpu.memory_space<vmem>>, vector<16xf32>,
    tpu.vector_store %arg7[%swap3A_19], %sub3A_18 {strides = array<i32>} : memref<960xf32, #tpu.memory_space<vmem>>, vector<16xf32>,
    %broadcast_in_dim3A_21 = arith.constant 18 : i32
    %broadcast_in_dim3A_22 = vector.broadcast %broadcast_in_dim3A_21 : i32 to vector<16xi32>
    %gather3A_23 = tpu.vector_load_idx %arg5[%broadcast_in_dim3A_22] : memref<80xf32, #tpu.memory_space<vmem>>[vector<16xi32>], vector<16xf32>,
    %broadcast_in_dim3A_24 = arith.constant 19 : i32
    %broadcast_in_dim3A_25 = vector.broadcast %broadcast_in_dim3A_24 : i32 to vector<16xi32>
    %gather3A_26 = tpu.vector_load_idx %arg5[%broadcast_in_dim3A_25] : memref<80xf32, #tpu.memory_space<vmem>>[vector<16xi32>], vector<16xf32>,
    %swap3A_27 = arith.constant 32 : index
    %swap3A_28 = tpu.vector_load %arg6[%swap3A_27] {strides = array<i32>} : memref<960xf32, #tpu.memory_space<vmem>>, vector<16xf32>,
    tpu.vector_store %arg6[%swap3A_27], %gather3A_23 {strides = array<i32>} : memref<960xf32, #tpu.memory_space<vmem>>, vector<16xf32>,
    %sub3A_29 = arith.subf %gather3A_26, %gather3A_23 : vector<16xf32>
    %swap3A_30 = arith.constant 32 : index
    %swap3A_31 = tpu.vector_load %arg7[%swap3A_30] {strides = array<i32>} : memref<960xf32, #tpu.memory_space<vmem>>, vector<16xf32>,
    tpu.vector_store %arg7[%swap3A_30], %sub3A_29 {strides = array<i32>} : memref<960xf32, #tpu.memory_space<vmem>>, vector<16xf32>,
    %broadcast_in_dim3A_32 = arith.constant 19 : i32
    %broadcast_in_dim3A_33 = vector.broadcast %broadcast_in_dim3A_32 : i32 to vector<16xi32>
    %gather3A_34 = tpu.vector_load_idx %arg5[%broadcast_in_dim3A_33] : memref<80xf32, #tpu.memory_space<vmem>>[vector<16xi32>], vector<16xf32>,
    %broadcast_in_dim3A_35 = arith.constant 20 : i32
    %broadcast_in_dim3A_36 = vector.broadcast %broadcast_in_dim3A_35 : i32 to vector<16xi32>
    %gather3A_37 = tpu.vector_load_idx %arg5[%broadcast_in_dim3A_36] : memref<80xf32, #tpu.memory_space<vmem>>[vector<16xi32>], vector<16xf32>,
    %swap3A_38 = arith.constant 48 : index
    %swap3A_39 = tpu.vector_load %arg6[%swap3A_38] {strides = array<i32>} : memref<960xf32, #tpu.memory_space<vmem>>, vector<16xf32>,
    tpu.vector_store %arg6[%swap3A_38], %gather3A_34 {strides = array<i32>} : memref<960xf32, #tpu.memory_space<vmem>>, vector<16xf32>,
    %sub3A_40 = arith.subf %gather3A_37, %gather3A_34 : vector<16xf32>
    %swap3A_41 = arith.constant 48 : index
    %swap3A_42 = tpu.vector_load %arg7[%swap3A_41] {strides = array<i32>} : memref<960xf32, #tpu.memory_space<vmem>>, vector<16xf32>,
    tpu.vector_store %arg7[%swap3A_41], %sub3A_40 {strides = array<i32>} : memref<960xf32, #tpu.memory_space<vmem>>, vector<16xf32>,
    %broadcast_in_dim3A_43 = arith.constant 20 : i32
    %broadcast_in_dim3A_44 = vector.broadcast %broadcast_in_dim3A_43 : i32 to vector<16xi32>
    %gather3A_45 = tpu.vector_load_idx %arg5[%broadcast_in_dim3A_44] : memref<80xf32, #tpu.memory_space<vmem>>[vector<16xi32>], vector<16xf32>,
    %broadcast_in_dim3A_46 = arith.constant 21 : i32
    %broadcast_in_dim3A_47 = vector.broadcast %broadcast_in_dim3A_46 : i32 to vector<16xi32>
    %gather3A_48 = tpu.vector_load_idx %arg5[%broadcast_in_dim3A_47] : memref<80xf32, #tpu.memory_space<vmem>>[vector<16xi32>], vector<16xf32>,
    %swap3A_49 = arith.constant 64 : index
    %swap3A_50 = tpu.vector_load %arg6[%swap3A_49] {strides = array<i32>} : memref<960xf32, #tpu.memory_space<vmem>>, vector<16xf32>,
    tpu.vector_store %arg6[%swap3A_49], %gather3A_45 {strides = array<i32>} : memref<960xf32, #tpu.memory_space<vmem>>, vector<16xf32>,
    %sub3A_51 = arith.subf %gather3A_48, %gather3A_45 : vector<16xf32>
    %swap3A_52 = arith.constant 64 : index
    %swap3A_53 = tpu.vector_load %arg7[%swap3A_52] {strides = array<i32>} : memref<960xf32, #tpu.memory_space<vmem>>, vector<16xf32>,
    tpu.vector_store %arg7[%swap3A_52], %sub3A_51 {strides = array<i32>} : memref<960xf32, #tpu.memory_space<vmem>>, vector<16xf32>,
    %broadcast_in_dim3A_54 = arith.constant 21 : i32
    %broadcast_in_dim3A_55 = vector.broadcast %broadcast_in_dim3A_54 : i32 to vector<16xi32>
    %gather3A_56 = tpu.vector_load_idx %arg5[%broadcast_in_dim3A_55] : memref<80xf32, #tpu.memory_space<vmem>>[vector<16xi32>], vector<16xf32>,
    %broadcast_in_dim3A_57 = arith.constant 22 : i32
    %broadcast_in_dim3A_58 = vector.broadcast %broadcast_in_dim3A_57 : i32 to vector<16xi32>
    %gather3A_59 = tpu.vector_load_idx %arg5[%broadcast_in_dim3A_58] : memref<80xf32, #tpu.memory_space<vmem>>[vector<16xi32>], vector<16xf32>,
    %swap3A_60 = arith.constant 80 : index
    %swap3A_61 = tpu.vector_load %arg6[%swap3A_60] {strides = array<i32>} : memref<960xf32, #tpu.memory_space<vmem>>, vector<16xf32>,
    tpu.vector_store %arg6[%swap3A_60], %gather3A_56 {strides = array<i32>} : memref<960xf32, #tpu.memory_space<vmem>>, vector<16xf32>,
    %sub3A_62 = arith.subf %gather3A_59, %gather3A_56 : vector<16xf32>
    %swap3A_63 = arith.constant 80 : index
    %swap3A_64 = tpu.vector_load %arg7[%swap3A_63] {strides = array<i32>} : memref<960xf32, #tpu.memory_space<vmem>>, vector<16xf32>,
    tpu.vector_store %arg7[%swap3A_63], %sub3A_62 {strides = array<i32>} : memref<960xf32, #tpu.memory_space<vmem>>, vector<16xf32>,
    %broadcast_in_dim3A_65 = arith.constant 22 : i32
    %broadcast_in_dim3A_66 = vector.broadcast %broadcast_in_dim3A_65 : i32 to vector<16xi32>
    %gather3A_67 = tpu.vector_load_idx %arg5[%broadcast_in_dim3A_66] : memref<80xf32, #tpu.memory_space<vmem>>[vector<16xi32>], vector<16xf32>,
    %broadcast_in_dim3A_68 = arith.constant 23 : i32
    %broadcast_in_dim3A_69 = vector.broadcast %broadcast_in_dim3A_68 : i32 to vector<16xi32>
    %gather3A_70 = tpu.vector_load_idx %arg5[%broadcast_in_dim3A_69] : memref<80xf32, #tpu.memory_space<vmem>>[vector<16xi32>], vector<16xf32>,
    %swap3A_71 = arith.constant 96 : index
    %swap3A_72 = tpu.vector_load %arg6[%swap3A_71] {strides = array<i32>} : memref<960xf32, #tpu.memory_space<vmem>>, vector<16xf32>,
    tpu.vector_store %arg6[%swap3A_71], %gather3A_67 {strides = array<i32>} : memref<960xf32, #tpu.memory_space<vmem>>, vector<16xf32>,
    %sub3A_73 = arith.subf %gather3A_70, %gather3A_67 : vector<16xf32>
    %swap3A_74 = arith.constant 96 : index
    %swap3A_75 = tpu.vector_load %arg7[%swap3A_74] {strides = array<i32>} : memref<960xf32, #tpu.memory_space<vmem>>, vector<16xf32>,
    tpu.vector_store %arg7[%swap3A_74], %sub3A_73 {strides = array<i32>} : memref<960xf32, #tpu.memory_space<vmem>>, vector<16xf32>,
    %broadcast_in_dim3A_76 = arith.constant 23 : i32
    %broadcast_in_dim3A_77 = vector.broadcast %broadcast_in_dim3A_76 : i32 to vector<16xi32>
    %gather3A_78 = tpu.vector_load_idx %arg5[%broadcast_in_dim3A_77] : memref<80xf32, #tpu.memory_space<vmem>>[vector<16xi32>], vector<16xf32>,
    %broadcast_in_dim3A_79 = arith.constant 24 : i32
    %broadcast_in_dim3A_80 = vector.broadcast %broadcast_in_dim3A_79 : i32 to vector<16xi32>
    %gather3A_81 = tpu.vector_load_idx %arg5[%broadcast_in_dim3A_80] : memref<80xf32, #tpu.memory_space<vmem>>[vector<16xi32>], vector<16xf32>,
    %swap3A_82 = arith.constant 112 : index
    %swap3A_83 = tpu.vector_load %arg6[%swap3A_82] {strides = array<i32>} : memref<960xf32, #tpu.memory_space<vmem>>, vector<16xf32>,
    tpu.vector_store %arg6[%swap3A_82], %gather3A_78 {strides = array<i32>} : memref<960xf32, #tpu.memory_space<vmem>>, vector<16xf32>,
    %sub3A_84 = arith.subf %gather3A_81, %gather3A_78 : vector<16xf32>
    %swap3A_85 = arith.constant 112 : index
    %swap3A_86 = tpu.vector_load %arg7[%swap3A_85] {strides = array<i32>} : memref<960xf32, #tpu.memory_space<vmem>>, vector<16xf32>,
    tpu.vector_store %arg7[%swap3A_85], %sub3A_84 {strides = array<i32>} : memref<960xf32, #tpu.memory_space<vmem>>, vector<16xf32>,
    %broadcast_in_dim3A_87 = arith.constant 24 : i32
    %broadcast_in_dim3A_88 = vector.broadcast %broadcast_in_dim3A_87 : i32 to vector<16xi32>
    %gather3A_89 = tpu.vector_load_idx %arg5[%broadcast_in_dim3A_88] : memref<80xf32, #tpu.memory_space<vmem>>[vector<16xi32>], vector<16xf32>,
    %broadcast_in_dim3A_90 = arith.constant 25 : i32
    %broadcast_in_dim3A_91 = vector.broadcast %broadcast_in_dim3A_90 : i32 to vector<16xi32>
    %gather3A_92 = tpu.vector_load_idx %arg5[%broadcast_in_dim3A_91] : memref<80xf32, #tpu.memory_space<vmem>>[vector<16xi32>], vector<16xf32>,
    %swap3A_93 = arith.constant 128 : index
    %swap3A_94 = tpu.vector_load %arg6[%swap3A_93] {strides = array<i32>} : memref<960xf32, #tpu.memory_space<vmem>>, vector<16xf32>,
    tpu.vector_store %arg6[%swap3A_93], %gather3A_89 {strides = array<i32>} : memref<960xf32, #tpu.memory_space<vmem>>, vector<16xf32>,
    %sub3A_95 = arith.subf %gather3A_92, %gather3A_89 : vector<16xf32>
    %swap3A_96 = arith.constant 128 : index
    %swap3A_97 = tpu.vector_load %arg7[%swap3A_96] {strides = array<i32>} : memref<960xf32, #tpu.memory_space<vmem>>, vector<16xf32>,
    tpu.vector_store %arg7[%swap3A_96], %sub3A_95 {strides = array<i32>} : memref<960xf32, #tpu.memory_space<vmem>>, vector<16xf32>,
    %broadcast_in_dim3A_98 = arith.constant 25 : i32
    %broadcast_in_dim3A_99 = vector.broadcast %broadcast_in_dim3A_98 : i32 to vector<16xi32>
    %gather3A_100 = tpu.vector_load_idx %arg5[%broadcast_in_dim3A_99] : memref<80xf32, #tpu.memory_space<vmem>>[vector<16xi32>], vector<16xf32>,
    %broadcast_in_dim3A_101 = arith.constant 26 : i32
    %broadcast_in_dim3A_102 = vector.broadcast %broadcast_in_dim3A_101 : i32 to vector<16xi32>
    %gather3A_103 = tpu.vector_load_idx %arg5[%broadcast_in_dim3A_102] : memref<80xf32, #tpu.memory_space<vmem>>[vector<16xi32>], vector<16xf32>,
    %swap3A_104 = arith.constant 144 : index
    %swap3A_105 = tpu.vector_load %arg6[%swap3A_104] {strides = array<i32>} : memref<960xf32, #tpu.memory_space<vmem>>, vector<16xf32>,
    tpu.vector_store %arg6[%swap3A_104], %gather3A_100 {strides = array<i32>} : memref<960xf32, #tpu.memory_space<vmem>>, vector<16xf32>,
    %sub3A_106 = arith.subf %gather3A_103, %gather3A_100 : vector<16xf32>
    %swap3A_107 = arith.constant 144 : index
    %swap3A_108 = tpu.vector_load %arg7[%swap3A_107] {strides = array<i32>} : memref<960xf32, #tpu.memory_space<vmem>>, vector<16xf32>,
    tpu.vector_store %arg7[%swap3A_107], %sub3A_106 {strides = array<i32>} : memref<960xf32, #tpu.memory_space<vmem>>, vector<16xf32>,
    %broadcast_in_dim3A_109 = arith.constant 26 : i32
    %broadcast_in_dim3A_110 = vector.broadcast %broadcast_in_dim3A_109 : i32 to vector<16xi32>
    %gather3A_111 = tpu.vector_load_idx %arg5[%broadcast_in_dim3A_110] : memref<80xf32, #tpu.memory_space<vmem>>[vector<16xi32>], vector<16xf32>,
    %broadcast_in_dim3A_112 = arith.constant 27 : i32
    %broadcast_in_dim3A_113 = vector.broadcast %broadcast_in_dim3A_112 : i32 to vector<16xi32>
    %gather3A_114 = tpu.vector_load_idx %arg5[%broadcast_in_dim3A_113] : memref<80xf32, #tpu.memory_space<vmem>>[vector<16xi32>], vector<16xf32>,
    %swap3A_115 = arith.constant 160 : index
    %swap3A_116 = tpu.vector_load %arg6[%swap3A_115] {strides = array<i32>} : memref<960xf32, #tpu.memory_space<vmem>>, vector<16xf32>,
    tpu.vector_store %arg6[%swap3A_115], %gather3A_111 {strides = array<i32>} : memref<960xf32, #tpu.memory_space<vmem>>, vector<16xf32>,
    %sub3A_117 = arith.subf %gather3A_114, %gather3A_111 : vector<16xf32>
    %swap3A_118 = arith.constant 160 : index
    %swap3A_119 = tpu.vector_load %arg7[%swap3A_118] {strides = array<i32>} : memref<960xf32, #tpu.memory_space<vmem>>, vector<16xf32>,
    tpu.vector_store %arg7[%swap3A_118], %sub3A_117 {strides = array<i32>} : memref<960xf32, #tpu.memory_space<vmem>>, vector<16xf32>,
    %broadcast_in_dim3A_120 = arith.constant 27 : i32
    %broadcast_in_dim3A_121 = vector.broadcast %broadcast_in_dim3A_120 : i32 to vector<16xi32>
    %gather3A_122 = tpu.vector_load_idx %arg5[%broadcast_in_dim3A_121] : memref<80xf32, #tpu.memory_space<vmem>>[vector<16xi32>], vector<16xf32>,
    %broadcast_in_dim3A_123 = arith.constant 28 : i32
    %broadcast_in_dim3A_124 = vector.broadcast %broadcast_in_dim3A_123 : i32 to vector<16xi32>
    %gather3A_125 = tpu.vector_load_idx %arg5[%broadcast_in_dim3A_124] : memref<80xf32, #tpu.memory_space<vmem>>[vector<16xi32>], vector<16xf32>,
    %swap3A_126 = arith.constant 176 : index
    %swap3A_127 = tpu.vector_load %arg6[%swap3A_126] {strides = array<i32>} : memref<960xf32, #tpu.memory_space<vmem>>, vector<16xf32>,
    tpu.vector_store %arg6[%swap3A_126], %gather3A_122 {strides = array<i32>} : memref<960xf32, #tpu.memory_space<vmem>>, vector<16xf32>,
    %sub3A_128 = arith.subf %gather3A_125, %gather3A_122 : vector<16xf32>
    %swap3A_129 = arith.constant 176 : index
    %swap3A_130 = tpu.vector_load %arg7[%swap3A_129] {strides = array<i32>} : memref<960xf32, #tpu.memory_space<vmem>>, vector<16xf32>,
    tpu.vector_store %arg7[%swap3A_129], %sub3A_128 {strides = array<i32>} : memref<960xf32, #tpu.memory_space<vmem>>, vector<16xf32>,
    %broadcast_in_dim3A_131 = arith.constant 28 : i32
    %broadcast_in_dim3A_132 = vector.broadcast %broadcast_in_dim3A_131 : i32 to vector<16xi32>
    %gather3A_133 = tpu.vector_load_idx %arg5[%broadcast_in_dim3A_132] : memref<80xf32, #tpu.memory_space<vmem>>[vector<16xi32>], vector<16xf32>,
    %broadcast_in_dim3A_134 = arith.constant 29 : i32
    %broadcast_in_dim3A_135 = vector.broadcast %broadcast_in_dim3A_134 : i32 to vector<16xi32>
    %gather3A_136 = tpu.vector_load_idx %arg5[%broadcast_in_dim3A_135] : memref<80xf32, #tpu.memory_space<vmem>>[vector<16xi32>], vector<16xf32>,
    %swap3A_137 = arith.constant 192 : index
    %swap3A_138 = tpu.vector_load %arg6[%swap3A_137] {strides = array<i32>} : memref<960xf32, #tpu.memory_space<vmem>>, vector<16xf32>,
    tpu.vector_store %arg6[%swap3A_137], %gather3A_133 {strides = array<i32>} : memref<960xf32, #tpu.memory_space<vmem>>, vector<16xf32>,
    %sub3A_139 = arith.subf %gather3A_136, %gather3A_133 : vector<16xf32>
    %swap3A_140 = arith.constant 192 : index
    %swap3A_141 = tpu.vector_load %arg7[%swap3A_140] {strides = array<i32>} : memref<960xf32, #tpu.memory_space<vmem>>, vector<16xf32>,
    tpu.vector_store %arg7[%swap3A_140], %sub3A_139 {strides = array<i32>} : memref<960xf32, #tpu.memory_space<vmem>>, vector<16xf32>,
    %broadcast_in_dim3A_142 = arith.constant 29 : i32
    %broadcast_in_dim3A_143 = vector.broadcast %broadcast_in_dim3A_142 : i32 to vector<16xi32>
    %gather3A_144 = tpu.vector_load_idx %arg5[%broadcast_in_dim3A_143] : memref<80xf32, #tpu.memory_space<vmem>>[vector<16xi32>], vector<16xf32>,
    %broadcast_in_dim3A_145 = arith.constant 30 : i32
    %broadcast_in_dim3A_146 = vector.broadcast %broadcast_in_dim3A_145 : i32 to vector<16xi32>
    %gather3A_147 = tpu.vector_load_idx %arg5[%broadcast_in_dim3A_146] : memref<80xf32, #tpu.memory_space<vmem>>[vector<16xi32>], vector<16xf32>,
    %swap3A_148 = arith.constant 208 : index
    %swap3A_149 = tpu.vector_load %arg6[%swap3A_148] {strides = array<i32>} : memref<960xf32, #tpu.memory_space<vmem>>, vector<16xf32>,
    tpu.vector_store %arg6[%swap3A_148], %gather3A_144 {strides = array<i32>} : memref<960xf32, #tpu.memory_space<vmem>>, vector<16xf32>,
    %sub3A_150 = arith.subf %gather3A_147, %gather3A_144 : vector<16xf32>
    %swap3A_151 = arith.constant 208 : index
    %swap3A_152 = tpu.vector_load %arg7[%swap3A_151] {strides = array<i32>} : memref<960xf32, #tpu.memory_space<vmem>>, vector<16xf32>,
    tpu.vector_store %arg7[%swap3A_151], %sub3A_150 {strides = array<i32>} : memref<960xf32, #tpu.memory_space<vmem>>, vector<16xf32>,
    %broadcast_in_dim3A_153 = arith.constant 30 : i32
    %broadcast_in_dim3A_154 = vector.broadcast %broadcast_in_dim3A_153 : i32 to vector<16xi32>
    %gather3A_155 = tpu.vector_load_idx %arg5[%broadcast_in_dim3A_154] : memref<80xf32, #tpu.memory_space<vmem>>[vector<16xi32>], vector<16xf32>,
    %broadcast_in_dim3A_156 = arith.constant 31 : i32
    %broadcast_in_dim3A_157 = vector.broadcast %broadcast_in_dim3A_156 : i32 to vector<16xi32>
    %gather3A_158 = tpu.vector_load_idx %arg5[%broadcast_in_dim3A_157] : memref<80xf32, #tpu.memory_space<vmem>>[vector<16xi32>], vector<16xf32>,
    %swap3A_159 = arith.constant 224 : index
    %swap3A_160 = tpu.vector_load %arg6[%swap3A_159] {strides = array<i32>} : memref<960xf32, #tpu.memory_space<vmem>>, vector<16xf32>,
    tpu.vector_store %arg6[%swap3A_159], %gather3A_155 {strides = array<i32>} : memref<960xf32, #tpu.memory_space<vmem>>, vector<16xf32>,
    %sub3A_161 = arith.subf %gather3A_158, %gather3A_155 : vector<16xf32>
    %swap3A_162 = arith.constant 224 : index
    %swap3A_163 = tpu.vector_load %arg7[%swap3A_162] {strides = array<i32>} : memref<960xf32, #tpu.memory_space<vmem>>, vector<16xf32>,
    tpu.vector_store %arg7[%swap3A_162], %sub3A_161 {strides = array<i32>} : memref<960xf32, #tpu.memory_space<vmem>>, vector<16xf32>,
    %broadcast_in_dim3A_164 = arith.constant 31 : i32
    %broadcast_in_dim3A_165 = vector.broadcast %broadcast_in_dim3A_164 : i32 to vector<16xi32>
    %gather3A_166 = tpu.vector_load_idx %arg5[%broadcast_in_dim3A_165] : memref<80xf32, #tpu.memory_space<vmem>>[vector<16xi32>], vector<16xf32>,
    %broadcast_in_dim3A_167 = arith.constant 32 : i32
    %broadcast_in_dim3A_168 = vector.broadcast %broadcast_in_dim3A_167 : i32 to vector<16xi32>
    %gather3A_169 = tpu.vector_load_idx %arg5[%broadcast_in_dim3A_168] : memref<80xf32, #tpu.memory_space<vmem>>[vector<16xi32>], vector<16xf32>,
    %swap3A_170 = arith.constant 240 : index
    %swap3A_171 = tpu.vector_load %arg6[%swap3A_170] {strides = array<i32>} : memref<960xf32, #tpu.memory_space<vmem>>, vector<16xf32>,
    tpu.vector_store %arg6[%swap3A_170], %gather3A_166 {strides = array<i32>} : memref<960xf32, #tpu.memory_space<vmem>>, vector<16xf32>,
    %sub3A_172 = arith.subf %gather3A_169, %gather3A_166 : vector<16xf32>
    %swap3A_173 = arith.constant 240 : index
    %swap3A_174 = tpu.vector_load %arg7[%swap3A_173] {strides = array<i32>} : memref<960xf32, #tpu.memory_space<vmem>>, vector<16xf32>,
    tpu.vector_store %arg7[%swap3A_173], %sub3A_172 {strides = array<i32>} : memref<960xf32, #tpu.memory_space<vmem>>, vector<16xf32>,
    %broadcast_in_dim3A_175 = arith.constant 32 : i32
    %broadcast_in_dim3A_176 = vector.broadcast %broadcast_in_dim3A_175 : i32 to vector<16xi32>
    %gather3A_177 = tpu.vector_load_idx %arg5[%broadcast_in_dim3A_176] : memref<80xf32, #tpu.memory_space<vmem>>[vector<16xi32>], vector<16xf32>,
    %broadcast_in_dim3A_178 = arith.constant 33 : i32
    %broadcast_in_dim3A_179 = vector.broadcast %broadcast_in_dim3A_178 : i32 to vector<16xi32>
    %gather3A_180 = tpu.vector_load_idx %arg5[%broadcast_in_dim3A_179] : memref<80xf32, #tpu.memory_space<vmem>>[vector<16xi32>], vector<16xf32>,
    %swap3A_181 = arith.constant 256 : index
    %swap3A_182 = tpu.vector_load %arg6[%swap3A_181] {strides = array<i32>} : memref<960xf32, #tpu.memory_space<vmem>>, vector<16xf32>,
    tpu.vector_store %arg6[%swap3A_181], %gather3A_177 {strides = array<i32>} : memref<960xf32, #tpu.memory_space<vmem>>, vector<16xf32>,
    %sub3A_183 = arith.subf %gather3A_180, %gather3A_177 : vector<16xf32>
    %swap3A_184 = arith.constant 256 : index
    %swap3A_185 = tpu.vector_load %arg7[%swap3A_184] {strides = array<i32>} : memref<960xf32, #tpu.memory_space<vmem>>, vector<16xf32>,
    tpu.vector_store %arg7[%swap3A_184], %sub3A_183 {strides = array<i32>} : memref<960xf32, #tpu.memory_space<vmem>>, vector<16xf32>,
    %broadcast_in_dim3A_186 = arith.constant 33 : i32
    %broadcast_in_dim3A_187 = vector.broadcast %broadcast_in_dim3A_186 : i32 to vector<16xi32>
    %gather3A_188 = tpu.vector_load_idx %arg5[%broadcast_in_dim3A_187] : memref<80xf32, #tpu.memory_space<vmem>>[vector<16xi32>], vector<16xf32>,
    %broadcast_in_dim3A_189 = arith.constant 34 : i32
    %broadcast_in_dim3A_190 = vector.broadcast %broadcast_in_dim3A_189 : i32 to vector<16xi32>
    %gather3A_191 = tpu.vector_load_idx %arg5[%broadcast_in_dim3A_190] : memref<80xf32, #tpu.memory_space<vmem>>[vector<16xi32>], vector<16xf32>,
    %swap3A_192 = arith.constant 272 : index
    %swap3A_193 = tpu.vector_load %arg6[%swap3A_192] {strides = array<i32>} : memref<960xf32, #tpu.memory_space<vmem>>, vector<16xf32>,
    tpu.vector_store %arg6[%swap3A_192], %gather3A_188 {strides = array<i32>} : memref<960xf32, #tpu.memory_space<vmem>>, vector<16xf32>,
    %sub3A_194 = arith.subf %gather3A_191, %gather3A_188 : vector<16xf32>
    %swap3A_195 = arith.constant 272 : index
    %swap3A_196 = tpu.vector_load %arg7[%swap3A_195] {strides = array<i32>} : memref<960xf32, #tpu.memory_space<vmem>>, vector<16xf32>,
    tpu.vector_store %arg7[%swap3A_195], %sub3A_194 {strides = array<i32>} : memref<960xf32, #tpu.memory_space<vmem>>, vector<16xf32>,
    %broadcast_in_dim3A_197 = arith.constant 34 : i32
    %broadcast_in_dim3A_198 = vector.broadcast %broadcast_in_dim3A_197 : i32 to vector<16xi32>
    %gather3A_199 = tpu.vector_load_idx %arg5[%broadcast_in_dim3A_198] : memref<80xf32, #tpu.memory_space<vmem>>[vector<16xi32>], vector<16xf32>,
    %broadcast_in_dim3A_200 = arith.constant 35 : i32
    %broadcast_in_dim3A_201 = vector.broadcast %broadcast_in_dim3A_200 : i32 to vector<16xi32>
    %gather3A_202 = tpu.vector_load_idx %arg5[%broadcast_in_dim3A_201] : memref<80xf32, #tpu.memory_space<vmem>>[vector<16xi32>], vector<16xf32>,
    %swap3A_203 = arith.constant 288 : index
    %swap3A_204 = tpu.vector_load %arg6[%swap3A_203] {strides = array<i32>} : memref<960xf32, #tpu.memory_space<vmem>>, vector<16xf32>,
    tpu.vector_store %arg6[%swap3A_203], %gather3A_199 {strides = array<i32>} : memref<960xf32, #tpu.memory_space<vmem>>, vector<16xf32>,
    %sub3A_205 = arith.subf %gather3A_202, %gather3A_199 : vector<16xf32>
    %swap3A_206 = arith.constant 288 : index
    %swap3A_207 = tpu.vector_load %arg7[%swap3A_206] {strides = array<i32>} : memref<960xf32, #tpu.memory_space<vmem>>, vector<16xf32>,
    tpu.vector_store %arg7[%swap3A_206], %sub3A_205 {strides = array<i32>} : memref<960xf32, #tpu.memory_space<vmem>>, vector<16xf32>,
    %broadcast_in_dim3A_208 = arith.constant 35 : i32
    %broadcast_in_dim3A_209 = vector.broadcast %broadcast_in_dim3A_208 : i32 to vector<16xi32>
    %gather3A_210 = tpu.vector_load_idx %arg5[%broadcast_in_dim3A_209] : memref<80xf32, #tpu.memory_space<vmem>>[vector<16xi32>], vector<16xf32>,
    %broadcast_in_dim3A_211 = arith.constant 36 : i32
    %broadcast_in_dim3A_212 = vector.broadcast %broadcast_in_dim3A_211 : i32 to vector<16xi32>
    %gather3A_213 = tpu.vector_load_idx %arg5[%broadcast_in_dim3A_212] : memref<80xf32, #tpu.memory_space<vmem>>[vector<16xi32>], vector<16xf32>,
    %swap3A_214 = arith.constant 304 : index
    %swap3A_215 = tpu.vector_load %arg6[%swap3A_214] {strides = array<i32>} : memref<960xf32, #tpu.memory_space<vmem>>, vector<16xf32>,
    tpu.vector_store %arg6[%swap3A_214], %gather3A_210 {strides = array<i32>} : memref<960xf32, #tpu.memory_space<vmem>>, vector<16xf32>,
    %sub3A_216 = arith.subf %gather3A_213, %gather3A_210 : vector<16xf32>
    %swap3A_217 = arith.constant 304 : index
    %swap3A_218 = tpu.vector_load %arg7[%swap3A_217] {strides = array<i32>} : memref<960xf32, #tpu.memory_space<vmem>>, vector<16xf32>,
    tpu.vector_store %arg7[%swap3A_217], %sub3A_216 {strides = array<i32>} : memref<960xf32, #tpu.memory_space<vmem>>, vector<16xf32>,
    %broadcast_in_dim3A_219 = arith.constant 36 : i32
    %broadcast_in_dim3A_220 = vector.broadcast %broadcast_in_dim3A_219 : i32 to vector<16xi32>
    %gather3A_221 = tpu.vector_load_idx %arg5[%broadcast_in_dim3A_220] : memref<80xf32, #tpu.memory_space<vmem>>[vector<16xi32>], vector<16xf32>,
    %broadcast_in_dim3A_222 = arith.constant 37 : i32
    %broadcast_in_dim3A_223 = vector.broadcast %broadcast_in_dim3A_222 : i32 to vector<16xi32>
    %gather3A_224 = tpu.vector_load_idx %arg5[%broadcast_in_dim3A_223] : memref<80xf32, #tpu.memory_space<vmem>>[vector<16xi32>], vector<16xf32>,
    %swap3A_225 = arith.constant 320 : index
    %swap3A_226 = tpu.vector_load %arg6[%swap3A_225] {strides = array<i32>} : memref<960xf32, #tpu.memory_space<vmem>>, vector<16xf32>,
    tpu.vector_store %arg6[%swap3A_225], %gather3A_221 {strides = array<i32>} : memref<960xf32, #tpu.memory_space<vmem>>, vector<16xf32>,
    %sub3A_227 = arith.subf %gather3A_224, %gather3A_221 : vector<16xf32>
    %swap3A_228 = arith.constant 320 : index
    %swap3A_229 = tpu.vector_load %arg7[%swap3A_228] {strides = array<i32>} : memref<960xf32, #tpu.memory_space<vmem>>, vector<16xf32>,
    tpu.vector_store %arg7[%swap3A_228], %sub3A_227 {strides = array<i32>} : memref<960xf32, #tpu.memory_space<vmem>>, vector<16xf32>,
    %broadcast_in_dim3A_230 = arith.constant 37 : i32
    %broadcast_in_dim3A_231 = vector.broadcast %broadcast_in_dim3A_230 : i32 to vector<16xi32>
    %gather3A_232 = tpu.vector_load_idx %arg5[%broadcast_in_dim3A_231] : memref<80xf32, #tpu.memory_space<vmem>>[vector<16xi32>], vector<16xf32>,
    %broadcast_in_dim3A_233 = arith.constant 38 : i32
    %broadcast_in_dim3A_234 = vector.broadcast %broadcast_in_dim3A_233 : i32 to vector<16xi32>
    %gather3A_235 = tpu.vector_load_idx %arg5[%broadcast_in_dim3A_234] : memref<80xf32, #tpu.memory_space<vmem>>[vector<16xi32>], vector<16xf32>,
    %swap3A_236 = arith.constant 336 : index
    %swap3A_237 = tpu.vector_load %arg6[%swap3A_236] {strides = array<i32>} : memref<960xf32, #tpu.memory_space<vmem>>, vector<16xf32>,
    tpu.vector_store %arg6[%swap3A_236], %gather3A_232 {strides = array<i32>} : memref<960xf32, #tpu.memory_space<vmem>>, vector<16xf32>,
    %sub3A_238 = arith.subf %gather3A_235, %gather3A_232 : vector<16xf32>
    %swap3A_239 = arith.constant 336 : index
    %swap3A_240 = tpu.vector_load %arg7[%swap3A_239] {strides = array<i32>} : memref<960xf32, #tpu.memory_space<vmem>>, vector<16xf32>,
    tpu.vector_store %arg7[%swap3A_239], %sub3A_238 {strides = array<i32>} : memref<960xf32, #tpu.memory_space<vmem>>, vector<16xf32>,
    %broadcast_in_dim3A_241 = arith.constant 38 : i32
    %broadcast_in_dim3A_242 = vector.broadcast %broadcast_in_dim3A_241 : i32 to vector<16xi32>
    %gather3A_243 = tpu.vector_load_idx %arg5[%broadcast_in_dim3A_242] : memref<80xf32, #tpu.memory_space<vmem>>[vector<16xi32>], vector<16xf32>,
    %broadcast_in_dim3A_244 = arith.constant 39 : i32
    %broadcast_in_dim3A_245 = vector.broadcast %broadcast_in_dim3A_244 : i32 to vector<16xi32>
    %gather3A_246 = tpu.vector_load_idx %arg5[%broadcast_in_dim3A_245] : memref<80xf32, #tpu.memory_space<vmem>>[vector<16xi32>], vector<16xf32>,
    %swap3A_247 = arith.constant 352 : index
    %swap3A_248 = tpu.vector_load %arg6[%swap3A_247] {strides = array<i32>} : memref<960xf32, #tpu.memory_space<vmem>>, vector<16xf32>,
    tpu.vector_store %arg6[%swap3A_247], %gather3A_243 {strides = array<i32>} : memref<960xf32, #tpu.memory_space<vmem>>, vector<16xf32>,
    %sub3A_249 = arith.subf %gather3A_246, %gather3A_243 : vector<16xf32>
    %swap3A_250 = arith.constant 352 : index
    %swap3A_251 = tpu.vector_load %arg7[%swap3A_250] {strides = array<i32>} : memref<960xf32, #tpu.memory_space<vmem>>, vector<16xf32>,
    tpu.vector_store %arg7[%swap3A_250], %sub3A_249 {strides = array<i32>} : memref<960xf32, #tpu.memory_space<vmem>>, vector<16xf32>,
    %broadcast_in_dim3A_252 = arith.constant 39 : i32
    %broadcast_in_dim3A_253 = vector.broadcast %broadcast_in_dim3A_252 : i32 to vector<16xi32>
    %gather3A_254 = tpu.vector_load_idx %arg5[%broadcast_in_dim3A_253] : memref<80xf32, #tpu.memory_space<vmem>>[vector<16xi32>], vector<16xf32>,
    %broadcast_in_dim3A_255 = arith.constant 40 : i32
    %broadcast_in_dim3A_256 = vector.broadcast %broadcast_in_dim3A_255 : i32 to vector<16xi32>
    %gather3A_257 = tpu.vector_load_idx %arg5[%broadcast_in_dim3A_256] : memref<80xf32, #tpu.memory_space<vmem>>[vector<16xi32>], vector<16xf32>,
    %swap3A_258 = arith.constant 368 : index
    %swap3A_259 = tpu.vector_load %arg6[%swap3A_258] {strides = array<i32>} : memref<960xf32, #tpu.memory_space<vmem>>, vector<16xf32>,
    tpu.vector_store %arg6[%swap3A_258], %gather3A_254 {strides = array<i32>} : memref<960xf32, #tpu.memory_space<vmem>>, vector<16xf32>,
    %sub3A_260 = arith.subf %gather3A_257, %gather3A_254 : vector<16xf32>
    %swap3A_261 = arith.constant 368 : index
    %swap3A_262 = tpu.vector_load %arg7[%swap3A_261] {strides = array<i32>} : memref<960xf32, #tpu.memory_space<vmem>>, vector<16xf32>,
    tpu.vector_store %arg7[%swap3A_261], %sub3A_260 {strides = array<i32>} : memref<960xf32, #tpu.memory_space<vmem>>, vector<16xf32>,
    %broadcast_in_dim3A_263 = arith.constant 40 : i32
    %broadcast_in_dim3A_264 = vector.broadcast %broadcast_in_dim3A_263 : i32 to vector<16xi32>
    %gather3A_265 = tpu.vector_load_idx %arg5[%broadcast_in_dim3A_264] : memref<80xf32, #tpu.memory_space<vmem>>[vector<16xi32>], vector<16xf32>,
    %broadcast_in_dim3A_266 = arith.constant 41 : i32
    %broadcast_in_dim3A_267 = vector.broadcast %broadcast_in_dim3A_266 : i32 to vector<16xi32>
    %gather3A_268 = tpu.vector_load_idx %arg5[%broadcast_in_dim3A_267] : memref<80xf32, #tpu.memory_space<vmem>>[vector<16xi32>], vector<16xf32>,
    %swap3A_269 = arith.constant 384 : index
    %swap3A_270 = tpu.vector_load %arg6[%swap3A_269] {strides = array<i32>} : memref<960xf32, #tpu.memory_space<vmem>>, vector<16xf32>,
    tpu.vector_store %arg6[%swap3A_269], %gather3A_265 {strides = array<i32>} : memref<960xf32, #tpu.memory_space<vmem>>, vector<16xf32>,
    %sub3A_271 = arith.subf %gather3A_268, %gather3A_265 : vector<16xf32>
    %swap3A_272 = arith.constant 384 : index
    %swap3A_273 = tpu.vector_load %arg7[%swap3A_272] {strides = array<i32>} : memref<960xf32, #tpu.memory_space<vmem>>, vector<16xf32>,
    tpu.vector_store %arg7[%swap3A_272], %sub3A_271 {strides = array<i32>} : memref<960xf32, #tpu.memory_space<vmem>>, vector<16xf32>,
    %broadcast_in_dim3A_274 = arith.constant 41 : i32
    %broadcast_in_dim3A_275 = vector.broadcast %broadcast_in_dim3A_274 : i32 to vector<16xi32>
    %gather3A_276 = tpu.vector_load_idx %arg5[%broadcast_in_dim3A_275] : memref<80xf32, #tpu.memory_space<vmem>>[vector<16xi32>], vector<16xf32>,
    %broadcast_in_dim3A_277 = arith.constant 42 : i32
    %broadcast_in_dim3A_278 = vector.broadcast %broadcast_in_dim3A_277 : i32 to vector<16xi32>
    %gather3A_279 = tpu.vector_load_idx %arg5[%broadcast_in_dim3A_278] : memref<80xf32, #tpu.memory_space<vmem>>[vector<16xi32>], vector<16xf32>,
    %swap3A_280 = arith.constant 400 : index
    %swap3A_281 = tpu.vector_load %arg6[%swap3A_280] {strides = array<i32>} : memref<960xf32, #tpu.memory_space<vmem>>, vector<16xf32>,
    tpu.vector_store %arg6[%swap3A_280], %gather3A_276 {strides = array<i32>} : memref<960xf32, #tpu.memory_space<vmem>>, vector<16xf32>,
    %sub3A_282 = arith.subf %gather3A_279, %gather3A_276 : vector<16xf32>
    %swap3A_283 = arith.constant 400 : index
    %swap3A_284 = tpu.vector_load %arg7[%swap3A_283] {strides = array<i32>} : memref<960xf32, #tpu.memory_space<vmem>>, vector<16xf32>,
    tpu.vector_store %arg7[%swap3A_283], %sub3A_282 {strides = array<i32>} : memref<960xf32, #tpu.memory_space<vmem>>, vector<16xf32>,
    %broadcast_in_dim3A_285 = arith.constant 42 : i32
    %broadcast_in_dim3A_286 = vector.broadcast %broadcast_in_dim3A_285 : i32 to vector<16xi32>
    %gather3A_287 = tpu.vector_load_idx %arg5[%broadcast_in_dim3A_286] : memref<80xf32, #tpu.memory_space<vmem>>[vector<16xi32>], vector<16xf32>,
    %broadcast_in_dim3A_288 = arith.constant 43 : i32
    %broadcast_in_dim3A_289 = vector.broadcast %broadcast_in_dim3A_288 : i32 to vector<16xi32>
    %gather3A_290 = tpu.vector_load_idx %arg5[%broadcast_in_dim3A_289] : memref<80xf32, #tpu.memory_space<vmem>>[vector<16xi32>], vector<16xf32>,
    %swap3A_291 = arith.constant 416 : index
    %swap3A_292 = tpu.vector_load %arg6[%swap3A_291] {strides = array<i32>} : memref<960xf32, #tpu.memory_space<vmem>>, vector<16xf32>,
    tpu.vector_store %arg6[%swap3A_291], %gather3A_287 {strides = array<i32>} : memref<960xf32, #tpu.memory_space<vmem>>, vector<16xf32>,
    %sub3A_293 = arith.subf %gather3A_290, %gather3A_287 : vector<16xf32>
    %swap3A_294 = arith.constant 416 : index
    %swap3A_295 = tpu.vector_load %arg7[%swap3A_294] {strides = array<i32>} : memref<960xf32, #tpu.memory_space<vmem>>, vector<16xf32>,
    tpu.vector_store %arg7[%swap3A_294], %sub3A_293 {strides = array<i32>} : memref<960xf32, #tpu.memory_space<vmem>>, vector<16xf32>,
    %broadcast_in_dim3A_296 = arith.constant 43 : i32
    %broadcast_in_dim3A_297 = vector.broadcast %broadcast_in_dim3A_296 : i32 to vector<16xi32>
    %gather3A_298 = tpu.vector_load_idx %arg5[%broadcast_in_dim3A_297] : memref<80xf32, #tpu.memory_space<vmem>>[vector<16xi32>], vector<16xf32>,
    %broadcast_in_dim3A_299 = arith.constant 44 : i32
    %broadcast_in_dim3A_300 = vector.broadcast %broadcast_in_dim3A_299 : i32 to vector<16xi32>
    %gather3A_301 = tpu.vector_load_idx %arg5[%broadcast_in_dim3A_300] : memref<80xf32, #tpu.memory_space<vmem>>[vector<16xi32>], vector<16xf32>,
    %swap3A_302 = arith.constant 432 : index
    %swap3A_303 = tpu.vector_load %arg6[%swap3A_302] {strides = array<i32>} : memref<960xf32, #tpu.memory_space<vmem>>, vector<16xf32>,
    tpu.vector_store %arg6[%swap3A_302], %gather3A_298 {strides = array<i32>} : memref<960xf32, #tpu.memory_space<vmem>>, vector<16xf32>,
    %sub3A_304 = arith.subf %gather3A_301, %gather3A_298 : vector<16xf32>
    %swap3A_305 = arith.constant 432 : index
    %swap3A_306 = tpu.vector_load %arg7[%swap3A_305] {strides = array<i32>} : memref<960xf32, #tpu.memory_space<vmem>>, vector<16xf32>,
    tpu.vector_store %arg7[%swap3A_305], %sub3A_304 {strides = array<i32>} : memref<960xf32, #tpu.memory_space<vmem>>, vector<16xf32>,
    %broadcast_in_dim3A_307 = arith.constant 44 : i32
    %broadcast_in_dim3A_308 = vector.broadcast %broadcast_in_dim3A_307 : i32 to vector<16xi32>
    %gather3A_309 = tpu.vector_load_idx %arg5[%broadcast_in_dim3A_308] : memref<80xf32, #tpu.memory_space<vmem>>[vector<16xi32>], vector<16xf32>,
    %broadcast_in_dim3A_310 = arith.constant 45 : i32
    %broadcast_in_dim3A_311 = vector.broadcast %broadcast_in_dim3A_310 : i32 to vector<16xi32>
    %gather3A_312 = tpu.vector_load_idx %arg5[%broadcast_in_dim3A_311] : memref<80xf32, #tpu.memory_space<vmem>>[vector<16xi32>], vector<16xf32>,
    %swap3A_313 = arith.constant 448 : index
    %swap3A_314 = tpu.vector_load %arg6[%swap3A_313] {strides = array<i32>} : memref<960xf32, #tpu.memory_space<vmem>>, vector<16xf32>,
    tpu.vector_store %arg6[%swap3A_313], %gather3A_309 {strides = array<i32>} : memref<960xf32, #tpu.memory_space<vmem>>, vector<16xf32>,
    %sub3A_315 = arith.subf %gather3A_312, %gather3A_309 : vector<16xf32>
    %swap3A_316 = arith.constant 448 : index
    %swap3A_317 = tpu.vector_load %arg7[%swap3A_316] {strides = array<i32>} : memref<960xf32, #tpu.memory_space<vmem>>, vector<16xf32>,
    tpu.vector_store %arg7[%swap3A_316], %sub3A_315 {strides = array<i32>} : memref<960xf32, #tpu.memory_space<vmem>>, vector<16xf32>,
    %broadcast_in_dim3A_318 = arith.constant 45 : i32
    %broadcast_in_dim3A_319 = vector.broadcast %broadcast_in_dim3A_318 : i32 to vector<16xi32>
    %gather3A_320 = tpu.vector_load_idx %arg5[%broadcast_in_dim3A_319] : memref<80xf32, #tpu.memory_space<vmem>>[vector<16xi32>], vector<16xf32>,
    %broadcast_in_dim3A_321 = arith.constant 46 : i32
    %broadcast_in_dim3A_322 = vector.broadcast %broadcast_in_dim3A_321 : i32 to vector<16xi32>
    %gather3A_323 = tpu.vector_load_idx %arg5[%broadcast_in_dim3A_322] : memref<80xf32, #tpu.memory_space<vmem>>[vector<16xi32>], vector<16xf32>,
    %swap3A_324 = arith.constant 464 : index
    %swap3A_325 = tpu.vector_load %arg6[%swap3A_324] {strides = array<i32>} : memref<960xf32, #tpu.memory_space<vmem>>, vector<16xf32>,
    tpu.vector_store %arg6[%swap3A_324], %gather3A_320 {strides = array<i32>} : memref<960xf32, #tpu.memory_space<vmem>>, vector<16xf32>,
    %sub3A_326 = arith.subf %gather3A_323, %gather3A_320 : vector<16xf32>
    %swap3A_327 = arith.constant 464 : index
    %swap3A_328 = tpu.vector_load %arg7[%swap3A_327] {strides = array<i32>} : memref<960xf32, #tpu.memory_space<vmem>>, vector<16xf32>,
    tpu.vector_store %arg7[%swap3A_327], %sub3A_326 {strides = array<i32>} : memref<960xf32, #tpu.memory_space<vmem>>, vector<16xf32>,
    %broadcast_in_dim3A_329 = arith.constant 46 : i32
    %broadcast_in_dim3A_330 = vector.broadcast %broadcast_in_dim3A_329 : i32 to vector<16xi32>
    %gather3A_331 = tpu.vector_load_idx %arg5[%broadcast_in_dim3A_330] : memref<80xf32, #tpu.memory_space<vmem>>[vector<16xi32>], vector<16xf32>,
    %broadcast_in_dim3A_332 = arith.constant 47 : i32
    %broadcast_in_dim3A_333 = vector.broadcast %broadcast_in_dim3A_332 : i32 to vector<16xi32>
    %gather3A_334 = tpu.vector_load_idx %arg5[%broadcast_in_dim3A_333] : memref<80xf32, #tpu.memory_space<vmem>>[vector<16xi32>], vector<16xf32>,
    %swap3A_335 = arith.constant 480 : index
    %swap3A_336 = tpu.vector_load %arg6[%swap3A_335] {strides = array<i32>} : memref<960xf32, #tpu.memory_space<vmem>>, vector<16xf32>,
    tpu.vector_store %arg6[%swap3A_335], %gather3A_331 {strides = array<i32>} : memref<960xf32, #tpu.memory_space<vmem>>, vector<16xf32>,
    %sub3A_337 = arith.subf %gather3A_334, %gather3A_331 : vector<16xf32>
    %swap3A_338 = arith.constant 480 : index
    %swap3A_339 = tpu.vector_load %arg7[%swap3A_338] {strides = array<i32>} : memref<960xf32, #tpu.memory_space<vmem>>, vector<16xf32>,
    tpu.vector_store %arg7[%swap3A_338], %sub3A_337 {strides = array<i32>} : memref<960xf32, #tpu.memory_space<vmem>>, vector<16xf32>,
    %broadcast_in_dim3A_340 = arith.constant 47 : i32
    %broadcast_in_dim3A_341 = vector.broadcast %broadcast_in_dim3A_340 : i32 to vector<16xi32>
    %gather3A_342 = tpu.vector_load_idx %arg5[%broadcast_in_dim3A_341] : memref<80xf32, #tpu.memory_space<vmem>>[vector<16xi32>], vector<16xf32>,
    %broadcast_in_dim3A_343 = arith.constant 48 : i32
    %broadcast_in_dim3A_344 = vector.broadcast %broadcast_in_dim3A_343 : i32 to vector<16xi32>
    %gather3A_345 = tpu.vector_load_idx %arg5[%broadcast_in_dim3A_344] : memref<80xf32, #tpu.memory_space<vmem>>[vector<16xi32>], vector<16xf32>,
    %swap3A_346 = arith.constant 496 : index
    %swap3A_347 = tpu.vector_load %arg6[%swap3A_346] {strides = array<i32>} : memref<960xf32, #tpu.memory_space<vmem>>, vector<16xf32>,
    tpu.vector_store %arg6[%swap3A_346], %gather3A_342 {strides = array<i32>} : memref<960xf32, #tpu.memory_space<vmem>>, vector<16xf32>,
    %sub3A_348 = arith.subf %gather3A_345, %gather3A_342 : vector<16xf32>
    %swap3A_349 = arith.constant 496 : index
    %swap3A_350 = tpu.vector_load %arg7[%swap3A_349] {strides = array<i32>} : memref<960xf32, #tpu.memory_space<vmem>>, vector<16xf32>,
    tpu.vector_store %arg7[%swap3A_349], %sub3A_348 {strides = array<i32>} : memref<960xf32, #tpu.memory_space<vmem>>, vector<16xf32>,
    %broadcast_in_dim3A_351 = arith.constant 48 : i32
    %broadcast_in_dim3A_352 = vector.broadcast %broadcast_in_dim3A_351 : i32 to vector<16xi32>
    %gather3A_353 = tpu.vector_load_idx %arg5[%broadcast_in_dim3A_352] : memref<80xf32, #tpu.memory_space<vmem>>[vector<16xi32>], vector<16xf32>,
    %broadcast_in_dim3A_354 = arith.constant 49 : i32
    %broadcast_in_dim3A_355 = vector.broadcast %broadcast_in_dim3A_354 : i32 to vector<16xi32>
    %gather3A_356 = tpu.vector_load_idx %arg5[%broadcast_in_dim3A_355] : memref<80xf32, #tpu.memory_space<vmem>>[vector<16xi32>], vector<16xf32>,
    %swap3A_357 = arith.constant 512 : index
    %swap3A_358 = tpu.vector_load %arg6[%swap3A_357] {strides = array<i32>} : memref<960xf32, #tpu.memory_space<vmem>>, vector<16xf32>,
    tpu.vector_store %arg6[%swap3A_357], %gather3A_353 {strides = array<i32>} : memref<960xf32, #tpu.memory_space<vmem>>, vector<16xf32>,
    %sub3A_359 = arith.subf %gather3A_356, %gather3A_353 : vector<16xf32>
    %swap3A_360 = arith.constant 512 : index
    %swap3A_361 = tpu.vector_load %arg7[%swap3A_360] {strides = array<i32>} : memref<960xf32, #tpu.memory_space<vmem>>, vector<16xf32>,
    tpu.vector_store %arg7[%swap3A_360], %sub3A_359 {strides = array<i32>} : memref<960xf32, #tpu.memory_space<vmem>>, vector<16xf32>,
    %broadcast_in_dim3A_362 = arith.constant 49 : i32
    %broadcast_in_dim3A_363 = vector.broadcast %broadcast_in_dim3A_362 : i32 to vector<16xi32>
    %gather3A_364 = tpu.vector_load_idx %arg5[%broadcast_in_dim3A_363] : memref<80xf32, #tpu.memory_space<vmem>>[vector<16xi32>], vector<16xf32>,
    %broadcast_in_dim3A_365 = arith.constant 50 : i32
    %broadcast_in_dim3A_366 = vector.broadcast %broadcast_in_dim3A_365 : i32 to vector<16xi32>
    %gather3A_367 = tpu.vector_load_idx %arg5[%broadcast_in_dim3A_366] : memref<80xf32, #tpu.memory_space<vmem>>[vector<16xi32>], vector<16xf32>,
    %swap3A_368 = arith.constant 528 : index
    %swap3A_369 = tpu.vector_load %arg6[%swap3A_368] {strides = array<i32>} : memref<960xf32, #tpu.memory_space<vmem>>, vector<16xf32>,
    tpu.vector_store %arg6[%swap3A_368], %gather3A_364 {strides = array<i32>} : memref<960xf32, #tpu.memory_space<vmem>>, vector<16xf32>,
    %sub3A_370 = arith.subf %gather3A_367, %gather3A_364 : vector<16xf32>
    %swap3A_371 = arith.constant 528 : index
    %swap3A_372 = tpu.vector_load %arg7[%swap3A_371] {strides = array<i32>} : memref<960xf32, #tpu.memory_space<vmem>>, vector<16xf32>,
    tpu.vector_store %arg7[%swap3A_371], %sub3A_370 {strides = array<i32>} : memref<960xf32, #tpu.memory_space<vmem>>, vector<16xf32>,
    %broadcast_in_dim3A_373 = arith.constant 50 : i32
    %broadcast_in_dim3A_374 = vector.broadcast %broadcast_in_dim3A_373 : i32 to vector<16xi32>
    %gather3A_375 = tpu.vector_load_idx %arg5[%broadcast_in_dim3A_374] : memref<80xf32, #tpu.memory_space<vmem>>[vector<16xi32>], vector<16xf32>,
    %broadcast_in_dim3A_376 = arith.constant 51 : i32
    %broadcast_in_dim3A_377 = vector.broadcast %broadcast_in_dim3A_376 : i32 to vector<16xi32>
    %gather3A_378 = tpu.vector_load_idx %arg5[%broadcast_in_dim3A_377] : memref<80xf32, #tpu.memory_space<vmem>>[vector<16xi32>], vector<16xf32>,
    %swap3A_379 = arith.constant 544 : index
    %swap3A_380 = tpu.vector_load %arg6[%swap3A_379] {strides = array<i32>} : memref<960xf32, #tpu.memory_space<vmem>>, vector<16xf32>,
    tpu.vector_store %arg6[%swap3A_379], %gather3A_375 {strides = array<i32>} : memref<960xf32, #tpu.memory_space<vmem>>, vector<16xf32>,
    %sub3A_381 = arith.subf %gather3A_378, %gather3A_375 : vector<16xf32>
    %swap3A_382 = arith.constant 544 : index
    %swap3A_383 = tpu.vector_load %arg7[%swap3A_382] {strides = array<i32>} : memref<960xf32, #tpu.memory_space<vmem>>, vector<16xf32>,
    tpu.vector_store %arg7[%swap3A_382], %sub3A_381 {strides = array<i32>} : memref<960xf32, #tpu.memory_space<vmem>>, vector<16xf32>,
    %broadcast_in_dim3A_384 = arith.constant 51 : i32
    %broadcast_in_dim3A_385 = vector.broadcast %broadcast_in_dim3A_384 : i32 to vector<16xi32>
    %gather3A_386 = tpu.vector_load_idx %arg5[%broadcast_in_dim3A_385] : memref<80xf32, #tpu.memory_space<vmem>>[vector<16xi32>], vector<16xf32>,
    %broadcast_in_dim3A_387 = arith.constant 52 : i32
    %broadcast_in_dim3A_388 = vector.broadcast %broadcast_in_dim3A_387 : i32 to vector<16xi32>
    %gather3A_389 = tpu.vector_load_idx %arg5[%broadcast_in_dim3A_388] : memref<80xf32, #tpu.memory_space<vmem>>[vector<16xi32>], vector<16xf32>,
    %swap3A_390 = arith.constant 560 : index
    %swap3A_391 = tpu.vector_load %arg6[%swap3A_390] {strides = array<i32>} : memref<960xf32, #tpu.memory_space<vmem>>, vector<16xf32>,
    tpu.vector_store %arg6[%swap3A_390], %gather3A_386 {strides = array<i32>} : memref<960xf32, #tpu.memory_space<vmem>>, vector<16xf32>,
    %sub3A_392 = arith.subf %gather3A_389, %gather3A_386 : vector<16xf32>
    %swap3A_393 = arith.constant 560 : index
    %swap3A_394 = tpu.vector_load %arg7[%swap3A_393] {strides = array<i32>} : memref<960xf32, #tpu.memory_space<vmem>>, vector<16xf32>,
    tpu.vector_store %arg7[%swap3A_393], %sub3A_392 {strides = array<i32>} : memref<960xf32, #tpu.memory_space<vmem>>, vector<16xf32>,
    %broadcast_in_dim3A_395 = arith.constant 52 : i32
    %broadcast_in_dim3A_396 = vector.broadcast %broadcast_in_dim3A_395 : i32 to vector<16xi32>
    %gather3A_397 = tpu.vector_load_idx %arg5[%broadcast_in_dim3A_396] : memref<80xf32, #tpu.memory_space<vmem>>[vector<16xi32>], vector<16xf32>,
    %broadcast_in_dim3A_398 = arith.constant 53 : i32
    %broadcast_in_dim3A_399 = vector.broadcast %broadcast_in_dim3A_398 : i32 to vector<16xi32>
    %gather3A_400 = tpu.vector_load_idx %arg5[%broadcast_in_dim3A_399] : memref<80xf32, #tpu.memory_space<vmem>>[vector<16xi32>], vector<16xf32>,
    %swap3A_401 = arith.constant 576 : index
    %swap3A_402 = tpu.vector_load %arg6[%swap3A_401] {strides = array<i32>} : memref<960xf32, #tpu.memory_space<vmem>>, vector<16xf32>,
    tpu.vector_store %arg6[%swap3A_401], %gather3A_397 {strides = array<i32>} : memref<960xf32, #tpu.memory_space<vmem>>, vector<16xf32>,
    %sub3A_403 = arith.subf %gather3A_400, %gather3A_397 : vector<16xf32>
    %swap3A_404 = arith.constant 576 : index
    %swap3A_405 = tpu.vector_load %arg7[%swap3A_404] {strides = array<i32>} : memref<960xf32, #tpu.memory_space<vmem>>, vector<16xf32>,
    tpu.vector_store %arg7[%swap3A_404], %sub3A_403 {strides = array<i32>} : memref<960xf32, #tpu.memory_space<vmem>>, vector<16xf32>,
    %broadcast_in_dim3A_406 = arith.constant 53 : i32
    %broadcast_in_dim3A_407 = vector.broadcast %broadcast_in_dim3A_406 : i32 to vector<16xi32>
    %gather3A_408 = tpu.vector_load_idx %arg5[%broadcast_in_dim3A_407] : memref<80xf32, #tpu.memory_space<vmem>>[vector<16xi32>], vector<16xf32>,
    %broadcast_in_dim3A_409 = arith.constant 54 : i32
    %broadcast_in_dim3A_410 = vector.broadcast %broadcast_in_dim3A_409 : i32 to vector<16xi32>
    %gather3A_411 = tpu.vector_load_idx %arg5[%broadcast_in_dim3A_410] : memref<80xf32, #tpu.memory_space<vmem>>[vector<16xi32>], vector<16xf32>,
    %swap3A_412 = arith.constant 592 : index
    %swap3A_413 = tpu.vector_load %arg6[%swap3A_412] {strides = array<i32>} : memref<960xf32, #tpu.memory_space<vmem>>, vector<16xf32>,
    tpu.vector_store %arg6[%swap3A_412], %gather3A_408 {strides = array<i32>} : memref<960xf32, #tpu.memory_space<vmem>>, vector<16xf32>,
    %sub3A_414 = arith.subf %gather3A_411, %gather3A_408 : vector<16xf32>
    %swap3A_415 = arith.constant 592 : index
    %swap3A_416 = tpu.vector_load %arg7[%swap3A_415] {strides = array<i32>} : memref<960xf32, #tpu.memory_space<vmem>>, vector<16xf32>,
    tpu.vector_store %arg7[%swap3A_415], %sub3A_414 {strides = array<i32>} : memref<960xf32, #tpu.memory_space<vmem>>, vector<16xf32>,
    %broadcast_in_dim3A_417 = arith.constant 54 : i32
    %broadcast_in_dim3A_418 = vector.broadcast %broadcast_in_dim3A_417 : i32 to vector<16xi32>
    %gather3A_419 = tpu.vector_load_idx %arg5[%broadcast_in_dim3A_418] : memref<80xf32, #tpu.memory_space<vmem>>[vector<16xi32>], vector<16xf32>,
    %broadcast_in_dim3A_420 = arith.constant 55 : i32
    %broadcast_in_dim3A_421 = vector.broadcast %broadcast_in_dim3A_420 : i32 to vector<16xi32>
    %gather3A_422 = tpu.vector_load_idx %arg5[%broadcast_in_dim3A_421] : memref<80xf32, #tpu.memory_space<vmem>>[vector<16xi32>], vector<16xf32>,
    %swap3A_423 = arith.constant 608 : index
    %swap3A_424 = tpu.vector_load %arg6[%swap3A_423] {strides = array<i32>} : memref<960xf32, #tpu.memory_space<vmem>>, vector<16xf32>,
    tpu.vector_store %arg6[%swap3A_423], %gather3A_419 {strides = array<i32>} : memref<960xf32, #tpu.memory_space<vmem>>, vector<16xf32>,
    %sub3A_425 = arith.subf %gather3A_422, %gather3A_419 : vector<16xf32>
    %swap3A_426 = arith.constant 608 : index
    %swap3A_427 = tpu.vector_load %arg7[%swap3A_426] {strides = array<i32>} : memref<960xf32, #tpu.memory_space<vmem>>, vector<16xf32>,
    tpu.vector_store %arg7[%swap3A_426], %sub3A_425 {strides = array<i32>} : memref<960xf32, #tpu.memory_space<vmem>>, vector<16xf32>,
    %broadcast_in_dim3A_428 = arith.constant 55 : i32
    %broadcast_in_dim3A_429 = vector.broadcast %broadcast_in_dim3A_428 : i32 to vector<16xi32>
    %gather3A_430 = tpu.vector_load_idx %arg5[%broadcast_in_dim3A_429] : memref<80xf32, #tpu.memory_space<vmem>>[vector<16xi32>], vector<16xf32>,
    %broadcast_in_dim3A_431 = arith.constant 56 : i32
    %broadcast_in_dim3A_432 = vector.broadcast %broadcast_in_dim3A_431 : i32 to vector<16xi32>
    %gather3A_433 = tpu.vector_load_idx %arg5[%broadcast_in_dim3A_432] : memref<80xf32, #tpu.memory_space<vmem>>[vector<16xi32>], vector<16xf32>,
    %swap3A_434 = arith.constant 624 : index
    %swap3A_435 = tpu.vector_load %arg6[%swap3A_434] {strides = array<i32>} : memref<960xf32, #tpu.memory_space<vmem>>, vector<16xf32>,
    tpu.vector_store %arg6[%swap3A_434], %gather3A_430 {strides = array<i32>} : memref<960xf32, #tpu.memory_space<vmem>>, vector<16xf32>,
    %sub3A_436 = arith.subf %gather3A_433, %gather3A_430 : vector<16xf32>
    %swap3A_437 = arith.constant 624 : index
    %swap3A_438 = tpu.vector_load %arg7[%swap3A_437] {strides = array<i32>} : memref<960xf32, #tpu.memory_space<vmem>>, vector<16xf32>,
    tpu.vector_store %arg7[%swap3A_437], %sub3A_436 {strides = array<i32>} : memref<960xf32, #tpu.memory_space<vmem>>, vector<16xf32>,
    %broadcast_in_dim3A_439 = arith.constant 56 : i32
    %broadcast_in_dim3A_440 = vector.broadcast %broadcast_in_dim3A_439 : i32 to vector<16xi32>
    %gather3A_441 = tpu.vector_load_idx %arg5[%broadcast_in_dim3A_440] : memref<80xf32, #tpu.memory_space<vmem>>[vector<16xi32>], vector<16xf32>,
    %broadcast_in_dim3A_442 = arith.constant 57 : i32
    %broadcast_in_dim3A_443 = vector.broadcast %broadcast_in_dim3A_442 : i32 to vector<16xi32>
    %gather3A_444 = tpu.vector_load_idx %arg5[%broadcast_in_dim3A_443] : memref<80xf32, #tpu.memory_space<vmem>>[vector<16xi32>], vector<16xf32>,
    %swap3A_445 = arith.constant 640 : index
    %swap3A_446 = tpu.vector_load %arg6[%swap3A_445] {strides = array<i32>} : memref<960xf32, #tpu.memory_space<vmem>>, vector<16xf32>,
    tpu.vector_store %arg6[%swap3A_445], %gather3A_441 {strides = array<i32>} : memref<960xf32, #tpu.memory_space<vmem>>, vector<16xf32>,
    %sub3A_447 = arith.subf %gather3A_444, %gather3A_441 : vector<16xf32>
    %swap3A_448 = arith.constant 640 : index
    %swap3A_449 = tpu.vector_load %arg7[%swap3A_448] {strides = array<i32>} : memref<960xf32, #tpu.memory_space<vmem>>, vector<16xf32>,
    tpu.vector_store %arg7[%swap3A_448], %sub3A_447 {strides = array<i32>} : memref<960xf32, #tpu.memory_space<vmem>>, vector<16xf32>,
    %broadcast_in_dim3A_450 = arith.constant 57 : i32
    %broadcast_in_dim3A_451 = vector.broadcast %broadcast_in_dim3A_450 : i32 to vector<16xi32>
    %gather3A_452 = tpu.vector_load_idx %arg5[%broadcast_in_dim3A_451] : memref<80xf32, #tpu.memory_space<vmem>>[vector<16xi32>], vector<16xf32>,
    %broadcast_in_dim3A_453 = arith.constant 58 : i32
    %broadcast_in_dim3A_454 = vector.broadcast %broadcast_in_dim3A_453 : i32 to vector<16xi32>
    %gather3A_455 = tpu.vector_load_idx %arg5[%broadcast_in_dim3A_454] : memref<80xf32, #tpu.memory_space<vmem>>[vector<16xi32>], vector<16xf32>,
    %swap3A_456 = arith.constant 656 : index
    %swap3A_457 = tpu.vector_load %arg6[%swap3A_456] {strides = array<i32>} : memref<960xf32, #tpu.memory_space<vmem>>, vector<16xf32>,
    tpu.vector_store %arg6[%swap3A_456], %gather3A_452 {strides = array<i32>} : memref<960xf32, #tpu.memory_space<vmem>>, vector<16xf32>,
    %sub3A_458 = arith.subf %gather3A_455, %gather3A_452 : vector<16xf32>
    %swap3A_459 = arith.constant 656 : index
    %swap3A_460 = tpu.vector_load %arg7[%swap3A_459] {strides = array<i32>} : memref<960xf32, #tpu.memory_space<vmem>>, vector<16xf32>,
    tpu.vector_store %arg7[%swap3A_459], %sub3A_458 {strides = array<i32>} : memref<960xf32, #tpu.memory_space<vmem>>, vector<16xf32>,
    %broadcast_in_dim3A_461 = arith.constant 58 : i32
    %broadcast_in_dim3A_462 = vector.broadcast %broadcast_in_dim3A_461 : i32 to vector<16xi32>
    %gather3A_463 = tpu.vector_load_idx %arg5[%broadcast_in_dim3A_462] : memref<80xf32, #tpu.memory_space<vmem>>[vector<16xi32>], vector<16xf32>,
    %broadcast_in_dim3A_464 = arith.constant 59 : i32
    %broadcast_in_dim3A_465 = vector.broadcast %broadcast_in_dim3A_464 : i32 to vector<16xi32>
    %gather3A_466 = tpu.vector_load_idx %arg5[%broadcast_in_dim3A_465] : memref<80xf32, #tpu.memory_space<vmem>>[vector<16xi32>], vector<16xf32>,
    %swap3A_467 = arith.constant 672 : index
    %swap3A_468 = tpu.vector_load %arg6[%swap3A_467] {strides = array<i32>} : memref<960xf32, #tpu.memory_space<vmem>>, vector<16xf32>,
    tpu.vector_store %arg6[%swap3A_467], %gather3A_463 {strides = array<i32>} : memref<960xf32, #tpu.memory_space<vmem>>, vector<16xf32>,
    %sub3A_469 = arith.subf %gather3A_466, %gather3A_463 : vector<16xf32>
    %swap3A_470 = arith.constant 672 : index
    %swap3A_471 = tpu.vector_load %arg7[%swap3A_470] {strides = array<i32>} : memref<960xf32, #tpu.memory_space<vmem>>, vector<16xf32>,
    tpu.vector_store %arg7[%swap3A_470], %sub3A_469 {strides = array<i32>} : memref<960xf32, #tpu.memory_space<vmem>>, vector<16xf32>,
    %broadcast_in_dim3A_472 = arith.constant 59 : i32
    %broadcast_in_dim3A_473 = vector.broadcast %broadcast_in_dim3A_472 : i32 to vector<16xi32>
    %gather3A_474 = tpu.vector_load_idx %arg5[%broadcast_in_dim3A_473] : memref<80xf32, #tpu.memory_space<vmem>>[vector<16xi32>], vector<16xf32>,
    %broadcast_in_dim3A_475 = arith.constant 60 : i32
    %broadcast_in_dim3A_476 = vector.broadcast %broadcast_in_dim3A_475 : i32 to vector<16xi32>
    %gather3A_477 = tpu.vector_load_idx %arg5[%broadcast_in_dim3A_476] : memref<80xf32, #tpu.memory_space<vmem>>[vector<16xi32>], vector<16xf32>,
    %swap3A_478 = arith.constant 688 : index
    %swap3A_479 = tpu.vector_load %arg6[%swap3A_478] {strides = array<i32>} : memref<960xf32, #tpu.memory_space<vmem>>, vector<16xf32>,
    tpu.vector_store %arg6[%swap3A_478], %gather3A_474 {strides = array<i32>} : memref<960xf32, #tpu.memory_space<vmem>>, vector<16xf32>,
    %sub3A_480 = arith.subf %gather3A_477, %gather3A_474 : vector<16xf32>
    %swap3A_481 = arith.constant 688 : index
    %swap3A_482 = tpu.vector_load %arg7[%swap3A_481] {strides = array<i32>} : memref<960xf32, #tpu.memory_space<vmem>>, vector<16xf32>,
    tpu.vector_store %arg7[%swap3A_481], %sub3A_480 {strides = array<i32>} : memref<960xf32, #tpu.memory_space<vmem>>, vector<16xf32>,
    %broadcast_in_dim3A_483 = arith.constant 60 : i32
    %broadcast_in_dim3A_484 = vector.broadcast %broadcast_in_dim3A_483 : i32 to vector<16xi32>
    %gather3A_485 = tpu.vector_load_idx %arg5[%broadcast_in_dim3A_484] : memref<80xf32, #tpu.memory_space<vmem>>[vector<16xi32>], vector<16xf32>,
    %broadcast_in_dim3A_486 = arith.constant 61 : i32
    %broadcast_in_dim3A_487 = vector.broadcast %broadcast_in_dim3A_486 : i32 to vector<16xi32>
    %gather3A_488 = tpu.vector_load_idx %arg5[%broadcast_in_dim3A_487] : memref<80xf32, #tpu.memory_space<vmem>>[vector<16xi32>], vector<16xf32>,
    %swap3A_489 = arith.constant 704 : index
    %swap3A_490 = tpu.vector_load %arg6[%swap3A_489] {strides = array<i32>} : memref<960xf32, #tpu.memory_space<vmem>>, vector<16xf32>,
    tpu.vector_store %arg6[%swap3A_489], %gather3A_485 {strides = array<i32>} : memref<960xf32, #tpu.memory_space<vmem>>, vector<16xf32>,
    %sub3A_491 = arith.subf %gather3A_488, %gather3A_485 : vector<16xf32>
    %swap3A_492 = arith.constant 704 : index
    %swap3A_493 = tpu.vector_load %arg7[%swap3A_492] {strides = array<i32>} : memref<960xf32, #tpu.memory_space<vmem>>, vector<16xf32>,
    tpu.vector_store %arg7[%swap3A_492], %sub3A_491 {strides = array<i32>} : memref<960xf32, #tpu.memory_space<vmem>>, vector<16xf32>,
    %broadcast_in_dim3A_494 = arith.constant 61 : i32
    %broadcast_in_dim3A_495 = vector.broadcast %broadcast_in_dim3A_494 : i32 to vector<16xi32>
    %gather3A_496 = tpu.vector_load_idx %arg5[%broadcast_in_dim3A_495] : memref<80xf32, #tpu.memory_space<vmem>>[vector<16xi32>], vector<16xf32>,
    %broadcast_in_dim3A_497 = arith.constant 62 : i32
    %broadcast_in_dim3A_498 = vector.broadcast %broadcast_in_dim3A_497 : i32 to vector<16xi32>
    %gather3A_499 = tpu.vector_load_idx %arg5[%broadcast_in_dim3A_498] : memref<80xf32, #tpu.memory_space<vmem>>[vector<16xi32>], vector<16xf32>,
    %swap3A_500 = arith.constant 720 : index
    %swap3A_501 = tpu.vector_load %arg6[%swap3A_500] {strides = array<i32>} : memref<960xf32, #tpu.memory_space<vmem>>, vector<16xf32>,
    tpu.vector_store %arg6[%swap3A_500], %gather3A_496 {strides = array<i32>} : memref<960xf32, #tpu.memory_space<vmem>>, vector<16xf32>,
    %sub3A_502 = arith.subf %gather3A_499, %gather3A_496 : vector<16xf32>
    %swap3A_503 = arith.constant 720 : index
    %swap3A_504 = tpu.vector_load %arg7[%swap3A_503] {strides = array<i32>} : memref<960xf32, #tpu.memory_space<vmem>>, vector<16xf32>,
    tpu.vector_store %arg7[%swap3A_503], %sub3A_502 {strides = array<i32>} : memref<960xf32, #tpu.memory_space<vmem>>, vector<16xf32>,
    %broadcast_in_dim3A_505 = arith.constant 62 : i32
    %broadcast_in_dim3A_506 = vector.broadcast %broadcast_in_dim3A_505 : i32 to vector<16xi32>
    %gather3A_507 = tpu.vector_load_idx %arg5[%broadcast_in_dim3A_506] : memref<80xf32, #tpu.memory_space<vmem>>[vector<16xi32>], vector<16xf32>,
    %broadcast_in_dim3A_508 = arith.constant 63 : i32
    %broadcast_in_dim3A_509 = vector.broadcast %broadcast_in_dim3A_508 : i32 to vector<16xi32>
    %gather3A_510 = tpu.vector_load_idx %arg5[%broadcast_in_dim3A_509] : memref<80xf32, #tpu.memory_space<vmem>>[vector<16xi32>], vector<16xf32>,
    %swap3A_511 = arith.constant 736 : index
    %swap3A_512 = tpu.vector_load %arg6[%swap3A_511] {strides = array<i32>} : memref<960xf32, #tpu.memory_space<vmem>>, vector<16xf32>,
    tpu.vector_store %arg6[%swap3A_511], %gather3A_507 {strides = array<i32>} : memref<960xf32, #tpu.memory_space<vmem>>, vector<16xf32>,
    %sub3A_513 = arith.subf %gather3A_510, %gather3A_507 : vector<16xf32>
    %swap3A_514 = arith.constant 736 : index
    %swap3A_515 = tpu.vector_load %arg7[%swap3A_514] {strides = array<i32>} : memref<960xf32, #tpu.memory_space<vmem>>, vector<16xf32>,
    tpu.vector_store %arg7[%swap3A_514], %sub3A_513 {strides = array<i32>} : memref<960xf32, #tpu.memory_space<vmem>>, vector<16xf32>,
    %broadcast_in_dim3A_516 = arith.constant 63 : i32
    %broadcast_in_dim3A_517 = vector.broadcast %broadcast_in_dim3A_516 : i32 to vector<16xi32>
    %gather3A_518 = tpu.vector_load_idx %arg5[%broadcast_in_dim3A_517] : memref<80xf32, #tpu.memory_space<vmem>>[vector<16xi32>], vector<16xf32>,
    %broadcast_in_dim3A_519 = arith.constant 64 : i32
    %broadcast_in_dim3A_520 = vector.broadcast %broadcast_in_dim3A_519 : i32 to vector<16xi32>
    %gather3A_521 = tpu.vector_load_idx %arg5[%broadcast_in_dim3A_520] : memref<80xf32, #tpu.memory_space<vmem>>[vector<16xi32>], vector<16xf32>,
    %swap3A_522 = arith.constant 752 : index
    %swap3A_523 = tpu.vector_load %arg6[%swap3A_522] {strides = array<i32>} : memref<960xf32, #tpu.memory_space<vmem>>, vector<16xf32>,
    tpu.vector_store %arg6[%swap3A_522], %gather3A_518 {strides = array<i32>} : memref<960xf32, #tpu.memory_space<vmem>>, vector<16xf32>,
    %sub3A_524 = arith.subf %gather3A_521, %gather3A_518 : vector<16xf32>
    %swap3A_525 = arith.constant 752 : index
    %swap3A_526 = tpu.vector_load %arg7[%swap3A_525] {strides = array<i32>} : memref<960xf32, #tpu.memory_space<vmem>>, vector<16xf32>,
    tpu.vector_store %arg7[%swap3A_525], %sub3A_524 {strides = array<i32>} : memref<960xf32, #tpu.memory_space<vmem>>, vector<16xf32>,
    %broadcast_in_dim3A_527 = arith.constant 64 : i32
    %broadcast_in_dim3A_528 = vector.broadcast %broadcast_in_dim3A_527 : i32 to vector<16xi32>
    %gather3A_529 = tpu.vector_load_idx %arg5[%broadcast_in_dim3A_528] : memref<80xf32, #tpu.memory_space<vmem>>[vector<16xi32>], vector<16xf32>,
    %broadcast_in_dim3A_530 = arith.constant 65 : i32
    %broadcast_in_dim3A_531 = vector.broadcast %broadcast_in_dim3A_530 : i32 to vector<16xi32>
    %gather3A_532 = tpu.vector_load_idx %arg5[%broadcast_in_dim3A_531] : memref<80xf32, #tpu.memory_space<vmem>>[vector<16xi32>], vector<16xf32>,
    %swap3A_533 = arith.constant 768 : index
    %swap3A_534 = tpu.vector_load %arg6[%swap3A_533] {strides = array<i32>} : memref<960xf32, #tpu.memory_space<vmem>>, vector<16xf32>,
    tpu.vector_store %arg6[%swap3A_533], %gather3A_529 {strides = array<i32>} : memref<960xf32, #tpu.memory_space<vmem>>, vector<16xf32>,
    %sub3A_535 = arith.subf %gather3A_532, %gather3A_529 : vector<16xf32>
    %swap3A_536 = arith.constant 768 : index
    %swap3A_537 = tpu.vector_load %arg7[%swap3A_536] {strides = array<i32>} : memref<960xf32, #tpu.memory_space<vmem>>, vector<16xf32>,
    tpu.vector_store %arg7[%swap3A_536], %sub3A_535 {strides = array<i32>} : memref<960xf32, #tpu.memory_space<vmem>>, vector<16xf32>,
    %broadcast_in_dim3A_538 = arith.constant 65 : i32
    %broadcast_in_dim3A_539 = vector.broadcast %broadcast_in_dim3A_538 : i32 to vector<16xi32>
    %gather3A_540 = tpu.vector_load_idx %arg5[%broadcast_in_dim3A_539] : memref<80xf32, #tpu.memory_space<vmem>>[vector<16xi32>], vector<16xf32>,
    %broadcast_in_dim3A_541 = arith.constant 66 : i32
    %broadcast_in_dim3A_542 = vector.broadcast %broadcast_in_dim3A_541 : i32 to vector<16xi32>
    %gather3A_543 = tpu.vector_load_idx %arg5[%broadcast_in_dim3A_542] : memref<80xf32, #tpu.memory_space<vmem>>[vector<16xi32>], vector<16xf32>,
    %swap3A_544 = arith.constant 784 : index
    %swap3A_545 = tpu.vector_load %arg6[%swap3A_544] {strides = array<i32>} : memref<960xf32, #tpu.memory_space<vmem>>, vector<16xf32>,
    tpu.vector_store %arg6[%swap3A_544], %gather3A_540 {strides = array<i32>} : memref<960xf32, #tpu.memory_space<vmem>>, vector<16xf32>,
    %sub3A_546 = arith.subf %gather3A_543, %gather3A_540 : vector<16xf32>
    %swap3A_547 = arith.constant 784 : index
    %swap3A_548 = tpu.vector_load %arg7[%swap3A_547] {strides = array<i32>} : memref<960xf32, #tpu.memory_space<vmem>>, vector<16xf32>,
    tpu.vector_store %arg7[%swap3A_547], %sub3A_546 {strides = array<i32>} : memref<960xf32, #tpu.memory_space<vmem>>, vector<16xf32>,
    %broadcast_in_dim3A_549 = arith.constant 66 : i32
    %broadcast_in_dim3A_550 = vector.broadcast %broadcast_in_dim3A_549 : i32 to vector<16xi32>
    %gather3A_551 = tpu.vector_load_idx %arg5[%broadcast_in_dim3A_550] : memref<80xf32, #tpu.memory_space<vmem>>[vector<16xi32>], vector<16xf32>,
    %broadcast_in_dim3A_552 = arith.constant 67 : i32
    %broadcast_in_dim3A_553 = vector.broadcast %broadcast_in_dim3A_552 : i32 to vector<16xi32>
    %gather3A_554 = tpu.vector_load_idx %arg5[%broadcast_in_dim3A_553] : memref<80xf32, #tpu.memory_space<vmem>>[vector<16xi32>], vector<16xf32>,
    %swap3A_555 = arith.constant 800 : index
    %swap3A_556 = tpu.vector_load %arg6[%swap3A_555] {strides = array<i32>} : memref<960xf32, #tpu.memory_space<vmem>>, vector<16xf32>,
    tpu.vector_store %arg6[%swap3A_555], %gather3A_551 {strides = array<i32>} : memref<960xf32, #tpu.memory_space<vmem>>, vector<16xf32>,
    %sub3A_557 = arith.subf %gather3A_554, %gather3A_551 : vector<16xf32>
    %swap3A_558 = arith.constant 800 : index
    %swap3A_559 = tpu.vector_load %arg7[%swap3A_558] {strides = array<i32>} : memref<960xf32, #tpu.memory_space<vmem>>, vector<16xf32>,
    tpu.vector_store %arg7[%swap3A_558], %sub3A_557 {strides = array<i32>} : memref<960xf32, #tpu.memory_space<vmem>>, vector<16xf32>,
    %broadcast_in_dim3A_560 = arith.constant 67 : i32
    %broadcast_in_dim3A_561 = vector.broadcast %broadcast_in_dim3A_560 : i32 to vector<16xi32>
    %gather3A_562 = tpu.vector_load_idx %arg5[%broadcast_in_dim3A_561] : memref<80xf32, #tpu.memory_space<vmem>>[vector<16xi32>], vector<16xf32>,
    %broadcast_in_dim3A_563 = arith.constant 68 : i32
    %broadcast_in_dim3A_564 = vector.broadcast %broadcast_in_dim3A_563 : i32 to vector<16xi32>
    %gather3A_565 = tpu.vector_load_idx %arg5[%broadcast_in_dim3A_564] : memref<80xf32, #tpu.memory_space<vmem>>[vector<16xi32>], vector<16xf32>,
    %swap3A_566 = arith.constant 816 : index
    %swap3A_567 = tpu.vector_load %arg6[%swap3A_566] {strides = array<i32>} : memref<960xf32, #tpu.memory_space<vmem>>, vector<16xf32>,
    tpu.vector_store %arg6[%swap3A_566], %gather3A_562 {strides = array<i32>} : memref<960xf32, #tpu.memory_space<vmem>>, vector<16xf32>,
    %sub3A_568 = arith.subf %gather3A_565, %gather3A_562 : vector<16xf32>
    %swap3A_569 = arith.constant 816 : index
    %swap3A_570 = tpu.vector_load %arg7[%swap3A_569] {strides = array<i32>} : memref<960xf32, #tpu.memory_space<vmem>>, vector<16xf32>,
    tpu.vector_store %arg7[%swap3A_569], %sub3A_568 {strides = array<i32>} : memref<960xf32, #tpu.memory_space<vmem>>, vector<16xf32>,
    %broadcast_in_dim3A_571 = arith.constant 68 : i32
    %broadcast_in_dim3A_572 = vector.broadcast %broadcast_in_dim3A_571 : i32 to vector<16xi32>
    %gather3A_573 = tpu.vector_load_idx %arg5[%broadcast_in_dim3A_572] : memref<80xf32, #tpu.memory_space<vmem>>[vector<16xi32>], vector<16xf32>,
    %broadcast_in_dim3A_574 = arith.constant 69 : i32
    %broadcast_in_dim3A_575 = vector.broadcast %broadcast_in_dim3A_574 : i32 to vector<16xi32>
    %gather3A_576 = tpu.vector_load_idx %arg5[%broadcast_in_dim3A_575] : memref<80xf32, #tpu.memory_space<vmem>>[vector<16xi32>], vector<16xf32>,
    %swap3A_577 = arith.constant 832 : index
    %swap3A_578 = tpu.vector_load %arg6[%swap3A_577] {strides = array<i32>} : memref<960xf32, #tpu.memory_space<vmem>>, vector<16xf32>,
    tpu.vector_store %arg6[%swap3A_577], %gather3A_573 {strides = array<i32>} : memref<960xf32, #tpu.memory_space<vmem>>, vector<16xf32>,
    %sub3A_579 = arith.subf %gather3A_576, %gather3A_573 : vector<16xf32>
    %swap3A_580 = arith.constant 832 : index
    %swap3A_581 = tpu.vector_load %arg7[%swap3A_580] {strides = array<i32>} : memref<960xf32, #tpu.memory_space<vmem>>, vector<16xf32>,
    tpu.vector_store %arg7[%swap3A_580], %sub3A_579 {strides = array<i32>} : memref<960xf32, #tpu.memory_space<vmem>>, vector<16xf32>,
    %broadcast_in_dim3A_582 = arith.constant 69 : i32
    %broadcast_in_dim3A_583 = vector.broadcast %broadcast_in_dim3A_582 : i32 to vector<16xi32>
    %gather3A_584 = tpu.vector_load_idx %arg5[%broadcast_in_dim3A_583] : memref<80xf32, #tpu.memory_space<vmem>>[vector<16xi32>], vector<16xf32>,
    %broadcast_in_dim3A_585 = arith.constant 70 : i32
    %broadcast_in_dim3A_586 = vector.broadcast %broadcast_in_dim3A_585 : i32 to vector<16xi32>
    %gather3A_587 = tpu.vector_load_idx %arg5[%broadcast_in_dim3A_586] : memref<80xf32, #tpu.memory_space<vmem>>[vector<16xi32>], vector<16xf32>,
    %swap3A_588 = arith.constant 848 : index
    %swap3A_589 = tpu.vector_load %arg6[%swap3A_588] {strides = array<i32>} : memref<960xf32, #tpu.memory_space<vmem>>, vector<16xf32>,
    tpu.vector_store %arg6[%swap3A_588], %gather3A_584 {strides = array<i32>} : memref<960xf32, #tpu.memory_space<vmem>>, vector<16xf32>,
    %sub3A_590 = arith.subf %gather3A_587, %gather3A_584 : vector<16xf32>
    %swap3A_591 = arith.constant 848 : index
    %swap3A_592 = tpu.vector_load %arg7[%swap3A_591] {strides = array<i32>} : memref<960xf32, #tpu.memory_space<vmem>>, vector<16xf32>,
    tpu.vector_store %arg7[%swap3A_591], %sub3A_590 {strides = array<i32>} : memref<960xf32, #tpu.memory_space<vmem>>, vector<16xf32>,
    %broadcast_in_dim3A_593 = arith.constant 70 : i32
    %broadcast_in_dim3A_594 = vector.broadcast %broadcast_in_dim3A_593 : i32 to vector<16xi32>
    %gather3A_595 = tpu.vector_load_idx %arg5[%broadcast_in_dim3A_594] : memref<80xf32, #tpu.memory_space<vmem>>[vector<16xi32>], vector<16xf32>,
    %broadcast_in_dim3A_596 = arith.constant 71 : i32
    %broadcast_in_dim3A_597 = vector.broadcast %broadcast_in_dim3A_596 : i32 to vector<16xi32>
    %gather3A_598 = tpu.vector_load_idx %arg5[%broadcast_in_dim3A_597] : memref<80xf32, #tpu.memory_space<vmem>>[vector<16xi32>], vector<16xf32>,
    %swap3A_599 = arith.constant 864 : index
    %swap3A_600 = tpu.vector_load %arg6[%swap3A_599] {strides = array<i32>} : memref<960xf32, #tpu.memory_space<vmem>>, vector<16xf32>,
    tpu.vector_store %arg6[%swap3A_599], %gather3A_595 {strides = array<i32>} : memref<960xf32, #tpu.memory_space<vmem>>, vector<16xf32>,
    %sub3A_601 = arith.subf %gather3A_598, %gather3A_595 : vector<16xf32>
    %swap3A_602 = arith.constant 864 : index
    %swap3A_603 = tpu.vector_load %arg7[%swap3A_602] {strides = array<i32>} : memref<960xf32, #tpu.memory_space<vmem>>, vector<16xf32>,
    tpu.vector_store %arg7[%swap3A_602], %sub3A_601 {strides = array<i32>} : memref<960xf32, #tpu.memory_space<vmem>>, vector<16xf32>,
    %broadcast_in_dim3A_604 = arith.constant 71 : i32
    %broadcast_in_dim3A_605 = vector.broadcast %broadcast_in_dim3A_604 : i32 to vector<16xi32>
    %gather3A_606 = tpu.vector_load_idx %arg5[%broadcast_in_dim3A_605] : memref<80xf32, #tpu.memory_space<vmem>>[vector<16xi32>], vector<16xf32>,
    %broadcast_in_dim3A_607 = arith.constant 72 : i32
    %broadcast_in_dim3A_608 = vector.broadcast %broadcast_in_dim3A_607 : i32 to vector<16xi32>
    %gather3A_609 = tpu.vector_load_idx %arg5[%broadcast_in_dim3A_608] : memref<80xf32, #tpu.memory_space<vmem>>[vector<16xi32>], vector<16xf32>,
    %swap3A_610 = arith.constant 880 : index
    %swap3A_611 = tpu.vector_load %arg6[%swap3A_610] {strides = array<i32>} : memref<960xf32, #tpu.memory_space<vmem>>, vector<16xf32>,
    tpu.vector_store %arg6[%swap3A_610], %gather3A_606 {strides = array<i32>} : memref<960xf32, #tpu.memory_space<vmem>>, vector<16xf32>,
    %sub3A_612 = arith.subf %gather3A_609, %gather3A_606 : vector<16xf32>
    %swap3A_613 = arith.constant 880 : index
    %swap3A_614 = tpu.vector_load %arg7[%swap3A_613] {strides = array<i32>} : memref<960xf32, #tpu.memory_space<vmem>>, vector<16xf32>,
    tpu.vector_store %arg7[%swap3A_613], %sub3A_612 {strides = array<i32>} : memref<960xf32, #tpu.memory_space<vmem>>, vector<16xf32>,
    %broadcast_in_dim3A_615 = arith.constant 72 : i32
    %broadcast_in_dim3A_616 = vector.broadcast %broadcast_in_dim3A_615 : i32 to vector<16xi32>
    %gather3A_617 = tpu.vector_load_idx %arg5[%broadcast_in_dim3A_616] : memref<80xf32, #tpu.memory_space<vmem>>[vector<16xi32>], vector<16xf32>,
    %broadcast_in_dim3A_618 = arith.constant 73 : i32
    %broadcast_in_dim3A_619 = vector.broadcast %broadcast_in_dim3A_618 : i32 to vector<16xi32>
    %gather3A_620 = tpu.vector_load_idx %arg5[%broadcast_in_dim3A_619] : memref<80xf32, #tpu.memory_space<vmem>>[vector<16xi32>], vector<16xf32>,
    %swap3A_621 = arith.constant 896 : index
    %swap3A_622 = tpu.vector_load %arg6[%swap3A_621] {strides = array<i32>} : memref<960xf32, #tpu.memory_space<vmem>>, vector<16xf32>,
    tpu.vector_store %arg6[%swap3A_621], %gather3A_617 {strides = array<i32>} : memref<960xf32, #tpu.memory_space<vmem>>, vector<16xf32>,
    %sub3A_623 = arith.subf %gather3A_620, %gather3A_617 : vector<16xf32>
    %swap3A_624 = arith.constant 896 : index
    %swap3A_625 = tpu.vector_load %arg7[%swap3A_624] {strides = array<i32>} : memref<960xf32, #tpu.memory_space<vmem>>, vector<16xf32>,
    tpu.vector_store %arg7[%swap3A_624], %sub3A_623 {strides = array<i32>} : memref<960xf32, #tpu.memory_space<vmem>>, vector<16xf32>,
    %broadcast_in_dim3A_626 = arith.constant 73 : i32
    %broadcast_in_dim3A_627 = vector.broadcast %broadcast_in_dim3A_626 : i32 to vector<16xi32>
    %gather3A_628 = tpu.vector_load_idx %arg5[%broadcast_in_dim3A_627] : memref<80xf32, #tpu.memory_space<vmem>>[vector<16xi32>], vector<16xf32>,
    %broadcast_in_dim3A_629 = arith.constant 74 : i32
    %broadcast_in_dim3A_630 = vector.broadcast %broadcast_in_dim3A_629 : i32 to vector<16xi32>
    %gather3A_631 = tpu.vector_load_idx %arg5[%broadcast_in_dim3A_630] : memref<80xf32, #tpu.memory_space<vmem>>[vector<16xi32>], vector<16xf32>,
    %swap3A_632 = arith.constant 912 : index
    %swap3A_633 = tpu.vector_load %arg6[%swap3A_632] {strides = array<i32>} : memref<960xf32, #tpu.memory_space<vmem>>, vector<16xf32>,
    tpu.vector_store %arg6[%swap3A_632], %gather3A_628 {strides = array<i32>} : memref<960xf32, #tpu.memory_space<vmem>>, vector<16xf32>,
    %sub3A_634 = arith.subf %gather3A_631, %gather3A_628 : vector<16xf32>
    %swap3A_635 = arith.constant 912 : index
    %swap3A_636 = tpu.vector_load %arg7[%swap3A_635] {strides = array<i32>} : memref<960xf32, #tpu.memory_space<vmem>>, vector<16xf32>,
    tpu.vector_store %arg7[%swap3A_635], %sub3A_634 {strides = array<i32>} : memref<960xf32, #tpu.memory_space<vmem>>, vector<16xf32>,
    %broadcast_in_dim3A_637 = arith.constant 74 : i32
    %broadcast_in_dim3A_638 = vector.broadcast %broadcast_in_dim3A_637 : i32 to vector<16xi32>
    %gather3A_639 = tpu.vector_load_idx %arg5[%broadcast_in_dim3A_638] : memref<80xf32, #tpu.memory_space<vmem>>[vector<16xi32>], vector<16xf32>,
    %broadcast_in_dim3A_640 = arith.constant 75 : i32
    %broadcast_in_dim3A_641 = vector.broadcast %broadcast_in_dim3A_640 : i32 to vector<16xi32>
    %gather3A_642 = tpu.vector_load_idx %arg5[%broadcast_in_dim3A_641] : memref<80xf32, #tpu.memory_space<vmem>>[vector<16xi32>], vector<16xf32>,
    %swap3A_643 = arith.constant 928 : index
    %swap3A_644 = tpu.vector_load %arg6[%swap3A_643] {strides = array<i32>} : memref<960xf32, #tpu.memory_space<vmem>>, vector<16xf32>,
    tpu.vector_store %arg6[%swap3A_643], %gather3A_639 {strides = array<i32>} : memref<960xf32, #tpu.memory_space<vmem>>, vector<16xf32>,
    %sub3A_645 = arith.subf %gather3A_642, %gather3A_639 : vector<16xf32>
    %swap3A_646 = arith.constant 928 : index
    %swap3A_647 = tpu.vector_load %arg7[%swap3A_646] {strides = array<i32>} : memref<960xf32, #tpu.memory_space<vmem>>, vector<16xf32>,
    tpu.vector_store %arg7[%swap3A_646], %sub3A_645 {strides = array<i32>} : memref<960xf32, #tpu.memory_space<vmem>>, vector<16xf32>,
    %add3A_648 = arith.constant 0 : i32
    %add3A_649 = arith.addi %mul3A_2, %add3A_648 : i32
    %dma_start3A = arith.constant 0 : i32
    %dma_start3A_650 = tpu.memref_slice %arg2[%add3A_649, %dma_start3A] : memref<4096x8192xf32, #tpu.memory_space<hbm>> -> memref<8x2048xf32, #tpu.memory_space<hbm>>
    %dma_start3A_651 = arith.constant 0 : i32
    %dma_start3A_652 = tpu.memref_slice %arg2[%add3A_649, %dma_start3A_651] : memref<4096x8192xf32, #tpu.memory_space<hbm>> -> memref<8x2048xf32, #tpu.memory_space<hbm>>
    tpu.enqueue_dma source(%dma_start3A_652 : memref<8x2048xf32, #tpu.memory_space<hbm>>) target(%arg8 : memref<8x2048xf32, #tpu.memory_space<vmem>>) target_semaphore(%arg12 : memref<!tpu.dma_semaphore, #tpu.memory_space<semaphore_mem>>)
    %add3A_653 = arith.constant 0 : i32
    %add3A_654 = arith.addi %mul3A_2, %add3A_653 : i32
    %dma_start3A_655 = arith.constant 2048 : i32
    %dma_start3A_656 = tpu.memref_slice %arg2[%add3A_654, %dma_start3A_655] : memref<4096x8192xf32, #tpu.memory_space<hbm>> -> memref<8x2048xf32, #tpu.memory_space<hbm>>
    %dma_start3A_657 = arith.constant 2048 : i32
    %dma_start3A_658 = tpu.memref_slice %arg2[%add3A_654, %dma_start3A_657] : memref<4096x8192xf32, #tpu.memory_space<hbm>> -> memref<8x2048xf32, #tpu.memory_space<hbm>>
    tpu.enqueue_dma source(%dma_start3A_658 : memref<8x2048xf32, #tpu.memory_space<hbm>>) target(%arg9 : memref<8x2048xf32, #tpu.memory_space<vmem>>) target_semaphore(%arg13 : memref<!tpu.dma_semaphore, #tpu.memory_space<semaphore_mem>>)
    %scan3A = arith.constant 0 : i32
    %scan3A_659 = arith.constant 32 : i32
    %scan3A_660 = arith.addi %scan3A, %scan3A_659 : i32
    %scan3A_661 = arith.constant 1 : i32
    scf.for %scan3A_674 = %scan3A to %scan3A_660 step %scan3A_661  : i32 {
      %mul3A_675 = arith.constant 2 : i32
      %mul3A_676 = arith.muli %scan3A_674, %mul3A_675 : i32
      %add3A_677 = arith.constant 0 : i32
      %add3A_678 = arith.addi %add3A_677, %mul3A_676 : i32
      %add3A_679 = arith.constant 0 : i32
      %add3A_680 = arith.addi %add3A_678, %add3A_679 : i32
      %add3A_681 = arith.constant 0 : i32
      %add3A_682 = arith.addi %mul3A_2, %add3A_681 : i32
      %dma_wait3A_683 = arith.constant 0 : i32
      %dma_wait3A_684 = tpu.memref_slice %arg2[%add3A_682, %dma_wait3A_683] : memref<4096x8192xf32, #tpu.memory_space<hbm>> -> memref<8x2048xf32, #tpu.memory_space<hbm>>
      %dma_wait3A_685 = arith.constant 0 : i32
      %dma_wait3A_686 = tpu.memref_slice %arg2[%add3A_682, %dma_wait3A_685] : memref<4096x8192xf32, #tpu.memory_space<hbm>> -> memref<8x2048xf32, #tpu.memory_space<hbm>>
      tpu.wait_dma2 semaphore(%arg12 : memref<!tpu.dma_semaphore, #tpu.memory_space<semaphore_mem>>) src(%dma_wait3A_686 : memref<8x2048xf32, #tpu.memory_space<hbm>>) dst(%arg8 : memref<8x2048xf32, #tpu.memory_space<vmem>>)
      %ge3A = arith.constant 2 : i32
      %ge3A_687 = arith.cmpi sge, %add3A_680, %ge3A : i32
      %convert_element_type3A = arith.extui %ge3A_687 : i1 to i32
      %cond3A = arith.constant 0 : i32
      %cond3A_688 = arith.cmpi ne, %convert_element_type3A, %cond3A : i32
      scf.if %cond3A_688 {
        %add3A_848 = arith.constant 0 : i32
        %add3A_849 = arith.addi %mul3A_2, %add3A_848 : i32
        %dma_wait3A_850 = arith.constant 0 : i32
        %dma_wait3A_851 = tpu.memref_slice %arg4[%add3A_849, %dma_wait3A_850] : memref<4096x8192xf32, #tpu.memory_space<hbm>> -> memref<8x2048xf32, #tpu.memory_space<hbm>>
        %dma_wait3A_852 = arith.constant 0 : i32
        %dma_wait3A_853 = tpu.memref_slice %arg4[%add3A_849, %dma_wait3A_852] : memref<4096x8192xf32, #tpu.memory_space<hbm>> -> memref<8x2048xf32, #tpu.memory_space<hbm>>
        tpu.wait_dma2 semaphore(%arg14 : memref<!tpu.dma_semaphore, #tpu.memory_space<semaphore_mem>>) src(%arg10 : memref<8x2048xf32, #tpu.memory_space<vmem>>) dst(%dma_wait3A_853 : memref<8x2048xf32, #tpu.memory_space<hbm>>)
      } else {
      }
      %parallel_loop3A = arith.constant 0 : i32
      %parallel_loop3A_689 = arith.constant 128 : i32
      %parallel_loop3A_690 = arith.constant 1 : i32
      scf.for %parallel_loop3A_848 = %parallel_loop3A to %parallel_loop3A_689 step %parallel_loop3A_690  : i32 {
        %parallel_loop3A_849 = arith.constant 16 : i32
        %parallel_loop3A_850 = arith.muli %parallel_loop3A_848, %parallel_loop3A_849 : i32
        %parallel_loop3A_851 = arith.constant 0 : i32
        %parallel_loop3A_852 = arith.index_cast %parallel_loop3A_851 : i32 to index
        %parallel_loop3A_853 = arith.index_cast %parallel_loop3A_850 : i32 to index
        %parallel_loop3A_854 = tpu.vector_load %arg8[%parallel_loop3A_852, %parallel_loop3A_853] {strides = array<i32>} : memref<8x2048xf32, #tpu.memory_space<vmem>>, vector<16xf32>,
        %parallel_loop3A_855 = arith.constant 0.000000e+00 : f32
        %parallel_loop3A_856 = vector.broadcast %parallel_loop3A_855 : f32 to vector<16xf32>
        %parallel_loop3A_857 = arith.maximumf %parallel_loop3A_854, %parallel_loop3A_856 : vector<16xf32>
        %parallel_loop3A_858 = arith.constant 5.900000e+01 : f32
        %parallel_loop3A_859 = vector.broadcast %parallel_loop3A_858 : f32 to vector<16xf32>
        %parallel_loop3A_860 = arith.mulf %parallel_loop3A_857, %parallel_loop3A_859 : vector<16xf32>
        %parallel_loop3A_861 = arith.constant 58.9999886 : f32
        %parallel_loop3A_862 = vector.broadcast %parallel_loop3A_861 : f32 to vector<16xf32>
        %parallel_loop3A_863 = arith.minimumf %parallel_loop3A_860, %parallel_loop3A_862 : vector<16xf32>
        %parallel_loop3A_864 = arith.fptosi %parallel_loop3A_863 : vector<16xf32> to vector<16xi32>
        %parallel_loop3A_865 = arith.sitofp %parallel_loop3A_864 : vector<16xi32> to vector<16xf32>
        %parallel_loop3A_866 = arith.subf %parallel_loop3A_860, %parallel_loop3A_865 : vector<16xf32>
        %parallel_loop3A_867 = arith.constant 16 : i32
        %parallel_loop3A_868 = vector.broadcast %parallel_loop3A_867 : i32 to vector<16xi32>
        %parallel_loop3A_869 = arith.muli %parallel_loop3A_864, %parallel_loop3A_868 : vector<16xi32>
        %parallel_loop3A_870 = arith.addi %parallel_loop3A_869, %iota3A : vector<16xi32>
        %parallel_loop3A_871 = tpu.vector_load_idx %arg6[%parallel_loop3A_870] : memref<960xf32, #tpu.memory_space<vmem>>[vector<16xi32>], vector<16xf32>,
        %parallel_loop3A_872 = tpu.vector_load_idx %arg7[%parallel_loop3A_870] : memref<960xf32, #tpu.memory_space<vmem>>[vector<16xi32>], vector<16xf32>,
        %parallel_loop3A_873 = arith.mulf %parallel_loop3A_866, %parallel_loop3A_872 : vector<16xf32>
        %parallel_loop3A_874 = arith.addf %parallel_loop3A_871, %parallel_loop3A_873 : vector<16xf32>
        %parallel_loop3A_875 = arith.constant 16 : i32
        %parallel_loop3A_876 = arith.muli %parallel_loop3A_848, %parallel_loop3A_875 : i32
        %parallel_loop3A_877 = arith.constant 0 : i32
        %parallel_loop3A_878 = arith.index_cast %parallel_loop3A_877 : i32 to index
        %parallel_loop3A_879 = arith.index_cast %parallel_loop3A_876 : i32 to index
        %parallel_loop3A_880 = tpu.vector_load %arg10[%parallel_loop3A_878, %parallel_loop3A_879] {strides = array<i32>} : memref<8x2048xf32, #tpu.memory_space<vmem>>, vector<16xf32>,
        tpu.vector_store %arg10[%parallel_loop3A_878, %parallel_loop3A_879], %parallel_loop3A_874 {strides = array<i32>} : memref<8x2048xf32, #tpu.memory_space<vmem>>, vector<16xf32>,
      } {sc.loop_unroll_factor = 8 : i64, sc.parallel_access}
      %parallel_loop3A_691 = arith.constant 0 : i32
      %parallel_loop3A_692 = arith.constant 128 : i32
      %parallel_loop3A_693 = arith.constant 1 : i32
      scf.for %parallel_loop3A_848 = %parallel_loop3A_691 to %parallel_loop3A_692 step %parallel_loop3A_693  : i32 {
        %parallel_loop3A_849 = arith.constant 16 : i32
        %parallel_loop3A_850 = arith.muli %parallel_loop3A_848, %parallel_loop3A_849 : i32
        %parallel_loop3A_851 = arith.constant 1 : i32
        %parallel_loop3A_852 = arith.index_cast %parallel_loop3A_851 : i32 to index
        %parallel_loop3A_853 = arith.index_cast %parallel_loop3A_850 : i32 to index
        %parallel_loop3A_854 = tpu.vector_load %arg8[%parallel_loop3A_852, %parallel_loop3A_853] {strides = array<i32>} : memref<8x2048xf32, #tpu.memory_space<vmem>>, vector<16xf32>,
        %parallel_loop3A_855 = arith.constant 0.000000e+00 : f32
        %parallel_loop3A_856 = vector.broadcast %parallel_loop3A_855 : f32 to vector<16xf32>
        %parallel_loop3A_857 = arith.maximumf %parallel_loop3A_854, %parallel_loop3A_856 : vector<16xf32>
        %parallel_loop3A_858 = arith.constant 5.900000e+01 : f32
        %parallel_loop3A_859 = vector.broadcast %parallel_loop3A_858 : f32 to vector<16xf32>
        %parallel_loop3A_860 = arith.mulf %parallel_loop3A_857, %parallel_loop3A_859 : vector<16xf32>
        %parallel_loop3A_861 = arith.constant 58.9999886 : f32
        %parallel_loop3A_862 = vector.broadcast %parallel_loop3A_861 : f32 to vector<16xf32>
        %parallel_loop3A_863 = arith.minimumf %parallel_loop3A_860, %parallel_loop3A_862 : vector<16xf32>
        %parallel_loop3A_864 = arith.fptosi %parallel_loop3A_863 : vector<16xf32> to vector<16xi32>
        %parallel_loop3A_865 = arith.sitofp %parallel_loop3A_864 : vector<16xi32> to vector<16xf32>
        %parallel_loop3A_866 = arith.subf %parallel_loop3A_860, %parallel_loop3A_865 : vector<16xf32>
        %parallel_loop3A_867 = arith.constant 16 : i32
        %parallel_loop3A_868 = vector.broadcast %parallel_loop3A_867 : i32 to vector<16xi32>
        %parallel_loop3A_869 = arith.muli %parallel_loop3A_864, %parallel_loop3A_868 : vector<16xi32>
        %parallel_loop3A_870 = arith.addi %parallel_loop3A_869, %iota3A : vector<16xi32>
        %parallel_loop3A_871 = tpu.vector_load_idx %arg6[%parallel_loop3A_870] : memref<960xf32, #tpu.memory_space<vmem>>[vector<16xi32>], vector<16xf32>,
        %parallel_loop3A_872 = tpu.vector_load_idx %arg7[%parallel_loop3A_870] : memref<960xf32, #tpu.memory_space<vmem>>[vector<16xi32>], vector<16xf32>,
        %parallel_loop3A_873 = arith.mulf %parallel_loop3A_866, %parallel_loop3A_872 : vector<16xf32>
        %parallel_loop3A_874 = arith.addf %parallel_loop3A_871, %parallel_loop3A_873 : vector<16xf32>
        %parallel_loop3A_875 = arith.constant 16 : i32
        %parallel_loop3A_876 = arith.muli %parallel_loop3A_848, %parallel_loop3A_875 : i32
        %parallel_loop3A_877 = arith.constant 1 : i32
        %parallel_loop3A_878 = arith.index_cast %parallel_loop3A_877 : i32 to index
        %parallel_loop3A_879 = arith.index_cast %parallel_loop3A_876 : i32 to index
        %parallel_loop3A_880 = tpu.vector_load %arg10[%parallel_loop3A_878, %parallel_loop3A_879] {strides = array<i32>} : memref<8x2048xf32, #tpu.memory_space<vmem>>, vector<16xf32>,
        tpu.vector_store %arg10[%parallel_loop3A_878, %parallel_loop3A_879], %parallel_loop3A_874 {strides = array<i32>} : memref<8x2048xf32, #tpu.memory_space<vmem>>, vector<16xf32>,
      } {sc.loop_unroll_factor = 8 : i64, sc.parallel_access}
      %parallel_loop3A_694 = arith.constant 0 : i32
      %parallel_loop3A_695 = arith.constant 128 : i32
      %parallel_loop3A_696 = arith.constant 1 : i32
      scf.for %parallel_loop3A_848 = %parallel_loop3A_694 to %parallel_loop3A_695 step %parallel_loop3A_696  : i32 {
        %parallel_loop3A_849 = arith.constant 16 : i32
        %parallel_loop3A_850 = arith.muli %parallel_loop3A_848, %parallel_loop3A_849 : i32
        %parallel_loop3A_851 = arith.constant 2 : i32
        %parallel_loop3A_852 = arith.index_cast %parallel_loop3A_851 : i32 to index
        %parallel_loop3A_853 = arith.index_cast %parallel_loop3A_850 : i32 to index
        %parallel_loop3A_854 = tpu.vector_load %arg8[%parallel_loop3A_852, %parallel_loop3A_853] {strides = array<i32>} : memref<8x2048xf32, #tpu.memory_space<vmem>>, vector<16xf32>,
        %parallel_loop3A_855 = arith.constant 0.000000e+00 : f32
        %parallel_loop3A_856 = vector.broadcast %parallel_loop3A_855 : f32 to vector<16xf32>
        %parallel_loop3A_857 = arith.maximumf %parallel_loop3A_854, %parallel_loop3A_856 : vector<16xf32>
        %parallel_loop3A_858 = arith.constant 5.900000e+01 : f32
        %parallel_loop3A_859 = vector.broadcast %parallel_loop3A_858 : f32 to vector<16xf32>
        %parallel_loop3A_860 = arith.mulf %parallel_loop3A_857, %parallel_loop3A_859 : vector<16xf32>
        %parallel_loop3A_861 = arith.constant 58.9999886 : f32
        %parallel_loop3A_862 = vector.broadcast %parallel_loop3A_861 : f32 to vector<16xf32>
        %parallel_loop3A_863 = arith.minimumf %parallel_loop3A_860, %parallel_loop3A_862 : vector<16xf32>
        %parallel_loop3A_864 = arith.fptosi %parallel_loop3A_863 : vector<16xf32> to vector<16xi32>
        %parallel_loop3A_865 = arith.sitofp %parallel_loop3A_864 : vector<16xi32> to vector<16xf32>
        %parallel_loop3A_866 = arith.subf %parallel_loop3A_860, %parallel_loop3A_865 : vector<16xf32>
        %parallel_loop3A_867 = arith.constant 16 : i32
        %parallel_loop3A_868 = vector.broadcast %parallel_loop3A_867 : i32 to vector<16xi32>
        %parallel_loop3A_869 = arith.muli %parallel_loop3A_864, %parallel_loop3A_868 : vector<16xi32>
        %parallel_loop3A_870 = arith.addi %parallel_loop3A_869, %iota3A : vector<16xi32>
        %parallel_loop3A_871 = tpu.vector_load_idx %arg6[%parallel_loop3A_870] : memref<960xf32, #tpu.memory_space<vmem>>[vector<16xi32>], vector<16xf32>,
        %parallel_loop3A_872 = tpu.vector_load_idx %arg7[%parallel_loop3A_870] : memref<960xf32, #tpu.memory_space<vmem>>[vector<16xi32>], vector<16xf32>,
        %parallel_loop3A_873 = arith.mulf %parallel_loop3A_866, %parallel_loop3A_872 : vector<16xf32>
        %parallel_loop3A_874 = arith.addf %parallel_loop3A_871, %parallel_loop3A_873 : vector<16xf32>
        %parallel_loop3A_875 = arith.constant 16 : i32
        %parallel_loop3A_876 = arith.muli %parallel_loop3A_848, %parallel_loop3A_875 : i32
        %parallel_loop3A_877 = arith.constant 2 : i32
        %parallel_loop3A_878 = arith.index_cast %parallel_loop3A_877 : i32 to index
        %parallel_loop3A_879 = arith.index_cast %parallel_loop3A_876 : i32 to index
        %parallel_loop3A_880 = tpu.vector_load %arg10[%parallel_loop3A_878, %parallel_loop3A_879] {strides = array<i32>} : memref<8x2048xf32, #tpu.memory_space<vmem>>, vector<16xf32>,
        tpu.vector_store %arg10[%parallel_loop3A_878, %parallel_loop3A_879], %parallel_loop3A_874 {strides = array<i32>} : memref<8x2048xf32, #tpu.memory_space<vmem>>, vector<16xf32>,
      } {sc.loop_unroll_factor = 8 : i64, sc.parallel_access}
      %parallel_loop3A_697 = arith.constant 0 : i32
      %parallel_loop3A_698 = arith.constant 128 : i32
      %parallel_loop3A_699 = arith.constant 1 : i32
      scf.for %parallel_loop3A_848 = %parallel_loop3A_697 to %parallel_loop3A_698 step %parallel_loop3A_699  : i32 {
        %parallel_loop3A_849 = arith.constant 16 : i32
        %parallel_loop3A_850 = arith.muli %parallel_loop3A_848, %parallel_loop3A_849 : i32
        %parallel_loop3A_851 = arith.constant 3 : i32
        %parallel_loop3A_852 = arith.index_cast %parallel_loop3A_851 : i32 to index
        %parallel_loop3A_853 = arith.index_cast %parallel_loop3A_850 : i32 to index
        %parallel_loop3A_854 = tpu.vector_load %arg8[%parallel_loop3A_852, %parallel_loop3A_853] {strides = array<i32>} : memref<8x2048xf32, #tpu.memory_space<vmem>>, vector<16xf32>,
        %parallel_loop3A_855 = arith.constant 0.000000e+00 : f32
        %parallel_loop3A_856 = vector.broadcast %parallel_loop3A_855 : f32 to vector<16xf32>
        %parallel_loop3A_857 = arith.maximumf %parallel_loop3A_854, %parallel_loop3A_856 : vector<16xf32>
        %parallel_loop3A_858 = arith.constant 5.900000e+01 : f32
        %parallel_loop3A_859 = vector.broadcast %parallel_loop3A_858 : f32 to vector<16xf32>
        %parallel_loop3A_860 = arith.mulf %parallel_loop3A_857, %parallel_loop3A_859 : vector<16xf32>
        %parallel_loop3A_861 = arith.constant 58.9999886 : f32
        %parallel_loop3A_862 = vector.broadcast %parallel_loop3A_861 : f32 to vector<16xf32>
        %parallel_loop3A_863 = arith.minimumf %parallel_loop3A_860, %parallel_loop3A_862 : vector<16xf32>
        %parallel_loop3A_864 = arith.fptosi %parallel_loop3A_863 : vector<16xf32> to vector<16xi32>
        %parallel_loop3A_865 = arith.sitofp %parallel_loop3A_864 : vector<16xi32> to vector<16xf32>
        %parallel_loop3A_866 = arith.subf %parallel_loop3A_860, %parallel_loop3A_865 : vector<16xf32>
        %parallel_loop3A_867 = arith.constant 16 : i32
        %parallel_loop3A_868 = vector.broadcast %parallel_loop3A_867 : i32 to vector<16xi32>
        %parallel_loop3A_869 = arith.muli %parallel_loop3A_864, %parallel_loop3A_868 : vector<16xi32>
        %parallel_loop3A_870 = arith.addi %parallel_loop3A_869, %iota3A : vector<16xi32>
        %parallel_loop3A_871 = tpu.vector_load_idx %arg6[%parallel_loop3A_870] : memref<960xf32, #tpu.memory_space<vmem>>[vector<16xi32>], vector<16xf32>,
        %parallel_loop3A_872 = tpu.vector_load_idx %arg7[%parallel_loop3A_870] : memref<960xf32, #tpu.memory_space<vmem>>[vector<16xi32>], vector<16xf32>,
        %parallel_loop3A_873 = arith.mulf %parallel_loop3A_866, %parallel_loop3A_872 : vector<16xf32>
        %parallel_loop3A_874 = arith.addf %parallel_loop3A_871, %parallel_loop3A_873 : vector<16xf32>
        %parallel_loop3A_875 = arith.constant 16 : i32
        %parallel_loop3A_876 = arith.muli %parallel_loop3A_848, %parallel_loop3A_875 : i32
        %parallel_loop3A_877 = arith.constant 3 : i32
        %parallel_loop3A_878 = arith.index_cast %parallel_loop3A_877 : i32 to index
        %parallel_loop3A_879 = arith.index_cast %parallel_loop3A_876 : i32 to index
        %parallel_loop3A_880 = tpu.vector_load %arg10[%parallel_loop3A_878, %parallel_loop3A_879] {strides = array<i32>} : memref<8x2048xf32, #tpu.memory_space<vmem>>, vector<16xf32>,
        tpu.vector_store %arg10[%parallel_loop3A_878, %parallel_loop3A_879], %parallel_loop3A_874 {strides = array<i32>} : memref<8x2048xf32, #tpu.memory_space<vmem>>, vector<16xf32>,
      } {sc.loop_unroll_factor = 8 : i64, sc.parallel_access}
      %parallel_loop3A_700 = arith.constant 0 : i32
      %parallel_loop3A_701 = arith.constant 128 : i32
      %parallel_loop3A_702 = arith.constant 1 : i32
      scf.for %parallel_loop3A_848 = %parallel_loop3A_700 to %parallel_loop3A_701 step %parallel_loop3A_702  : i32 {
        %parallel_loop3A_849 = arith.constant 16 : i32
        %parallel_loop3A_850 = arith.muli %parallel_loop3A_848, %parallel_loop3A_849 : i32
        %parallel_loop3A_851 = arith.constant 4 : i32
        %parallel_loop3A_852 = arith.index_cast %parallel_loop3A_851 : i32 to index
        %parallel_loop3A_853 = arith.index_cast %parallel_loop3A_850 : i32 to index
        %parallel_loop3A_854 = tpu.vector_load %arg8[%parallel_loop3A_852, %parallel_loop3A_853] {strides = array<i32>} : memref<8x2048xf32, #tpu.memory_space<vmem>>, vector<16xf32>,
        %parallel_loop3A_855 = arith.constant 0.000000e+00 : f32
        %parallel_loop3A_856 = vector.broadcast %parallel_loop3A_855 : f32 to vector<16xf32>
        %parallel_loop3A_857 = arith.maximumf %parallel_loop3A_854, %parallel_loop3A_856 : vector<16xf32>
        %parallel_loop3A_858 = arith.constant 5.900000e+01 : f32
        %parallel_loop3A_859 = vector.broadcast %parallel_loop3A_858 : f32 to vector<16xf32>
        %parallel_loop3A_860 = arith.mulf %parallel_loop3A_857, %parallel_loop3A_859 : vector<16xf32>
        %parallel_loop3A_861 = arith.constant 58.9999886 : f32
        %parallel_loop3A_862 = vector.broadcast %parallel_loop3A_861 : f32 to vector<16xf32>
        %parallel_loop3A_863 = arith.minimumf %parallel_loop3A_860, %parallel_loop3A_862 : vector<16xf32>
        %parallel_loop3A_864 = arith.fptosi %parallel_loop3A_863 : vector<16xf32> to vector<16xi32>
        %parallel_loop3A_865 = arith.sitofp %parallel_loop3A_864 : vector<16xi32> to vector<16xf32>
        %parallel_loop3A_866 = arith.subf %parallel_loop3A_860, %parallel_loop3A_865 : vector<16xf32>
        %parallel_loop3A_867 = arith.constant 16 : i32
        %parallel_loop3A_868 = vector.broadcast %parallel_loop3A_867 : i32 to vector<16xi32>
        %parallel_loop3A_869 = arith.muli %parallel_loop3A_864, %parallel_loop3A_868 : vector<16xi32>
        %parallel_loop3A_870 = arith.addi %parallel_loop3A_869, %iota3A : vector<16xi32>
        %parallel_loop3A_871 = tpu.vector_load_idx %arg6[%parallel_loop3A_870] : memref<960xf32, #tpu.memory_space<vmem>>[vector<16xi32>], vector<16xf32>,
        %parallel_loop3A_872 = tpu.vector_load_idx %arg7[%parallel_loop3A_870] : memref<960xf32, #tpu.memory_space<vmem>>[vector<16xi32>], vector<16xf32>,
        %parallel_loop3A_873 = arith.mulf %parallel_loop3A_866, %parallel_loop3A_872 : vector<16xf32>
        %parallel_loop3A_874 = arith.addf %parallel_loop3A_871, %parallel_loop3A_873 : vector<16xf32>
        %parallel_loop3A_875 = arith.constant 16 : i32
        %parallel_loop3A_876 = arith.muli %parallel_loop3A_848, %parallel_loop3A_875 : i32
        %parallel_loop3A_877 = arith.constant 4 : i32
        %parallel_loop3A_878 = arith.index_cast %parallel_loop3A_877 : i32 to index
        %parallel_loop3A_879 = arith.index_cast %parallel_loop3A_876 : i32 to index
        %parallel_loop3A_880 = tpu.vector_load %arg10[%parallel_loop3A_878, %parallel_loop3A_879] {strides = array<i32>} : memref<8x2048xf32, #tpu.memory_space<vmem>>, vector<16xf32>,
        tpu.vector_store %arg10[%parallel_loop3A_878, %parallel_loop3A_879], %parallel_loop3A_874 {strides = array<i32>} : memref<8x2048xf32, #tpu.memory_space<vmem>>, vector<16xf32>,
      } {sc.loop_unroll_factor = 8 : i64, sc.parallel_access}
      %parallel_loop3A_703 = arith.constant 0 : i32
      %parallel_loop3A_704 = arith.constant 128 : i32
      %parallel_loop3A_705 = arith.constant 1 : i32
      scf.for %parallel_loop3A_848 = %parallel_loop3A_703 to %parallel_loop3A_704 step %parallel_loop3A_705  : i32 {
        %parallel_loop3A_849 = arith.constant 16 : i32
        %parallel_loop3A_850 = arith.muli %parallel_loop3A_848, %parallel_loop3A_849 : i32
        %parallel_loop3A_851 = arith.constant 5 : i32
        %parallel_loop3A_852 = arith.index_cast %parallel_loop3A_851 : i32 to index
        %parallel_loop3A_853 = arith.index_cast %parallel_loop3A_850 : i32 to index
        %parallel_loop3A_854 = tpu.vector_load %arg8[%parallel_loop3A_852, %parallel_loop3A_853] {strides = array<i32>} : memref<8x2048xf32, #tpu.memory_space<vmem>>, vector<16xf32>,
        %parallel_loop3A_855 = arith.constant 0.000000e+00 : f32
        %parallel_loop3A_856 = vector.broadcast %parallel_loop3A_855 : f32 to vector<16xf32>
        %parallel_loop3A_857 = arith.maximumf %parallel_loop3A_854, %parallel_loop3A_856 : vector<16xf32>
        %parallel_loop3A_858 = arith.constant 5.900000e+01 : f32
        %parallel_loop3A_859 = vector.broadcast %parallel_loop3A_858 : f32 to vector<16xf32>
        %parallel_loop3A_860 = arith.mulf %parallel_loop3A_857, %parallel_loop3A_859 : vector<16xf32>
        %parallel_loop3A_861 = arith.constant 58.9999886 : f32
        %parallel_loop3A_862 = vector.broadcast %parallel_loop3A_861 : f32 to vector<16xf32>
        %parallel_loop3A_863 = arith.minimumf %parallel_loop3A_860, %parallel_loop3A_862 : vector<16xf32>
        %parallel_loop3A_864 = arith.fptosi %parallel_loop3A_863 : vector<16xf32> to vector<16xi32>
        %parallel_loop3A_865 = arith.sitofp %parallel_loop3A_864 : vector<16xi32> to vector<16xf32>
        %parallel_loop3A_866 = arith.subf %parallel_loop3A_860, %parallel_loop3A_865 : vector<16xf32>
        %parallel_loop3A_867 = arith.constant 16 : i32
        %parallel_loop3A_868 = vector.broadcast %parallel_loop3A_867 : i32 to vector<16xi32>
        %parallel_loop3A_869 = arith.muli %parallel_loop3A_864, %parallel_loop3A_868 : vector<16xi32>
        %parallel_loop3A_870 = arith.addi %parallel_loop3A_869, %iota3A : vector<16xi32>
        %parallel_loop3A_871 = tpu.vector_load_idx %arg6[%parallel_loop3A_870] : memref<960xf32, #tpu.memory_space<vmem>>[vector<16xi32>], vector<16xf32>,
        %parallel_loop3A_872 = tpu.vector_load_idx %arg7[%parallel_loop3A_870] : memref<960xf32, #tpu.memory_space<vmem>>[vector<16xi32>], vector<16xf32>,
        %parallel_loop3A_873 = arith.mulf %parallel_loop3A_866, %parallel_loop3A_872 : vector<16xf32>
        %parallel_loop3A_874 = arith.addf %parallel_loop3A_871, %parallel_loop3A_873 : vector<16xf32>
        %parallel_loop3A_875 = arith.constant 16 : i32
        %parallel_loop3A_876 = arith.muli %parallel_loop3A_848, %parallel_loop3A_875 : i32
        %parallel_loop3A_877 = arith.constant 5 : i32
        %parallel_loop3A_878 = arith.index_cast %parallel_loop3A_877 : i32 to index
        %parallel_loop3A_879 = arith.index_cast %parallel_loop3A_876 : i32 to index
        %parallel_loop3A_880 = tpu.vector_load %arg10[%parallel_loop3A_878, %parallel_loop3A_879] {strides = array<i32>} : memref<8x2048xf32, #tpu.memory_space<vmem>>, vector<16xf32>,
        tpu.vector_store %arg10[%parallel_loop3A_878, %parallel_loop3A_879], %parallel_loop3A_874 {strides = array<i32>} : memref<8x2048xf32, #tpu.memory_space<vmem>>, vector<16xf32>,
      } {sc.loop_unroll_factor = 8 : i64, sc.parallel_access}
      %parallel_loop3A_706 = arith.constant 0 : i32
      %parallel_loop3A_707 = arith.constant 128 : i32
      %parallel_loop3A_708 = arith.constant 1 : i32
      scf.for %parallel_loop3A_848 = %parallel_loop3A_706 to %parallel_loop3A_707 step %parallel_loop3A_708  : i32 {
        %parallel_loop3A_849 = arith.constant 16 : i32
        %parallel_loop3A_850 = arith.muli %parallel_loop3A_848, %parallel_loop3A_849 : i32
        %parallel_loop3A_851 = arith.constant 6 : i32
        %parallel_loop3A_852 = arith.index_cast %parallel_loop3A_851 : i32 to index
        %parallel_loop3A_853 = arith.index_cast %parallel_loop3A_850 : i32 to index
        %parallel_loop3A_854 = tpu.vector_load %arg8[%parallel_loop3A_852, %parallel_loop3A_853] {strides = array<i32>} : memref<8x2048xf32, #tpu.memory_space<vmem>>, vector<16xf32>,
        %parallel_loop3A_855 = arith.constant 0.000000e+00 : f32
        %parallel_loop3A_856 = vector.broadcast %parallel_loop3A_855 : f32 to vector<16xf32>
        %parallel_loop3A_857 = arith.maximumf %parallel_loop3A_854, %parallel_loop3A_856 : vector<16xf32>
        %parallel_loop3A_858 = arith.constant 5.900000e+01 : f32
        %parallel_loop3A_859 = vector.broadcast %parallel_loop3A_858 : f32 to vector<16xf32>
        %parallel_loop3A_860 = arith.mulf %parallel_loop3A_857, %parallel_loop3A_859 : vector<16xf32>
        %parallel_loop3A_861 = arith.constant 58.9999886 : f32
        %parallel_loop3A_862 = vector.broadcast %parallel_loop3A_861 : f32 to vector<16xf32>
        %parallel_loop3A_863 = arith.minimumf %parallel_loop3A_860, %parallel_loop3A_862 : vector<16xf32>
        %parallel_loop3A_864 = arith.fptosi %parallel_loop3A_863 : vector<16xf32> to vector<16xi32>
        %parallel_loop3A_865 = arith.sitofp %parallel_loop3A_864 : vector<16xi32> to vector<16xf32>
        %parallel_loop3A_866 = arith.subf %parallel_loop3A_860, %parallel_loop3A_865 : vector<16xf32>
        %parallel_loop3A_867 = arith.constant 16 : i32
        %parallel_loop3A_868 = vector.broadcast %parallel_loop3A_867 : i32 to vector<16xi32>
        %parallel_loop3A_869 = arith.muli %parallel_loop3A_864, %parallel_loop3A_868 : vector<16xi32>
        %parallel_loop3A_870 = arith.addi %parallel_loop3A_869, %iota3A : vector<16xi32>
        %parallel_loop3A_871 = tpu.vector_load_idx %arg6[%parallel_loop3A_870] : memref<960xf32, #tpu.memory_space<vmem>>[vector<16xi32>], vector<16xf32>,
        %parallel_loop3A_872 = tpu.vector_load_idx %arg7[%parallel_loop3A_870] : memref<960xf32, #tpu.memory_space<vmem>>[vector<16xi32>], vector<16xf32>,
        %parallel_loop3A_873 = arith.mulf %parallel_loop3A_866, %parallel_loop3A_872 : vector<16xf32>
        %parallel_loop3A_874 = arith.addf %parallel_loop3A_871, %parallel_loop3A_873 : vector<16xf32>
        %parallel_loop3A_875 = arith.constant 16 : i32
        %parallel_loop3A_876 = arith.muli %parallel_loop3A_848, %parallel_loop3A_875 : i32
        %parallel_loop3A_877 = arith.constant 6 : i32
        %parallel_loop3A_878 = arith.index_cast %parallel_loop3A_877 : i32 to index
        %parallel_loop3A_879 = arith.index_cast %parallel_loop3A_876 : i32 to index
        %parallel_loop3A_880 = tpu.vector_load %arg10[%parallel_loop3A_878, %parallel_loop3A_879] {strides = array<i32>} : memref<8x2048xf32, #tpu.memory_space<vmem>>, vector<16xf32>,
        tpu.vector_store %arg10[%parallel_loop3A_878, %parallel_loop3A_879], %parallel_loop3A_874 {strides = array<i32>} : memref<8x2048xf32, #tpu.memory_space<vmem>>, vector<16xf32>,
      } {sc.loop_unroll_factor = 8 : i64, sc.parallel_access}
      %parallel_loop3A_709 = arith.constant 0 : i32
      %parallel_loop3A_710 = arith.constant 128 : i32
      %parallel_loop3A_711 = arith.constant 1 : i32
      scf.for %parallel_loop3A_848 = %parallel_loop3A_709 to %parallel_loop3A_710 step %parallel_loop3A_711  : i32 {
        %parallel_loop3A_849 = arith.constant 16 : i32
        %parallel_loop3A_850 = arith.muli %parallel_loop3A_848, %parallel_loop3A_849 : i32
        %parallel_loop3A_851 = arith.constant 7 : i32
        %parallel_loop3A_852 = arith.index_cast %parallel_loop3A_851 : i32 to index
        %parallel_loop3A_853 = arith.index_cast %parallel_loop3A_850 : i32 to index
        %parallel_loop3A_854 = tpu.vector_load %arg8[%parallel_loop3A_852, %parallel_loop3A_853] {strides = array<i32>} : memref<8x2048xf32, #tpu.memory_space<vmem>>, vector<16xf32>,
        %parallel_loop3A_855 = arith.constant 0.000000e+00 : f32
        %parallel_loop3A_856 = vector.broadcast %parallel_loop3A_855 : f32 to vector<16xf32>
        %parallel_loop3A_857 = arith.maximumf %parallel_loop3A_854, %parallel_loop3A_856 : vector<16xf32>
        %parallel_loop3A_858 = arith.constant 5.900000e+01 : f32
        %parallel_loop3A_859 = vector.broadcast %parallel_loop3A_858 : f32 to vector<16xf32>
        %parallel_loop3A_860 = arith.mulf %parallel_loop3A_857, %parallel_loop3A_859 : vector<16xf32>
        %parallel_loop3A_861 = arith.constant 58.9999886 : f32
        %parallel_loop3A_862 = vector.broadcast %parallel_loop3A_861 : f32 to vector<16xf32>
        %parallel_loop3A_863 = arith.minimumf %parallel_loop3A_860, %parallel_loop3A_862 : vector<16xf32>
        %parallel_loop3A_864 = arith.fptosi %parallel_loop3A_863 : vector<16xf32> to vector<16xi32>
        %parallel_loop3A_865 = arith.sitofp %parallel_loop3A_864 : vector<16xi32> to vector<16xf32>
        %parallel_loop3A_866 = arith.subf %parallel_loop3A_860, %parallel_loop3A_865 : vector<16xf32>
        %parallel_loop3A_867 = arith.constant 16 : i32
        %parallel_loop3A_868 = vector.broadcast %parallel_loop3A_867 : i32 to vector<16xi32>
        %parallel_loop3A_869 = arith.muli %parallel_loop3A_864, %parallel_loop3A_868 : vector<16xi32>
        %parallel_loop3A_870 = arith.addi %parallel_loop3A_869, %iota3A : vector<16xi32>
        %parallel_loop3A_871 = tpu.vector_load_idx %arg6[%parallel_loop3A_870] : memref<960xf32, #tpu.memory_space<vmem>>[vector<16xi32>], vector<16xf32>,
        %parallel_loop3A_872 = tpu.vector_load_idx %arg7[%parallel_loop3A_870] : memref<960xf32, #tpu.memory_space<vmem>>[vector<16xi32>], vector<16xf32>,
        %parallel_loop3A_873 = arith.mulf %parallel_loop3A_866, %parallel_loop3A_872 : vector<16xf32>
        %parallel_loop3A_874 = arith.addf %parallel_loop3A_871, %parallel_loop3A_873 : vector<16xf32>
        %parallel_loop3A_875 = arith.constant 16 : i32
        %parallel_loop3A_876 = arith.muli %parallel_loop3A_848, %parallel_loop3A_875 : i32
        %parallel_loop3A_877 = arith.constant 7 : i32
        %parallel_loop3A_878 = arith.index_cast %parallel_loop3A_877 : i32 to index
        %parallel_loop3A_879 = arith.index_cast %parallel_loop3A_876 : i32 to index
        %parallel_loop3A_880 = tpu.vector_load %arg10[%parallel_loop3A_878, %parallel_loop3A_879] {strides = array<i32>} : memref<8x2048xf32, #tpu.memory_space<vmem>>, vector<16xf32>,
        tpu.vector_store %arg10[%parallel_loop3A_878, %parallel_loop3A_879], %parallel_loop3A_874 {strides = array<i32>} : memref<8x2048xf32, #tpu.memory_space<vmem>>, vector<16xf32>,
      } {sc.loop_unroll_factor = 8 : i64, sc.parallel_access}
      %jit3A = arith.constant 4 : i32
      %div3A = arith.divsi %add3A_680, %jit3A : i32
      %sign3A = arith.constant 0 : i32
      %sign3A_712 = arith.cmpi sgt, %add3A_680, %sign3A : i32
      %sign3A_713 = arith.extui %sign3A_712 : i1 to i32
      %sign3A_714 = arith.constant 0 : i32
      %sign3A_715 = arith.cmpi slt, %add3A_680, %sign3A_714 : i32
      %sign3A_716 = arith.extui %sign3A_715 : i1 to i32
      %sign3A_717 = arith.subi %sign3A_713, %sign3A_716 : i32
      %sign3A_718 = arith.constant 0 : i32
      %sign3A_719 = arith.cmpi sgt, %jit3A, %sign3A_718 : i32
      %sign3A_720 = arith.extui %sign3A_719 : i1 to i32
      %sign3A_721 = arith.constant 0 : i32
      %sign3A_722 = arith.cmpi slt, %jit3A, %sign3A_721 : i32
      %sign3A_723 = arith.extui %sign3A_722 : i1 to i32
      %sign3A_724 = arith.subi %sign3A_720, %sign3A_723 : i32
      %ne3A = arith.cmpi ne, %sign3A_717, %sign3A_724 : i32
      %rem3A = arith.remsi %add3A_680, %jit3A : i32
      %ne3A_725 = arith.constant 0 : i32
      %ne3A_726 = arith.cmpi ne, %rem3A, %ne3A_725 : i32
      %and3A = arith.andi %ne3A, %ne3A_726 : i1
      %sub3A_727 = arith.constant 1 : i32
      %sub3A_728 = arith.subi %div3A, %sub3A_727 : i32
      %select_n3A = arith.select %and3A, %sub3A_728, %div3A : i32
      %mul3A_729 = arith.constant 8 : i32
      %mul3A_730 = arith.muli %select_n3A, %mul3A_729 : i32
      %add3A_731 = arith.addi %mul3A_2, %mul3A_730 : i32
      %jit3A_732 = arith.constant 4 : i32
      %eq3A = arith.constant 0 : i32
      %eq3A_733 = arith.cmpi eq, %jit3A_732, %eq3A : i32
      %jit3A_734 = arith.constant 1 : i32
      %select_n3A_735 = arith.select %eq3A_733, %jit3A_734, %jit3A_732 : i32
      %rem3A_736 = arith.remsi %add3A_680, %select_n3A_735 : i32
      %ne3A_737 = arith.constant 0 : i32
      %ne3A_738 = arith.cmpi ne, %rem3A_736, %ne3A_737 : i32
      %lt3A = arith.constant 0 : i32
      %lt3A_739 = arith.cmpi slt, %rem3A_736, %lt3A : i32
      %lt3A_740 = arith.constant 0 : i32
      %lt3A_741 = arith.cmpi slt, %select_n3A_735, %lt3A_740 : i32
      %ne3A_742 = arith.xori %lt3A_739, %lt3A_741 : i1
      %and3A_743 = arith.andi %ne3A_742, %ne3A_738 : i1
      %add3A_744 = arith.addi %rem3A_736, %select_n3A_735 : i32
      %select_n3A_745 = arith.select %and3A_743, %add3A_744, %rem3A_736 : i32
      %mul3A_746 = arith.constant 2048 : i32
      %mul3A_747 = arith.muli %select_n3A_745, %mul3A_746 : i32
      %dma_start3A_748 = tpu.memref_slice %arg4[%add3A_731, %mul3A_747] : memref<4096x8192xf32, #tpu.memory_space<hbm>> -> memref<8x2048xf32, #tpu.memory_space<hbm>>
      %dma_start3A_749 = tpu.memref_slice %arg4[%add3A_731, %mul3A_747] : memref<4096x8192xf32, #tpu.memory_space<hbm>> -> memref<8x2048xf32, #tpu.memory_space<hbm>>
      tpu.enqueue_dma source(%arg10 : memref<8x2048xf32, #tpu.memory_space<vmem>>) target(%dma_start3A_749 : memref<8x2048xf32, #tpu.memory_space<hbm>>) target_semaphore(%arg14 : memref<!tpu.dma_semaphore, #tpu.memory_space<semaphore_mem>>)
      %add3A_750 = arith.constant 2 : i32
      %add3A_751 = arith.addi %add3A_680, %add3A_750 : i32
      %lt3A_752 = arith.constant 64 : i32
      %lt3A_753 = arith.cmpi slt, %add3A_751, %lt3A_752 : i32
      %convert_element_type3A_754 = arith.extui %lt3A_753 : i1 to i32
      %cond3A_755 = arith.constant 0 : i32
      %cond3A_756 = arith.cmpi ne, %convert_element_type3A_754, %cond3A_755 : i32
      scf.if %cond3A_756 {
        %add3A_848 = arith.constant 2 : i32
        %add3A_849 = arith.addi %add3A_680, %add3A_848 : i32
        %jit3A_850 = arith.constant 4 : i32
        %div3A_851 = arith.divsi %add3A_849, %jit3A_850 : i32
        %sign3A_852 = arith.constant 0 : i32
        %sign3A_853 = arith.cmpi sgt, %add3A_849, %sign3A_852 : i32
        %sign3A_854 = arith.extui %sign3A_853 : i1 to i32
        %sign3A_855 = arith.constant 0 : i32
        %sign3A_856 = arith.cmpi slt, %add3A_849, %sign3A_855 : i32
        %sign3A_857 = arith.extui %sign3A_856 : i1 to i32
        %sign3A_858 = arith.subi %sign3A_854, %sign3A_857 : i32
        %sign3A_859 = arith.constant 0 : i32
        %sign3A_860 = arith.cmpi sgt, %jit3A_850, %sign3A_859 : i32
        %sign3A_861 = arith.extui %sign3A_860 : i1 to i32
        %sign3A_862 = arith.constant 0 : i32
        %sign3A_863 = arith.cmpi slt, %jit3A_850, %sign3A_862 : i32
        %sign3A_864 = arith.extui %sign3A_863 : i1 to i32
        %sign3A_865 = arith.subi %sign3A_861, %sign3A_864 : i32
        %ne3A_866 = arith.cmpi ne, %sign3A_858, %sign3A_865 : i32
        %rem3A_867 = arith.remsi %add3A_849, %jit3A_850 : i32
        %ne3A_868 = arith.constant 0 : i32
        %ne3A_869 = arith.cmpi ne, %rem3A_867, %ne3A_868 : i32
        %and3A_870 = arith.andi %ne3A_866, %ne3A_869 : i1
        %sub3A_871 = arith.constant 1 : i32
        %sub3A_872 = arith.subi %div3A_851, %sub3A_871 : i32
        %select_n3A_873 = arith.select %and3A_870, %sub3A_872, %div3A_851 : i32
        %mul3A_874 = arith.constant 8 : i32
        %mul3A_875 = arith.muli %select_n3A_873, %mul3A_874 : i32
        %add3A_876 = arith.addi %mul3A_2, %mul3A_875 : i32
        %jit3A_877 = arith.constant 4 : i32
        %eq3A_878 = arith.constant 0 : i32
        %eq3A_879 = arith.cmpi eq, %jit3A_877, %eq3A_878 : i32
        %jit3A_880 = arith.constant 1 : i32
        %select_n3A_881 = arith.select %eq3A_879, %jit3A_880, %jit3A_877 : i32
        %rem3A_882 = arith.remsi %add3A_849, %select_n3A_881 : i32
        %ne3A_883 = arith.constant 0 : i32
        %ne3A_884 = arith.cmpi ne, %rem3A_882, %ne3A_883 : i32
        %lt3A_885 = arith.constant 0 : i32
        %lt3A_886 = arith.cmpi slt, %rem3A_882, %lt3A_885 : i32
        %lt3A_887 = arith.constant 0 : i32
        %lt3A_888 = arith.cmpi slt, %select_n3A_881, %lt3A_887 : i32
        %ne3A_889 = arith.xori %lt3A_886, %lt3A_888 : i1
        %and3A_890 = arith.andi %ne3A_889, %ne3A_884 : i1
        %add3A_891 = arith.addi %rem3A_882, %select_n3A_881 : i32
        %select_n3A_892 = arith.select %and3A_890, %add3A_891, %rem3A_882 : i32
        %mul3A_893 = arith.constant 2048 : i32
        %mul3A_894 = arith.muli %select_n3A_892, %mul3A_893 : i32
        %dma_start3A_895 = tpu.memref_slice %arg2[%add3A_876, %mul3A_894] : memref<4096x8192xf32, #tpu.memory_space<hbm>> -> memref<8x2048xf32, #tpu.memory_space<hbm>>
        %dma_start3A_896 = tpu.memref_slice %arg2[%add3A_876, %mul3A_894] : memref<4096x8192xf32, #tpu.memory_space<hbm>> -> memref<8x2048xf32, #tpu.memory_space<hbm>>
        tpu.enqueue_dma source(%dma_start3A_896 : memref<8x2048xf32, #tpu.memory_space<hbm>>) target(%arg8 : memref<8x2048xf32, #tpu.memory_space<vmem>>) target_semaphore(%arg12 : memref<!tpu.dma_semaphore, #tpu.memory_space<semaphore_mem>>)
      } else {
      }
      %add3A_757 = arith.constant 1 : i32
      %add3A_758 = arith.addi %add3A_678, %add3A_757 : i32
      %add3A_759 = arith.constant 0 : i32
      %add3A_760 = arith.addi %mul3A_2, %add3A_759 : i32
      %dma_wait3A_761 = arith.constant 0 : i32
      %dma_wait3A_762 = tpu.memref_slice %arg2[%add3A_760, %dma_wait3A_761] : memref<4096x8192xf32, #tpu.memory_space<hbm>> -> memref<8x2048xf32, #tpu.memory_space<hbm>>
      %dma_wait3A_763 = arith.constant 0 : i32
      %dma_wait3A_764 = tpu.memref_slice %arg2[%add3A_760, %dma_wait3A_763] : memref<4096x8192xf32, #tpu.memory_space<hbm>> -> memref<8x2048xf32, #tpu.memory_space<hbm>>
      tpu.wait_dma2 semaphore(%arg13 : memref<!tpu.dma_semaphore, #tpu.memory_space<semaphore_mem>>) src(%dma_wait3A_764 : memref<8x2048xf32, #tpu.memory_space<hbm>>) dst(%arg9 : memref<8x2048xf32, #tpu.memory_space<vmem>>)
      %ge3A_765 = arith.constant 2 : i32
      %ge3A_766 = arith.cmpi sge, %add3A_758, %ge3A_765 : i32
      %convert_element_type3A_767 = arith.extui %ge3A_766 : i1 to i32
      %cond3A_768 = arith.constant 0 : i32
      %cond3A_769 = arith.cmpi ne, %convert_element_type3A_767, %cond3A_768 : i32
      scf.if %cond3A_769 {
        %add3A_848 = arith.constant 0 : i32
        %add3A_849 = arith.addi %mul3A_2, %add3A_848 : i32
        %dma_wait3A_850 = arith.constant 0 : i32
        %dma_wait3A_851 = tpu.memref_slice %arg4[%add3A_849, %dma_wait3A_850] : memref<4096x8192xf32, #tpu.memory_space<hbm>> -> memref<8x2048xf32, #tpu.memory_space<hbm>>
        %dma_wait3A_852 = arith.constant 0 : i32
        %dma_wait3A_853 = tpu.memref_slice %arg4[%add3A_849, %dma_wait3A_852] : memref<4096x8192xf32, #tpu.memory_space<hbm>> -> memref<8x2048xf32, #tpu.memory_space<hbm>>
        tpu.wait_dma2 semaphore(%arg15 : memref<!tpu.dma_semaphore, #tpu.memory_space<semaphore_mem>>) src(%arg11 : memref<8x2048xf32, #tpu.memory_space<vmem>>) dst(%dma_wait3A_853 : memref<8x2048xf32, #tpu.memory_space<hbm>>)
      } else {
      }
      %parallel_loop3A_770 = arith.constant 0 : i32
      %parallel_loop3A_771 = arith.constant 128 : i32
      %parallel_loop3A_772 = arith.constant 1 : i32
      scf.for %parallel_loop3A_848 = %parallel_loop3A_770 to %parallel_loop3A_771 step %parallel_loop3A_772  : i32 {
        %parallel_loop3A_849 = arith.constant 16 : i32
        %parallel_loop3A_850 = arith.muli %parallel_loop3A_848, %parallel_loop3A_849 : i32
        %parallel_loop3A_851 = arith.constant 0 : i32
        %parallel_loop3A_852 = arith.index_cast %parallel_loop3A_851 : i32 to index
        %parallel_loop3A_853 = arith.index_cast %parallel_loop3A_850 : i32 to index
        %parallel_loop3A_854 = tpu.vector_load %arg9[%parallel_loop3A_852, %parallel_loop3A_853] {strides = array<i32>} : memref<8x2048xf32, #tpu.memory_space<vmem>>, vector<16xf32>,
        %parallel_loop3A_855 = arith.constant 0.000000e+00 : f32
        %parallel_loop3A_856 = vector.broadcast %parallel_loop3A_855 : f32 to vector<16xf32>
        %parallel_loop3A_857 = arith.maximumf %parallel_loop3A_854, %parallel_loop3A_856 : vector<16xf32>
        %parallel_loop3A_858 = arith.constant 5.900000e+01 : f32
        %parallel_loop3A_859 = vector.broadcast %parallel_loop3A_858 : f32 to vector<16xf32>
        %parallel_loop3A_860 = arith.mulf %parallel_loop3A_857, %parallel_loop3A_859 : vector<16xf32>
        %parallel_loop3A_861 = arith.constant 58.9999886 : f32
        %parallel_loop3A_862 = vector.broadcast %parallel_loop3A_861 : f32 to vector<16xf32>
        %parallel_loop3A_863 = arith.minimumf %parallel_loop3A_860, %parallel_loop3A_862 : vector<16xf32>
        %parallel_loop3A_864 = arith.fptosi %parallel_loop3A_863 : vector<16xf32> to vector<16xi32>
        %parallel_loop3A_865 = arith.sitofp %parallel_loop3A_864 : vector<16xi32> to vector<16xf32>
        %parallel_loop3A_866 = arith.subf %parallel_loop3A_860, %parallel_loop3A_865 : vector<16xf32>
        %parallel_loop3A_867 = arith.constant 16 : i32
        %parallel_loop3A_868 = vector.broadcast %parallel_loop3A_867 : i32 to vector<16xi32>
        %parallel_loop3A_869 = arith.muli %parallel_loop3A_864, %parallel_loop3A_868 : vector<16xi32>
        %parallel_loop3A_870 = arith.addi %parallel_loop3A_869, %iota3A : vector<16xi32>
        %parallel_loop3A_871 = tpu.vector_load_idx %arg6[%parallel_loop3A_870] : memref<960xf32, #tpu.memory_space<vmem>>[vector<16xi32>], vector<16xf32>,
        %parallel_loop3A_872 = tpu.vector_load_idx %arg7[%parallel_loop3A_870] : memref<960xf32, #tpu.memory_space<vmem>>[vector<16xi32>], vector<16xf32>,
        %parallel_loop3A_873 = arith.mulf %parallel_loop3A_866, %parallel_loop3A_872 : vector<16xf32>
        %parallel_loop3A_874 = arith.addf %parallel_loop3A_871, %parallel_loop3A_873 : vector<16xf32>
        %parallel_loop3A_875 = arith.constant 16 : i32
        %parallel_loop3A_876 = arith.muli %parallel_loop3A_848, %parallel_loop3A_875 : i32
        %parallel_loop3A_877 = arith.constant 0 : i32
        %parallel_loop3A_878 = arith.index_cast %parallel_loop3A_877 : i32 to index
        %parallel_loop3A_879 = arith.index_cast %parallel_loop3A_876 : i32 to index
        %parallel_loop3A_880 = tpu.vector_load %arg11[%parallel_loop3A_878, %parallel_loop3A_879] {strides = array<i32>} : memref<8x2048xf32, #tpu.memory_space<vmem>>, vector<16xf32>,
        tpu.vector_store %arg11[%parallel_loop3A_878, %parallel_loop3A_879], %parallel_loop3A_874 {strides = array<i32>} : memref<8x2048xf32, #tpu.memory_space<vmem>>, vector<16xf32>,
      } {sc.loop_unroll_factor = 8 : i64, sc.parallel_access}
      %parallel_loop3A_773 = arith.constant 0 : i32
      %parallel_loop3A_774 = arith.constant 128 : i32
      %parallel_loop3A_775 = arith.constant 1 : i32
      scf.for %parallel_loop3A_848 = %parallel_loop3A_773 to %parallel_loop3A_774 step %parallel_loop3A_775  : i32 {
        %parallel_loop3A_849 = arith.constant 16 : i32
        %parallel_loop3A_850 = arith.muli %parallel_loop3A_848, %parallel_loop3A_849 : i32
        %parallel_loop3A_851 = arith.constant 1 : i32
        %parallel_loop3A_852 = arith.index_cast %parallel_loop3A_851 : i32 to index
        %parallel_loop3A_853 = arith.index_cast %parallel_loop3A_850 : i32 to index
        %parallel_loop3A_854 = tpu.vector_load %arg9[%parallel_loop3A_852, %parallel_loop3A_853] {strides = array<i32>} : memref<8x2048xf32, #tpu.memory_space<vmem>>, vector<16xf32>,
        %parallel_loop3A_855 = arith.constant 0.000000e+00 : f32
        %parallel_loop3A_856 = vector.broadcast %parallel_loop3A_855 : f32 to vector<16xf32>
        %parallel_loop3A_857 = arith.maximumf %parallel_loop3A_854, %parallel_loop3A_856 : vector<16xf32>
        %parallel_loop3A_858 = arith.constant 5.900000e+01 : f32
        %parallel_loop3A_859 = vector.broadcast %parallel_loop3A_858 : f32 to vector<16xf32>
        %parallel_loop3A_860 = arith.mulf %parallel_loop3A_857, %parallel_loop3A_859 : vector<16xf32>
        %parallel_loop3A_861 = arith.constant 58.9999886 : f32
        %parallel_loop3A_862 = vector.broadcast %parallel_loop3A_861 : f32 to vector<16xf32>
        %parallel_loop3A_863 = arith.minimumf %parallel_loop3A_860, %parallel_loop3A_862 : vector<16xf32>
        %parallel_loop3A_864 = arith.fptosi %parallel_loop3A_863 : vector<16xf32> to vector<16xi32>
        %parallel_loop3A_865 = arith.sitofp %parallel_loop3A_864 : vector<16xi32> to vector<16xf32>
        %parallel_loop3A_866 = arith.subf %parallel_loop3A_860, %parallel_loop3A_865 : vector<16xf32>
        %parallel_loop3A_867 = arith.constant 16 : i32
        %parallel_loop3A_868 = vector.broadcast %parallel_loop3A_867 : i32 to vector<16xi32>
        %parallel_loop3A_869 = arith.muli %parallel_loop3A_864, %parallel_loop3A_868 : vector<16xi32>
        %parallel_loop3A_870 = arith.addi %parallel_loop3A_869, %iota3A : vector<16xi32>
        %parallel_loop3A_871 = tpu.vector_load_idx %arg6[%parallel_loop3A_870] : memref<960xf32, #tpu.memory_space<vmem>>[vector<16xi32>], vector<16xf32>,
        %parallel_loop3A_872 = tpu.vector_load_idx %arg7[%parallel_loop3A_870] : memref<960xf32, #tpu.memory_space<vmem>>[vector<16xi32>], vector<16xf32>,
        %parallel_loop3A_873 = arith.mulf %parallel_loop3A_866, %parallel_loop3A_872 : vector<16xf32>
        %parallel_loop3A_874 = arith.addf %parallel_loop3A_871, %parallel_loop3A_873 : vector<16xf32>
        %parallel_loop3A_875 = arith.constant 16 : i32
        %parallel_loop3A_876 = arith.muli %parallel_loop3A_848, %parallel_loop3A_875 : i32
        %parallel_loop3A_877 = arith.constant 1 : i32
        %parallel_loop3A_878 = arith.index_cast %parallel_loop3A_877 : i32 to index
        %parallel_loop3A_879 = arith.index_cast %parallel_loop3A_876 : i32 to index
        %parallel_loop3A_880 = tpu.vector_load %arg11[%parallel_loop3A_878, %parallel_loop3A_879] {strides = array<i32>} : memref<8x2048xf32, #tpu.memory_space<vmem>>, vector<16xf32>,
        tpu.vector_store %arg11[%parallel_loop3A_878, %parallel_loop3A_879], %parallel_loop3A_874 {strides = array<i32>} : memref<8x2048xf32, #tpu.memory_space<vmem>>, vector<16xf32>,
      } {sc.loop_unroll_factor = 8 : i64, sc.parallel_access}
      %parallel_loop3A_776 = arith.constant 0 : i32
      %parallel_loop3A_777 = arith.constant 128 : i32
      %parallel_loop3A_778 = arith.constant 1 : i32
      scf.for %parallel_loop3A_848 = %parallel_loop3A_776 to %parallel_loop3A_777 step %parallel_loop3A_778  : i32 {
        %parallel_loop3A_849 = arith.constant 16 : i32
        %parallel_loop3A_850 = arith.muli %parallel_loop3A_848, %parallel_loop3A_849 : i32
        %parallel_loop3A_851 = arith.constant 2 : i32
        %parallel_loop3A_852 = arith.index_cast %parallel_loop3A_851 : i32 to index
        %parallel_loop3A_853 = arith.index_cast %parallel_loop3A_850 : i32 to index
        %parallel_loop3A_854 = tpu.vector_load %arg9[%parallel_loop3A_852, %parallel_loop3A_853] {strides = array<i32>} : memref<8x2048xf32, #tpu.memory_space<vmem>>, vector<16xf32>,
        %parallel_loop3A_855 = arith.constant 0.000000e+00 : f32
        %parallel_loop3A_856 = vector.broadcast %parallel_loop3A_855 : f32 to vector<16xf32>
        %parallel_loop3A_857 = arith.maximumf %parallel_loop3A_854, %parallel_loop3A_856 : vector<16xf32>
        %parallel_loop3A_858 = arith.constant 5.900000e+01 : f32
        %parallel_loop3A_859 = vector.broadcast %parallel_loop3A_858 : f32 to vector<16xf32>
        %parallel_loop3A_860 = arith.mulf %parallel_loop3A_857, %parallel_loop3A_859 : vector<16xf32>
        %parallel_loop3A_861 = arith.constant 58.9999886 : f32
        %parallel_loop3A_862 = vector.broadcast %parallel_loop3A_861 : f32 to vector<16xf32>
        %parallel_loop3A_863 = arith.minimumf %parallel_loop3A_860, %parallel_loop3A_862 : vector<16xf32>
        %parallel_loop3A_864 = arith.fptosi %parallel_loop3A_863 : vector<16xf32> to vector<16xi32>
        %parallel_loop3A_865 = arith.sitofp %parallel_loop3A_864 : vector<16xi32> to vector<16xf32>
        %parallel_loop3A_866 = arith.subf %parallel_loop3A_860, %parallel_loop3A_865 : vector<16xf32>
        %parallel_loop3A_867 = arith.constant 16 : i32
        %parallel_loop3A_868 = vector.broadcast %parallel_loop3A_867 : i32 to vector<16xi32>
        %parallel_loop3A_869 = arith.muli %parallel_loop3A_864, %parallel_loop3A_868 : vector<16xi32>
        %parallel_loop3A_870 = arith.addi %parallel_loop3A_869, %iota3A : vector<16xi32>
        %parallel_loop3A_871 = tpu.vector_load_idx %arg6[%parallel_loop3A_870] : memref<960xf32, #tpu.memory_space<vmem>>[vector<16xi32>], vector<16xf32>,
        %parallel_loop3A_872 = tpu.vector_load_idx %arg7[%parallel_loop3A_870] : memref<960xf32, #tpu.memory_space<vmem>>[vector<16xi32>], vector<16xf32>,
        %parallel_loop3A_873 = arith.mulf %parallel_loop3A_866, %parallel_loop3A_872 : vector<16xf32>
        %parallel_loop3A_874 = arith.addf %parallel_loop3A_871, %parallel_loop3A_873 : vector<16xf32>
        %parallel_loop3A_875 = arith.constant 16 : i32
        %parallel_loop3A_876 = arith.muli %parallel_loop3A_848, %parallel_loop3A_875 : i32
        %parallel_loop3A_877 = arith.constant 2 : i32
        %parallel_loop3A_878 = arith.index_cast %parallel_loop3A_877 : i32 to index
        %parallel_loop3A_879 = arith.index_cast %parallel_loop3A_876 : i32 to index
        %parallel_loop3A_880 = tpu.vector_load %arg11[%parallel_loop3A_878, %parallel_loop3A_879] {strides = array<i32>} : memref<8x2048xf32, #tpu.memory_space<vmem>>, vector<16xf32>,
        tpu.vector_store %arg11[%parallel_loop3A_878, %parallel_loop3A_879], %parallel_loop3A_874 {strides = array<i32>} : memref<8x2048xf32, #tpu.memory_space<vmem>>, vector<16xf32>,
      } {sc.loop_unroll_factor = 8 : i64, sc.parallel_access}
      %parallel_loop3A_779 = arith.constant 0 : i32
      %parallel_loop3A_780 = arith.constant 128 : i32
      %parallel_loop3A_781 = arith.constant 1 : i32
      scf.for %parallel_loop3A_848 = %parallel_loop3A_779 to %parallel_loop3A_780 step %parallel_loop3A_781  : i32 {
        %parallel_loop3A_849 = arith.constant 16 : i32
        %parallel_loop3A_850 = arith.muli %parallel_loop3A_848, %parallel_loop3A_849 : i32
        %parallel_loop3A_851 = arith.constant 3 : i32
        %parallel_loop3A_852 = arith.index_cast %parallel_loop3A_851 : i32 to index
        %parallel_loop3A_853 = arith.index_cast %parallel_loop3A_850 : i32 to index
        %parallel_loop3A_854 = tpu.vector_load %arg9[%parallel_loop3A_852, %parallel_loop3A_853] {strides = array<i32>} : memref<8x2048xf32, #tpu.memory_space<vmem>>, vector<16xf32>,
        %parallel_loop3A_855 = arith.constant 0.000000e+00 : f32
        %parallel_loop3A_856 = vector.broadcast %parallel_loop3A_855 : f32 to vector<16xf32>
        %parallel_loop3A_857 = arith.maximumf %parallel_loop3A_854, %parallel_loop3A_856 : vector<16xf32>
        %parallel_loop3A_858 = arith.constant 5.900000e+01 : f32
        %parallel_loop3A_859 = vector.broadcast %parallel_loop3A_858 : f32 to vector<16xf32>
        %parallel_loop3A_860 = arith.mulf %parallel_loop3A_857, %parallel_loop3A_859 : vector<16xf32>
        %parallel_loop3A_861 = arith.constant 58.9999886 : f32
        %parallel_loop3A_862 = vector.broadcast %parallel_loop3A_861 : f32 to vector<16xf32>
        %parallel_loop3A_863 = arith.minimumf %parallel_loop3A_860, %parallel_loop3A_862 : vector<16xf32>
        %parallel_loop3A_864 = arith.fptosi %parallel_loop3A_863 : vector<16xf32> to vector<16xi32>
        %parallel_loop3A_865 = arith.sitofp %parallel_loop3A_864 : vector<16xi32> to vector<16xf32>
        %parallel_loop3A_866 = arith.subf %parallel_loop3A_860, %parallel_loop3A_865 : vector<16xf32>
        %parallel_loop3A_867 = arith.constant 16 : i32
        %parallel_loop3A_868 = vector.broadcast %parallel_loop3A_867 : i32 to vector<16xi32>
        %parallel_loop3A_869 = arith.muli %parallel_loop3A_864, %parallel_loop3A_868 : vector<16xi32>
        %parallel_loop3A_870 = arith.addi %parallel_loop3A_869, %iota3A : vector<16xi32>
        %parallel_loop3A_871 = tpu.vector_load_idx %arg6[%parallel_loop3A_870] : memref<960xf32, #tpu.memory_space<vmem>>[vector<16xi32>], vector<16xf32>,
        %parallel_loop3A_872 = tpu.vector_load_idx %arg7[%parallel_loop3A_870] : memref<960xf32, #tpu.memory_space<vmem>>[vector<16xi32>], vector<16xf32>,
        %parallel_loop3A_873 = arith.mulf %parallel_loop3A_866, %parallel_loop3A_872 : vector<16xf32>
        %parallel_loop3A_874 = arith.addf %parallel_loop3A_871, %parallel_loop3A_873 : vector<16xf32>
        %parallel_loop3A_875 = arith.constant 16 : i32
        %parallel_loop3A_876 = arith.muli %parallel_loop3A_848, %parallel_loop3A_875 : i32
        %parallel_loop3A_877 = arith.constant 3 : i32
        %parallel_loop3A_878 = arith.index_cast %parallel_loop3A_877 : i32 to index
        %parallel_loop3A_879 = arith.index_cast %parallel_loop3A_876 : i32 to index
        %parallel_loop3A_880 = tpu.vector_load %arg11[%parallel_loop3A_878, %parallel_loop3A_879] {strides = array<i32>} : memref<8x2048xf32, #tpu.memory_space<vmem>>, vector<16xf32>,
        tpu.vector_store %arg11[%parallel_loop3A_878, %parallel_loop3A_879], %parallel_loop3A_874 {strides = array<i32>} : memref<8x2048xf32, #tpu.memory_space<vmem>>, vector<16xf32>,
      } {sc.loop_unroll_factor = 8 : i64, sc.parallel_access}
      %parallel_loop3A_782 = arith.constant 0 : i32
      %parallel_loop3A_783 = arith.constant 128 : i32
      %parallel_loop3A_784 = arith.constant 1 : i32
      scf.for %parallel_loop3A_848 = %parallel_loop3A_782 to %parallel_loop3A_783 step %parallel_loop3A_784  : i32 {
        %parallel_loop3A_849 = arith.constant 16 : i32
        %parallel_loop3A_850 = arith.muli %parallel_loop3A_848, %parallel_loop3A_849 : i32
        %parallel_loop3A_851 = arith.constant 4 : i32
        %parallel_loop3A_852 = arith.index_cast %parallel_loop3A_851 : i32 to index
        %parallel_loop3A_853 = arith.index_cast %parallel_loop3A_850 : i32 to index
        %parallel_loop3A_854 = tpu.vector_load %arg9[%parallel_loop3A_852, %parallel_loop3A_853] {strides = array<i32>} : memref<8x2048xf32, #tpu.memory_space<vmem>>, vector<16xf32>,
        %parallel_loop3A_855 = arith.constant 0.000000e+00 : f32
        %parallel_loop3A_856 = vector.broadcast %parallel_loop3A_855 : f32 to vector<16xf32>
        %parallel_loop3A_857 = arith.maximumf %parallel_loop3A_854, %parallel_loop3A_856 : vector<16xf32>
        %parallel_loop3A_858 = arith.constant 5.900000e+01 : f32
        %parallel_loop3A_859 = vector.broadcast %parallel_loop3A_858 : f32 to vector<16xf32>
        %parallel_loop3A_860 = arith.mulf %parallel_loop3A_857, %parallel_loop3A_859 : vector<16xf32>
        %parallel_loop3A_861 = arith.constant 58.9999886 : f32
        %parallel_loop3A_862 = vector.broadcast %parallel_loop3A_861 : f32 to vector<16xf32>
        %parallel_loop3A_863 = arith.minimumf %parallel_loop3A_860, %parallel_loop3A_862 : vector<16xf32>
        %parallel_loop3A_864 = arith.fptosi %parallel_loop3A_863 : vector<16xf32> to vector<16xi32>
        %parallel_loop3A_865 = arith.sitofp %parallel_loop3A_864 : vector<16xi32> to vector<16xf32>
        %parallel_loop3A_866 = arith.subf %parallel_loop3A_860, %parallel_loop3A_865 : vector<16xf32>
        %parallel_loop3A_867 = arith.constant 16 : i32
        %parallel_loop3A_868 = vector.broadcast %parallel_loop3A_867 : i32 to vector<16xi32>
        %parallel_loop3A_869 = arith.muli %parallel_loop3A_864, %parallel_loop3A_868 : vector<16xi32>
        %parallel_loop3A_870 = arith.addi %parallel_loop3A_869, %iota3A : vector<16xi32>
        %parallel_loop3A_871 = tpu.vector_load_idx %arg6[%parallel_loop3A_870] : memref<960xf32, #tpu.memory_space<vmem>>[vector<16xi32>], vector<16xf32>,
        %parallel_loop3A_872 = tpu.vector_load_idx %arg7[%parallel_loop3A_870] : memref<960xf32, #tpu.memory_space<vmem>>[vector<16xi32>], vector<16xf32>,
        %parallel_loop3A_873 = arith.mulf %parallel_loop3A_866, %parallel_loop3A_872 : vector<16xf32>
        %parallel_loop3A_874 = arith.addf %parallel_loop3A_871, %parallel_loop3A_873 : vector<16xf32>
        %parallel_loop3A_875 = arith.constant 16 : i32
        %parallel_loop3A_876 = arith.muli %parallel_loop3A_848, %parallel_loop3A_875 : i32
        %parallel_loop3A_877 = arith.constant 4 : i32
        %parallel_loop3A_878 = arith.index_cast %parallel_loop3A_877 : i32 to index
        %parallel_loop3A_879 = arith.index_cast %parallel_loop3A_876 : i32 to index
        %parallel_loop3A_880 = tpu.vector_load %arg11[%parallel_loop3A_878, %parallel_loop3A_879] {strides = array<i32>} : memref<8x2048xf32, #tpu.memory_space<vmem>>, vector<16xf32>,
        tpu.vector_store %arg11[%parallel_loop3A_878, %parallel_loop3A_879], %parallel_loop3A_874 {strides = array<i32>} : memref<8x2048xf32, #tpu.memory_space<vmem>>, vector<16xf32>,
      } {sc.loop_unroll_factor = 8 : i64, sc.parallel_access}
      %parallel_loop3A_785 = arith.constant 0 : i32
      %parallel_loop3A_786 = arith.constant 128 : i32
      %parallel_loop3A_787 = arith.constant 1 : i32
      scf.for %parallel_loop3A_848 = %parallel_loop3A_785 to %parallel_loop3A_786 step %parallel_loop3A_787  : i32 {
        %parallel_loop3A_849 = arith.constant 16 : i32
        %parallel_loop3A_850 = arith.muli %parallel_loop3A_848, %parallel_loop3A_849 : i32
        %parallel_loop3A_851 = arith.constant 5 : i32
        %parallel_loop3A_852 = arith.index_cast %parallel_loop3A_851 : i32 to index
        %parallel_loop3A_853 = arith.index_cast %parallel_loop3A_850 : i32 to index
        %parallel_loop3A_854 = tpu.vector_load %arg9[%parallel_loop3A_852, %parallel_loop3A_853] {strides = array<i32>} : memref<8x2048xf32, #tpu.memory_space<vmem>>, vector<16xf32>,
        %parallel_loop3A_855 = arith.constant 0.000000e+00 : f32
        %parallel_loop3A_856 = vector.broadcast %parallel_loop3A_855 : f32 to vector<16xf32>
        %parallel_loop3A_857 = arith.maximumf %parallel_loop3A_854, %parallel_loop3A_856 : vector<16xf32>
        %parallel_loop3A_858 = arith.constant 5.900000e+01 : f32
        %parallel_loop3A_859 = vector.broadcast %parallel_loop3A_858 : f32 to vector<16xf32>
        %parallel_loop3A_860 = arith.mulf %parallel_loop3A_857, %parallel_loop3A_859 : vector<16xf32>
        %parallel_loop3A_861 = arith.constant 58.9999886 : f32
        %parallel_loop3A_862 = vector.broadcast %parallel_loop3A_861 : f32 to vector<16xf32>
        %parallel_loop3A_863 = arith.minimumf %parallel_loop3A_860, %parallel_loop3A_862 : vector<16xf32>
        %parallel_loop3A_864 = arith.fptosi %parallel_loop3A_863 : vector<16xf32> to vector<16xi32>
        %parallel_loop3A_865 = arith.sitofp %parallel_loop3A_864 : vector<16xi32> to vector<16xf32>
        %parallel_loop3A_866 = arith.subf %parallel_loop3A_860, %parallel_loop3A_865 : vector<16xf32>
        %parallel_loop3A_867 = arith.constant 16 : i32
        %parallel_loop3A_868 = vector.broadcast %parallel_loop3A_867 : i32 to vector<16xi32>
        %parallel_loop3A_869 = arith.muli %parallel_loop3A_864, %parallel_loop3A_868 : vector<16xi32>
        %parallel_loop3A_870 = arith.addi %parallel_loop3A_869, %iota3A : vector<16xi32>
        %parallel_loop3A_871 = tpu.vector_load_idx %arg6[%parallel_loop3A_870] : memref<960xf32, #tpu.memory_space<vmem>>[vector<16xi32>], vector<16xf32>,
        %parallel_loop3A_872 = tpu.vector_load_idx %arg7[%parallel_loop3A_870] : memref<960xf32, #tpu.memory_space<vmem>>[vector<16xi32>], vector<16xf32>,
        %parallel_loop3A_873 = arith.mulf %parallel_loop3A_866, %parallel_loop3A_872 : vector<16xf32>
        %parallel_loop3A_874 = arith.addf %parallel_loop3A_871, %parallel_loop3A_873 : vector<16xf32>
        %parallel_loop3A_875 = arith.constant 16 : i32
        %parallel_loop3A_876 = arith.muli %parallel_loop3A_848, %parallel_loop3A_875 : i32
        %parallel_loop3A_877 = arith.constant 5 : i32
        %parallel_loop3A_878 = arith.index_cast %parallel_loop3A_877 : i32 to index
        %parallel_loop3A_879 = arith.index_cast %parallel_loop3A_876 : i32 to index
        %parallel_loop3A_880 = tpu.vector_load %arg11[%parallel_loop3A_878, %parallel_loop3A_879] {strides = array<i32>} : memref<8x2048xf32, #tpu.memory_space<vmem>>, vector<16xf32>,
        tpu.vector_store %arg11[%parallel_loop3A_878, %parallel_loop3A_879], %parallel_loop3A_874 {strides = array<i32>} : memref<8x2048xf32, #tpu.memory_space<vmem>>, vector<16xf32>,
      } {sc.loop_unroll_factor = 8 : i64, sc.parallel_access}
      %parallel_loop3A_788 = arith.constant 0 : i32
      %parallel_loop3A_789 = arith.constant 128 : i32
      %parallel_loop3A_790 = arith.constant 1 : i32
      scf.for %parallel_loop3A_848 = %parallel_loop3A_788 to %parallel_loop3A_789 step %parallel_loop3A_790  : i32 {
        %parallel_loop3A_849 = arith.constant 16 : i32
        %parallel_loop3A_850 = arith.muli %parallel_loop3A_848, %parallel_loop3A_849 : i32
        %parallel_loop3A_851 = arith.constant 6 : i32
        %parallel_loop3A_852 = arith.index_cast %parallel_loop3A_851 : i32 to index
        %parallel_loop3A_853 = arith.index_cast %parallel_loop3A_850 : i32 to index
        %parallel_loop3A_854 = tpu.vector_load %arg9[%parallel_loop3A_852, %parallel_loop3A_853] {strides = array<i32>} : memref<8x2048xf32, #tpu.memory_space<vmem>>, vector<16xf32>,
        %parallel_loop3A_855 = arith.constant 0.000000e+00 : f32
        %parallel_loop3A_856 = vector.broadcast %parallel_loop3A_855 : f32 to vector<16xf32>
        %parallel_loop3A_857 = arith.maximumf %parallel_loop3A_854, %parallel_loop3A_856 : vector<16xf32>
        %parallel_loop3A_858 = arith.constant 5.900000e+01 : f32
        %parallel_loop3A_859 = vector.broadcast %parallel_loop3A_858 : f32 to vector<16xf32>
        %parallel_loop3A_860 = arith.mulf %parallel_loop3A_857, %parallel_loop3A_859 : vector<16xf32>
        %parallel_loop3A_861 = arith.constant 58.9999886 : f32
        %parallel_loop3A_862 = vector.broadcast %parallel_loop3A_861 : f32 to vector<16xf32>
        %parallel_loop3A_863 = arith.minimumf %parallel_loop3A_860, %parallel_loop3A_862 : vector<16xf32>
        %parallel_loop3A_864 = arith.fptosi %parallel_loop3A_863 : vector<16xf32> to vector<16xi32>
        %parallel_loop3A_865 = arith.sitofp %parallel_loop3A_864 : vector<16xi32> to vector<16xf32>
        %parallel_loop3A_866 = arith.subf %parallel_loop3A_860, %parallel_loop3A_865 : vector<16xf32>
        %parallel_loop3A_867 = arith.constant 16 : i32
        %parallel_loop3A_868 = vector.broadcast %parallel_loop3A_867 : i32 to vector<16xi32>
        %parallel_loop3A_869 = arith.muli %parallel_loop3A_864, %parallel_loop3A_868 : vector<16xi32>
        %parallel_loop3A_870 = arith.addi %parallel_loop3A_869, %iota3A : vector<16xi32>
        %parallel_loop3A_871 = tpu.vector_load_idx %arg6[%parallel_loop3A_870] : memref<960xf32, #tpu.memory_space<vmem>>[vector<16xi32>], vector<16xf32>,
        %parallel_loop3A_872 = tpu.vector_load_idx %arg7[%parallel_loop3A_870] : memref<960xf32, #tpu.memory_space<vmem>>[vector<16xi32>], vector<16xf32>,
        %parallel_loop3A_873 = arith.mulf %parallel_loop3A_866, %parallel_loop3A_872 : vector<16xf32>
        %parallel_loop3A_874 = arith.addf %parallel_loop3A_871, %parallel_loop3A_873 : vector<16xf32>
        %parallel_loop3A_875 = arith.constant 16 : i32
        %parallel_loop3A_876 = arith.muli %parallel_loop3A_848, %parallel_loop3A_875 : i32
        %parallel_loop3A_877 = arith.constant 6 : i32
        %parallel_loop3A_878 = arith.index_cast %parallel_loop3A_877 : i32 to index
        %parallel_loop3A_879 = arith.index_cast %parallel_loop3A_876 : i32 to index
        %parallel_loop3A_880 = tpu.vector_load %arg11[%parallel_loop3A_878, %parallel_loop3A_879] {strides = array<i32>} : memref<8x2048xf32, #tpu.memory_space<vmem>>, vector<16xf32>,
        tpu.vector_store %arg11[%parallel_loop3A_878, %parallel_loop3A_879], %parallel_loop3A_874 {strides = array<i32>} : memref<8x2048xf32, #tpu.memory_space<vmem>>, vector<16xf32>,
      } {sc.loop_unroll_factor = 8 : i64, sc.parallel_access}
      %parallel_loop3A_791 = arith.constant 0 : i32
      %parallel_loop3A_792 = arith.constant 128 : i32
      %parallel_loop3A_793 = arith.constant 1 : i32
      scf.for %parallel_loop3A_848 = %parallel_loop3A_791 to %parallel_loop3A_792 step %parallel_loop3A_793  : i32 {
        %parallel_loop3A_849 = arith.constant 16 : i32
        %parallel_loop3A_850 = arith.muli %parallel_loop3A_848, %parallel_loop3A_849 : i32
        %parallel_loop3A_851 = arith.constant 7 : i32
        %parallel_loop3A_852 = arith.index_cast %parallel_loop3A_851 : i32 to index
        %parallel_loop3A_853 = arith.index_cast %parallel_loop3A_850 : i32 to index
        %parallel_loop3A_854 = tpu.vector_load %arg9[%parallel_loop3A_852, %parallel_loop3A_853] {strides = array<i32>} : memref<8x2048xf32, #tpu.memory_space<vmem>>, vector<16xf32>,
        %parallel_loop3A_855 = arith.constant 0.000000e+00 : f32
        %parallel_loop3A_856 = vector.broadcast %parallel_loop3A_855 : f32 to vector<16xf32>
        %parallel_loop3A_857 = arith.maximumf %parallel_loop3A_854, %parallel_loop3A_856 : vector<16xf32>
        %parallel_loop3A_858 = arith.constant 5.900000e+01 : f32
        %parallel_loop3A_859 = vector.broadcast %parallel_loop3A_858 : f32 to vector<16xf32>
        %parallel_loop3A_860 = arith.mulf %parallel_loop3A_857, %parallel_loop3A_859 : vector<16xf32>
        %parallel_loop3A_861 = arith.constant 58.9999886 : f32
        %parallel_loop3A_862 = vector.broadcast %parallel_loop3A_861 : f32 to vector<16xf32>
        %parallel_loop3A_863 = arith.minimumf %parallel_loop3A_860, %parallel_loop3A_862 : vector<16xf32>
        %parallel_loop3A_864 = arith.fptosi %parallel_loop3A_863 : vector<16xf32> to vector<16xi32>
        %parallel_loop3A_865 = arith.sitofp %parallel_loop3A_864 : vector<16xi32> to vector<16xf32>
        %parallel_loop3A_866 = arith.subf %parallel_loop3A_860, %parallel_loop3A_865 : vector<16xf32>
        %parallel_loop3A_867 = arith.constant 16 : i32
        %parallel_loop3A_868 = vector.broadcast %parallel_loop3A_867 : i32 to vector<16xi32>
        %parallel_loop3A_869 = arith.muli %parallel_loop3A_864, %parallel_loop3A_868 : vector<16xi32>
        %parallel_loop3A_870 = arith.addi %parallel_loop3A_869, %iota3A : vector<16xi32>
        %parallel_loop3A_871 = tpu.vector_load_idx %arg6[%parallel_loop3A_870] : memref<960xf32, #tpu.memory_space<vmem>>[vector<16xi32>], vector<16xf32>,
        %parallel_loop3A_872 = tpu.vector_load_idx %arg7[%parallel_loop3A_870] : memref<960xf32, #tpu.memory_space<vmem>>[vector<16xi32>], vector<16xf32>,
        %parallel_loop3A_873 = arith.mulf %parallel_loop3A_866, %parallel_loop3A_872 : vector<16xf32>
        %parallel_loop3A_874 = arith.addf %parallel_loop3A_871, %parallel_loop3A_873 : vector<16xf32>
        %parallel_loop3A_875 = arith.constant 16 : i32
        %parallel_loop3A_876 = arith.muli %parallel_loop3A_848, %parallel_loop3A_875 : i32
        %parallel_loop3A_877 = arith.constant 7 : i32
        %parallel_loop3A_878 = arith.index_cast %parallel_loop3A_877 : i32 to index
        %parallel_loop3A_879 = arith.index_cast %parallel_loop3A_876 : i32 to index
        %parallel_loop3A_880 = tpu.vector_load %arg11[%parallel_loop3A_878, %parallel_loop3A_879] {strides = array<i32>} : memref<8x2048xf32, #tpu.memory_space<vmem>>, vector<16xf32>,
        tpu.vector_store %arg11[%parallel_loop3A_878, %parallel_loop3A_879], %parallel_loop3A_874 {strides = array<i32>} : memref<8x2048xf32, #tpu.memory_space<vmem>>, vector<16xf32>,
      } {sc.loop_unroll_factor = 8 : i64, sc.parallel_access}
      %jit3A_794 = arith.constant 4 : i32
      %div3A_795 = arith.divsi %add3A_758, %jit3A_794 : i32
      %sign3A_796 = arith.constant 0 : i32
      %sign3A_797 = arith.cmpi sgt, %add3A_758, %sign3A_796 : i32
      %sign3A_798 = arith.extui %sign3A_797 : i1 to i32
      %sign3A_799 = arith.constant 0 : i32
      %sign3A_800 = arith.cmpi slt, %add3A_758, %sign3A_799 : i32
      %sign3A_801 = arith.extui %sign3A_800 : i1 to i32
      %sign3A_802 = arith.subi %sign3A_798, %sign3A_801 : i32
      %sign3A_803 = arith.constant 0 : i32
      %sign3A_804 = arith.cmpi sgt, %jit3A_794, %sign3A_803 : i32
      %sign3A_805 = arith.extui %sign3A_804 : i1 to i32
      %sign3A_806 = arith.constant 0 : i32
      %sign3A_807 = arith.cmpi slt, %jit3A_794, %sign3A_806 : i32
      %sign3A_808 = arith.extui %sign3A_807 : i1 to i32
      %sign3A_809 = arith.subi %sign3A_805, %sign3A_808 : i32
      %ne3A_810 = arith.cmpi ne, %sign3A_802, %sign3A_809 : i32
      %rem3A_811 = arith.remsi %add3A_758, %jit3A_794 : i32
      %ne3A_812 = arith.constant 0 : i32
      %ne3A_813 = arith.cmpi ne, %rem3A_811, %ne3A_812 : i32
      %and3A_814 = arith.andi %ne3A_810, %ne3A_813 : i1
      %sub3A_815 = arith.constant 1 : i32
      %sub3A_816 = arith.subi %div3A_795, %sub3A_815 : i32
      %select_n3A_817 = arith.select %and3A_814, %sub3A_816, %div3A_795 : i32
      %mul3A_818 = arith.constant 8 : i32
      %mul3A_819 = arith.muli %select_n3A_817, %mul3A_818 : i32
      %add3A_820 = arith.addi %mul3A_2, %mul3A_819 : i32
      %jit3A_821 = arith.constant 4 : i32
      %eq3A_822 = arith.constant 0 : i32
      %eq3A_823 = arith.cmpi eq, %jit3A_821, %eq3A_822 : i32
      %jit3A_824 = arith.constant 1 : i32
      %select_n3A_825 = arith.select %eq3A_823, %jit3A_824, %jit3A_821 : i32
      %rem3A_826 = arith.remsi %add3A_758, %select_n3A_825 : i32
      %ne3A_827 = arith.constant 0 : i32
      %ne3A_828 = arith.cmpi ne, %rem3A_826, %ne3A_827 : i32
      %lt3A_829 = arith.constant 0 : i32
      %lt3A_830 = arith.cmpi slt, %rem3A_826, %lt3A_829 : i32
      %lt3A_831 = arith.constant 0 : i32
      %lt3A_832 = arith.cmpi slt, %select_n3A_825, %lt3A_831 : i32
      %ne3A_833 = arith.xori %lt3A_830, %lt3A_832 : i1
      %and3A_834 = arith.andi %ne3A_833, %ne3A_828 : i1
      %add3A_835 = arith.addi %rem3A_826, %select_n3A_825 : i32
      %select_n3A_836 = arith.select %and3A_834, %add3A_835, %rem3A_826 : i32
      %mul3A_837 = arith.constant 2048 : i32
      %mul3A_838 = arith.muli %select_n3A_836, %mul3A_837 : i32
      %dma_start3A_839 = tpu.memref_slice %arg4[%add3A_820, %mul3A_838] : memref<4096x8192xf32, #tpu.memory_space<hbm>> -> memref<8x2048xf32, #tpu.memory_space<hbm>>
      %dma_start3A_840 = tpu.memref_slice %arg4[%add3A_820, %mul3A_838] : memref<4096x8192xf32, #tpu.memory_space<hbm>> -> memref<8x2048xf32, #tpu.memory_space<hbm>>
      tpu.enqueue_dma source(%arg11 : memref<8x2048xf32, #tpu.memory_space<vmem>>) target(%dma_start3A_840 : memref<8x2048xf32, #tpu.memory_space<hbm>>) target_semaphore(%arg15 : memref<!tpu.dma_semaphore, #tpu.memory_space<semaphore_mem>>)
      %add3A_841 = arith.constant 2 : i32
      %add3A_842 = arith.addi %add3A_758, %add3A_841 : i32
      %lt3A_843 = arith.constant 64 : i32
      %lt3A_844 = arith.cmpi slt, %add3A_842, %lt3A_843 : i32
      %convert_element_type3A_845 = arith.extui %lt3A_844 : i1 to i32
      %cond3A_846 = arith.constant 0 : i32
      %cond3A_847 = arith.cmpi ne, %convert_element_type3A_845, %cond3A_846 : i32
      scf.if %cond3A_847 {
        %add3A_848 = arith.constant 2 : i32
        %add3A_849 = arith.addi %add3A_758, %add3A_848 : i32
        %jit3A_850 = arith.constant 4 : i32
        %div3A_851 = arith.divsi %add3A_849, %jit3A_850 : i32
        %sign3A_852 = arith.constant 0 : i32
        %sign3A_853 = arith.cmpi sgt, %add3A_849, %sign3A_852 : i32
        %sign3A_854 = arith.extui %sign3A_853 : i1 to i32
        %sign3A_855 = arith.constant 0 : i32
        %sign3A_856 = arith.cmpi slt, %add3A_849, %sign3A_855 : i32
        %sign3A_857 = arith.extui %sign3A_856 : i1 to i32
        %sign3A_858 = arith.subi %sign3A_854, %sign3A_857 : i32
        %sign3A_859 = arith.constant 0 : i32
        %sign3A_860 = arith.cmpi sgt, %jit3A_850, %sign3A_859 : i32
        %sign3A_861 = arith.extui %sign3A_860 : i1 to i32
        %sign3A_862 = arith.constant 0 : i32
        %sign3A_863 = arith.cmpi slt, %jit3A_850, %sign3A_862 : i32
        %sign3A_864 = arith.extui %sign3A_863 : i1 to i32
        %sign3A_865 = arith.subi %sign3A_861, %sign3A_864 : i32
        %ne3A_866 = arith.cmpi ne, %sign3A_858, %sign3A_865 : i32
        %rem3A_867 = arith.remsi %add3A_849, %jit3A_850 : i32
        %ne3A_868 = arith.constant 0 : i32
        %ne3A_869 = arith.cmpi ne, %rem3A_867, %ne3A_868 : i32
        %and3A_870 = arith.andi %ne3A_866, %ne3A_869 : i1
        %sub3A_871 = arith.constant 1 : i32
        %sub3A_872 = arith.subi %div3A_851, %sub3A_871 : i32
        %select_n3A_873 = arith.select %and3A_870, %sub3A_872, %div3A_851 : i32
        %mul3A_874 = arith.constant 8 : i32
        %mul3A_875 = arith.muli %select_n3A_873, %mul3A_874 : i32
        %add3A_876 = arith.addi %mul3A_2, %mul3A_875 : i32
        %jit3A_877 = arith.constant 4 : i32
        %eq3A_878 = arith.constant 0 : i32
        %eq3A_879 = arith.cmpi eq, %jit3A_877, %eq3A_878 : i32
        %jit3A_880 = arith.constant 1 : i32
        %select_n3A_881 = arith.select %eq3A_879, %jit3A_880, %jit3A_877 : i32
        %rem3A_882 = arith.remsi %add3A_849, %select_n3A_881 : i32
        %ne3A_883 = arith.constant 0 : i32
        %ne3A_884 = arith.cmpi ne, %rem3A_882, %ne3A_883 : i32
        %lt3A_885 = arith.constant 0 : i32
        %lt3A_886 = arith.cmpi slt, %rem3A_882, %lt3A_885 : i32
        %lt3A_887 = arith.constant 0 : i32
        %lt3A_888 = arith.cmpi slt, %select_n3A_881, %lt3A_887 : i32
        %ne3A_889 = arith.xori %lt3A_886, %lt3A_888 : i1
        %and3A_890 = arith.andi %ne3A_889, %ne3A_884 : i1
        %add3A_891 = arith.addi %rem3A_882, %select_n3A_881 : i32
        %select_n3A_892 = arith.select %and3A_890, %add3A_891, %rem3A_882 : i32
        %mul3A_893 = arith.constant 2048 : i32
        %mul3A_894 = arith.muli %select_n3A_892, %mul3A_893 : i32
        %dma_start3A_895 = tpu.memref_slice %arg2[%add3A_876, %mul3A_894] : memref<4096x8192xf32, #tpu.memory_space<hbm>> -> memref<8x2048xf32, #tpu.memory_space<hbm>>
        %dma_start3A_896 = tpu.memref_slice %arg2[%add3A_876, %mul3A_894] : memref<4096x8192xf32, #tpu.memory_space<hbm>> -> memref<8x2048xf32, #tpu.memory_space<hbm>>
        tpu.enqueue_dma source(%dma_start3A_896 : memref<8x2048xf32, #tpu.memory_space<hbm>>) target(%arg9 : memref<8x2048xf32, #tpu.memory_space<vmem>>) target_semaphore(%arg13 : memref<!tpu.dma_semaphore, #tpu.memory_space<semaphore_mem>>)
      } else {
      }
    }
    %scan3A_662 = arith.constant 32 : i32
    %add3A_663 = arith.constant 0 : i32
    %add3A_664 = arith.addi %mul3A_2, %add3A_663 : i32
    %dma_wait3A = arith.constant 0 : i32
    %dma_wait3A_665 = tpu.memref_slice %arg4[%add3A_664, %dma_wait3A] : memref<4096x8192xf32, #tpu.memory_space<hbm>> -> memref<8x2048xf32, #tpu.memory_space<hbm>>
    %dma_wait3A_666 = arith.constant 0 : i32
    %dma_wait3A_667 = tpu.memref_slice %arg4[%add3A_664, %dma_wait3A_666] : memref<4096x8192xf32, #tpu.memory_space<hbm>> -> memref<8x2048xf32, #tpu.memory_space<hbm>>
    tpu.wait_dma2 semaphore(%arg14 : memref<!tpu.dma_semaphore, #tpu.memory_space<semaphore_mem>>) src(%arg10 : memref<8x2048xf32, #tpu.memory_space<vmem>>) dst(%dma_wait3A_667 : memref<8x2048xf32, #tpu.memory_space<hbm>>)
    %add3A_668 = arith.constant 0 : i32
    %add3A_669 = arith.addi %mul3A_2, %add3A_668 : i32
    %dma_wait3A_670 = arith.constant 0 : i32
    %dma_wait3A_671 = tpu.memref_slice %arg4[%add3A_669, %dma_wait3A_670] : memref<4096x8192xf32, #tpu.memory_space<hbm>> -> memref<8x2048xf32, #tpu.memory_space<hbm>>
    %dma_wait3A_672 = arith.constant 0 : i32
    %dma_wait3A_673 = tpu.memref_slice %arg4[%add3A_669, %dma_wait3A_672] : memref<4096x8192xf32, #tpu.memory_space<hbm>> -> memref<8x2048xf32, #tpu.memory_space<hbm>>
    tpu.wait_dma2 semaphore(%arg15 : memref<!tpu.dma_semaphore, #tpu.memory_space<semaphore_mem>>) src(%arg11 : memref<8x2048xf32, #tpu.memory_space<vmem>>) dst(%dma_wait3A_673 : memref<8x2048xf32, #tpu.memory_space<hbm>>)
    return
  }
}

</mosaic_0001>

<sc_bundles>
// kernel: kernel.3.cloned.1.call-start
scs
__scs_entry_jumppad:
0x0: {  	(pc) =	sbr.rel $0x88, $3  }
0x1: {  	(tag) =	ssettag $0x0;
	lr =	simm.s32 $0x1  }
0x2: {  	[smem:$0x3F9F] =	sst lr;
	_ =	strace $0xD0000000  }
0x3: {  	_ = 	snop  }
0x4: {  	_ = 	snop  }
0x5: {  	_ = 	snop  }
0x6: {  	_ = 	snop  }
0x7: {  	_ = 	snop  }
__scs_overlays_trampoline_lowered:
0x8: {  	[smem:$0x3FAE] =	sst s0  }
0x9: {  	[smem:$0x3FAF] =	sst s1  }
0xa: {  	[smem:$0x3FB0] =	sst s2  }
0xb: {  	[smem:$0x3FB1] =	sst s3  }
0xc: {  	[smem:$0x3FB2] =	sst s4  }
0xd: {  	[smem:$0x3FB3] =	sst s5  }
0xe: {  	[smem:$0x3FB4] =	sst s6  }
0xf: {  	[smem:$0x3FB5] =	sst s7  }
0x10: {  	[smem:$0x3FB6] =	sst s8  }
0x11: {  	[smem:$0x3FB7] =	sst s9;
	s0 =	simm.s32 @!p0 $0x0  }
0x12: {  	s1 =	sld [smem:$0x3F9D];
	s0 =	simm.s32 @p0 $0x1  }
0x13: {  	[smem:$0x3FB8] =	sst s0;
	s0 =	simm.s32 @!p1 $0x0  }
0x14: {  	s2 =	sld [smem:$0x3F9C];
	s0 =	simm.s32 @p1 $0x1  }
0x15: {  	[smem:$0x3FB9] =	sst s0;
	s0 =	simm.s32 @!p2 $0x0  }
0x16: {  	s3 =	sld [smem:$0x3FDB];
	s0 =	simm.s32 @p2 $0x1  }
0x17: {  	s4 =	simm.s32 $0x1BF5;
	[smem:$0x3FBB] =	sst s0  }
0x18: {  	s0 =	sld [smem:$0x3F9E];
	_ =	swait.ge [sflag:s4], $0x0  }
0x19: {  	s7 =	sld [smem:$0x3F9F]  }
0x1a: {  	s8 =	sadd.s32 $0xFFFFE003, lr  }
0x1b: {  	s9 =	sadd.s32 $0xFFFFFEF7, lr;
	s5 =	simm.s32 $0xFFFFFFFF;
	p2 =	slt.u32 s8, $0xFFFFF086  }
0x1c: {  	p1 =	slt.u32 s9, $0xF7A;
	s5 =	simm.s32 @!p2 $0x0  }
0x1d: {  	s5 =	simm.s32 @p1 $0x1;
	p0 =	seq.s32 s7, s2  }
0x1e: {  	s7 =	smul.u32 @!p0 $0xF7A, s2;
	p2 =	seq.s32 @!p0 s5, $0x0  }
0x1f: {  	s9 =	smul.u32 $0xF7A, s1;
	s8 =	simm.s32 @!p0 $0x1BF5;
	p2 =	por !p2, p0  }
0x20: {  	[sflag:s8] =	ssyncset.s32 @!p0 $0xFFFFF086;
	s6 =	sadd.s32 @!p0 s3, s7;
	s7 =	simm.s32 @!p0 $0x108  }
0x21: {  	s3 =	sadd.s32 s3, s9;
	s6 =	sadd.s32 @!p0 $0x88, s6;
	s7 =	simm.s32 @p2 $0x1082  }
0x22: {  	[simem:s7], [sflag:s8] =	dma.local @!p0 [hbm:s6], $0xF7A  }
0x23: {  	s9 =	sor.u32 $0xD0000000, s2;
	s6 =	simm.s32 $0x108;
	_ =	swait.ge @!p0 [sflag:s8], $0x0  }
0x24: {  	s3 =	sadd.s32 $0x88, s3;
	s6 =	simm.s32 @!p1 $0x1082;
	[sflag:s4] =	ssyncset.s32 $0xFFFFF086  }
0x25: {  	[simem:s6], [sflag:s4] =	dma.local [hbm:s3], $0xF7A  }
0x26: {  	[smem:$0x3F9F] =	sst s1;
	(tag) =	ssettag s2;
	_ =	strace s9  }
0x27: {  	s1 =	sld [smem:$0x3FAF]  }
0x28: {  	s2 =	sld [smem:$0x3FB0]  }
0x29: {  	s4 =	sld [smem:$0x3FB2]  }
0x2a: {  	p0 =	seq.s32 s5, $0x0;
	s5 =	sld [smem:$0x3FB3]  }
0x2b: {  	s6 =	sld [smem:$0x3FB4]  }
0x2c: {  	s7 =	sld [smem:$0x3FB5]  }
0x2d: {  	s3 =	simm.s32 $0x108;
	s8 =	sld [smem:$0x3FB6]  }
0x2e: {  	s3 =	simm.s32 @!p0 $0x1082;
	s9 =	sld [smem:$0x3FB7]  }
0x2f: {  	lr =	sadd.s32 s0, s3;
	s0 =	sld [smem:$0x3FAE]  }
0x30: {  	s3 =	sld [smem:$0x3FB1]  }
0x31: {  	[smem:$0x3FBA] =	sst s10  }
0x32: {  	s10 =	sld [smem:$0x3FB8];
	_ =	sdelay $0x3  }
0x33: {  	p0 =	seq.s32 s10, $0x1;
	s10 =	sld [smem:$0x3FBA];
	_ =	sdelay $0x3  }
0x34: {  	[smem:$0x3FBA] =	sst s10  }
0x35: {  	s10 =	sld [smem:$0x3FB9];
	_ =	sdelay $0x3  }
0x36: {  	p1 =	seq.s32 s10, $0x1;
	s10 =	sld [smem:$0x3FBA];
	_ =	sdelay $0x3  }
0x37: {  	[smem:$0x3FBA] =	sst s10  }
0x38: {  	s10 =	sld [smem:$0x3FBB]  }
0x39: {  	_ = 	snop;
	(pc) =	sbr.ind lr, $3  }
0x3a: {  	_ = 	snop  }
0x3b: {  	_ = 	snop  }
0x3c: {  	p2 =	seq.s32 s10, $0x1;
	s10 =	sld [smem:$0x3FBA]  }
0x3d: {  	_ =	shalt  }
0x3e: {  	_ =	shalt  }
0x3f: {  	_ =	shalt  }
0x40: {  	_ =	shalt  }
0x41: {  	_ =	shalt  }
0x42: {  	_ =	shalt  }
0x43: {  	_ =	shalt  }
0x44: {  	_ =	shalt  }
0x45: {  	_ =	shalt  }
0x46: {  	_ =	shalt  }
0x47: {  	_ =	shalt  }
0x48: {  	_ =	shalt  }
0x49: {  	_ =	shalt  }
0x4a: {  	_ =	shalt  }
0x4b: {  	_ =	shalt  }
0x4c: {  	_ =	shalt  }
0x4d: {  	_ =	shalt  }
0x4e: {  	_ =	shalt  }
0x4f: {  	_ =	shalt  }
0x50: {  	_ =	shalt  }
0x51: {  	_ =	shalt  }
0x52: {  	_ =	shalt  }
0x53: {  	_ =	shalt  }
0x54: {  	_ =	shalt  }
0x55: {  	_ =	shalt  }
0x56: {  	_ =	shalt  }
0x57: {  	_ =	shalt  }
0x58: {  	_ =	shalt  }
0x59: {  	_ =	shalt  }
0x5a: {  	_ =	shalt  }
0x5b: {  	_ =	shalt  }
0x5c: {  	_ =	shalt  }
0x5d: {  	_ =	shalt  }
0x5e: {  	_ =	shalt  }
0x5f: {  	_ =	shalt  }
0x60: {  	_ =	shalt  }
0x61: {  	_ =	shalt  }
0x62: {  	_ =	shalt  }
0x63: {  	_ =	shalt  }
0x64: {  	_ =	shalt  }
0x65: {  	_ =	shalt  }
0x66: {  	_ =	shalt  }
0x67: {  	_ =	shalt  }
0x68: {  	_ =	shalt  }
0x69: {  	_ =	shalt  }
0x6a: {  	_ =	shalt  }
0x6b: {  	_ =	shalt  }
0x6c: {  	_ =	shalt  }
0x6d: {  	_ =	shalt  }
0x6e: {  	_ =	shalt  }
0x6f: {  	_ =	shalt  }
0x70: {  	_ =	shalt  }
0x71: {  	_ =	shalt  }
0x72: {  	_ =	shalt  }
0x73: {  	_ =	shalt  }
0x74: {  	_ =	shalt  }
0x75: {  	_ =	shalt  }
0x76: {  	_ =	shalt  }
0x77: {  	_ =	shalt  }
0x78: {  	_ =	shalt  }
0x79: {  	_ =	shalt  }
0x7a: {  	_ =	shalt  }
0x7b: {  	_ =	shalt  }
0x7c: {  	_ =	shalt  }
0x7d: {  	_ =	shalt  }
0x7e: {  	_ =	shalt  }
0x7f: {  	_ =	shalt  }
0x80: {  	_ =	shalt  }
0x81: {  	_ =	shalt  }
0x82: {  	_ =	shalt  }
0x83: {  	_ =	shalt  }
0x84: {  	_ =	shalt  }
0x85: {  	_ =	shalt  }
0x86: {  	_ =	shalt  }
0x87: {  	_ =	shalt  }
.Lfunc_end0:
.L_simem_size_0:
called_computation_lowered:
.L_overlay_start_0:
0x88: {  	s2 =	sld [smem:$0x3FD9]  }
0x89: {  	s3 =	sld [smem:$0x3FFE];
	_ =	sdelay $0x1  }
0x8a: {  	s1 =	srdreg.scid  }
0x8b: {  	s0 =	sand.u32 $0x1, s1  }
0x8c: {  	s17 =	sshll.u32 s0, $0xA;
	s2 =	sadd.s32 s3, s2  }
0x8d: {  	s2 =	sadd.s32 s2, s17  }
0x8e: {  	[smem:$0x3FC6] =	sst s2  }
0x8f: {  	_ = 	snop  }
0x90: {  	s2 =	sld [smem:$0x3FC9]  }
0x91: {  	s18 =	sld [smem:$0x3FD0];
	(tm) =	ssettm $0x1  }
0x92: {  	s4 =	sld [smem:$0x3FFB];
	_ =	sdelay $0x3  }
0x93: {  	_ =	strace s4  }
0x94: {  	s4 =	sld [smem:$0x3FFC];
	_ =	sdelay $0x3  }
0x95: {  	_ =	strace s4  }
0x96: {  	s4 =	sld [smem:$0x3FFD];
	_ =	sdelay $0x3  }
0x97: {  	_ =	strace s4  }
0x98: {  	_ =	strace $0x8FFFFFFF  }
0x99: {  	s19 =	sld [smem:$0x3FDB];
	_ =	sdelay $0x1  }
0x9a: {  	s5 =	simm.s32 $_scs_section_size  }
0x9b: {  	s6 =	simm.s32 $_size__tile_overlayer_lowered;
	s7 =	simm.s32 $_tile_overlayer_lowered  }
0x9c: {  	s22 =	simm.s32 $0x1BFF;
	s21 =	sshll.u32 s7, $0x1;
	s4 =	sadd.s32 s5, s19  }
0x9d: {  	s8 =	simm.s32 $0x0;
	s20 =	sshll.u32 s6, $0x1;
	s6 =	sadd.s32 s21, s4  }
0x9e: {  	[timem:s8], [sflag:s22] =	dma.local [hbm:s6], s20  }
0x9f: {  	_ =	swait.ge [sflag:s22], s20  }
0xa0: {  	s5 =	ssub.s32 $0x0, s20;
	[sflag:s22] =	ssyncset.done $0x0  }
0xa1: {  	[sflag:s22] =	ssyncadd.s32 s5;
	_ =	sdelay $0x1  }
0xa2: {  	s23 =	simm.s32 $0x1B8B  }
0xa3: {  	_ =	swait.ge [sflag:s23], $0x1  }
0xa4: {  	[sflag:s23] =	ssyncset.done $0x0  }
0xa5: {  	s25 =	simm.s32 $0x1B8E;
	s24 =	sld [smem:$0x3FFE];
	[sflag:s23] =	ssyncadd.s32 $0xFFFFFFFF  }
0xa6: {  	s26 =	simm.s32 $execute0_lowered;
	[smem:$0x3FD2] =	sst s25  }
0xa7: {  	s6 =	sshll.u32 s26, $0x1;
	_ =	strace $0x80000046;
	[dreg:$0x1] =	wrdreg $0xFFFFFFFF  }
0xa8: {  	s28 =	simm.s32 $_size_execute0_lowered;
	s4 =	sadd.s32 s4, s6;
	[dreg:$0x0] =	wrdreg $0x0  }
0xa9: {  	s6 =	sshll.u32 s28, $0x1;
	[dreg:$0x2] =	wrdreg s4  }
0xaa: {  	[dreg:$0x3] =	wrdreg s6  }
0xab: {  	[dreg:$0x4] =	wrdreg $0xC0  }
0xac: {  	_ =	task [dreg:s8], $0x5FFFF  }
0xad: {  	[dreg:$0x1] =	wrdreg $0xFFFFFFFF  }
0xae: {  	[dreg:$0x0] =	wrdreg $0x60  }
0xaf: {  	[dreg:$0x2] =	wrdreg s2  }
0xb0: {  	[dreg:$0x3] =	wrdreg s24  }
0xb1: {  	[dreg:$0x4] =	wrdreg s18  }
0xb2: {  	[dreg:$0x5] =	wrdreg $0x9  }
0xb3: {  	_ =	task.clear_ibuf [dreg:s8], $0x6FFFF;
	_ =	strace $0x90000046  }
0xb4: {  	s29 =	simm.s32 $0x9;
	_ =	strace $0x80000048  }
0xb5: {  	_ =	swait.ge [sflag:s29], $0x1  }
0xb6: {  	[sflag:s29] =	ssyncadd.s32 $0xFFFFFFFF  }
0xb7: {  	_ =	strace $0x90000048  }
0xb8: {  	_ =	sfence  }
0xb9: {  	s30 =	sld [smem:$0x0];
	_ =	sdelay $0x2  }
0xba: {  	s31 =	sshll.u32 s1, $0xD;
	s1 =	sshrl.u32 s1, $0x2  }
0xbb: {  	s3 =	sand.u32 $0x4000, s31;
	s1 =	sadd.s32 s1, s30  }
0xbc: {  	s0 =	sor.u32 s3, s0;
	s1 =	sshll.u32 s1, $0x11  }
0xbd: {  	s0 =	sor.u32 s1, s0  }
0xbe: {  	s0 =	sadd.s32 $0x8F2B, s0  }
0xbf: {  	[sflag:s0] =	ssyncadd.remote.s32 $0x1  }
0xc0: {  	_ =	sfence.sel $0xFFFF  }
0xc1: {  	[dreg:$0x0] =	wrdreg $0xFFFFFFFF;
	(pc) =	sbr.abs _section_cstart, $3  }
0xc2: {  	[dreg:$0x1] =	wrdreg $0xFFFFFFFF  }
0xc3: {  	_ =	task.clear_ibuf [dreg:s8], $0x2FFFF;
	_ =	strace $0x9FFFFFFF  }
0xc4: {  	(tm) =	ssettm $0x7FFFFFFF  }
0xc5: {  	_ =	shalt  }
tec
execute0_lowered:
.L_overlay_start_1:
0x0: {  	(tag) =	ssettag $0x1  }
0x1: {  	s0 =	rddreg [dreg:$0x0]  }
0x2: {  	s1 =	srdreg.scid;
	s2 =	rddreg [dreg:$0x1]  }
0x3: {  	s4 =	stileid.u32;
	s3 =	rddreg [dreg:$0x2]  }
0x4: {  	s10 =	simm.s32 $0x10;
	s11 =	simm.s32 $0x5;
	s12 =	simm.s32 $0x880  }
0x5: {  	s13 =	simm.s32 $0x4880;
	s14 =	simm.s32 $0x1;
	s15 =	simm.s32 $0x80  }
0x6: {  	s16 =	simm.s32 $0x480;
	s17 =	simm.s32 $0x8880;
	s18 =	simm.s32 $0x2  }
0x7: {  	s19 =	simm.s32 $0x4;
	s20 =	simm.s32 $0xC880;
	s21 =	simm.s32 $0x3  }
0x8: {  	s22 =	simm.s32 $0x0;
	s1 =	sand.u32 $0x1, s1;
	s5 =	sshll.u32 s4, $0x8  }
.Ltmp0:
0x9: {  	v46 =	vimm.s32 $0x3E;
	v47 =	vimm.s32 $0x3F;
	s4 =	simm.s32 $0x0;
	s6 =	sshll.u32 s1, $0x7;
	(pc) =	sbr.rel .LBB2_1-.Ltmp0, $4  }
0xa: {  	v48 =	vimm.s32 $0x40;
	v49 =	vimm.s32 $0x41;
	v50 =	vimm.s32 $0x42;
	[smem:$0x7FF] =	sst s4;
	s1 =	ssub.s32 $0x2, s1;
	s8 =	sor.u32 s6, s5  }
0xb: {  	v51 =	vimm.s32 $0x43;
	v52 =	vimm.s32 $0x44;
	v53 =	vimm.s32 $0x45;
	_ =	strace $0x80000047;
	s7 =	sshrl.u32 s1, $0x1;
	s5 =	sshll.u32 s8, $0xA  }
0xc: {  	v54 =	vimm.s32 $0x46;
	v55 =	vimm.s32 $0x47;
	v56 =	vimm.s32 $0x48;
	s6 =	sadd.s32 $0x400, s2;
	s1 =	ssub.s32 s1, s7;
	s5 =	sadd.s32 s0, s5  }
0xd: {  	v57 =	vimm.s32 $0x49;
	v58 =	vimm.s32 $0x4A;
	v60 =	vlaneseq.u32;
	s8 =	sshrl.u32 s8, $0x3;
	s9 =	smax.u32 s1, $0x1;
	s7 =	sadd.s32 $0x800, s5  }
.LBB2_40:
0xe: {  	s22 =	sadd.s32 $0x1, s22  }
0xf: {  	_ =	swait.ge [sflag:s21], $0x4000;
	p0 =	sne.s32 s22, s9  }
.Ltmp1:
0x10: {  	[sflag:s21] =	ssyncset.done $0x0;
	(pc) =	sbr.rel @!p0 .LBB2_41-.Ltmp1, $4  }
0x11: {  	[sflag:s21] =	ssyncadd.s32 $0xFFFFC000  }
0x12: {  	_ =	swait.ge [sflag:s19], $0x4000  }
0x13: {  	[sflag:s19] =	ssyncset.done $0x0  }
0x14: {  	[sflag:s19] =	ssyncadd.s32 $0xFFFFC000  }
.LBB2_1:
0x15: {  	v0 =	vimm.s32 $0x10  }
0x16: {  	[tilespmem:s10], [sflag:$0x5] =	stream.linear.gather [hbm4b:s6+s4], $0x40, $0x38;
	v2 =	vimm.s32 $0x11;
	[tilespmem:$0x10880] =	vst v63  }
0x17: {  	_ =	swait.ge [sflag:s11], $0x40  }
0x18: {  	[sflag:s11] =	ssyncset.done $0x0  }
0x19: {  	[sflag:s11] =	ssyncadd.s32 $0xFFFFFFC0  }
0x1a: {  	v0 =	vld.idx.msk [tilespmem:v0+s4+$0x0], $0xffff  }
0x1b: {  	v1 =	vld.idx.msk [tilespmem:v2+s4+$0x0], $0xffff;
	_ =	sdelay $0x3  }
0x1c: {  	v5 =	vimm.s32 $0x12  }
0x1d: {  	v1 =	vsub.f32 v1, v0  }
0x1e: {  	[tilespmem:$0x80] =	vst v0  }
0x1f: {  	[tilespmem:$0x480] =	vst v1  }
0x20: {  	v0 =	vld.idx.msk [tilespmem:v2+s4+$0x0], $0xffff  }
0x21: {  	v1 =	vld.idx.msk [tilespmem:v5+s4+$0x0], $0xffff;
	_ =	sdelay $0x3  }
0x22: {  	v6 =	vimm.s32 $0x13  }
0x23: {  	v1 =	vsub.f32 v1, v0  }
0x24: {  	[tilespmem:$0x90] =	vst v0  }
0x25: {  	[tilespmem:$0x490] =	vst v1  }
0x26: {  	v0 =	vld.idx.msk [tilespmem:v5+s4+$0x0], $0xffff  }
0x27: {  	v1 =	vld.idx.msk [tilespmem:v6+s4+$0x0], $0xffff;
	_ =	sdelay $0x3  }
0x28: {  	v7 =	vimm.s32 $0x14  }
0x29: {  	v1 =	vsub.f32 v1, v0  }
0x2a: {  	[tilespmem:$0xA0] =	vst v0  }
0x2b: {  	[tilespmem:$0x4A0] =	vst v1  }
0x2c: {  	v0 =	vld.idx.msk [tilespmem:v6+s4+$0x0], $0xffff  }
0x2d: {  	v1 =	vld.idx.msk [tilespmem:v7+s4+$0x0], $0xffff;
	_ =	sdelay $0x3  }
0x2e: {  	v8 =	vimm.s32 $0x15  }
0x2f: {  	v1 =	vsub.f32 v1, v0  }
0x30: {  	[tilespmem:$0xB0] =	vst v0  }
0x31: {  	[tilespmem:$0x4B0] =	vst v1  }
0x32: {  	v0 =	vld.idx.msk [tilespmem:v7+s4+$0x0], $0xffff  }
0x33: {  	v1 =	vld.idx.msk [tilespmem:v8+s4+$0x0], $0xffff;
	_ =	sdelay $0x3  }
0x34: {  	v9 =	vimm.s32 $0x16  }
0x35: {  	v1 =	vsub.f32 v1, v0  }
0x36: {  	[tilespmem:$0xC0] =	vst v0  }
0x37: {  	[tilespmem:$0x4C0] =	vst v1  }
0x38: {  	v0 =	vld.idx.msk [tilespmem:v8+s4+$0x0], $0xffff  }
0x39: {  	v1 =	vld.idx.msk [tilespmem:v9+s4+$0x0], $0xffff;
	_ =	sdelay $0x3  }
0x3a: {  	v10 =	vimm.s32 $0x17  }
0x3b: {  	v1 =	vsub.f32 v1, v0  }
0x3c: {  	[tilespmem:$0xD0] =	vst v0  }
0x3d: {  	[tilespmem:$0x4D0] =	vst v1  }
0x3e: {  	v0 =	vld.idx.msk [tilespmem:v9+s4+$0x0], $0xffff  }
0x3f: {  	v1 =	vld.idx.msk [tilespmem:v10+s4+$0x0], $0xffff;
	_ =	sdelay $0x3  }
0x40: {  	v11 =	vimm.s32 $0x18  }
0x41: {  	v1 =	vsub.f32 v1, v0  }
0x42: {  	[tilespmem:$0xE0] =	vst v0  }
0x43: {  	[tilespmem:$0x4E0] =	vst v1  }
0x44: {  	v0 =	vld.idx.msk [tilespmem:v10+s4+$0x0], $0xffff  }
0x45: {  	v1 =	vld.idx.msk [tilespmem:v11+s4+$0x0], $0xffff;
	_ =	sdelay $0x3  }
0x46: {  	v12 =	vimm.s32 $0x19  }
0x47: {  	v1 =	vsub.f32 v1, v0  }
0x48: {  	[tilespmem:$0xF0] =	vst v0  }
0x49: {  	[tilespmem:$0x4F0] =	vst v1  }
0x4a: {  	v0 =	vld.idx.msk [tilespmem:v11+s4+$0x0], $0xffff  }
0x4b: {  	v1 =	vld.idx.msk [tilespmem:v12+s4+$0x0], $0xffff;
	_ =	sdelay $0x3  }
0x4c: {  	v13 =	vimm.s32 $0x1A  }
0x4d: {  	v1 =	vsub.f32 v1, v0  }
0x4e: {  	[tilespmem:$0x100] =	vst v0  }
0x4f: {  	[tilespmem:$0x500] =	vst v1  }
0x50: {  	v0 =	vld.idx.msk [tilespmem:v12+s4+$0x0], $0xffff  }
0x51: {  	v1 =	vld.idx.msk [tilespmem:v13+s4+$0x0], $0xffff;
	_ =	sdelay $0x3  }
0x52: {  	v14 =	vimm.s32 $0x1B  }
0x53: {  	v1 =	vsub.f32 v1, v0  }
0x54: {  	[tilespmem:$0x110] =	vst v0  }
0x55: {  	[tilespmem:$0x510] =	vst v1  }
0x56: {  	v0 =	vld.idx.msk [tilespmem:v13+s4+$0x0], $0xffff  }
0x57: {  	v1 =	vld.idx.msk [tilespmem:v14+s4+$0x0], $0xffff;
	_ =	sdelay $0x3  }
0x58: {  	v15 =	vimm.s32 $0x1C  }
0x59: {  	v1 =	vsub.f32 v1, v0  }
0x5a: {  	[tilespmem:$0x120] =	vst v0  }
0x5b: {  	[tilespmem:$0x520] =	vst v1  }
0x5c: {  	v0 =	vld.idx.msk [tilespmem:v14+s4+$0x0], $0xffff  }
0x5d: {  	v1 =	vld.idx.msk [tilespmem:v15+s4+$0x0], $0xffff;
	_ =	sdelay $0x3  }
0x5e: {  	v16 =	vimm.s32 $0x1D  }
0x5f: {  	v1 =	vsub.f32 v1, v0  }
0x60: {  	[tilespmem:$0x130] =	vst v0  }
0x61: {  	[tilespmem:$0x530] =	vst v1  }
0x62: {  	v0 =	vld.idx.msk [tilespmem:v15+s4+$0x0], $0xffff  }
0x63: {  	v1 =	vld.idx.msk [tilespmem:v16+s4+$0x0], $0xffff;
	_ =	sdelay $0x3  }
0x64: {  	v17 =	vimm.s32 $0x1E  }
0x65: {  	v1 =	vsub.f32 v1, v0  }
0x66: {  	[tilespmem:$0x140] =	vst v0  }
0x67: {  	[tilespmem:$0x540] =	vst v1  }
0x68: {  	v0 =	vld.idx.msk [tilespmem:v16+s4+$0x0], $0xffff  }
0x69: {  	v1 =	vld.idx.msk [tilespmem:v17+s4+$0x0], $0xffff;
	_ =	sdelay $0x3  }
0x6a: {  	v18 =	vimm.s32 $0x1F  }
0x6b: {  	v1 =	vsub.f32 v1, v0  }
0x6c: {  	[tilespmem:$0x150] =	vst v0  }
0x6d: {  	[tilespmem:$0x550] =	vst v1  }
0x6e: {  	v0 =	vld.idx.msk [tilespmem:v17+s4+$0x0], $0xffff  }
0x6f: {  	v1 =	vld.idx.msk [tilespmem:v18+s4+$0x0], $0xffff;
	_ =	sdelay $0x3  }
0x70: {  	v19 =	vimm.s32 $0x20  }
0x71: {  	v1 =	vsub.f32 v1, v0  }
0x72: {  	[tilespmem:$0x160] =	vst v0  }
0x73: {  	[tilespmem:$0x560] =	vst v1  }
0x74: {  	v0 =	vld.idx.msk [tilespmem:v18+s4+$0x0], $0xffff  }
0x75: {  	v1 =	vld.idx.msk [tilespmem:v19+s4+$0x0], $0xffff;
	_ =	sdelay $0x3  }
0x76: {  	v20 =	vimm.s32 $0x21  }
0x77: {  	v1 =	vsub.f32 v1, v0  }
0x78: {  	[tilespmem:$0x170] =	vst v0  }
0x79: {  	[tilespmem:$0x570] =	vst v1  }
0x7a: {  	v0 =	vld.idx.msk [tilespmem:v19+s4+$0x0], $0xffff  }
0x7b: {  	v1 =	vld.idx.msk [tilespmem:v20+s4+$0x0], $0xffff;
	_ =	sdelay $0x3  }
0x7c: {  	v21 =	vimm.s32 $0x22  }
0x7d: {  	v1 =	vsub.f32 v1, v0  }
0x7e: {  	[tilespmem:$0x180] =	vst v0  }
0x7f: {  	[tilespmem:$0x580] =	vst v1  }
0x80: {  	v0 =	vld.idx.msk [tilespmem:v20+s4+$0x0], $0xffff  }
0x81: {  	v1 =	vld.idx.msk [tilespmem:v21+s4+$0x0], $0xffff;
	_ =	sdelay $0x3  }
0x82: {  	v22 =	vimm.s32 $0x23  }
0x83: {  	v1 =	vsub.f32 v1, v0  }
0x84: {  	[tilespmem:$0x190] =	vst v0  }
0x85: {  	[tilespmem:$0x590] =	vst v1  }
0x86: {  	v0 =	vld.idx.msk [tilespmem:v21+s4+$0x0], $0xffff  }
0x87: {  	v1 =	vld.idx.msk [tilespmem:v22+s4+$0x0], $0xffff;
	_ =	sdelay $0x3  }
0x88: {  	v23 =	vimm.s32 $0x24  }
0x89: {  	v1 =	vsub.f32 v1, v0  }
0x8a: {  	[tilespmem:$0x1A0] =	vst v0  }
0x8b: {  	[tilespmem:$0x5A0] =	vst v1  }
0x8c: {  	v0 =	vld.idx.msk [tilespmem:v22+s4+$0x0], $0xffff  }
0x8d: {  	v1 =	vld.idx.msk [tilespmem:v23+s4+$0x0], $0xffff;
	_ =	sdelay $0x3  }
0x8e: {  	v24 =	vimm.s32 $0x25  }
0x8f: {  	v1 =	vsub.f32 v1, v0  }
0x90: {  	[tilespmem:$0x1B0] =	vst v0  }
0x91: {  	[tilespmem:$0x5B0] =	vst v1  }
0x92: {  	v0 =	vld.idx.msk [tilespmem:v23+s4+$0x0], $0xffff  }
0x93: {  	v1 =	vld.idx.msk [tilespmem:v24+s4+$0x0], $0xffff;
	_ =	sdelay $0x3  }
0x94: {  	v25 =	vimm.s32 $0x26  }
0x95: {  	v1 =	vsub.f32 v1, v0  }
0x96: {  	[tilespmem:$0x1C0] =	vst v0  }
0x97: {  	[tilespmem:$0x5C0] =	vst v1  }
0x98: {  	v0 =	vld.idx.msk [tilespmem:v24+s4+$0x0], $0xffff  }
0x99: {  	v1 =	vld.idx.msk [tilespmem:v25+s4+$0x0], $0xffff;
	_ =	sdelay $0x3  }
0x9a: {  	v26 =	vimm.s32 $0x27  }
0x9b: {  	v1 =	vsub.f32 v1, v0  }
0x9c: {  	[tilespmem:$0x1D0] =	vst v0  }
0x9d: {  	[tilespmem:$0x5D0] =	vst v1  }
0x9e: {  	v0 =	vld.idx.msk [tilespmem:v25+s4+$0x0], $0xffff  }
0x9f: {  	v1 =	vld.idx.msk [tilespmem:v26+s4+$0x0], $0xffff;
	_ =	sdelay $0x3  }
0xa0: {  	v27 =	vimm.s32 $0x28  }
0xa1: {  	v1 =	vsub.f32 v1, v0  }
0xa2: {  	[tilespmem:$0x1E0] =	vst v0  }
0xa3: {  	[tilespmem:$0x5E0] =	vst v1  }
0xa4: {  	v0 =	vld.idx.msk [tilespmem:v26+s4+$0x0], $0xffff  }
0xa5: {  	v1 =	vld.idx.msk [tilespmem:v27+s4+$0x0], $0xffff;
	_ =	sdelay $0x3  }
0xa6: {  	v28 =	vimm.s32 $0x29  }
0xa7: {  	v1 =	vsub.f32 v1, v0  }
0xa8: {  	[tilespmem:$0x1F0] =	vst v0  }
0xa9: {  	[tilespmem:$0x5F0] =	vst v1  }
0xaa: {  	v0 =	vld.idx.msk [tilespmem:v27+s4+$0x0], $0xffff  }
0xab: {  	v1 =	vld.idx.msk [tilespmem:v28+s4+$0x0], $0xffff;
	_ =	sdelay $0x3  }
0xac: {  	v29 =	vimm.s32 $0x2A  }
0xad: {  	v1 =	vsub.f32 v1, v0  }
0xae: {  	[tilespmem:$0x200] =	vst v0  }
0xaf: {  	[tilespmem:$0x600] =	vst v1  }
0xb0: {  	v0 =	vld.idx.msk [tilespmem:v28+s4+$0x0], $0xffff  }
0xb1: {  	v1 =	vld.idx.msk [tilespmem:v29+s4+$0x0], $0xffff;
	_ =	sdelay $0x3  }
0xb2: {  	v30 =	vimm.s32 $0x2B  }
0xb3: {  	v1 =	vsub.f32 v1, v0  }
0xb4: {  	[tilespmem:$0x210] =	vst v0  }
0xb5: {  	[tilespmem:$0x610] =	vst v1  }
0xb6: {  	v0 =	vld.idx.msk [tilespmem:v29+s4+$0x0], $0xffff  }
0xb7: {  	v1 =	vld.idx.msk [tilespmem:v30+s4+$0x0], $0xffff;
	_ =	sdelay $0x3  }
0xb8: {  	v31 =	vimm.s32 $0x2C  }
0xb9: {  	v1 =	vsub.f32 v1, v0  }
0xba: {  	[tilespmem:$0x220] =	vst v0  }
0xbb: {  	[tilespmem:$0x620] =	vst v1  }
0xbc: {  	v0 =	vld.idx.msk [tilespmem:v30+s4+$0x0], $0xffff  }
0xbd: {  	v1 =	vld.idx.msk [tilespmem:v31+s4+$0x0], $0xffff;
	_ =	sdelay $0x3  }
0xbe: {  	v32 =	vimm.s32 $0x2D  }
0xbf: {  	v1 =	vsub.f32 v1, v0  }
0xc0: {  	[tilespmem:$0x230] =	vst v0  }
0xc1: {  	[tilespmem:$0x630] =	vst v1  }
0xc2: {  	v0 =	vld.idx.msk [tilespmem:v31+s4+$0x0], $0xffff  }
0xc3: {  	v1 =	vld.idx.msk [tilespmem:v32+s4+$0x0], $0xffff;
	_ =	sdelay $0x3  }
0xc4: {  	v33 =	vimm.s32 $0x2E  }
0xc5: {  	v1 =	vsub.f32 v1, v0  }
0xc6: {  	[tilespmem:$0x240] =	vst v0  }
0xc7: {  	[tilespmem:$0x640] =	vst v1  }
0xc8: {  	v0 =	vld.idx.msk [tilespmem:v32+s4+$0x0], $0xffff  }
0xc9: {  	v1 =	vld.idx.msk [tilespmem:v33+s4+$0x0], $0xffff;
	_ =	sdelay $0x3  }
0xca: {  	v34 =	vimm.s32 $0x2F  }
0xcb: {  	v1 =	vsub.f32 v1, v0  }
0xcc: {  	[tilespmem:$0x250] =	vst v0  }
0xcd: {  	[tilespmem:$0x650] =	vst v1  }
0xce: {  	v0 =	vld.idx.msk [tilespmem:v33+s4+$0x0], $0xffff  }
0xcf: {  	v1 =	vld.idx.msk [tilespmem:v34+s4+$0x0], $0xffff;
	_ =	sdelay $0x3  }
0xd0: {  	v35 =	vimm.s32 $0x30  }
0xd1: {  	v1 =	vsub.f32 v1, v0  }
0xd2: {  	[tilespmem:$0x260] =	vst v0  }
0xd3: {  	[tilespmem:$0x660] =	vst v1  }
0xd4: {  	v0 =	vld.idx.msk [tilespmem:v34+s4+$0x0], $0xffff  }
0xd5: {  	v1 =	vld.idx.msk [tilespmem:v35+s4+$0x0], $0xffff;
	_ =	sdelay $0x3  }
0xd6: {  	v36 =	vimm.s32 $0x31  }
0xd7: {  	v1 =	vsub.f32 v1, v0  }
0xd8: {  	[tilespmem:$0x270] =	vst v0  }
0xd9: {  	[tilespmem:$0x670] =	vst v1  }
0xda: {  	v0 =	vld.idx.msk [tilespmem:v35+s4+$0x0], $0xffff  }
0xdb: {  	v1 =	vld.idx.msk [tilespmem:v36+s4+$0x0], $0xffff;
	_ =	sdelay $0x3  }
0xdc: {  	v37 =	vimm.s32 $0x32  }
0xdd: {  	v1 =	vsub.f32 v1, v0  }
0xde: {  	[tilespmem:$0x280] =	vst v0  }
0xdf: {  	[tilespmem:$0x680] =	vst v1  }
0xe0: {  	v0 =	vld.idx.msk [tilespmem:v36+s4+$0x0], $0xffff  }
0xe1: {  	v1 =	vld.idx.msk [tilespmem:v37+s4+$0x0], $0xffff;
	_ =	sdelay $0x3  }
0xe2: {  	v38 =	vimm.s32 $0x33  }
0xe3: {  	v1 =	vsub.f32 v1, v0  }
0xe4: {  	[tilespmem:$0x290] =	vst v0  }
0xe5: {  	[tilespmem:$0x690] =	vst v1  }
0xe6: {  	v0 =	vld.idx.msk [tilespmem:v37+s4+$0x0], $0xffff  }
0xe7: {  	v1 =	vld.idx.msk [tilespmem:v38+s4+$0x0], $0xffff;
	_ =	sdelay $0x3  }
0xe8: {  	v39 =	vimm.s32 $0x34  }
0xe9: {  	v1 =	vsub.f32 v1, v0  }
0xea: {  	[tilespmem:$0x2A0] =	vst v0  }
0xeb: {  	[tilespmem:$0x6A0] =	vst v1  }
0xec: {  	v0 =	vld.idx.msk [tilespmem:v38+s4+$0x0], $0xffff  }
0xed: {  	v1 =	vld.idx.msk [tilespmem:v39+s4+$0x0], $0xffff;
	_ =	sdelay $0x3  }
0xee: {  	v40 =	vimm.s32 $0x35  }
0xef: {  	v1 =	vsub.f32 v1, v0  }
0xf0: {  	[tilespmem:$0x2B0] =	vst v0  }
0xf1: {  	[tilespmem:$0x6B0] =	vst v1  }
0xf2: {  	v0 =	vld.idx.msk [tilespmem:v39+s4+$0x0], $0xffff  }
0xf3: {  	v1 =	vld.idx.msk [tilespmem:v40+s4+$0x0], $0xffff;
	_ =	sdelay $0x3  }
0xf4: {  	v41 =	vimm.s32 $0x36  }
0xf5: {  	v1 =	vsub.f32 v1, v0  }
0xf6: {  	[tilespmem:$0x2C0] =	vst v0  }
0xf7: {  	[tilespmem:$0x6C0] =	vst v1  }
0xf8: {  	v0 =	vld.idx.msk [tilespmem:v40+s4+$0x0], $0xffff  }
0xf9: {  	v1 =	vld.idx.msk [tilespmem:v41+s4+$0x0], $0xffff;
	_ =	sdelay $0x3  }
0xfa: {  	v42 =	vimm.s32 $0x37  }
0xfb: {  	v1 =	vsub.f32 v1, v0  }
0xfc: {  	[tilespmem:$0x2D0] =	vst v0  }
0xfd: {  	[tilespmem:$0x6D0] =	vst v1  }
0xfe: {  	v0 =	vld.idx.msk [tilespmem:v41+s4+$0x0], $0xffff  }
0xff: {  	v1 =	vld.idx.msk [tilespmem:v42+s4+$0x0], $0xffff;
	_ =	sdelay $0x3  }
0x100: {  	v43 =	vimm.s32 $0x38  }
0x101: {  	v1 =	vsub.f32 v1, v0  }
0x102: {  	[tilespmem:$0x2E0] =	vst v0  }
0x103: {  	[tilespmem:$0x6E0] =	vst v1  }
0x104: {  	v0 =	vld.idx.msk [tilespmem:v42+s4+$0x0], $0xffff  }
0x105: {  	v1 =	vld.idx.msk [tilespmem:v43+s4+$0x0], $0xffff;
	_ =	sdelay $0x3  }
0x106: {  	v44 =	vimm.s32 $0x39  }
0x107: {  	v1 =	vsub.f32 v1, v0  }
0x108: {  	[tilespmem:$0x2F0] =	vst v0  }
0x109: {  	[tilespmem:$0x6F0] =	vst v1  }
0x10a: {  	v0 =	vld.idx.msk [tilespmem:v43+s4+$0x0], $0xffff  }
0x10b: {  	v1 =	vld.idx.msk [tilespmem:v44+s4+$0x0], $0xffff;
	_ =	sdelay $0x3  }
0x10c: {  	v45 =	vimm.s32 $0x3A  }
0x10d: {  	v1 =	vsub.f32 v1, v0  }
0x10e: {  	[tilespmem:$0x300] =	vst v0  }
0x10f: {  	[tilespmem:$0x700] =	vst v1  }
0x110: {  	v0 =	vld.idx.msk [tilespmem:v44+s4+$0x0], $0xffff  }
0x111: {  	v1 =	vld.idx.msk [tilespmem:v45+s4+$0x0], $0xffff;
	_ =	sdelay $0x3  }
0x112: {  	v59 =	vimm.s32 $0x3B  }
0x113: {  	v1 =	vsub.f32 v1, v0  }
0x114: {  	[tilespmem:$0x310] =	vst v0  }
0x115: {  	[tilespmem:$0x710] =	vst v1  }
0x116: {  	v0 =	vld.idx.msk [tilespmem:v45+s4+$0x0], $0xffff  }
0x117: {  	v1 =	vld.idx.msk [tilespmem:v59+s4+$0x0], $0xffff;
	_ =	sdelay $0x3  }
0x118: {  	v61 =	vimm.s32 $0x3C  }
0x119: {  	v1 =	vsub.f32 v1, v0  }
0x11a: {  	[tilespmem:$0x320] =	vst v0  }
0x11b: {  	[tilespmem:$0x720] =	vst v1  }
0x11c: {  	v0 =	vld.idx.msk [tilespmem:v59+s4+$0x0], $0xffff  }
0x11d: {  	v1 =	vld.idx.msk [tilespmem:v61+s4+$0x0], $0xffff;
	_ =	sdelay $0x3  }
0x11e: {  	v62 =	vimm.s32 $0x3D  }
0x11f: {  	v1 =	vsub.f32 v1, v0  }
0x120: {  	[tilespmem:$0x330] =	vst v0  }
0x121: {  	[tilespmem:$0x730] =	vst v1  }
0x122: {  	v0 =	vld.idx.msk [tilespmem:v61+s4+$0x0], $0xffff  }
0x123: {  	v1 =	vld.idx.msk [tilespmem:v62+s4+$0x0], $0xffff;
	_ =	sdelay $0x4  }
0x124: {  	v1 =	vsub.f32 v1, v0  }
0x125: {  	[tilespmem:$0x340] =	vst v0  }
0x126: {  	[tilespmem:$0x740] =	vst v1  }
0x127: {  	v0 =	vld.idx.msk [tilespmem:v62+s4+$0x0], $0xffff  }
0x128: {  	v1 =	vld.idx.msk [tilespmem:v46+s4+$0x0], $0xffff;
	_ =	sdelay $0x4  }
0x129: {  	v1 =	vsub.f32 v1, v0  }
0x12a: {  	[tilespmem:$0x350] =	vst v0  }
0x12b: {  	[tilespmem:$0x750] =	vst v1  }
0x12c: {  	v0 =	vld.idx.msk [tilespmem:v46+s4+$0x0], $0xffff  }
0x12d: {  	v1 =	vld.idx.msk [tilespmem:v47+s4+$0x0], $0xffff;
	_ =	sdelay $0x4  }
0x12e: {  	v1 =	vsub.f32 v1, v0  }
0x12f: {  	[tilespmem:$0x360] =	vst v0  }
0x130: {  	[tilespmem:$0x760] =	vst v1  }
0x131: {  	v0 =	vld.idx.msk [tilespmem:v47+s4+$0x0], $0xffff  }
0x132: {  	v1 =	vld.idx.msk [tilespmem:v48+s4+$0x0], $0xffff;
	_ =	sdelay $0x4  }
0x133: {  	v1 =	vsub.f32 v1, v0  }
0x134: {  	[tilespmem:$0x370] =	vst v0  }
0x135: {  	[tilespmem:$0x770] =	vst v1  }
0x136: {  	v0 =	vld.idx.msk [tilespmem:v48+s4+$0x0], $0xffff  }
0x137: {  	v1 =	vld.idx.msk [tilespmem:v49+s4+$0x0], $0xffff;
	_ =	sdelay $0x4  }
0x138: {  	v1 =	vsub.f32 v1, v0  }
0x139: {  	[tilespmem:$0x380] =	vst v0  }
0x13a: {  	[tilespmem:$0x780] =	vst v1  }
0x13b: {  	v0 =	vld.idx.msk [tilespmem:v49+s4+$0x0], $0xffff  }
0x13c: {  	v1 =	vld.idx.msk [tilespmem:v50+s4+$0x0], $0xffff;
	_ =	sdelay $0x4  }
0x13d: {  	v1 =	vsub.f32 v1, v0  }
0x13e: {  	[tilespmem:$0x390] =	vst v0  }
0x13f: {  	[tilespmem:$0x790] =	vst v1  }
0x140: {  	v0 =	vld.idx.msk [tilespmem:v50+s4+$0x0], $0xffff  }
0x141: {  	v1 =	vld.idx.msk [tilespmem:v51+s4+$0x0], $0xffff;
	_ =	sdelay $0x4  }
0x142: {  	v1 =	vsub.f32 v1, v0  }
0x143: {  	[tilespmem:$0x3A0] =	vst v0  }
0x144: {  	[tilespmem:$0x7A0] =	vst v1  }
0x145: {  	v0 =	vld.idx.msk [tilespmem:v51+s4+$0x0], $0xffff  }
0x146: {  	v1 =	vld.idx.msk [tilespmem:v52+s4+$0x0], $0xffff;
	_ =	sdelay $0x4  }
0x147: {  	v1 =	vsub.f32 v1, v0  }
0x148: {  	[tilespmem:$0x3B0] =	vst v0  }
0x149: {  	[tilespmem:$0x7B0] =	vst v1  }
0x14a: {  	v0 =	vld.idx.msk [tilespmem:v52+s4+$0x0], $0xffff  }
0x14b: {  	v1 =	vld.idx.msk [tilespmem:v53+s4+$0x0], $0xffff;
	_ =	sdelay $0x4  }
0x14c: {  	v1 =	vsub.f32 v1, v0  }
0x14d: {  	[tilespmem:$0x3C0] =	vst v0  }
0x14e: {  	[tilespmem:$0x7C0] =	vst v1  }
0x14f: {  	v0 =	vld.idx.msk [tilespmem:v53+s4+$0x0], $0xffff  }
0x150: {  	v1 =	vld.idx.msk [tilespmem:v54+s4+$0x0], $0xffff;
	_ =	sdelay $0x4  }
0x151: {  	v1 =	vsub.f32 v1, v0  }
0x152: {  	[tilespmem:$0x3D0] =	vst v0  }
0x153: {  	[tilespmem:$0x7D0] =	vst v1  }
0x154: {  	v0 =	vld.idx.msk [tilespmem:v54+s4+$0x0], $0xffff  }
0x155: {  	v1 =	vld.idx.msk [tilespmem:v55+s4+$0x0], $0xffff;
	_ =	sdelay $0x4  }
0x156: {  	v1 =	vsub.f32 v1, v0  }
0x157: {  	[tilespmem:$0x3E0] =	vst v0  }
0x158: {  	[tilespmem:$0x7E0] =	vst v1  }
0x159: {  	v0 =	vld.idx.msk [tilespmem:v55+s4+$0x0], $0xffff  }
0x15a: {  	v1 =	vld.idx.msk [tilespmem:v56+s4+$0x0], $0xffff;
	_ =	sdelay $0x4  }
0x15b: {  	v1 =	vsub.f32 v1, v0  }
0x15c: {  	[tilespmem:$0x3F0] =	vst v0  }
0x15d: {  	[tilespmem:$0x7F0] =	vst v1  }
0x15e: {  	v0 =	vld.idx.msk [tilespmem:v56+s4+$0x0], $0xffff  }
0x15f: {  	v1 =	vld.idx.msk [tilespmem:v57+s4+$0x0], $0xffff;
	_ =	sdelay $0x4  }
0x160: {  	v1 =	vsub.f32 v1, v0  }
0x161: {  	[tilespmem:$0x400] =	vst v0  }
0x162: {  	[tilespmem:$0x800] =	vst v1  }
0x163: {  	v0 =	vld.idx.msk [tilespmem:v57+s4+$0x0], $0xffff  }
0x164: {  	v1 =	vld.idx.msk [tilespmem:v58+s4+$0x0], $0xffff;
	_ =	sdelay $0x3  }
0x165: {  	v63 =	vimm.s32 $0x4B  }
0x166: {  	v1 =	vsub.f32 v1, v0  }
0x167: {  	[tilespmem:$0x410] =	vst v0  }
0x168: {  	[tilespmem:$0x810] =	vst v1  }
0x169: {  	v0 =	vld.idx.msk [tilespmem:v58+s4+$0x0], $0xffff  }
0x16a: {  	v1 =	vld.idx.msk [tilespmem:v63+s4+$0x0], $0xffff;
	_ =	sdelay $0x4  }
0x16b: {  	v1 =	vsub.f32 v1, v0  }
0x16c: {  	[tilespmem:$0x420] =	vst v0  }
0x16d: {  	[tilespmem:$0x820] =	vst v1  }
0x16e: {  	[tilespmem:s12], [sflag:$0x1] =	stream.linear.gather [hbm4b:s5+s4], $0x4000, $0x38;
	[tilespmem:$0x10880] =	vst v63  }
0x16f: {  	s23 =	simm.s32 $0x0  }
0x170: {  	[tilespmem:s13], [sflag:$0x2] =	stream.linear.gather [hbm4b:s7+s4], $0x4000, $0x38;
	[tilespmem:$0x10880] =	vst v63  }
.LBB2_2:
0x171: {  	_ =	swait.ge [sflag:s14], $0x4000  }
0x172: {  	p0 =	seq.s32 s23, $0x0;
	[sflag:s14] =	ssyncset.done $0x0  }
0x173: {  	s1 =	simm.s32 @!p0 $0x3;
	[sflag:s14] =	ssyncadd.s32 $0xFFFFC000  }
0x174: {  	_ =	swait.ge @!p0 [sflag:s1], $0x4000  }
0x175: {  	[sflag:s1] =	ssyncset.done @!p0 $0x0  }
0x176: {  	s26 =	simm.s32 $0x8C0;
	[sflag:s1] =	ssyncadd.s32 @!p0 $0xFFFFC000  }
0x177: {  	v0 =	vld [tilespmem:s26+$0x30]  }
0x178: {  	v1 =	vld [tilespmem:s26+$0xFFFFFFD0]  }
0x179: {  	v2 =	vld [tilespmem:s26+$0xFFFFFFE0]  }
0x17a: {  	v3 =	vld [tilespmem:s26+$0xFFFFFFF0]  }
0x17b: {  	v4 =	vld [tilespmem:s26+$0x0]  }
0x17c: {  	v5 =	vld [tilespmem:s26+$0x10];
	_ =	sdelay $0x1  }
0x17d: {  	v6 =	vld [tilespmem:s26+$0x20]  }
0x17e: {  	v7 =	vld [tilespmem:s26+$0xFFFFFFC0];
	v0 =	vmax.f32 v0, $0.0e+00;
	v1 =	vmax.f32 v1, $0.0e+00  }
0x17f: {  	v2 =	vmax.f32 v2, $0.0e+00;
	v3 =	vmax.f32 v3, $0.0e+00;
	v0 =	vmul.f32 $5.900000000e+01, v0  }
0x180: {  	v4 =	vmax.f32 v4, $0.0e+00;
	v5 =	vmax.f32 v5, $0.0e+00;
	v1 =	vmul.f32 $5.900000000e+01, v1  }
0x181: {  	v2 =	vmul.f32 $5.900000000e+01, v2;
	v3 =	vmul.f32 $5.900000000e+01, v3;
	v8 =	vmin.f32 v0, $5.899998860e+01  }
0x182: {  	v6 =	vmax.f32 v6, $0.0e+00;
	v4 =	vmul.f32 $5.900000000e+01, v4;
	v8 =	vtrunc.f32 v8  }
0x183: {  	v7 =	vmax.f32 v7, $0.0e+00;
	v5 =	vmul.f32 $5.900000000e+01, v5;
	v8 =	vcvt.f32.s32 v8  }
0x184: {  	v6 =	vmul.f32 $5.900000000e+01, v6;
	v7 =	vmul.f32 $5.900000000e+01, v7;
	v9 =	vmin.f32 v1, $5.899998860e+01  }
0x185: {  	v11 =	vmin.f32 v2, $5.899998860e+01;
	v12 =	vmin.f32 v3, $5.899998860e+01;
	v10 =	vshll.u32 v8, $0x4  }
0x186: {  	v14 =	vmin.f32 v7, $5.899998860e+01;
	v9 =	vtrunc.f32 v9;
	v10 =	vor.u32 v60, v10  }
0x187: {  	v13 =	vmin.f32 v4, $5.899998860e+01;
	v14 =	vtrunc.f32 v14;
	v11 =	vtrunc.f32 v11  }
0x188: {  	v15 =	vmin.f32 v5, $5.899998860e+01;
	v12 =	vtrunc.f32 v12;
	v13 =	vtrunc.f32 v13  }
0x189: {  	v16 =	vmin.f32 v6, $5.899998860e+01;
	v15 =	vtrunc.f32 v15;
	v12 =	vcvt.f32.s32 v12  }
0x18a: {  	v16 =	vtrunc.f32 v16;
	v14 =	vcvt.f32.s32 v14  }
0x18b: {  	v9 =	vcvt.f32.s32 v9;
	v20 =	vshll.u32 v12, $0x4;
	v12 =	vcvt.s32.f32 v12;
	v17 =	vld.idx.msk [tilespmem:v10+s16+$0x0], $0xffff  }
0x18c: {  	s31 =	simm.s32 $0xCC0;
	v11 =	vcvt.f32.s32 v11;
	v8 =	vcvt.s32.f32 v8  }
0x18d: {  	v13 =	vcvt.f32.s32 v13;
	v15 =	vcvt.f32.s32 v15;
	v59 =	vsub.f32 v3, v12;
	v3 =	vld [tilespmem:s31+$0xFFFFFFC0]  }
0x18e: {  	v16 =	vcvt.f32.s32 v16;
	v18 =	vshll.u32 v14, $0x4;
	v0 =	vsub.f32 v0, v8;
	v10 =	vld.idx.msk [tilespmem:v10+s15+$0x0], $0xffff  }
0x18f: {  	v19 =	vshll.u32 v11, $0x4;
	v21 =	vshll.u32 v13, $0x4;
	v22 =	vshll.u32 v15, $0x4  }
0x190: {  	v23 =	vld [tilespmem:s31+$0x30];
	v19 =	vor.u32 v60, v19;
	v8 =	vshll.u32 v9, $0x4;
	v0 =	vmul.f32 v0, v17  }
0x191: {  	v17 =	vor.u32 v60, v18;
	v18 =	vor.u32 v60, v8;
	v8 =	vshll.u32 v16, $0x4  }
0x192: {  	v20 =	vor.u32 v60, v20;
	v3 =	vmax.f32 v3, $0.0e+00;
	v36 =	vor.u32 v60, v8  }
0x193: {  	v8 =	vcvt.s32.f32 v9;
	v9 =	vcvt.s32.f32 v11;
	v34 =	vadd.f32 v0, v10;
	v10 =	vld [tilespmem:s31+$0xFFFFFFD0]  }
0x194: {  	v24 =	vor.u32 v60, v21;
	v28 =	vmul.f32 $5.900000000e+01, v3;
	v11 =	vld [tilespmem:s31+$0xFFFFFFE0];
	v0 =	vcvt.s32.f32 v14  }
0x195: {  	v62 =	vsub.f32 v1, v8;
	v8 =	vld [tilespmem:s31+$0x0];
	v1 =	vmax.f32 v23, $0.0e+00;
	v63 =	vsub.f32 v2, v9  }
0x196: {  	v2 =	vcvt.s32.f32 v16;
	v9 =	vld [tilespmem:s31+$0x10];
	v61 =	vsub.f32 v7, v0;
	v0 =	vcvt.s32.f32 v13  }
0x197: {  	v7 =	vld [tilespmem:s31+$0xFFFFFFF0];
	v13 =	vcvt.s32.f32 v15;
	v16 =	vmul.f32 $5.900000000e+01, v1;
	v15 =	vmin.f32 v28, $5.899998860e+01  }
0x198: {  	v27 =	vtrunc.f32 v15;
	v0 =	vsub.f32 v4, v0;
	v1 =	vmax.f32 v10, $0.0e+00  }
0x199: {  	v11 =	vmax.f32 v11, $0.0e+00;
	v12 =	vmin.f32 v16, $5.899998860e+01;
	v4 =	vmul.f32 $5.900000000e+01, v1  }
0x19a: {  	v1 =	vsub.f32 v5, v13;
	v5 =	vmul.f32 $5.900000000e+01, v11;
	v11 =	vtrunc.f32 v12  }
0x19b: {  	v35 =	vor.u32 v60, v22;
	v38 =	vcvt.f32.s32 v27;
	v10 =	vld [tilespmem:s31+$0x20];
	v22 =	vcvt.f32.s32 v11  }
0x19c: {  	v8 =	vmax.f32 v8, $0.0e+00;
	v12 =	vmax.f32 v9, $0.0e+00;
	v7 =	vmax.f32 v7, $0.0e+00  }
0x19d: {  	v15 =	vld.idx.msk [tilespmem:v24+s16+$0x0], $0xffff;
	v8 =	vmul.f32 $5.900000000e+01, v8;
	v13 =	vmul.f32 $5.900000000e+01, v12;
	v9 =	vshll.u32 v22, $0x4  }
0x19e: {  	v11 =	vld.idx.msk [tilespmem:v17+s16+$0x0], $0xffff;
	v7 =	vmul.f32 $5.900000000e+01, v7;
	v14 =	vmin.f32 v4, $5.899998860e+01;
	v23 =	vor.u32 v60, v9  }
0x19f: {  	v12 =	vld.idx.msk [tilespmem:v19+s16+$0x0], $0xffff;
	v25 =	vtrunc.f32 v14;
	v26 =	vmin.f32 v8, $5.899998860e+01;
	v29 =	vmin.f32 v13, $5.899998860e+01  }
0x1a0: {  	v14 =	vld.idx.msk [tilespmem:v20+s16+$0x0], $0xffff;
	v27 =	vcvt.s32.f32 v22;
	v10 =	vmax.f32 v10, $0.0e+00;
	v26 =	vtrunc.f32 v26  }
0x1a1: {  	v22 =	vld.idx.msk [tilespmem:v36+s16+$0x0], $0xffff;
	v21 =	vmin.f32 v7, $5.899998860e+01;
	v29 =	vtrunc.f32 v29;
	v39 =	vcvt.f32.s32 v25  }
0x1a2: {  	v2 =	vsub.f32 v6, v2;
	v9 =	vld.idx.msk [tilespmem:v18+s16+$0x0], $0xffff;
	v3 =	vmul.f32 $5.900000000e+01, v10;
	v30 =	vtrunc.f32 v21  }
0x1a3: {  	v10 =	vmin.f32 v5, $5.899998860e+01;
	v32 =	vcvt.f32.s32 v26;
	v33 =	vcvt.f32.s32 v29;
	v37 =	vld.idx.msk [tilespmem:v23+s16+$0x0], $0xffff  }
0x1a4: {  	s29 =	simm.s32 $0x88C0;
	v16 =	vsub.f32 v16, v27;
	v10 =	vtrunc.f32 v10;
	v41 =	vcvt.f32.s32 v30;
	v30 =	vld.idx.msk [tilespmem:v17+s15+$0x0], $0xffff  }
0x1a5: {  	[tilespmem:s29+$0x30] =	vst v34;
	v17 =	vshll.u32 v39, $0x4;
	v34 =	vcvt.s32.f32 v39;
	v31 =	vmin.f32 v3, $5.899998860e+01;
	v23 =	vld.idx.msk [tilespmem:v23+s15+$0x0], $0xffff  }
0x1a6: {  	v25 =	vld.idx.msk [tilespmem:v18+s15+$0x0], $0xffff;
	v40 =	vcvt.f32.s32 v10;
	v10 =	vshll.u32 v38, $0x4;
	v45 =	vshll.u32 v33, $0x4  }
0x1a7: {  	v21 =	vld.idx.msk [tilespmem:v35+s16+$0x0], $0xffff;
	v26 =	vor.u32 v60, v17;
	v6 =	vtrunc.f32 v31;
	v42 =	vshll.u32 v41, $0x4  }
0x1a8: {  	v17 =	vld.idx.msk [tilespmem:v24+s15+$0x0], $0xffff;
	v29 =	vor.u32 v60, v10;
	v31 =	vcvt.f32.s32 v6;
	v16 =	vmul.f32 v16, v37  }
0x1a9: {  	v18 =	vshll.u32 v40, $0x4;
	v6 =	vld.idx.msk [tilespmem:v19+s15+$0x0], $0xffff;
	v19 =	vshll.u32 v32, $0x4;
	v24 =	vor.u32 v60, v42  }
0x1aa: {  	v10 =	vld.idx.msk [tilespmem:v20+s15+$0x0], $0xffff;
	v27 =	vor.u32 v60, v18;
	v20 =	vor.u32 v60, v19;
	v43 =	vadd.f32 v16, v23  }
0x1ab: {  	s24 =	sshll.u32 s23, $0x1;
	s25 =	simm.s32 $0x8970;
	s28 =	simm.s32 $0x8CC0;
	v19 =	vld.idx.msk [tilespmem:v35+s15+$0x0], $0xffff;
	v18 =	vor.u32 v60, v45;
	v37 =	vcvt.s32.f32 v38;
	v16 =	vshll.u32 v31, $0x4  }
0x1ac: {  	s30 =	simm.s32 $0x8;
	s2 =	simm.s32 $0x10C0;
	s26 =	simm.s32 $0x970;
	v35 =	vcvt.s32.f32 v41;
	v23 =	vld.idx.msk [tilespmem:v36+s15+$0x0], $0xffff;
	v36 =	vcvt.s32.f32 v40;
	v16 =	vor.u32 v60, v16;
	[tilespmem:s28+$0x30] =	vst v43  }
.LBB2_3:
0x1ad: {  	v38 =	vld [tilespmem:s2+$0x30];
	s30 =	sadd.s32 $0x8, s30;
	v28 =	vsub.f32 v28, v37;
	v32 =	vcvt.s32.f32 v32;
	v33 =	vcvt.s32.f32 v33  }
0x1ae: {  	v4 =	vsub.f32 v4, v34;
	v31 =	vcvt.s32.f32 v31;
	v37 =	vld [tilespmem:s2+$0xFFFFFFD0];
	p1 =	slt.u32 s30, $0x78;
	v5 =	vsub.f32 v5, v36  }
0x1af: {  	v11 =	vmul.f32 v61, v11;
	v7 =	vsub.f32 v7, v35;
	v34 =	vld [tilespmem:s2+$0xFFFFFFE0];
	v8 =	vsub.f32 v8, v32;
	v61 =	vmovc v28  }
0x1b0: {  	v9 =	vmul.f32 v62, v9;
	v13 =	vsub.f32 v13, v33;
	v3 =	vsub.f32 v3, v31;
	v62 =	vmovc v4;
	v28 =	vld [tilespmem:s2+$0xFFFFFFF0]  }
0x1b1: {  	v4 =	vadd.f32 v11, v30;
	v32 =	vmul.f32 v63, v12;
	v33 =	vmul.f32 v59, v14;
	v63 =	vmovc v5;
	v31 =	vld [tilespmem:s2+$0x0]  }
0x1b2: {  	v35 =	vmul.f32 v0, v15;
	v36 =	vmul.f32 v1, v21;
	v59 =	vmovc v7;
	v0 =	vmovc v8;
	v12 =	vld [tilespmem:s2+$0x10];
	v5 =	vmax.f32 v38, $0.0e+00  }
0x1b3: {  	v1 =	vmovc v13;
	v38 =	vmul.f32 v2, v22;
	v2 =	vmovc v3;
	v7 =	vmax.f32 v37, $0.0e+00;
	v14 =	vld [tilespmem:s2+$0x20];
	v37 =	vmul.f32 $5.900000000e+01, v5;
	[tilespmem:s29+$0xFFFFFFC0] =	vst v4  }
0x1b4: {  	v8 =	vadd.f32 v9, v25;
	v3 =	vld [tilespmem:s2+$0xFFFFFFC0];
	v4 =	vmul.f32 $5.900000000e+01, v7;
	v5 =	vmax.f32 v34, $0.0e+00  }
0x1b5: {  	v5 =	vmul.f32 $5.900000000e+01, v5;
	v7 =	vmax.f32 v28, $0.0e+00;
	v9 =	vmin.f32 v37, $5.899998860e+01;
	v11 =	vld.idx.msk [tilespmem:v29+s16+$0x0], $0xffff  }
0x1b6: {  	v7 =	vmul.f32 $5.900000000e+01, v7;
	v13 =	vmax.f32 v31, $0.0e+00;
	v15 =	vtrunc.f32 v9;
	v9 =	vld.idx.msk [tilespmem:v26+s16+$0x0], $0xffff;
	[tilespmem:s29+$0xFFFFFFD0] =	vst v8  }
0x1b7: {  	v8 =	vmul.f32 $5.900000000e+01, v13;
	v13 =	vmax.f32 v12, $0.0e+00;
	v31 =	vcvt.f32.s32 v15;
	v12 =	vld.idx.msk [tilespmem:v27+s16+$0x0], $0xffff  }
0x1b8: {  	v25 =	vmin.f32 v4, $5.899998860e+01;
	v13 =	vmul.f32 $5.900000000e+01, v13;
	v15 =	vmax.f32 v14, $0.0e+00;
	v14 =	vld.idx.msk [tilespmem:v24+s16+$0x0], $0xffff  }
0x1b9: {  	v21 =	vmax.f32 v3, $0.0e+00;
	v3 =	vmul.f32 $5.900000000e+01, v15;
	v22 =	vshll.u32 v31, $0x4;
	v15 =	vld.idx.msk [tilespmem:v20+s16+$0x0], $0xffff  }
0x1ba: {  	v34 =	vmin.f32 v5, $5.899998860e+01;
	v28 =	vmul.f32 $5.900000000e+01, v21;
	v39 =	vor.u32 v60, v22;
	v21 =	vld.idx.msk [tilespmem:v18+s16+$0x0], $0xffff  }
0x1bb: {  	v40 =	vmin.f32 v7, $5.899998860e+01;
	v41 =	vmin.f32 v8, $5.899998860e+01;
	v42 =	vmin.f32 v13, $5.899998860e+01;
	v22 =	vld.idx.msk [tilespmem:v16+s16+$0x0], $0xffff  }
0x1bc: {  	v44 =	vtrunc.f32 v25;
	v45 =	vmin.f32 v3, $5.899998860e+01;
	v43 =	vmin.f32 v28, $5.899998860e+01;
	v30 =	vld.idx.msk [tilespmem:v29+s15+$0x0], $0xffff  }
0x1bd: {  	v34 =	vtrunc.f32 v34;
	v29 =	vtrunc.f32 v43;
	v25 =	vld.idx.msk [tilespmem:v26+s15+$0x0], $0xffff;
	v26 =	vadd.f32 v32, v6  }
0x1be: {  	v32 =	vtrunc.f32 v40;
	v40 =	vtrunc.f32 v41;
	v6 =	vld.idx.msk [tilespmem:v27+s15+$0x0], $0xffff;
	v27 =	vadd.f32 v33, v10  }
0x1bf: {  	v17 =	vadd.f32 v35, v17;
	v41 =	vtrunc.f32 v45;
	v33 =	vtrunc.f32 v42;
	v42 =	vld.idx.msk [tilespmem:v39+s16+$0x0], $0xffff;
	[tilespmem:s29+$0xFFFFFFE0] =	vst v26  }
0x1c0: {  	v19 =	vadd.f32 v36, v19;
	v43 =	vcvt.f32.s32 v44;
	v35 =	vcvt.f32.s32 v29;
	v10 =	vld.idx.msk [tilespmem:v24+s15+$0x0], $0xffff;
	[tilespmem:s29+$0xFFFFFFF0] =	vst v27  }
0x1c1: {  	v23 =	vadd.f32 v38, v23;
	v36 =	vcvt.f32.s32 v34;
	v24 =	vcvt.s32.f32 v31;
	v34 =	vld.idx.msk [tilespmem:v39+s15+$0x0], $0xffff;
	[tilespmem:s29+$0x0] =	vst v17  }
0x1c2: {  	v38 =	vcvt.f32.s32 v32;
	v32 =	vcvt.f32.s32 v40;
	v26 =	vshll.u32 v35, $0x4;
	v17 =	vld.idx.msk [tilespmem:v20+s15+$0x0], $0xffff;
	[tilespmem:s29+$0x10] =	vst v19  }
0x1c3: {  	v33 =	vcvt.f32.s32 v33;
	v31 =	vcvt.f32.s32 v41;
	v20 =	vsub.f32 v37, v24;
	v19 =	vld.idx.msk [tilespmem:v18+s15+$0x0], $0xffff;
	[tilespmem:s29+$0x20] =	vst v23;
	s29 =	smov.u32 s28  }
0x1c4: {  	v24 =	vshll.u32 v36, $0x4;
	v37 =	vshll.u32 v38, $0x4;
	v18 =	vshll.u32 v43, $0x4;
	v23 =	vld.idx.msk [tilespmem:v16+s15+$0x0], $0xffff  }
0x1c5: {  	v39 =	vshll.u32 v33, $0x4;
	v16 =	vshll.u32 v32, $0x4;
	v20 =	vmul.f32 v20, v42  }
.Ltmp2:
0x1c6: {  	v29 =	vor.u32 v60, v26;
	v40 =	vshll.u32 v31, $0x4;
	v26 =	vor.u32 v60, v18;
	(pc) =	sbr.rel @p1 .LBB2_3-.Ltmp2, $4  }
0x1c7: {  	v27 =	vor.u32 v60, v24;
	v24 =	vor.u32 v60, v37;
	v41 =	vadd.f32 v20, v34  }
0x1c8: {  	s28 =	sadd.s32 $0x400, s28;
	v18 =	vor.u32 v60, v39;
	v20 =	vor.u32 v60, v16;
	v16 =	vor.u32 v60, v40  }
0x1c9: {  	v37 =	vcvt.s32.f32 v35;
	v34 =	vcvt.s32.f32 v43;
	[tilespmem:s28+$0x30] =	vst v41  }
0x1ca: {  	s2 =	sadd.s32 $0x400, s2;
	v36 =	vcvt.s32.f32 v36;
	v35 =	vcvt.s32.f32 v38  }
0x1cb: {  	_ =	sdelay $0x3  }
0x1cc: {  	v38 =	vld.idx.msk [tilespmem:v29+s16+$0x0], $0xffff  }
0x1cd: {  	v39 =	vld.idx.msk [tilespmem:v26+s16+$0x0], $0xffff  }
0x1ce: {  	v32 =	vcvt.s32.f32 v32;
	v42 =	vld.idx.msk [tilespmem:v27+s16+$0x0], $0xffff  }
0x1cf: {  	v28 =	vsub.f32 v28, v37;
	v11 =	vmul.f32 v61, v11;
	v43 =	vld.idx.msk [tilespmem:v24+s16+$0x0], $0xffff;
	v9 =	vmul.f32 v62, v9  }
0x1d0: {  	v4 =	vsub.f32 v4, v34;
	v44 =	vld.idx.msk [tilespmem:v20+s16+$0x0], $0xffff;
	v12 =	vmul.f32 v63, v12;
	v14 =	vmul.f32 v59, v14  }
0x1d1: {  	v0 =	vmul.f32 v0, v15;
	v1 =	vmul.f32 v1, v21;
	v11 =	vadd.f32 v11, v30;
	v30 =	vld.idx.msk [tilespmem:v18+s16+$0x0], $0xffff  }
0x1d2: {  	v2 =	vmul.f32 v2, v22;
	v5 =	vsub.f32 v5, v36;
	v9 =	vadd.f32 v9, v25;
	v25 =	vld.idx.msk [tilespmem:v16+s16+$0x0], $0xffff  }
0x1d3: {  	v7 =	vsub.f32 v7, v35;
	v6 =	vadd.f32 v12, v6;
	v12 =	vld.idx.msk [tilespmem:v27+s15+$0x0], $0xffff;
	[tilespmem:s29+$0xFFFFFFC0] =	vst v11  }
0x1d4: {  	v8 =	vsub.f32 v8, v32;
	v0 =	vadd.f32 v0, v17;
	v11 =	vld.idx.msk [tilespmem:v29+s15+$0x0], $0xffff;
	[tilespmem:s29+$0xFFFFFFD0] =	vst v9  }
0x1d5: {  	v33 =	vcvt.s32.f32 v33;
	v10 =	vadd.f32 v14, v10;
	v1 =	vadd.f32 v1, v19;
	v9 =	vld.idx.msk [tilespmem:v26+s15+$0x0], $0xffff;
	[tilespmem:s29+$0xFFFFFFE0] =	vst v6  }
0x1d6: {  	[tilespmem:s29+$0x0] =	vst v0;
	v0 =	vadd.f32 v2, v23;
	v2 =	vld.idx.msk [tilespmem:v20+s15+$0x0], $0xffff;
	v5 =	vmul.f32 v5, v42  }
0x1d7: {  	v13 =	vsub.f32 v13, v33;
	v6 =	vld.idx.msk [tilespmem:v24+s15+$0x0], $0xffff;
	[tilespmem:s29+$0xFFFFFFF0] =	vst v10;
	v10 =	vmul.f32 v28, v38  }
0x1d8: {  	v14 =	vcvt.s32.f32 v31;
	[tilespmem:s29+$0x10] =	vst v1;
	v1 =	vld.idx.msk [tilespmem:v18+s15+$0x0], $0xffff;
	v4 =	vmul.f32 v4, v39;
	v5 =	vadd.f32 v5, v12  }
0x1d9: {  	v8 =	vmul.f32 v8, v44;
	[tilespmem:s29+$0x20] =	vst v0;
	v0 =	vld.idx.msk [tilespmem:v16+s15+$0x0], $0xffff;
	v10 =	vadd.f32 v10, v11  }
0x1da: {  	v3 =	vsub.f32 v3, v14;
	v7 =	vmul.f32 v7, v43;
	v4 =	vadd.f32 v4, v9;
	[tilespmem:s28+$0xFFFFFFE0] =	vst v5  }
0x1db: {  	v9 =	vmul.f32 v13, v30;
	v2 =	vadd.f32 v8, v2;
	[tilespmem:s28+$0xFFFFFFC0] =	vst v10  }
0x1dc: {  	v3 =	vmul.f32 v3, v25;
	[tilespmem:s28+$0xFFFFFFD0] =	vst v4;
	v4 =	vadd.f32 v7, v6  }
0x1dd: {  	v1 =	vadd.f32 v9, v1;
	[tilespmem:s28+$0x0] =	vst v2  }
0x1de: {  	v0 =	vadd.f32 v3, v0;
	[tilespmem:s28+$0xFFFFFFF0] =	vst v4  }
0x1df: {  	[tilespmem:s28+$0x10] =	vst v1  }
0x1e0: {  	[tilespmem:s28+$0x20] =	vst v0  }
0x1e1: {  	v0 =	vld [tilespmem:s26+$0x0]  }
0x1e2: {  	v1 =	vld [tilespmem:s26+$0xFFFFFFA0]  }
0x1e3: {  	v2 =	vld [tilespmem:s26+$0xFFFFFFB0]  }
0x1e4: {  	v3 =	vld [tilespmem:s26+$0xFFFFFFC0]  }
0x1e5: {  	v4 =	vld [tilespmem:s26+$0xFFFFFFD0]  }
0x1e6: {  	v5 =	vld [tilespmem:s26+$0xFFFFFFE0];
	_ =	sdelay $0x1  }
0x1e7: {  	v6 =	vld [tilespmem:s26+$0xFFFFFFF0]  }
0x1e8: {  	v7 =	vld [tilespmem:s26+$0xFFFFFF90];
	v0 =	vmax.f32 v0, $0.0e+00;
	v1 =	vmax.f32 v1, $0.0e+00  }
0x1e9: {  	v2 =	vmax.f32 v2, $0.0e+00;
	v3 =	vmax.f32 v3, $0.0e+00;
	v0 =	vmul.f32 $5.900000000e+01, v0  }
0x1ea: {  	v4 =	vmax.f32 v4, $0.0e+00;
	v5 =	vmax.f32 v5, $0.0e+00;
	v1 =	vmul.f32 $5.900000000e+01, v1  }
0x1eb: {  	v2 =	vmul.f32 $5.900000000e+01, v2;
	v3 =	vmul.f32 $5.900000000e+01, v3;
	v8 =	vmin.f32 v0, $5.899998860e+01  }
0x1ec: {  	v6 =	vmax.f32 v6, $0.0e+00;
	v4 =	vmul.f32 $5.900000000e+01, v4;
	v8 =	vtrunc.f32 v8  }
0x1ed: {  	v7 =	vmax.f32 v7, $0.0e+00;
	v5 =	vmul.f32 $5.900000000e+01, v5;
	v8 =	vcvt.f32.s32 v8  }
0x1ee: {  	v6 =	vmul.f32 $5.900000000e+01, v6;
	v7 =	vmul.f32 $5.900000000e+01, v7;
	v9 =	vmin.f32 v1, $5.899998860e+01  }
0x1ef: {  	v11 =	vmin.f32 v2, $5.899998860e+01;
	v12 =	vmin.f32 v3, $5.899998860e+01;
	v10 =	vshll.u32 v8, $0x4  }
0x1f0: {  	v14 =	vmin.f32 v7, $5.899998860e+01;
	v9 =	vtrunc.f32 v9;
	v10 =	vor.u32 v60, v10  }
0x1f1: {  	v13 =	vmin.f32 v4, $5.899998860e+01;
	v14 =	vtrunc.f32 v14;
	v11 =	vtrunc.f32 v11  }
0x1f2: {  	v15 =	vmin.f32 v5, $5.899998860e+01;
	v12 =	vtrunc.f32 v12;
	v13 =	vtrunc.f32 v13  }
0x1f3: {  	v16 =	vmin.f32 v6, $5.899998860e+01;
	v15 =	vtrunc.f32 v15;
	v12 =	vcvt.f32.s32 v12  }
0x1f4: {  	v16 =	vtrunc.f32 v16;
	v14 =	vcvt.f32.s32 v14  }
0x1f5: {  	v9 =	vcvt.f32.s32 v9;
	v20 =	vshll.u32 v12, $0x4;
	v12 =	vcvt.s32.f32 v12;
	v17 =	vld.idx.msk [tilespmem:v10+s16+$0x0], $0xffff  }
0x1f6: {  	s1 =	simm.s32 $0xD70;
	v11 =	vcvt.f32.s32 v11;
	v8 =	vcvt.s32.f32 v8  }
0x1f7: {  	v13 =	vcvt.f32.s32 v13;
	v15 =	vcvt.f32.s32 v15;
	v59 =	vsub.f32 v3, v12;
	v3 =	vld [tilespmem:s1+$0xFFFFFF90]  }
0x1f8: {  	v16 =	vcvt.f32.s32 v16;
	v18 =	vshll.u32 v14, $0x4;
	v0 =	vsub.f32 v0, v8;
	v10 =	vld.idx.msk [tilespmem:v10+s15+$0x0], $0xffff  }
0x1f9: {  	v19 =	vshll.u32 v11, $0x4;
	v21 =	vshll.u32 v13, $0x4;
	v22 =	vshll.u32 v15, $0x4  }
0x1fa: {  	v23 =	vld [tilespmem:s1+$0x0];
	v19 =	vor.u32 v60, v19;
	v8 =	vshll.u32 v9, $0x4;
	v0 =	vmul.f32 v0, v17  }
0x1fb: {  	v17 =	vor.u32 v60, v18;
	v18 =	vor.u32 v60, v8;
	v8 =	vshll.u32 v16, $0x4  }
0x1fc: {  	v3 =	vmax.f32 v3, $0.0e+00;
	v36 =	vor.u32 v60, v8;
	v8 =	vcvt.s32.f32 v9  }
0x1fd: {  	v28 =	vmul.f32 $5.900000000e+01, v3;
	v9 =	vcvt.s32.f32 v11;
	v34 =	vadd.f32 v0, v10;
	v10 =	vld [tilespmem:s1+$0xFFFFFFA0]  }
0x1fe: {  	v11 =	vld [tilespmem:s1+$0xFFFFFFB0];
	v0 =	vcvt.s32.f32 v14;
	v14 =	vcvt.s32.f32 v15;
	v61 =	vsub.f32 v1, v8  }
0x1ff: {  	v1 =	vmax.f32 v23, $0.0e+00;
	v62 =	vsub.f32 v2, v9;
	v2 =	vcvt.s32.f32 v16  }
0x200: {  	v16 =	vmin.f32 v28, $5.899998860e+01;
	v0 =	vsub.f32 v7, v0;
	v7 =	vcvt.s32.f32 v13;
	v13 =	vld [tilespmem:s1+$0xFFFFFFC0]  }
0x201: {  	v21 =	vor.u32 v60, v21;
	v8 =	vld [tilespmem:s1+$0xFFFFFFD0];
	v24 =	vmul.f32 $5.900000000e+01, v1;
	v27 =	vtrunc.f32 v16  }
0x202: {  	v9 =	vld [tilespmem:s1+$0xFFFFFFE0];
	v38 =	vcvt.f32.s32 v27;
	v63 =	vsub.f32 v4, v7;
	v1 =	vmax.f32 v10, $0.0e+00  }
0x203: {  	v7 =	vmax.f32 v11, $0.0e+00;
	v11 =	vmin.f32 v24, $5.899998860e+01;
	v4 =	vmul.f32 $5.900000000e+01, v1  }
0x204: {  	v1 =	vsub.f32 v5, v14;
	v5 =	vmul.f32 $5.900000000e+01, v7;
	v7 =	vtrunc.f32 v11  }
0x205: {  	v20 =	vor.u32 v60, v20;
	v11 =	vmax.f32 v13, $0.0e+00;
	v13 =	vcvt.f32.s32 v7  }
0x206: {  	v35 =	vor.u32 v60, v22;
	v10 =	vld [tilespmem:s1+$0xFFFFFFF0];
	v37 =	vcvt.s32.f32 v38;
	v8 =	vmax.f32 v8, $0.0e+00  }
0x207: {  	v16 =	vld.idx.msk [tilespmem:v21+s16+$0x0], $0xffff;
	v12 =	vmax.f32 v9, $0.0e+00;
	v8 =	vmul.f32 $5.900000000e+01, v8;
	v9 =	vshll.u32 v13, $0x4  }
0x208: {  	v14 =	vmul.f32 $5.900000000e+01, v12;
	v12 =	vld.idx.msk [tilespmem:v19+s16+$0x0], $0xffff;
	v15 =	vmin.f32 v4, $5.899998860e+01;
	v23 =	vor.u32 v60, v9  }
0x209: {  	v2 =	vsub.f32 v6, v2;
	v7 =	vmul.f32 $5.900000000e+01, v11;
	v11 =	vld.idx.msk [tilespmem:v17+s16+$0x0], $0xffff;
	v25 =	vtrunc.f32 v15  }
0x20a: {  	v15 =	vld.idx.msk [tilespmem:v20+s16+$0x0], $0xffff;
	v26 =	vmin.f32 v8, $5.899998860e+01;
	v29 =	vmin.f32 v14, $5.899998860e+01;
	v13 =	vcvt.s32.f32 v13  }
0x20b: {  	v10 =	vmax.f32 v10, $0.0e+00;
	v9 =	vld.idx.msk [tilespmem:v18+s16+$0x0], $0xffff;
	v26 =	vtrunc.f32 v26;
	v29 =	vtrunc.f32 v29  }
0x20c: {  	v22 =	vmin.f32 v7, $5.899998860e+01;
	v39 =	vcvt.f32.s32 v25;
	v25 =	vld.idx.msk [tilespmem:v18+s15+$0x0], $0xffff;
	v3 =	vmul.f32 $5.900000000e+01, v10  }
0x20d: {  	v10 =	vmin.f32 v5, $5.899998860e+01;
	v30 =	vtrunc.f32 v22;
	v32 =	vcvt.f32.s32 v26;
	v45 =	vld.idx.msk [tilespmem:v23+s16+$0x0], $0xffff  }
0x20e: {  	v13 =	vsub.f32 v24, v13;
	v33 =	vcvt.f32.s32 v29;
	v42 =	vcvt.f32.s32 v30;
	v30 =	vld.idx.msk [tilespmem:v17+s15+$0x0], $0xffff  }
0x20f: {  	[tilespmem:s25+$0x0] =	vst v34;
	v10 =	vtrunc.f32 v10;
	v17 =	vshll.u32 v39, $0x4;
	v34 =	vcvt.s32.f32 v39;
	v41 =	vld.idx.msk [tilespmem:v23+s15+$0x0], $0xffff  }
0x210: {  	v22 =	vld.idx.msk [tilespmem:v35+s16+$0x0], $0xffff;
	v31 =	vmin.f32 v3, $5.899998860e+01;
	v40 =	vcvt.f32.s32 v10;
	v10 =	vshll.u32 v38, $0x4  }
0x211: {  	v27 =	vor.u32 v60, v17;
	v17 =	vld.idx.msk [tilespmem:v21+s15+$0x0], $0xffff;
	v6 =	vtrunc.f32 v31;
	v24 =	vshll.u32 v42, $0x4  }
0x212: {  	v21 =	vld.idx.msk [tilespmem:v36+s15+$0x0], $0xffff;
	v29 =	vor.u32 v60, v10;
	v31 =	vcvt.f32.s32 v6;
	v13 =	vmul.f32 v13, v45  }
0x213: {  	v18 =	vshll.u32 v40, $0x4;
	v6 =	vld.idx.msk [tilespmem:v19+s15+$0x0], $0xffff;
	v19 =	vshll.u32 v32, $0x4;
	v24 =	vor.u32 v60, v24  }
0x214: {  	v23 =	vld.idx.msk [tilespmem:v36+s16+$0x0], $0xffff;
	v36 =	vcvt.s32.f32 v40;
	v26 =	vor.u32 v60, v18;
	v41 =	vadd.f32 v13, v41  }
0x215: {  	s30 =	simm.s32 $0x8;
	s29 =	simm.s32 $0x8D70;
	v10 =	vld.idx.msk [tilespmem:v20+s15+$0x0], $0xffff;
	v20 =	vor.u32 v60, v19;
	v45 =	vshll.u32 v33, $0x4;
	v13 =	vshll.u32 v31, $0x4  }
0x216: {  	s2 =	simm.s32 $0x1170;
	s28 =	simm.s32 $0x9F0;
	s26 =	simm.s32 $0x89F0;
	v19 =	vld.idx.msk [tilespmem:v35+s15+$0x0], $0xffff;
	v35 =	vcvt.s32.f32 v42;
	v18 =	vor.u32 v60, v45;
	v13 =	vor.u32 v60, v13;
	[tilespmem:s29+$0x0] =	vst v41  }
.LBB2_5:
0x217: {  	v38 =	vld [tilespmem:s2+$0x0];
	s30 =	sadd.s32 $0x8, s30;
	v28 =	vsub.f32 v28, v37;
	v32 =	vcvt.s32.f32 v32;
	v33 =	vcvt.s32.f32 v33  }
0x218: {  	v4 =	vsub.f32 v4, v34;
	v31 =	vcvt.s32.f32 v31;
	v37 =	vld [tilespmem:s2+$0xFFFFFFA0];
	p1 =	slt.u32 s30, $0x78;
	v5 =	vsub.f32 v5, v36  }
0x219: {  	v11 =	vmul.f32 v0, v11;
	v7 =	vsub.f32 v7, v35;
	v34 =	vld [tilespmem:s2+$0xFFFFFFB0];
	v8 =	vsub.f32 v8, v32;
	v0 =	vmovc v28  }
0x21a: {  	v9 =	vmul.f32 v61, v9;
	v14 =	vsub.f32 v14, v33;
	v3 =	vsub.f32 v3, v31;
	v61 =	vmovc v4;
	v28 =	vld [tilespmem:s2+$0xFFFFFFC0]  }
0x21b: {  	v4 =	vadd.f32 v11, v30;
	v32 =	vmul.f32 v62, v12;
	v33 =	vmul.f32 v59, v15;
	v62 =	vmovc v5;
	v31 =	vld [tilespmem:s2+$0xFFFFFFD0]  }
0x21c: {  	v35 =	vmul.f32 v63, v16;
	v36 =	vmul.f32 v1, v22;
	v59 =	vmovc v7;
	v63 =	vmovc v8;
	v12 =	vld [tilespmem:s2+$0xFFFFFFE0];
	v5 =	vmax.f32 v38, $0.0e+00  }
0x21d: {  	v1 =	vmovc v14;
	v38 =	vmul.f32 v2, v23;
	v2 =	vmovc v3;
	v7 =	vmax.f32 v37, $0.0e+00;
	v15 =	vld [tilespmem:s2+$0xFFFFFFF0];
	v37 =	vmul.f32 $5.900000000e+01, v5;
	[tilespmem:s25+$0xFFFFFF90] =	vst v4  }
0x21e: {  	v8 =	vadd.f32 v9, v25;
	v3 =	vld [tilespmem:s2+$0xFFFFFF90];
	v4 =	vmul.f32 $5.900000000e+01, v7;
	v5 =	vmax.f32 v34, $0.0e+00  }
0x21f: {  	v5 =	vmul.f32 $5.900000000e+01, v5;
	v7 =	vmax.f32 v28, $0.0e+00;
	v9 =	vmin.f32 v37, $5.899998860e+01;
	v11 =	vld.idx.msk [tilespmem:v29+s16+$0x0], $0xffff  }
0x220: {  	v7 =	vmul.f32 $5.900000000e+01, v7;
	v14 =	vmax.f32 v31, $0.0e+00;
	v16 =	vtrunc.f32 v9;
	v9 =	vld.idx.msk [tilespmem:v27+s16+$0x0], $0xffff;
	[tilespmem:s25+$0xFFFFFFA0] =	vst v8  }
0x221: {  	v8 =	vmul.f32 $5.900000000e+01, v14;
	v14 =	vmax.f32 v12, $0.0e+00;
	v31 =	vcvt.f32.s32 v16;
	v12 =	vld.idx.msk [tilespmem:v26+s16+$0x0], $0xffff  }
0x222: {  	v25 =	vmin.f32 v4, $5.899998860e+01;
	v14 =	vmul.f32 $5.900000000e+01, v14;
	v16 =	vmax.f32 v15, $0.0e+00;
	v15 =	vld.idx.msk [tilespmem:v24+s16+$0x0], $0xffff  }
0x223: {  	v22 =	vmax.f32 v3, $0.0e+00;
	v3 =	vmul.f32 $5.900000000e+01, v16;
	v23 =	vshll.u32 v31, $0x4;
	v16 =	vld.idx.msk [tilespmem:v20+s16+$0x0], $0xffff  }
0x224: {  	v34 =	vmin.f32 v5, $5.899998860e+01;
	v28 =	vmul.f32 $5.900000000e+01, v22;
	v39 =	vor.u32 v60, v23;
	v22 =	vld.idx.msk [tilespmem:v18+s16+$0x0], $0xffff  }
0x225: {  	v40 =	vmin.f32 v7, $5.899998860e+01;
	v41 =	vmin.f32 v8, $5.899998860e+01;
	v42 =	vmin.f32 v14, $5.899998860e+01;
	v23 =	vld.idx.msk [tilespmem:v13+s16+$0x0], $0xffff  }
0x226: {  	v44 =	vtrunc.f32 v25;
	v45 =	vmin.f32 v3, $5.899998860e+01;
	v43 =	vmin.f32 v28, $5.899998860e+01;
	v30 =	vld.idx.msk [tilespmem:v29+s15+$0x0], $0xffff  }
0x227: {  	v34 =	vtrunc.f32 v34;
	v29 =	vtrunc.f32 v43;
	v25 =	vld.idx.msk [tilespmem:v27+s15+$0x0], $0xffff;
	v27 =	vadd.f32 v32, v6  }
0x228: {  	v32 =	vtrunc.f32 v40;
	v40 =	vtrunc.f32 v41;
	v6 =	vld.idx.msk [tilespmem:v26+s15+$0x0], $0xffff;
	v26 =	vadd.f32 v33, v10  }
0x229: {  	v17 =	vadd.f32 v35, v17;
	v41 =	vtrunc.f32 v45;
	v33 =	vtrunc.f32 v42;
	v42 =	vld.idx.msk [tilespmem:v39+s16+$0x0], $0xffff;
	[tilespmem:s25+$0xFFFFFFB0] =	vst v27  }
0x22a: {  	v19 =	vadd.f32 v36, v19;
	v43 =	vcvt.f32.s32 v44;
	v35 =	vcvt.f32.s32 v29;
	v10 =	vld.idx.msk [tilespmem:v24+s15+$0x0], $0xffff;
	[tilespmem:s25+$0xFFFFFFC0] =	vst v26  }
0x22b: {  	v21 =	vadd.f32 v38, v21;
	v36 =	vcvt.f32.s32 v34;
	v24 =	vcvt.s32.f32 v31;
	v34 =	vld.idx.msk [tilespmem:v39+s15+$0x0], $0xffff;
	[tilespmem:s25+$0xFFFFFFD0] =	vst v17  }
0x22c: {  	v38 =	vcvt.f32.s32 v32;
	v32 =	vcvt.f32.s32 v40;
	v26 =	vshll.u32 v35, $0x4;
	v17 =	vld.idx.msk [tilespmem:v20+s15+$0x0], $0xffff;
	[tilespmem:s25+$0xFFFFFFE0] =	vst v19  }
0x22d: {  	v33 =	vcvt.f32.s32 v33;
	v31 =	vcvt.f32.s32 v41;
	v20 =	vsub.f32 v37, v24;
	v19 =	vld.idx.msk [tilespmem:v18+s15+$0x0], $0xffff;
	[tilespmem:s25+$0xFFFFFFF0] =	vst v21;
	s25 =	smov.u32 s29  }
0x22e: {  	v24 =	vshll.u32 v36, $0x4;
	v37 =	vshll.u32 v38, $0x4;
	v18 =	vshll.u32 v43, $0x4;
	v21 =	vld.idx.msk [tilespmem:v13+s15+$0x0], $0xffff  }
0x22f: {  	v39 =	vshll.u32 v33, $0x4;
	v13 =	vshll.u32 v32, $0x4;
	v20 =	vmul.f32 v20, v42  }
.Ltmp3:
0x230: {  	v29 =	vor.u32 v60, v26;
	v40 =	vshll.u32 v31, $0x4;
	v27 =	vor.u32 v60, v18;
	(pc) =	sbr.rel @p1 .LBB2_5-.Ltmp3, $4  }
0x231: {  	v26 =	vor.u32 v60, v24;
	v24 =	vor.u32 v60, v37;
	v41 =	vadd.f32 v20, v34  }
0x232: {  	s29 =	sadd.s32 $0x400, s29;
	v18 =	vor.u32 v60, v39;
	v20 =	vor.u32 v60, v13;
	v13 =	vor.u32 v60, v40  }
0x233: {  	v37 =	vcvt.s32.f32 v35;
	v34 =	vcvt.s32.f32 v43;
	[tilespmem:s29+$0x0] =	vst v41  }
0x234: {  	s2 =	sadd.s32 $0x400, s2;
	v36 =	vcvt.s32.f32 v36;
	v35 =	vcvt.s32.f32 v38  }
0x235: {  	_ =	sdelay $0x3  }
0x236: {  	v38 =	vld.idx.msk [tilespmem:v29+s16+$0x0], $0xffff  }
0x237: {  	v39 =	vld.idx.msk [tilespmem:v27+s16+$0x0], $0xffff  }
0x238: {  	v32 =	vcvt.s32.f32 v32;
	v43 =	vld.idx.msk [tilespmem:v26+s16+$0x0], $0xffff  }
0x239: {  	v28 =	vsub.f32 v28, v37;
	v0 =	vmul.f32 v0, v11;
	v11 =	vld.idx.msk [tilespmem:v24+s16+$0x0], $0xffff;
	v9 =	vmul.f32 v61, v9  }
0x23a: {  	v4 =	vsub.f32 v4, v34;
	v44 =	vld.idx.msk [tilespmem:v20+s16+$0x0], $0xffff;
	v12 =	vmul.f32 v62, v12;
	v15 =	vmul.f32 v59, v15  }
0x23b: {  	v16 =	vmul.f32 v63, v16;
	v1 =	vmul.f32 v1, v22;
	v0 =	vadd.f32 v0, v30;
	v30 =	vld.idx.msk [tilespmem:v18+s16+$0x0], $0xffff  }
0x23c: {  	v2 =	vmul.f32 v2, v23;
	v5 =	vsub.f32 v5, v36;
	v9 =	vadd.f32 v9, v25;
	v25 =	vld.idx.msk [tilespmem:v13+s16+$0x0], $0xffff  }
0x23d: {  	v33 =	vcvt.s32.f32 v33;
	v7 =	vsub.f32 v7, v35;
	v6 =	vadd.f32 v12, v6;
	[tilespmem:s25+$0xFFFFFF90] =	vst v0;
	v0 =	vld.idx.msk [tilespmem:v29+s15+$0x0], $0xffff  }
0x23e: {  	v8 =	vsub.f32 v8, v32;
	v10 =	vadd.f32 v15, v10;
	[tilespmem:s25+$0xFFFFFFA0] =	vst v9;
	v9 =	vld.idx.msk [tilespmem:v27+s15+$0x0], $0xffff  }
0x23f: {  	v14 =	vsub.f32 v14, v33;
	v12 =	vld.idx.msk [tilespmem:v26+s15+$0x0], $0xffff;
	[tilespmem:s25+$0xFFFFFFB0] =	vst v6;
	v6 =	vadd.f32 v16, v17  }
0x240: {  	v15 =	vld.idx.msk [tilespmem:v24+s15+$0x0], $0xffff;
	v1 =	vadd.f32 v1, v19;
	[tilespmem:s25+$0xFFFFFFC0] =	vst v10;
	v10 =	vmul.f32 v28, v38  }
0x241: {  	v2 =	vadd.f32 v2, v21;
	v4 =	vmul.f32 v4, v39;
	[tilespmem:s25+$0xFFFFFFD0] =	vst v6;
	v6 =	vld.idx.msk [tilespmem:v20+s15+$0x0], $0xffff  }
0x242: {  	v16 =	vcvt.s32.f32 v31;
	[tilespmem:s25+$0xFFFFFFE0] =	vst v1;
	v1 =	vld.idx.msk [tilespmem:v18+s15+$0x0], $0xffff;
	v5 =	vmul.f32 v5, v43;
	v0 =	vadd.f32 v10, v0  }
0x243: {  	[tilespmem:s25+$0xFFFFFFF0] =	vst v2;
	v2 =	vld.idx.msk [tilespmem:v13+s15+$0x0], $0xffff;
	v7 =	vmul.f32 v7, v11;
	v4 =	vadd.f32 v4, v9  }
0x244: {  	v8 =	vmul.f32 v8, v44;
	v3 =	vsub.f32 v3, v16;
	[tilespmem:s29+$0xFFFFFF90] =	vst v0;
	v0 =	vadd.f32 v5, v12  }
0x245: {  	v5 =	vmul.f32 v14, v30;
	[tilespmem:s29+$0xFFFFFFA0] =	vst v4;
	v4 =	vadd.f32 v7, v15  }
0x246: {  	v3 =	vmul.f32 v3, v25;
	[tilespmem:s29+$0xFFFFFFB0] =	vst v0;
	v0 =	vadd.f32 v8, v6  }
0x247: {  	[tilespmem:s29+$0xFFFFFFC0] =	vst v4;
	v1 =	vadd.f32 v5, v1  }
0x248: {  	[tilespmem:s29+$0xFFFFFFD0] =	vst v0;
	v0 =	vadd.f32 v3, v2  }
0x249: {  	[tilespmem:s29+$0xFFFFFFE0] =	vst v1  }
0x24a: {  	[tilespmem:s29+$0xFFFFFFF0] =	vst v0  }
0x24b: {  	v0 =	vld [tilespmem:s28+$0x0]  }
0x24c: {  	v1 =	vld [tilespmem:s28+$0xFFFFFFA0]  }
0x24d: {  	v2 =	vld [tilespmem:s28+$0xFFFFFFB0]  }
0x24e: {  	v3 =	vld [tilespmem:s28+$0xFFFFFFC0]  }
0x24f: {  	v4 =	vld [tilespmem:s28+$0xFFFFFFD0]  }
0x250: {  	v5 =	vld [tilespmem:s28+$0xFFFFFFE0];
	_ =	sdelay $0x1  }
0x251: {  	v6 =	vld [tilespmem:s28+$0xFFFFFFF0]  }
0x252: {  	v7 =	vld [tilespmem:s28+$0xFFFFFF90];
	v0 =	vmax.f32 v0, $0.0e+00;
	v1 =	vmax.f32 v1, $0.0e+00  }
0x253: {  	v2 =	vmax.f32 v2, $0.0e+00;
	v3 =	vmax.f32 v3, $0.0e+00;
	v0 =	vmul.f32 $5.900000000e+01, v0  }
0x254: {  	v4 =	vmax.f32 v4, $0.0e+00;
	v5 =	vmax.f32 v5, $0.0e+00;
	v1 =	vmul.f32 $5.900000000e+01, v1  }
0x255: {  	v2 =	vmul.f32 $5.900000000e+01, v2;
	v3 =	vmul.f32 $5.900000000e+01, v3;
	v8 =	vmin.f32 v0, $5.899998860e+01  }
0x256: {  	v6 =	vmax.f32 v6, $0.0e+00;
	v4 =	vmul.f32 $5.900000000e+01, v4;
	v8 =	vtrunc.f32 v8  }
0x257: {  	v7 =	vmax.f32 v7, $0.0e+00;
	v5 =	vmul.f32 $5.900000000e+01, v5;
	v8 =	vcvt.f32.s32 v8  }
0x258: {  	v6 =	vmul.f32 $5.900000000e+01, v6;
	v7 =	vmul.f32 $5.900000000e+01, v7;
	v9 =	vmin.f32 v1, $5.899998860e+01  }
0x259: {  	v11 =	vmin.f32 v2, $5.899998860e+01;
	v12 =	vmin.f32 v3, $5.899998860e+01;
	v10 =	vshll.u32 v8, $0x4  }
0x25a: {  	v14 =	vmin.f32 v7, $5.899998860e+01;
	v9 =	vtrunc.f32 v9;
	v10 =	vor.u32 v60, v10  }
0x25b: {  	v13 =	vmin.f32 v4, $5.899998860e+01;
	v14 =	vtrunc.f32 v14;
	v11 =	vtrunc.f32 v11  }
0x25c: {  	v15 =	vmin.f32 v5, $5.899998860e+01;
	v12 =	vtrunc.f32 v12;
	v13 =	vtrunc.f32 v13  }
0x25d: {  	v16 =	vmin.f32 v6, $5.899998860e+01;
	v15 =	vtrunc.f32 v15;
	v12 =	vcvt.f32.s32 v12  }
0x25e: {  	v16 =	vtrunc.f32 v16;
	v14 =	vcvt.f32.s32 v14  }
0x25f: {  	v9 =	vcvt.f32.s32 v9;
	v20 =	vshll.u32 v12, $0x4;
	v12 =	vcvt.s32.f32 v12;
	v17 =	vld.idx.msk [tilespmem:v10+s16+$0x0], $0xffff  }
0x260: {  	s1 =	simm.s32 $0xDF0;
	v11 =	vcvt.f32.s32 v11;
	v8 =	vcvt.s32.f32 v8  }
0x261: {  	v13 =	vcvt.f32.s32 v13;
	v15 =	vcvt.f32.s32 v15;
	v59 =	vsub.f32 v3, v12;
	v3 =	vld [tilespmem:s1+$0xFFFFFF90]  }
0x262: {  	v16 =	vcvt.f32.s32 v16;
	v18 =	vshll.u32 v14, $0x4;
	v0 =	vsub.f32 v0, v8;
	v10 =	vld.idx.msk [tilespmem:v10+s15+$0x0], $0xffff  }
0x263: {  	v19 =	vshll.u32 v11, $0x4;
	v21 =	vshll.u32 v13, $0x4;
	v22 =	vshll.u32 v15, $0x4  }
0x264: {  	v23 =	vld [tilespmem:s1+$0x0];
	v19 =	vor.u32 v60, v19;
	v8 =	vshll.u32 v9, $0x4;
	v0 =	vmul.f32 v0, v17  }
0x265: {  	v17 =	vor.u32 v60, v18;
	v18 =	vor.u32 v60, v8;
	v8 =	vshll.u32 v16, $0x4  }
0x266: {  	v3 =	vmax.f32 v3, $0.0e+00;
	v36 =	vor.u32 v60, v8;
	v8 =	vcvt.s32.f32 v9  }
0x267: {  	v28 =	vmul.f32 $5.900000000e+01, v3;
	v9 =	vcvt.s32.f32 v11;
	v34 =	vadd.f32 v0, v10;
	v10 =	vld [tilespmem:s1+$0xFFFFFFA0]  }
0x268: {  	v11 =	vld [tilespmem:s1+$0xFFFFFFB0];
	v0 =	vcvt.s32.f32 v14;
	v14 =	vcvt.s32.f32 v15;
	v61 =	vsub.f32 v1, v8  }
0x269: {  	v1 =	vmax.f32 v23, $0.0e+00;
	v62 =	vsub.f32 v2, v9;
	v2 =	vcvt.s32.f32 v16  }
0x26a: {  	v16 =	vmin.f32 v28, $5.899998860e+01;
	v0 =	vsub.f32 v7, v0;
	v7 =	vcvt.s32.f32 v13;
	v13 =	vld [tilespmem:s1+$0xFFFFFFC0]  }
0x26b: {  	v21 =	vor.u32 v60, v21;
	v8 =	vld [tilespmem:s1+$0xFFFFFFD0];
	v24 =	vmul.f32 $5.900000000e+01, v1;
	v27 =	vtrunc.f32 v16  }
0x26c: {  	v9 =	vld [tilespmem:s1+$0xFFFFFFE0];
	v38 =	vcvt.f32.s32 v27;
	v63 =	vsub.f32 v4, v7;
	v1 =	vmax.f32 v10, $0.0e+00  }
0x26d: {  	v7 =	vmax.f32 v11, $0.0e+00;
	v11 =	vmin.f32 v24, $5.899998860e+01;
	v4 =	vmul.f32 $5.900000000e+01, v1  }
0x26e: {  	v1 =	vsub.f32 v5, v14;
	v5 =	vmul.f32 $5.900000000e+01, v7;
	v7 =	vtrunc.f32 v11  }
0x26f: {  	v20 =	vor.u32 v60, v20;
	v11 =	vmax.f32 v13, $0.0e+00;
	v13 =	vcvt.f32.s32 v7  }
0x270: {  	v35 =	vor.u32 v60, v22;
	v10 =	vld [tilespmem:s1+$0xFFFFFFF0];
	v37 =	vcvt.s32.f32 v38;
	v8 =	vmax.f32 v8, $0.0e+00  }
0x271: {  	v16 =	vld.idx.msk [tilespmem:v21+s16+$0x0], $0xffff;
	v12 =	vmax.f32 v9, $0.0e+00;
	v8 =	vmul.f32 $5.900000000e+01, v8;
	v9 =	vshll.u32 v13, $0x4  }
0x272: {  	v14 =	vmul.f32 $5.900000000e+01, v12;
	v12 =	vld.idx.msk [tilespmem:v19+s16+$0x0], $0xffff;
	v15 =	vmin.f32 v4, $5.899998860e+01;
	v23 =	vor.u32 v60, v9  }
0x273: {  	v2 =	vsub.f32 v6, v2;
	v7 =	vmul.f32 $5.900000000e+01, v11;
	v11 =	vld.idx.msk [tilespmem:v17+s16+$0x0], $0xffff;
	v25 =	vtrunc.f32 v15  }
0x274: {  	v15 =	vld.idx.msk [tilespmem:v20+s16+$0x0], $0xffff;
	v26 =	vmin.f32 v8, $5.899998860e+01;
	v29 =	vmin.f32 v14, $5.899998860e+01;
	v13 =	vcvt.s32.f32 v13  }
0x275: {  	v10 =	vmax.f32 v10, $0.0e+00;
	v9 =	vld.idx.msk [tilespmem:v18+s16+$0x0], $0xffff;
	v26 =	vtrunc.f32 v26;
	v29 =	vtrunc.f32 v29  }
0x276: {  	v22 =	vmin.f32 v7, $5.899998860e+01;
	v39 =	vcvt.f32.s32 v25;
	v25 =	vld.idx.msk [tilespmem:v18+s15+$0x0], $0xffff;
	v3 =	vmul.f32 $5.900000000e+01, v10  }
0x277: {  	v10 =	vmin.f32 v5, $5.899998860e+01;
	v30 =	vtrunc.f32 v22;
	v32 =	vcvt.f32.s32 v26;
	v45 =	vld.idx.msk [tilespmem:v23+s16+$0x0], $0xffff  }
0x278: {  	v13 =	vsub.f32 v24, v13;
	v33 =	vcvt.f32.s32 v29;
	v42 =	vcvt.f32.s32 v30;
	v30 =	vld.idx.msk [tilespmem:v17+s15+$0x0], $0xffff  }
0x279: {  	[tilespmem:s26+$0x0] =	vst v34;
	v10 =	vtrunc.f32 v10;
	v17 =	vshll.u32 v39, $0x4;
	v34 =	vcvt.s32.f32 v39;
	v41 =	vld.idx.msk [tilespmem:v23+s15+$0x0], $0xffff  }
0x27a: {  	v22 =	vld.idx.msk [tilespmem:v35+s16+$0x0], $0xffff;
	v31 =	vmin.f32 v3, $5.899998860e+01;
	v40 =	vcvt.f32.s32 v10;
	v10 =	vshll.u32 v38, $0x4  }
0x27b: {  	v27 =	vor.u32 v60, v17;
	v17 =	vld.idx.msk [tilespmem:v21+s15+$0x0], $0xffff;
	v6 =	vtrunc.f32 v31;
	v24 =	vshll.u32 v42, $0x4  }
0x27c: {  	v21 =	vld.idx.msk [tilespmem:v36+s15+$0x0], $0xffff;
	v29 =	vor.u32 v60, v10;
	v31 =	vcvt.f32.s32 v6;
	v13 =	vmul.f32 v13, v45  }
0x27d: {  	v18 =	vshll.u32 v40, $0x4;
	v6 =	vld.idx.msk [tilespmem:v19+s15+$0x0], $0xffff;
	v19 =	vshll.u32 v32, $0x4;
	v24 =	vor.u32 v60, v24  }
0x27e: {  	v23 =	vld.idx.msk [tilespmem:v36+s16+$0x0], $0xffff;
	v36 =	vcvt.s32.f32 v40;
	v26 =	vor.u32 v60, v18;
	v41 =	vadd.f32 v13, v41  }
0x27f: {  	s30 =	simm.s32 $0x8;
	s29 =	simm.s32 $0x8DF0;
	v10 =	vld.idx.msk [tilespmem:v20+s15+$0x0], $0xffff;
	v20 =	vor.u32 v60, v19;
	v45 =	vshll.u32 v33, $0x4;
	v13 =	vshll.u32 v31, $0x4  }
0x280: {  	s2 =	simm.s32 $0x11F0;
	s25 =	simm.s32 $0x8A70;
	s28 =	simm.s32 $0xA70;
	v19 =	vld.idx.msk [tilespmem:v35+s15+$0x0], $0xffff;
	v35 =	vcvt.s32.f32 v42;
	v18 =	vor.u32 v60, v45;
	v13 =	vor.u32 v60, v13;
	[tilespmem:s29+$0x0] =	vst v41  }
.LBB2_7:
0x281: {  	v38 =	vld [tilespmem:s2+$0x0];
	s30 =	sadd.s32 $0x8, s30;
	v28 =	vsub.f32 v28, v37;
	v32 =	vcvt.s32.f32 v32;
	v33 =	vcvt.s32.f32 v33  }
0x282: {  	v4 =	vsub.f32 v4, v34;
	v31 =	vcvt.s32.f32 v31;
	v37 =	vld [tilespmem:s2+$0xFFFFFFA0];
	p1 =	slt.u32 s30, $0x78;
	v5 =	vsub.f32 v5, v36  }
0x283: {  	v11 =	vmul.f32 v0, v11;
	v7 =	vsub.f32 v7, v35;
	v34 =	vld [tilespmem:s2+$0xFFFFFFB0];
	v8 =	vsub.f32 v8, v32;
	v0 =	vmovc v28  }
0x284: {  	v9 =	vmul.f32 v61, v9;
	v14 =	vsub.f32 v14, v33;
	v3 =	vsub.f32 v3, v31;
	v61 =	vmovc v4;
	v28 =	vld [tilespmem:s2+$0xFFFFFFC0]  }
0x285: {  	v4 =	vadd.f32 v11, v30;
	v32 =	vmul.f32 v62, v12;
	v33 =	vmul.f32 v59, v15;
	v62 =	vmovc v5;
	v31 =	vld [tilespmem:s2+$0xFFFFFFD0]  }
0x286: {  	v35 =	vmul.f32 v63, v16;
	v36 =	vmul.f32 v1, v22;
	v59 =	vmovc v7;
	v63 =	vmovc v8;
	v12 =	vld [tilespmem:s2+$0xFFFFFFE0];
	v5 =	vmax.f32 v38, $0.0e+00  }
0x287: {  	v1 =	vmovc v14;
	v38 =	vmul.f32 v2, v23;
	v2 =	vmovc v3;
	v7 =	vmax.f32 v37, $0.0e+00;
	v15 =	vld [tilespmem:s2+$0xFFFFFFF0];
	v37 =	vmul.f32 $5.900000000e+01, v5;
	[tilespmem:s26+$0xFFFFFF90] =	vst v4  }
0x288: {  	v8 =	vadd.f32 v9, v25;
	v3 =	vld [tilespmem:s2+$0xFFFFFF90];
	v4 =	vmul.f32 $5.900000000e+01, v7;
	v5 =	vmax.f32 v34, $0.0e+00  }
0x289: {  	v5 =	vmul.f32 $5.900000000e+01, v5;
	v7 =	vmax.f32 v28, $0.0e+00;
	v9 =	vmin.f32 v37, $5.899998860e+01;
	v11 =	vld.idx.msk [tilespmem:v29+s16+$0x0], $0xffff  }
0x28a: {  	v7 =	vmul.f32 $5.900000000e+01, v7;
	v14 =	vmax.f32 v31, $0.0e+00;
	v16 =	vtrunc.f32 v9;
	v9 =	vld.idx.msk [tilespmem:v27+s16+$0x0], $0xffff;
	[tilespmem:s26+$0xFFFFFFA0] =	vst v8  }
0x28b: {  	v8 =	vmul.f32 $5.900000000e+01, v14;
	v14 =	vmax.f32 v12, $0.0e+00;
	v31 =	vcvt.f32.s32 v16;
	v12 =	vld.idx.msk [tilespmem:v26+s16+$0x0], $0xffff  }
0x28c: {  	v25 =	vmin.f32 v4, $5.899998860e+01;
	v14 =	vmul.f32 $5.900000000e+01, v14;
	v16 =	vmax.f32 v15, $0.0e+00;
	v15 =	vld.idx.msk [tilespmem:v24+s16+$0x0], $0xffff  }
0x28d: {  	v22 =	vmax.f32 v3, $0.0e+00;
	v3 =	vmul.f32 $5.900000000e+01, v16;
	v23 =	vshll.u32 v31, $0x4;
	v16 =	vld.idx.msk [tilespmem:v20+s16+$0x0], $0xffff  }
0x28e: {  	v34 =	vmin.f32 v5, $5.899998860e+01;
	v28 =	vmul.f32 $5.900000000e+01, v22;
	v39 =	vor.u32 v60, v23;
	v22 =	vld.idx.msk [tilespmem:v18+s16+$0x0], $0xffff  }
0x28f: {  	v40 =	vmin.f32 v7, $5.899998860e+01;
	v41 =	vmin.f32 v8, $5.899998860e+01;
	v42 =	vmin.f32 v14, $5.899998860e+01;
	v23 =	vld.idx.msk [tilespmem:v13+s16+$0x0], $0xffff  }
0x290: {  	v44 =	vtrunc.f32 v25;
	v45 =	vmin.f32 v3, $5.899998860e+01;
	v43 =	vmin.f32 v28, $5.899998860e+01;
	v30 =	vld.idx.msk [tilespmem:v29+s15+$0x0], $0xffff  }
0x291: {  	v34 =	vtrunc.f32 v34;
	v29 =	vtrunc.f32 v43;
	v25 =	vld.idx.msk [tilespmem:v27+s15+$0x0], $0xffff;
	v27 =	vadd.f32 v32, v6  }
0x292: {  	v32 =	vtrunc.f32 v40;
	v40 =	vtrunc.f32 v41;
	v6 =	vld.idx.msk [tilespmem:v26+s15+$0x0], $0xffff;
	v26 =	vadd.f32 v33, v10  }
0x293: {  	v17 =	vadd.f32 v35, v17;
	v41 =	vtrunc.f32 v45;
	v33 =	vtrunc.f32 v42;
	v42 =	vld.idx.msk [tilespmem:v39+s16+$0x0], $0xffff;
	[tilespmem:s26+$0xFFFFFFB0] =	vst v27  }
0x294: {  	v19 =	vadd.f32 v36, v19;
	v43 =	vcvt.f32.s32 v44;
	v35 =	vcvt.f32.s32 v29;
	v10 =	vld.idx.msk [tilespmem:v24+s15+$0x0], $0xffff;
	[tilespmem:s26+$0xFFFFFFC0] =	vst v26  }
0x295: {  	v21 =	vadd.f32 v38, v21;
	v36 =	vcvt.f32.s32 v34;
	v24 =	vcvt.s32.f32 v31;
	v34 =	vld.idx.msk [tilespmem:v39+s15+$0x0], $0xffff;
	[tilespmem:s26+$0xFFFFFFD0] =	vst v17  }
0x296: {  	v38 =	vcvt.f32.s32 v32;
	v32 =	vcvt.f32.s32 v40;
	v26 =	vshll.u32 v35, $0x4;
	v17 =	vld.idx.msk [tilespmem:v20+s15+$0x0], $0xffff;
	[tilespmem:s26+$0xFFFFFFE0] =	vst v19  }
0x297: {  	v33 =	vcvt.f32.s32 v33;
	v31 =	vcvt.f32.s32 v41;
	v20 =	vsub.f32 v37, v24;
	v19 =	vld.idx.msk [tilespmem:v18+s15+$0x0], $0xffff;
	[tilespmem:s26+$0xFFFFFFF0] =	vst v21;
	s26 =	smov.u32 s29  }
0x298: {  	v24 =	vshll.u32 v36, $0x4;
	v37 =	vshll.u32 v38, $0x4;
	v18 =	vshll.u32 v43, $0x4;
	v21 =	vld.idx.msk [tilespmem:v13+s15+$0x0], $0xffff  }
0x299: {  	v39 =	vshll.u32 v33, $0x4;
	v13 =	vshll.u32 v32, $0x4;
	v20 =	vmul.f32 v20, v42  }
.Ltmp4:
0x29a: {  	v29 =	vor.u32 v60, v26;
	v40 =	vshll.u32 v31, $0x4;
	v27 =	vor.u32 v60, v18;
	(pc) =	sbr.rel @p1 .LBB2_7-.Ltmp4, $4  }
0x29b: {  	v26 =	vor.u32 v60, v24;
	v24 =	vor.u32 v60, v37;
	v41 =	vadd.f32 v20, v34  }
0x29c: {  	s29 =	sadd.s32 $0x400, s29;
	v18 =	vor.u32 v60, v39;
	v20 =	vor.u32 v60, v13;
	v13 =	vor.u32 v60, v40  }
0x29d: {  	v37 =	vcvt.s32.f32 v35;
	v34 =	vcvt.s32.f32 v43;
	[tilespmem:s29+$0x0] =	vst v41  }
0x29e: {  	s2 =	sadd.s32 $0x400, s2;
	v36 =	vcvt.s32.f32 v36;
	v35 =	vcvt.s32.f32 v38  }
0x29f: {  	_ =	sdelay $0x3  }
0x2a0: {  	v38 =	vld.idx.msk [tilespmem:v29+s16+$0x0], $0xffff  }
0x2a1: {  	v39 =	vld.idx.msk [tilespmem:v27+s16+$0x0], $0xffff  }
0x2a2: {  	v32 =	vcvt.s32.f32 v32;
	v43 =	vld.idx.msk [tilespmem:v26+s16+$0x0], $0xffff  }
0x2a3: {  	v28 =	vsub.f32 v28, v37;
	v0 =	vmul.f32 v0, v11;
	v11 =	vld.idx.msk [tilespmem:v24+s16+$0x0], $0xffff;
	v9 =	vmul.f32 v61, v9  }
0x2a4: {  	v4 =	vsub.f32 v4, v34;
	v44 =	vld.idx.msk [tilespmem:v20+s16+$0x0], $0xffff;
	v12 =	vmul.f32 v62, v12;
	v15 =	vmul.f32 v59, v15  }
0x2a5: {  	v16 =	vmul.f32 v63, v16;
	v1 =	vmul.f32 v1, v22;
	v0 =	vadd.f32 v0, v30;
	v30 =	vld.idx.msk [tilespmem:v18+s16+$0x0], $0xffff  }
0x2a6: {  	v2 =	vmul.f32 v2, v23;
	v5 =	vsub.f32 v5, v36;
	v9 =	vadd.f32 v9, v25;
	v25 =	vld.idx.msk [tilespmem:v13+s16+$0x0], $0xffff  }
0x2a7: {  	v33 =	vcvt.s32.f32 v33;
	v7 =	vsub.f32 v7, v35;
	v6 =	vadd.f32 v12, v6;
	[tilespmem:s26+$0xFFFFFF90] =	vst v0;
	v0 =	vld.idx.msk [tilespmem:v29+s15+$0x0], $0xffff  }
0x2a8: {  	v8 =	vsub.f32 v8, v32;
	v10 =	vadd.f32 v15, v10;
	[tilespmem:s26+$0xFFFFFFA0] =	vst v9;
	v9 =	vld.idx.msk [tilespmem:v27+s15+$0x0], $0xffff  }
0x2a9: {  	v14 =	vsub.f32 v14, v33;
	v12 =	vld.idx.msk [tilespmem:v26+s15+$0x0], $0xffff;
	[tilespmem:s26+$0xFFFFFFB0] =	vst v6;
	v6 =	vadd.f32 v16, v17  }
0x2aa: {  	v15 =	vld.idx.msk [tilespmem:v24+s15+$0x0], $0xffff;
	v1 =	vadd.f32 v1, v19;
	[tilespmem:s26+$0xFFFFFFC0] =	vst v10;
	v10 =	vmul.f32 v28, v38  }
0x2ab: {  	v2 =	vadd.f32 v2, v21;
	v4 =	vmul.f32 v4, v39;
	[tilespmem:s26+$0xFFFFFFD0] =	vst v6;
	v6 =	vld.idx.msk [tilespmem:v20+s15+$0x0], $0xffff  }
0x2ac: {  	v16 =	vcvt.s32.f32 v31;
	[tilespmem:s26+$0xFFFFFFE0] =	vst v1;
	v1 =	vld.idx.msk [tilespmem:v18+s15+$0x0], $0xffff;
	v5 =	vmul.f32 v5, v43;
	v0 =	vadd.f32 v10, v0  }
0x2ad: {  	[tilespmem:s26+$0xFFFFFFF0] =	vst v2;
	v2 =	vld.idx.msk [tilespmem:v13+s15+$0x0], $0xffff;
	v7 =	vmul.f32 v7, v11;
	v4 =	vadd.f32 v4, v9  }
0x2ae: {  	v8 =	vmul.f32 v8, v44;
	v3 =	vsub.f32 v3, v16;
	[tilespmem:s29+$0xFFFFFF90] =	vst v0;
	v0 =	vadd.f32 v5, v12  }
0x2af: {  	v5 =	vmul.f32 v14, v30;
	[tilespmem:s29+$0xFFFFFFA0] =	vst v4;
	v4 =	vadd.f32 v7, v15  }
0x2b0: {  	v3 =	vmul.f32 v3, v25;
	[tilespmem:s29+$0xFFFFFFB0] =	vst v0;
	v0 =	vadd.f32 v8, v6  }
0x2b1: {  	[tilespmem:s29+$0xFFFFFFC0] =	vst v4;
	v1 =	vadd.f32 v5, v1  }
0x2b2: {  	[tilespmem:s29+$0xFFFFFFD0] =	vst v0;
	v0 =	vadd.f32 v3, v2  }
0x2b3: {  	[tilespmem:s29+$0xFFFFFFE0] =	vst v1  }
0x2b4: {  	[tilespmem:s29+$0xFFFFFFF0] =	vst v0  }
0x2b5: {  	v0 =	vld [tilespmem:s28+$0x0]  }
0x2b6: {  	v1 =	vld [tilespmem:s28+$0xFFFFFFA0]  }
0x2b7: {  	v2 =	vld [tilespmem:s28+$0xFFFFFFB0]  }
0x2b8: {  	v3 =	vld [tilespmem:s28+$0xFFFFFFC0]  }
0x2b9: {  	v4 =	vld [tilespmem:s28+$0xFFFFFFD0]  }
0x2ba: {  	v5 =	vld [tilespmem:s28+$0xFFFFFFE0];
	_ =	sdelay $0x1  }
0x2bb: {  	v6 =	vld [tilespmem:s28+$0xFFFFFFF0]  }
0x2bc: {  	v7 =	vld [tilespmem:s28+$0xFFFFFF90];
	v0 =	vmax.f32 v0, $0.0e+00;
	v1 =	vmax.f32 v1, $0.0e+00  }
0x2bd: {  	v2 =	vmax.f32 v2, $0.0e+00;
	v3 =	vmax.f32 v3, $0.0e+00;
	v0 =	vmul.f32 $5.900000000e+01, v0  }
0x2be: {  	v4 =	vmax.f32 v4, $0.0e+00;
	v5 =	vmax.f32 v5, $0.0e+00;
	v1 =	vmul.f32 $5.900000000e+01, v1  }
0x2bf: {  	v2 =	vmul.f32 $5.900000000e+01, v2;
	v3 =	vmul.f32 $5.900000000e+01, v3;
	v8 =	vmin.f32 v0, $5.899998860e+01  }
0x2c0: {  	v6 =	vmax.f32 v6, $0.0e+00;
	v4 =	vmul.f32 $5.900000000e+01, v4;
	v8 =	vtrunc.f32 v8  }
0x2c1: {  	v7 =	vmax.f32 v7, $0.0e+00;
	v5 =	vmul.f32 $5.900000000e+01, v5;
	v8 =	vcvt.f32.s32 v8  }
0x2c2: {  	v6 =	vmul.f32 $5.900000000e+01, v6;
	v7 =	vmul.f32 $5.900000000e+01, v7;
	v9 =	vmin.f32 v1, $5.899998860e+01  }
0x2c3: {  	v11 =	vmin.f32 v2, $5.899998860e+01;
	v12 =	vmin.f32 v3, $5.899998860e+01;
	v10 =	vshll.u32 v8, $0x4  }
0x2c4: {  	v14 =	vmin.f32 v7, $5.899998860e+01;
	v9 =	vtrunc.f32 v9;
	v10 =	vor.u32 v60, v10  }
0x2c5: {  	v13 =	vmin.f32 v4, $5.899998860e+01;
	v14 =	vtrunc.f32 v14;
	v11 =	vtrunc.f32 v11  }
0x2c6: {  	v15 =	vmin.f32 v5, $5.899998860e+01;
	v12 =	vtrunc.f32 v12;
	v13 =	vtrunc.f32 v13  }
0x2c7: {  	v16 =	vmin.f32 v6, $5.899998860e+01;
	v15 =	vtrunc.f32 v15;
	v12 =	vcvt.f32.s32 v12  }
0x2c8: {  	v16 =	vtrunc.f32 v16;
	v14 =	vcvt.f32.s32 v14  }
0x2c9: {  	v9 =	vcvt.f32.s32 v9;
	v20 =	vshll.u32 v12, $0x4;
	v12 =	vcvt.s32.f32 v12;
	v17 =	vld.idx.msk [tilespmem:v10+s16+$0x0], $0xffff  }
0x2ca: {  	s1 =	simm.s32 $0xE70;
	v11 =	vcvt.f32.s32 v11;
	v8 =	vcvt.s32.f32 v8  }
0x2cb: {  	v13 =	vcvt.f32.s32 v13;
	v15 =	vcvt.f32.s32 v15;
	v59 =	vsub.f32 v3, v12;
	v3 =	vld [tilespmem:s1+$0xFFFFFF90]  }
0x2cc: {  	v16 =	vcvt.f32.s32 v16;
	v18 =	vshll.u32 v14, $0x4;
	v0 =	vsub.f32 v0, v8;
	v10 =	vld.idx.msk [tilespmem:v10+s15+$0x0], $0xffff  }
0x2cd: {  	v19 =	vshll.u32 v11, $0x4;
	v21 =	vshll.u32 v13, $0x4;
	v22 =	vshll.u32 v15, $0x4  }
0x2ce: {  	v23 =	vld [tilespmem:s1+$0x0];
	v19 =	vor.u32 v60, v19;
	v8 =	vshll.u32 v9, $0x4;
	v0 =	vmul.f32 v0, v17  }
0x2cf: {  	v17 =	vor.u32 v60, v18;
	v18 =	vor.u32 v60, v8;
	v8 =	vshll.u32 v16, $0x4  }
0x2d0: {  	v3 =	vmax.f32 v3, $0.0e+00;
	v36 =	vor.u32 v60, v8;
	v8 =	vcvt.s32.f32 v9  }
0x2d1: {  	v28 =	vmul.f32 $5.900000000e+01, v3;
	v9 =	vcvt.s32.f32 v11;
	v34 =	vadd.f32 v0, v10;
	v10 =	vld [tilespmem:s1+$0xFFFFFFA0]  }
0x2d2: {  	v11 =	vld [tilespmem:s1+$0xFFFFFFB0];
	v0 =	vcvt.s32.f32 v14;
	v14 =	vcvt.s32.f32 v15;
	v61 =	vsub.f32 v1, v8  }
0x2d3: {  	v1 =	vmax.f32 v23, $0.0e+00;
	v62 =	vsub.f32 v2, v9;
	v2 =	vcvt.s32.f32 v16  }
0x2d4: {  	v16 =	vmin.f32 v28, $5.899998860e+01;
	v0 =	vsub.f32 v7, v0;
	v7 =	vcvt.s32.f32 v13;
	v13 =	vld [tilespmem:s1+$0xFFFFFFC0]  }
0x2d5: {  	v21 =	vor.u32 v60, v21;
	v8 =	vld [tilespmem:s1+$0xFFFFFFD0];
	v24 =	vmul.f32 $5.900000000e+01, v1;
	v27 =	vtrunc.f32 v16  }
0x2d6: {  	v9 =	vld [tilespmem:s1+$0xFFFFFFE0];
	v38 =	vcvt.f32.s32 v27;
	v63 =	vsub.f32 v4, v7;
	v1 =	vmax.f32 v10, $0.0e+00  }
0x2d7: {  	v7 =	vmax.f32 v11, $0.0e+00;
	v11 =	vmin.f32 v24, $5.899998860e+01;
	v4 =	vmul.f32 $5.900000000e+01, v1  }
0x2d8: {  	v1 =	vsub.f32 v5, v14;
	v5 =	vmul.f32 $5.900000000e+01, v7;
	v7 =	vtrunc.f32 v11  }
0x2d9: {  	v20 =	vor.u32 v60, v20;
	v11 =	vmax.f32 v13, $0.0e+00;
	v13 =	vcvt.f32.s32 v7  }
0x2da: {  	v35 =	vor.u32 v60, v22;
	v10 =	vld [tilespmem:s1+$0xFFFFFFF0];
	v37 =	vcvt.s32.f32 v38;
	v8 =	vmax.f32 v8, $0.0e+00  }
0x2db: {  	v16 =	vld.idx.msk [tilespmem:v21+s16+$0x0], $0xffff;
	v12 =	vmax.f32 v9, $0.0e+00;
	v8 =	vmul.f32 $5.900000000e+01, v8;
	v9 =	vshll.u32 v13, $0x4  }
0x2dc: {  	v14 =	vmul.f32 $5.900000000e+01, v12;
	v12 =	vld.idx.msk [tilespmem:v19+s16+$0x0], $0xffff;
	v15 =	vmin.f32 v4, $5.899998860e+01;
	v23 =	vor.u32 v60, v9  }
0x2dd: {  	v2 =	vsub.f32 v6, v2;
	v7 =	vmul.f32 $5.900000000e+01, v11;
	v11 =	vld.idx.msk [tilespmem:v17+s16+$0x0], $0xffff;
	v25 =	vtrunc.f32 v15  }
0x2de: {  	v15 =	vld.idx.msk [tilespmem:v20+s16+$0x0], $0xffff;
	v26 =	vmin.f32 v8, $5.899998860e+01;
	v29 =	vmin.f32 v14, $5.899998860e+01;
	v13 =	vcvt.s32.f32 v13  }
0x2df: {  	v10 =	vmax.f32 v10, $0.0e+00;
	v9 =	vld.idx.msk [tilespmem:v18+s16+$0x0], $0xffff;
	v26 =	vtrunc.f32 v26;
	v29 =	vtrunc.f32 v29  }
0x2e0: {  	v22 =	vmin.f32 v7, $5.899998860e+01;
	v39 =	vcvt.f32.s32 v25;
	v25 =	vld.idx.msk [tilespmem:v18+s15+$0x0], $0xffff;
	v3 =	vmul.f32 $5.900000000e+01, v10  }
0x2e1: {  	v10 =	vmin.f32 v5, $5.899998860e+01;
	v30 =	vtrunc.f32 v22;
	v32 =	vcvt.f32.s32 v26;
	v45 =	vld.idx.msk [tilespmem:v23+s16+$0x0], $0xffff  }
0x2e2: {  	v13 =	vsub.f32 v24, v13;
	v33 =	vcvt.f32.s32 v29;
	v42 =	vcvt.f32.s32 v30;
	v30 =	vld.idx.msk [tilespmem:v17+s15+$0x0], $0xffff  }
0x2e3: {  	[tilespmem:s25+$0x0] =	vst v34;
	v10 =	vtrunc.f32 v10;
	v17 =	vshll.u32 v39, $0x4;
	v34 =	vcvt.s32.f32 v39;
	v41 =	vld.idx.msk [tilespmem:v23+s15+$0x0], $0xffff  }
0x2e4: {  	v22 =	vld.idx.msk [tilespmem:v35+s16+$0x0], $0xffff;
	v31 =	vmin.f32 v3, $5.899998860e+01;
	v40 =	vcvt.f32.s32 v10;
	v10 =	vshll.u32 v38, $0x4  }
0x2e5: {  	v27 =	vor.u32 v60, v17;
	v17 =	vld.idx.msk [tilespmem:v21+s15+$0x0], $0xffff;
	v6 =	vtrunc.f32 v31;
	v24 =	vshll.u32 v42, $0x4  }
0x2e6: {  	v21 =	vld.idx.msk [tilespmem:v36+s15+$0x0], $0xffff;
	v29 =	vor.u32 v60, v10;
	v31 =	vcvt.f32.s32 v6;
	v13 =	vmul.f32 v13, v45  }
0x2e7: {  	v18 =	vshll.u32 v40, $0x4;
	v6 =	vld.idx.msk [tilespmem:v19+s15+$0x0], $0xffff;
	v19 =	vshll.u32 v32, $0x4;
	v24 =	vor.u32 v60, v24  }
0x2e8: {  	v23 =	vld.idx.msk [tilespmem:v36+s16+$0x0], $0xffff;
	v36 =	vcvt.s32.f32 v40;
	v26 =	vor.u32 v60, v18;
	v41 =	vadd.f32 v13, v41  }
0x2e9: {  	s30 =	simm.s32 $0x8;
	s29 =	simm.s32 $0x8E70;
	v10 =	vld.idx.msk [tilespmem:v20+s15+$0x0], $0xffff;
	v20 =	vor.u32 v60, v19;
	v45 =	vshll.u32 v33, $0x4;
	v13 =	vshll.u32 v31, $0x4  }
0x2ea: {  	s2 =	simm.s32 $0x1270;
	s26 =	simm.s32 $0x8AF0;
	s28 =	simm.s32 $0xAF0;
	v19 =	vld.idx.msk [tilespmem:v35+s15+$0x0], $0xffff;
	v35 =	vcvt.s32.f32 v42;
	v18 =	vor.u32 v60, v45;
	v13 =	vor.u32 v60, v13;
	[tilespmem:s29+$0x0] =	vst v41  }
.LBB2_9:
0x2eb: {  	v38 =	vld [tilespmem:s2+$0x0];
	s30 =	sadd.s32 $0x8, s30;
	v28 =	vsub.f32 v28, v37;
	v32 =	vcvt.s32.f32 v32;
	v33 =	vcvt.s32.f32 v33  }
0x2ec: {  	v4 =	vsub.f32 v4, v34;
	v31 =	vcvt.s32.f32 v31;
	v37 =	vld [tilespmem:s2+$0xFFFFFFA0];
	p1 =	slt.u32 s30, $0x78;
	v5 =	vsub.f32 v5, v36  }
0x2ed: {  	v11 =	vmul.f32 v0, v11;
	v7 =	vsub.f32 v7, v35;
	v34 =	vld [tilespmem:s2+$0xFFFFFFB0];
	v8 =	vsub.f32 v8, v32;
	v0 =	vmovc v28  }
0x2ee: {  	v9 =	vmul.f32 v61, v9;
	v14 =	vsub.f32 v14, v33;
	v3 =	vsub.f32 v3, v31;
	v61 =	vmovc v4;
	v28 =	vld [tilespmem:s2+$0xFFFFFFC0]  }
0x2ef: {  	v4 =	vadd.f32 v11, v30;
	v32 =	vmul.f32 v62, v12;
	v33 =	vmul.f32 v59, v15;
	v62 =	vmovc v5;
	v31 =	vld [tilespmem:s2+$0xFFFFFFD0]  }
0x2f0: {  	v35 =	vmul.f32 v63, v16;
	v36 =	vmul.f32 v1, v22;
	v59 =	vmovc v7;
	v63 =	vmovc v8;
	v12 =	vld [tilespmem:s2+$0xFFFFFFE0];
	v5 =	vmax.f32 v38, $0.0e+00  }
0x2f1: {  	v1 =	vmovc v14;
	v38 =	vmul.f32 v2, v23;
	v2 =	vmovc v3;
	v7 =	vmax.f32 v37, $0.0e+00;
	v15 =	vld [tilespmem:s2+$0xFFFFFFF0];
	v37 =	vmul.f32 $5.900000000e+01, v5;
	[tilespmem:s25+$0xFFFFFF90] =	vst v4  }
0x2f2: {  	v8 =	vadd.f32 v9, v25;
	v3 =	vld [tilespmem:s2+$0xFFFFFF90];
	v4 =	vmul.f32 $5.900000000e+01, v7;
	v5 =	vmax.f32 v34, $0.0e+00  }
0x2f3: {  	v5 =	vmul.f32 $5.900000000e+01, v5;
	v7 =	vmax.f32 v28, $0.0e+00;
	v9 =	vmin.f32 v37, $5.899998860e+01;
	v11 =	vld.idx.msk [tilespmem:v29+s16+$0x0], $0xffff  }
0x2f4: {  	v7 =	vmul.f32 $5.900000000e+01, v7;
	v14 =	vmax.f32 v31, $0.0e+00;
	v16 =	vtrunc.f32 v9;
	v9 =	vld.idx.msk [tilespmem:v27+s16+$0x0], $0xffff;
	[tilespmem:s25+$0xFFFFFFA0] =	vst v8  }
0x2f5: {  	v8 =	vmul.f32 $5.900000000e+01, v14;
	v14 =	vmax.f32 v12, $0.0e+00;
	v31 =	vcvt.f32.s32 v16;
	v12 =	vld.idx.msk [tilespmem:v26+s16+$0x0], $0xffff  }
0x2f6: {  	v25 =	vmin.f32 v4, $5.899998860e+01;
	v14 =	vmul.f32 $5.900000000e+01, v14;
	v16 =	vmax.f32 v15, $0.0e+00;
	v15 =	vld.idx.msk [tilespmem:v24+s16+$0x0], $0xffff  }
0x2f7: {  	v22 =	vmax.f32 v3, $0.0e+00;
	v3 =	vmul.f32 $5.900000000e+01, v16;
	v23 =	vshll.u32 v31, $0x4;
	v16 =	vld.idx.msk [tilespmem:v20+s16+$0x0], $0xffff  }
0x2f8: {  	v34 =	vmin.f32 v5, $5.899998860e+01;
	v28 =	vmul.f32 $5.900000000e+01, v22;
	v39 =	vor.u32 v60, v23;
	v22 =	vld.idx.msk [tilespmem:v18+s16+$0x0], $0xffff  }
0x2f9: {  	v40 =	vmin.f32 v7, $5.899998860e+01;
	v41 =	vmin.f32 v8, $5.899998860e+01;
	v42 =	vmin.f32 v14, $5.899998860e+01;
	v23 =	vld.idx.msk [tilespmem:v13+s16+$0x0], $0xffff  }
0x2fa: {  	v44 =	vtrunc.f32 v25;
	v45 =	vmin.f32 v3, $5.899998860e+01;
	v43 =	vmin.f32 v28, $5.899998860e+01;
	v30 =	vld.idx.msk [tilespmem:v29+s15+$0x0], $0xffff  }
0x2fb: {  	v34 =	vtrunc.f32 v34;
	v29 =	vtrunc.f32 v43;
	v25 =	vld.idx.msk [tilespmem:v27+s15+$0x0], $0xffff;
	v27 =	vadd.f32 v32, v6  }
0x2fc: {  	v32 =	vtrunc.f32 v40;
	v40 =	vtrunc.f32 v41;
	v6 =	vld.idx.msk [tilespmem:v26+s15+$0x0], $0xffff;
	v26 =	vadd.f32 v33, v10  }
0x2fd: {  	v17 =	vadd.f32 v35, v17;
	v41 =	vtrunc.f32 v45;
	v33 =	vtrunc.f32 v42;
	v42 =	vld.idx.msk [tilespmem:v39+s16+$0x0], $0xffff;
	[tilespmem:s25+$0xFFFFFFB0] =	vst v27  }
0x2fe: {  	v19 =	vadd.f32 v36, v19;
	v43 =	vcvt.f32.s32 v44;
	v35 =	vcvt.f32.s32 v29;
	v10 =	vld.idx.msk [tilespmem:v24+s15+$0x0], $0xffff;
	[tilespmem:s25+$0xFFFFFFC0] =	vst v26  }
0x2ff: {  	v21 =	vadd.f32 v38, v21;
	v36 =	vcvt.f32.s32 v34;
	v24 =	vcvt.s32.f32 v31;
	v34 =	vld.idx.msk [tilespmem:v39+s15+$0x0], $0xffff;
	[tilespmem:s25+$0xFFFFFFD0] =	vst v17  }
0x300: {  	v38 =	vcvt.f32.s32 v32;
	v32 =	vcvt.f32.s32 v40;
	v26 =	vshll.u32 v35, $0x4;
	v17 =	vld.idx.msk [tilespmem:v20+s15+$0x0], $0xffff;
	[tilespmem:s25+$0xFFFFFFE0] =	vst v19  }
0x301: {  	v33 =	vcvt.f32.s32 v33;
	v31 =	vcvt.f32.s32 v41;
	v20 =	vsub.f32 v37, v24;
	v19 =	vld.idx.msk [tilespmem:v18+s15+$0x0], $0xffff;
	[tilespmem:s25+$0xFFFFFFF0] =	vst v21;
	s25 =	smov.u32 s29  }
0x302: {  	v24 =	vshll.u32 v36, $0x4;
	v37 =	vshll.u32 v38, $0x4;
	v18 =	vshll.u32 v43, $0x4;
	v21 =	vld.idx.msk [tilespmem:v13+s15+$0x0], $0xffff  }
0x303: {  	v39 =	vshll.u32 v33, $0x4;
	v13 =	vshll.u32 v32, $0x4;
	v20 =	vmul.f32 v20, v42  }
.Ltmp5:
0x304: {  	v29 =	vor.u32 v60, v26;
	v40 =	vshll.u32 v31, $0x4;
	v27 =	vor.u32 v60, v18;
	(pc) =	sbr.rel @p1 .LBB2_9-.Ltmp5, $4  }
0x305: {  	v26 =	vor.u32 v60, v24;
	v24 =	vor.u32 v60, v37;
	v41 =	vadd.f32 v20, v34  }
0x306: {  	s29 =	sadd.s32 $0x400, s29;
	v18 =	vor.u32 v60, v39;
	v20 =	vor.u32 v60, v13;
	v13 =	vor.u32 v60, v40  }
0x307: {  	v37 =	vcvt.s32.f32 v35;
	v34 =	vcvt.s32.f32 v43;
	[tilespmem:s29+$0x0] =	vst v41  }
0x308: {  	s2 =	sadd.s32 $0x400, s2;
	v36 =	vcvt.s32.f32 v36;
	v35 =	vcvt.s32.f32 v38  }
0x309: {  	_ =	sdelay $0x3  }
0x30a: {  	v38 =	vld.idx.msk [tilespmem:v29+s16+$0x0], $0xffff  }
0x30b: {  	v39 =	vld.idx.msk [tilespmem:v27+s16+$0x0], $0xffff  }
0x30c: {  	v32 =	vcvt.s32.f32 v32;
	v43 =	vld.idx.msk [tilespmem:v26+s16+$0x0], $0xffff  }
0x30d: {  	v28 =	vsub.f32 v28, v37;
	v0 =	vmul.f32 v0, v11;
	v11 =	vld.idx.msk [tilespmem:v24+s16+$0x0], $0xffff;
	v9 =	vmul.f32 v61, v9  }
0x30e: {  	v4 =	vsub.f32 v4, v34;
	v44 =	vld.idx.msk [tilespmem:v20+s16+$0x0], $0xffff;
	v12 =	vmul.f32 v62, v12;
	v15 =	vmul.f32 v59, v15  }
0x30f: {  	v16 =	vmul.f32 v63, v16;
	v1 =	vmul.f32 v1, v22;
	v0 =	vadd.f32 v0, v30;
	v30 =	vld.idx.msk [tilespmem:v18+s16+$0x0], $0xffff  }
0x310: {  	v2 =	vmul.f32 v2, v23;
	v5 =	vsub.f32 v5, v36;
	v9 =	vadd.f32 v9, v25;
	v25 =	vld.idx.msk [tilespmem:v13+s16+$0x0], $0xffff  }
0x311: {  	v33 =	vcvt.s32.f32 v33;
	v7 =	vsub.f32 v7, v35;
	v6 =	vadd.f32 v12, v6;
	[tilespmem:s25+$0xFFFFFF90] =	vst v0;
	v0 =	vld.idx.msk [tilespmem:v29+s15+$0x0], $0xffff  }
0x312: {  	v8 =	vsub.f32 v8, v32;
	v10 =	vadd.f32 v15, v10;
	[tilespmem:s25+$0xFFFFFFA0] =	vst v9;
	v9 =	vld.idx.msk [tilespmem:v27+s15+$0x0], $0xffff  }
0x313: {  	v14 =	vsub.f32 v14, v33;
	v12 =	vld.idx.msk [tilespmem:v26+s15+$0x0], $0xffff;
	[tilespmem:s25+$0xFFFFFFB0] =	vst v6;
	v6 =	vadd.f32 v16, v17  }
0x314: {  	v15 =	vld.idx.msk [tilespmem:v24+s15+$0x0], $0xffff;
	v1 =	vadd.f32 v1, v19;
	[tilespmem:s25+$0xFFFFFFC0] =	vst v10;
	v10 =	vmul.f32 v28, v38  }
0x315: {  	v2 =	vadd.f32 v2, v21;
	v4 =	vmul.f32 v4, v39;
	[tilespmem:s25+$0xFFFFFFD0] =	vst v6;
	v6 =	vld.idx.msk [tilespmem:v20+s15+$0x0], $0xffff  }
0x316: {  	v16 =	vcvt.s32.f32 v31;
	[tilespmem:s25+$0xFFFFFFE0] =	vst v1;
	v1 =	vld.idx.msk [tilespmem:v18+s15+$0x0], $0xffff;
	v5 =	vmul.f32 v5, v43;
	v0 =	vadd.f32 v10, v0  }
0x317: {  	[tilespmem:s25+$0xFFFFFFF0] =	vst v2;
	v2 =	vld.idx.msk [tilespmem:v13+s15+$0x0], $0xffff;
	v7 =	vmul.f32 v7, v11;
	v4 =	vadd.f32 v4, v9  }
0x318: {  	v8 =	vmul.f32 v8, v44;
	v3 =	vsub.f32 v3, v16;
	[tilespmem:s29+$0xFFFFFF90] =	vst v0;
	v0 =	vadd.f32 v5, v12  }
0x319: {  	v5 =	vmul.f32 v14, v30;
	[tilespmem:s29+$0xFFFFFFA0] =	vst v4;
	v4 =	vadd.f32 v7, v15  }
0x31a: {  	v3 =	vmul.f32 v3, v25;
	[tilespmem:s29+$0xFFFFFFB0] =	vst v0;
	v0 =	vadd.f32 v8, v6  }
0x31b: {  	[tilespmem:s29+$0xFFFFFFC0] =	vst v4;
	v1 =	vadd.f32 v5, v1  }
0x31c: {  	[tilespmem:s29+$0xFFFFFFD0] =	vst v0;
	v0 =	vadd.f32 v3, v2  }
0x31d: {  	[tilespmem:s29+$0xFFFFFFE0] =	vst v1  }
0x31e: {  	[tilespmem:s29+$0xFFFFFFF0] =	vst v0  }
0x31f: {  	v0 =	vld [tilespmem:s28+$0x0]  }
0x320: {  	v1 =	vld [tilespmem:s28+$0xFFFFFFA0]  }
0x321: {  	v2 =	vld [tilespmem:s28+$0xFFFFFFB0]  }
0x322: {  	v3 =	vld [tilespmem:s28+$0xFFFFFFC0]  }
0x323: {  	v4 =	vld [tilespmem:s28+$0xFFFFFFD0]  }
0x324: {  	v5 =	vld [tilespmem:s28+$0xFFFFFFE0];
	_ =	sdelay $0x1  }
0x325: {  	v6 =	vld [tilespmem:s28+$0xFFFFFFF0]  }
0x326: {  	v7 =	vld [tilespmem:s28+$0xFFFFFF90];
	v0 =	vmax.f32 v0, $0.0e+00;
	v1 =	vmax.f32 v1, $0.0e+00  }
0x327: {  	v2 =	vmax.f32 v2, $0.0e+00;
	v3 =	vmax.f32 v3, $0.0e+00;
	v0 =	vmul.f32 $5.900000000e+01, v0  }
0x328: {  	v4 =	vmax.f32 v4, $0.0e+00;
	v5 =	vmax.f32 v5, $0.0e+00;
	v1 =	vmul.f32 $5.900000000e+01, v1  }
0x329: {  	v2 =	vmul.f32 $5.900000000e+01, v2;
	v3 =	vmul.f32 $5.900000000e+01, v3;
	v8 =	vmin.f32 v0, $5.899998860e+01  }
0x32a: {  	v6 =	vmax.f32 v6, $0.0e+00;
	v4 =	vmul.f32 $5.900000000e+01, v4;
	v8 =	vtrunc.f32 v8  }
0x32b: {  	v7 =	vmax.f32 v7, $0.0e+00;
	v5 =	vmul.f32 $5.900000000e+01, v5;
	v8 =	vcvt.f32.s32 v8  }
0x32c: {  	v6 =	vmul.f32 $5.900000000e+01, v6;
	v7 =	vmul.f32 $5.900000000e+01, v7;
	v9 =	vmin.f32 v1, $5.899998860e+01  }
0x32d: {  	v11 =	vmin.f32 v2, $5.899998860e+01;
	v12 =	vmin.f32 v3, $5.899998860e+01;
	v10 =	vshll.u32 v8, $0x4  }
0x32e: {  	v14 =	vmin.f32 v7, $5.899998860e+01;
	v9 =	vtrunc.f32 v9;
	v10 =	vor.u32 v60, v10  }
0x32f: {  	v13 =	vmin.f32 v4, $5.899998860e+01;
	v14 =	vtrunc.f32 v14;
	v11 =	vtrunc.f32 v11  }
0x330: {  	v15 =	vmin.f32 v5, $5.899998860e+01;
	v12 =	vtrunc.f32 v12;
	v13 =	vtrunc.f32 v13  }
0x331: {  	v16 =	vmin.f32 v6, $5.899998860e+01;
	v15 =	vtrunc.f32 v15;
	v12 =	vcvt.f32.s32 v12  }
0x332: {  	v16 =	vtrunc.f32 v16;
	v14 =	vcvt.f32.s32 v14  }
0x333: {  	v9 =	vcvt.f32.s32 v9;
	v20 =	vshll.u32 v12, $0x4;
	v12 =	vcvt.s32.f32 v12;
	v17 =	vld.idx.msk [tilespmem:v10+s16+$0x0], $0xffff  }
0x334: {  	s1 =	simm.s32 $0xEF0;
	v11 =	vcvt.f32.s32 v11;
	v8 =	vcvt.s32.f32 v8  }
0x335: {  	v13 =	vcvt.f32.s32 v13;
	v15 =	vcvt.f32.s32 v15;
	v59 =	vsub.f32 v3, v12;
	v3 =	vld [tilespmem:s1+$0xFFFFFF90]  }
0x336: {  	v16 =	vcvt.f32.s32 v16;
	v18 =	vshll.u32 v14, $0x4;
	v0 =	vsub.f32 v0, v8;
	v10 =	vld.idx.msk [tilespmem:v10+s15+$0x0], $0xffff  }
0x337: {  	v19 =	vshll.u32 v11, $0x4;
	v21 =	vshll.u32 v13, $0x4;
	v22 =	vshll.u32 v15, $0x4  }
0x338: {  	v23 =	vld [tilespmem:s1+$0x0];
	v19 =	vor.u32 v60, v19;
	v8 =	vshll.u32 v9, $0x4;
	v0 =	vmul.f32 v0, v17  }
0x339: {  	v17 =	vor.u32 v60, v18;
	v18 =	vor.u32 v60, v8;
	v8 =	vshll.u32 v16, $0x4  }
0x33a: {  	v3 =	vmax.f32 v3, $0.0e+00;
	v36 =	vor.u32 v60, v8;
	v8 =	vcvt.s32.f32 v9  }
0x33b: {  	v28 =	vmul.f32 $5.900000000e+01, v3;
	v9 =	vcvt.s32.f32 v11;
	v34 =	vadd.f32 v0, v10;
	v10 =	vld [tilespmem:s1+$0xFFFFFFA0]  }
0x33c: {  	v11 =	vld [tilespmem:s1+$0xFFFFFFB0];
	v0 =	vcvt.s32.f32 v14;
	v14 =	vcvt.s32.f32 v15;
	v61 =	vsub.f32 v1, v8  }
0x33d: {  	v1 =	vmax.f32 v23, $0.0e+00;
	v62 =	vsub.f32 v2, v9;
	v2 =	vcvt.s32.f32 v16  }
0x33e: {  	v16 =	vmin.f32 v28, $5.899998860e+01;
	v0 =	vsub.f32 v7, v0;
	v7 =	vcvt.s32.f32 v13;
	v13 =	vld [tilespmem:s1+$0xFFFFFFC0]  }
0x33f: {  	v21 =	vor.u32 v60, v21;
	v8 =	vld [tilespmem:s1+$0xFFFFFFD0];
	v24 =	vmul.f32 $5.900000000e+01, v1;
	v27 =	vtrunc.f32 v16  }
0x340: {  	v9 =	vld [tilespmem:s1+$0xFFFFFFE0];
	v38 =	vcvt.f32.s32 v27;
	v63 =	vsub.f32 v4, v7;
	v1 =	vmax.f32 v10, $0.0e+00  }
0x341: {  	v7 =	vmax.f32 v11, $0.0e+00;
	v11 =	vmin.f32 v24, $5.899998860e+01;
	v4 =	vmul.f32 $5.900000000e+01, v1  }
0x342: {  	v1 =	vsub.f32 v5, v14;
	v5 =	vmul.f32 $5.900000000e+01, v7;
	v7 =	vtrunc.f32 v11  }
0x343: {  	v20 =	vor.u32 v60, v20;
	v11 =	vmax.f32 v13, $0.0e+00;
	v13 =	vcvt.f32.s32 v7  }
0x344: {  	v35 =	vor.u32 v60, v22;
	v10 =	vld [tilespmem:s1+$0xFFFFFFF0];
	v37 =	vcvt.s32.f32 v38;
	v8 =	vmax.f32 v8, $0.0e+00  }
0x345: {  	v16 =	vld.idx.msk [tilespmem:v21+s16+$0x0], $0xffff;
	v12 =	vmax.f32 v9, $0.0e+00;
	v8 =	vmul.f32 $5.900000000e+01, v8;
	v9 =	vshll.u32 v13, $0x4  }
0x346: {  	v14 =	vmul.f32 $5.900000000e+01, v12;
	v12 =	vld.idx.msk [tilespmem:v19+s16+$0x0], $0xffff;
	v15 =	vmin.f32 v4, $5.899998860e+01;
	v23 =	vor.u32 v60, v9  }
0x347: {  	v2 =	vsub.f32 v6, v2;
	v7 =	vmul.f32 $5.900000000e+01, v11;
	v11 =	vld.idx.msk [tilespmem:v17+s16+$0x0], $0xffff;
	v25 =	vtrunc.f32 v15  }
0x348: {  	v15 =	vld.idx.msk [tilespmem:v20+s16+$0x0], $0xffff;
	v26 =	vmin.f32 v8, $5.899998860e+01;
	v29 =	vmin.f32 v14, $5.899998860e+01;
	v13 =	vcvt.s32.f32 v13  }
0x349: {  	v10 =	vmax.f32 v10, $0.0e+00;
	v9 =	vld.idx.msk [tilespmem:v18+s16+$0x0], $0xffff;
	v26 =	vtrunc.f32 v26;
	v29 =	vtrunc.f32 v29  }
0x34a: {  	v22 =	vmin.f32 v7, $5.899998860e+01;
	v39 =	vcvt.f32.s32 v25;
	v25 =	vld.idx.msk [tilespmem:v18+s15+$0x0], $0xffff;
	v3 =	vmul.f32 $5.900000000e+01, v10  }
0x34b: {  	v10 =	vmin.f32 v5, $5.899998860e+01;
	v30 =	vtrunc.f32 v22;
	v32 =	vcvt.f32.s32 v26;
	v45 =	vld.idx.msk [tilespmem:v23+s16+$0x0], $0xffff  }
0x34c: {  	v13 =	vsub.f32 v24, v13;
	v33 =	vcvt.f32.s32 v29;
	v42 =	vcvt.f32.s32 v30;
	v30 =	vld.idx.msk [tilespmem:v17+s15+$0x0], $0xffff  }
0x34d: {  	[tilespmem:s26+$0x0] =	vst v34;
	v10 =	vtrunc.f32 v10;
	v17 =	vshll.u32 v39, $0x4;
	v34 =	vcvt.s32.f32 v39;
	v41 =	vld.idx.msk [tilespmem:v23+s15+$0x0], $0xffff  }
0x34e: {  	v22 =	vld.idx.msk [tilespmem:v35+s16+$0x0], $0xffff;
	v31 =	vmin.f32 v3, $5.899998860e+01;
	v40 =	vcvt.f32.s32 v10;
	v10 =	vshll.u32 v38, $0x4  }
0x34f: {  	v27 =	vor.u32 v60, v17;
	v17 =	vld.idx.msk [tilespmem:v21+s15+$0x0], $0xffff;
	v6 =	vtrunc.f32 v31;
	v24 =	vshll.u32 v42, $0x4  }
0x350: {  	v21 =	vld.idx.msk [tilespmem:v36+s15+$0x0], $0xffff;
	v29 =	vor.u32 v60, v10;
	v31 =	vcvt.f32.s32 v6;
	v13 =	vmul.f32 v13, v45  }
0x351: {  	v18 =	vshll.u32 v40, $0x4;
	v6 =	vld.idx.msk [tilespmem:v19+s15+$0x0], $0xffff;
	v19 =	vshll.u32 v32, $0x4;
	v24 =	vor.u32 v60, v24  }
0x352: {  	v23 =	vld.idx.msk [tilespmem:v36+s16+$0x0], $0xffff;
	v36 =	vcvt.s32.f32 v40;
	v26 =	vor.u32 v60, v18;
	v41 =	vadd.f32 v13, v41  }
0x353: {  	s30 =	simm.s32 $0x8;
	s29 =	simm.s32 $0x8EF0;
	v10 =	vld.idx.msk [tilespmem:v20+s15+$0x0], $0xffff;
	v20 =	vor.u32 v60, v19;
	v45 =	vshll.u32 v33, $0x4;
	v13 =	vshll.u32 v31, $0x4  }
0x354: {  	s2 =	simm.s32 $0x12F0;
	s25 =	simm.s32 $0x8B70;
	s28 =	simm.s32 $0xB70;
	v19 =	vld.idx.msk [tilespmem:v35+s15+$0x0], $0xffff;
	v35 =	vcvt.s32.f32 v42;
	v18 =	vor.u32 v60, v45;
	v13 =	vor.u32 v60, v13;
	[tilespmem:s29+$0x0] =	vst v41  }
.LBB2_11:
0x355: {  	v38 =	vld [tilespmem:s2+$0x0];
	s30 =	sadd.s32 $0x8, s30;
	v28 =	vsub.f32 v28, v37;
	v32 =	vcvt.s32.f32 v32;
	v33 =	vcvt.s32.f32 v33  }
0x356: {  	v4 =	vsub.f32 v4, v34;
	v31 =	vcvt.s32.f32 v31;
	v37 =	vld [tilespmem:s2+$0xFFFFFFA0];
	p1 =	slt.u32 s30, $0x78;
	v5 =	vsub.f32 v5, v36  }
0x357: {  	v11 =	vmul.f32 v0, v11;
	v7 =	vsub.f32 v7, v35;
	v34 =	vld [tilespmem:s2+$0xFFFFFFB0];
	v8 =	vsub.f32 v8, v32;
	v0 =	vmovc v28  }
0x358: {  	v9 =	vmul.f32 v61, v9;
	v14 =	vsub.f32 v14, v33;
	v3 =	vsub.f32 v3, v31;
	v61 =	vmovc v4;
	v28 =	vld [tilespmem:s2+$0xFFFFFFC0]  }
0x359: {  	v4 =	vadd.f32 v11, v30;
	v32 =	vmul.f32 v62, v12;
	v33 =	vmul.f32 v59, v15;
	v62 =	vmovc v5;
	v31 =	vld [tilespmem:s2+$0xFFFFFFD0]  }
0x35a: {  	v35 =	vmul.f32 v63, v16;
	v36 =	vmul.f32 v1, v22;
	v59 =	vmovc v7;
	v63 =	vmovc v8;
	v12 =	vld [tilespmem:s2+$0xFFFFFFE0];
	v5 =	vmax.f32 v38, $0.0e+00  }
0x35b: {  	v1 =	vmovc v14;
	v38 =	vmul.f32 v2, v23;
	v2 =	vmovc v3;
	v7 =	vmax.f32 v37, $0.0e+00;
	v15 =	vld [tilespmem:s2+$0xFFFFFFF0];
	v37 =	vmul.f32 $5.900000000e+01, v5;
	[tilespmem:s26+$0xFFFFFF90] =	vst v4  }
0x35c: {  	v8 =	vadd.f32 v9, v25;
	v3 =	vld [tilespmem:s2+$0xFFFFFF90];
	v4 =	vmul.f32 $5.900000000e+01, v7;
	v5 =	vmax.f32 v34, $0.0e+00  }
0x35d: {  	v5 =	vmul.f32 $5.900000000e+01, v5;
	v7 =	vmax.f32 v28, $0.0e+00;
	v9 =	vmin.f32 v37, $5.899998860e+01;
	v11 =	vld.idx.msk [tilespmem:v29+s16+$0x0], $0xffff  }
0x35e: {  	v7 =	vmul.f32 $5.900000000e+01, v7;
	v14 =	vmax.f32 v31, $0.0e+00;
	v16 =	vtrunc.f32 v9;
	v9 =	vld.idx.msk [tilespmem:v27+s16+$0x0], $0xffff;
	[tilespmem:s26+$0xFFFFFFA0] =	vst v8  }
0x35f: {  	v8 =	vmul.f32 $5.900000000e+01, v14;
	v14 =	vmax.f32 v12, $0.0e+00;
	v31 =	vcvt.f32.s32 v16;
	v12 =	vld.idx.msk [tilespmem:v26+s16+$0x0], $0xffff  }
0x360: {  	v25 =	vmin.f32 v4, $5.899998860e+01;
	v14 =	vmul.f32 $5.900000000e+01, v14;
	v16 =	vmax.f32 v15, $0.0e+00;
	v15 =	vld.idx.msk [tilespmem:v24+s16+$0x0], $0xffff  }
0x361: {  	v22 =	vmax.f32 v3, $0.0e+00;
	v3 =	vmul.f32 $5.900000000e+01, v16;
	v23 =	vshll.u32 v31, $0x4;
	v16 =	vld.idx.msk [tilespmem:v20+s16+$0x0], $0xffff  }
0x362: {  	v34 =	vmin.f32 v5, $5.899998860e+01;
	v28 =	vmul.f32 $5.900000000e+01, v22;
	v39 =	vor.u32 v60, v23;
	v22 =	vld.idx.msk [tilespmem:v18+s16+$0x0], $0xffff  }
0x363: {  	v40 =	vmin.f32 v7, $5.899998860e+01;
	v41 =	vmin.f32 v8, $5.899998860e+01;
	v42 =	vmin.f32 v14, $5.899998860e+01;
	v23 =	vld.idx.msk [tilespmem:v13+s16+$0x0], $0xffff  }
0x364: {  	v44 =	vtrunc.f32 v25;
	v45 =	vmin.f32 v3, $5.899998860e+01;
	v43 =	vmin.f32 v28, $5.899998860e+01;
	v30 =	vld.idx.msk [tilespmem:v29+s15+$0x0], $0xffff  }
0x365: {  	v34 =	vtrunc.f32 v34;
	v29 =	vtrunc.f32 v43;
	v25 =	vld.idx.msk [tilespmem:v27+s15+$0x0], $0xffff;
	v27 =	vadd.f32 v32, v6  }
0x366: {  	v32 =	vtrunc.f32 v40;
	v40 =	vtrunc.f32 v41;
	v6 =	vld.idx.msk [tilespmem:v26+s15+$0x0], $0xffff;
	v26 =	vadd.f32 v33, v10  }
0x367: {  	v17 =	vadd.f32 v35, v17;
	v41 =	vtrunc.f32 v45;
	v33 =	vtrunc.f32 v42;
	v42 =	vld.idx.msk [tilespmem:v39+s16+$0x0], $0xffff;
	[tilespmem:s26+$0xFFFFFFB0] =	vst v27  }
0x368: {  	v19 =	vadd.f32 v36, v19;
	v43 =	vcvt.f32.s32 v44;
	v35 =	vcvt.f32.s32 v29;
	v10 =	vld.idx.msk [tilespmem:v24+s15+$0x0], $0xffff;
	[tilespmem:s26+$0xFFFFFFC0] =	vst v26  }
0x369: {  	v21 =	vadd.f32 v38, v21;
	v36 =	vcvt.f32.s32 v34;
	v24 =	vcvt.s32.f32 v31;
	v34 =	vld.idx.msk [tilespmem:v39+s15+$0x0], $0xffff;
	[tilespmem:s26+$0xFFFFFFD0] =	vst v17  }
0x36a: {  	v38 =	vcvt.f32.s32 v32;
	v32 =	vcvt.f32.s32 v40;
	v26 =	vshll.u32 v35, $0x4;
	v17 =	vld.idx.msk [tilespmem:v20+s15+$0x0], $0xffff;
	[tilespmem:s26+$0xFFFFFFE0] =	vst v19  }
0x36b: {  	v33 =	vcvt.f32.s32 v33;
	v31 =	vcvt.f32.s32 v41;
	v20 =	vsub.f32 v37, v24;
	v19 =	vld.idx.msk [tilespmem:v18+s15+$0x0], $0xffff;
	[tilespmem:s26+$0xFFFFFFF0] =	vst v21;
	s26 =	smov.u32 s29  }
0x36c: {  	v24 =	vshll.u32 v36, $0x4;
	v37 =	vshll.u32 v38, $0x4;
	v18 =	vshll.u32 v43, $0x4;
	v21 =	vld.idx.msk [tilespmem:v13+s15+$0x0], $0xffff  }
0x36d: {  	v39 =	vshll.u32 v33, $0x4;
	v13 =	vshll.u32 v32, $0x4;
	v20 =	vmul.f32 v20, v42  }
.Ltmp6:
0x36e: {  	v29 =	vor.u32 v60, v26;
	v40 =	vshll.u32 v31, $0x4;
	v27 =	vor.u32 v60, v18;
	(pc) =	sbr.rel @p1 .LBB2_11-.Ltmp6, $4  }
0x36f: {  	v26 =	vor.u32 v60, v24;
	v24 =	vor.u32 v60, v37;
	v41 =	vadd.f32 v20, v34  }
0x370: {  	s29 =	sadd.s32 $0x400, s29;
	v18 =	vor.u32 v60, v39;
	v20 =	vor.u32 v60, v13;
	v13 =	vor.u32 v60, v40  }
0x371: {  	v37 =	vcvt.s32.f32 v35;
	v34 =	vcvt.s32.f32 v43;
	[tilespmem:s29+$0x0] =	vst v41  }
0x372: {  	s2 =	sadd.s32 $0x400, s2;
	v36 =	vcvt.s32.f32 v36;
	v35 =	vcvt.s32.f32 v38  }
0x373: {  	_ =	sdelay $0x3  }
0x374: {  	v38 =	vld.idx.msk [tilespmem:v29+s16+$0x0], $0xffff  }
0x375: {  	v39 =	vld.idx.msk [tilespmem:v27+s16+$0x0], $0xffff  }
0x376: {  	v32 =	vcvt.s32.f32 v32;
	v43 =	vld.idx.msk [tilespmem:v26+s16+$0x0], $0xffff  }
0x377: {  	v28 =	vsub.f32 v28, v37;
	v0 =	vmul.f32 v0, v11;
	v11 =	vld.idx.msk [tilespmem:v24+s16+$0x0], $0xffff;
	v9 =	vmul.f32 v61, v9  }
0x378: {  	v4 =	vsub.f32 v4, v34;
	v44 =	vld.idx.msk [tilespmem:v20+s16+$0x0], $0xffff;
	v12 =	vmul.f32 v62, v12;
	v15 =	vmul.f32 v59, v15  }
0x379: {  	v16 =	vmul.f32 v63, v16;
	v1 =	vmul.f32 v1, v22;
	v0 =	vadd.f32 v0, v30;
	v30 =	vld.idx.msk [tilespmem:v18+s16+$0x0], $0xffff  }
0x37a: {  	v2 =	vmul.f32 v2, v23;
	v5 =	vsub.f32 v5, v36;
	v9 =	vadd.f32 v9, v25;
	v25 =	vld.idx.msk [tilespmem:v13+s16+$0x0], $0xffff  }
0x37b: {  	v33 =	vcvt.s32.f32 v33;
	v7 =	vsub.f32 v7, v35;
	v6 =	vadd.f32 v12, v6;
	[tilespmem:s26+$0xFFFFFF90] =	vst v0;
	v0 =	vld.idx.msk [tilespmem:v29+s15+$0x0], $0xffff  }
0x37c: {  	v8 =	vsub.f32 v8, v32;
	v10 =	vadd.f32 v15, v10;
	[tilespmem:s26+$0xFFFFFFA0] =	vst v9;
	v9 =	vld.idx.msk [tilespmem:v27+s15+$0x0], $0xffff  }
0x37d: {  	v14 =	vsub.f32 v14, v33;
	v12 =	vld.idx.msk [tilespmem:v26+s15+$0x0], $0xffff;
	[tilespmem:s26+$0xFFFFFFB0] =	vst v6;
	v6 =	vadd.f32 v16, v17  }
0x37e: {  	v15 =	vld.idx.msk [tilespmem:v24+s15+$0x0], $0xffff;
	v1 =	vadd.f32 v1, v19;
	[tilespmem:s26+$0xFFFFFFC0] =	vst v10;
	v10 =	vmul.f32 v28, v38  }
0x37f: {  	v2 =	vadd.f32 v2, v21;
	v4 =	vmul.f32 v4, v39;
	[tilespmem:s26+$0xFFFFFFD0] =	vst v6;
	v6 =	vld.idx.msk [tilespmem:v20+s15+$0x0], $0xffff  }
0x380: {  	v16 =	vcvt.s32.f32 v31;
	[tilespmem:s26+$0xFFFFFFE0] =	vst v1;
	v1 =	vld.idx.msk [tilespmem:v18+s15+$0x0], $0xffff;
	v5 =	vmul.f32 v5, v43;
	v0 =	vadd.f32 v10, v0  }
0x381: {  	[tilespmem:s26+$0xFFFFFFF0] =	vst v2;
	v2 =	vld.idx.msk [tilespmem:v13+s15+$0x0], $0xffff;
	v7 =	vmul.f32 v7, v11;
	v4 =	vadd.f32 v4, v9  }
0x382: {  	v8 =	vmul.f32 v8, v44;
	v3 =	vsub.f32 v3, v16;
	[tilespmem:s29+$0xFFFFFF90] =	vst v0;
	v0 =	vadd.f32 v5, v12  }
0x383: {  	v5 =	vmul.f32 v14, v30;
	[tilespmem:s29+$0xFFFFFFA0] =	vst v4;
	v4 =	vadd.f32 v7, v15  }
0x384: {  	v3 =	vmul.f32 v3, v25;
	[tilespmem:s29+$0xFFFFFFB0] =	vst v0;
	v0 =	vadd.f32 v8, v6  }
0x385: {  	[tilespmem:s29+$0xFFFFFFC0] =	vst v4;
	v1 =	vadd.f32 v5, v1  }
0x386: {  	[tilespmem:s29+$0xFFFFFFD0] =	vst v0;
	v0 =	vadd.f32 v3, v2  }
0x387: {  	[tilespmem:s29+$0xFFFFFFE0] =	vst v1  }
0x388: {  	[tilespmem:s29+$0xFFFFFFF0] =	vst v0  }
0x389: {  	v0 =	vld [tilespmem:s28+$0x0]  }
0x38a: {  	v1 =	vld [tilespmem:s28+$0xFFFFFFA0]  }
0x38b: {  	v2 =	vld [tilespmem:s28+$0xFFFFFFB0]  }
0x38c: {  	v3 =	vld [tilespmem:s28+$0xFFFFFFC0]  }
0x38d: {  	v4 =	vld [tilespmem:s28+$0xFFFFFFD0]  }
0x38e: {  	v5 =	vld [tilespmem:s28+$0xFFFFFFE0];
	_ =	sdelay $0x1  }
0x38f: {  	v6 =	vld [tilespmem:s28+$0xFFFFFFF0]  }
0x390: {  	v7 =	vld [tilespmem:s28+$0xFFFFFF90];
	v0 =	vmax.f32 v0, $0.0e+00;
	v1 =	vmax.f32 v1, $0.0e+00  }
0x391: {  	v2 =	vmax.f32 v2, $0.0e+00;
	v3 =	vmax.f32 v3, $0.0e+00;
	v0 =	vmul.f32 $5.900000000e+01, v0  }
0x392: {  	v4 =	vmax.f32 v4, $0.0e+00;
	v5 =	vmax.f32 v5, $0.0e+00;
	v1 =	vmul.f32 $5.900000000e+01, v1  }
0x393: {  	v2 =	vmul.f32 $5.900000000e+01, v2;
	v3 =	vmul.f32 $5.900000000e+01, v3;
	v8 =	vmin.f32 v0, $5.899998860e+01  }
0x394: {  	v6 =	vmax.f32 v6, $0.0e+00;
	v4 =	vmul.f32 $5.900000000e+01, v4;
	v8 =	vtrunc.f32 v8  }
0x395: {  	v7 =	vmax.f32 v7, $0.0e+00;
	v5 =	vmul.f32 $5.900000000e+01, v5;
	v8 =	vcvt.f32.s32 v8  }
0x396: {  	v6 =	vmul.f32 $5.900000000e+01, v6;
	v7 =	vmul.f32 $5.900000000e+01, v7;
	v9 =	vmin.f32 v1, $5.899998860e+01  }
0x397: {  	v11 =	vmin.f32 v2, $5.899998860e+01;
	v12 =	vmin.f32 v3, $5.899998860e+01;
	v10 =	vshll.u32 v8, $0x4  }
0x398: {  	v14 =	vmin.f32 v7, $5.899998860e+01;
	v9 =	vtrunc.f32 v9;
	v10 =	vor.u32 v60, v10  }
0x399: {  	v13 =	vmin.f32 v4, $5.899998860e+01;
	v14 =	vtrunc.f32 v14;
	v11 =	vtrunc.f32 v11  }
0x39a: {  	v15 =	vmin.f32 v5, $5.899998860e+01;
	v12 =	vtrunc.f32 v12;
	v13 =	vtrunc.f32 v13  }
0x39b: {  	v16 =	vmin.f32 v6, $5.899998860e+01;
	v15 =	vtrunc.f32 v15;
	v12 =	vcvt.f32.s32 v12  }
0x39c: {  	v16 =	vtrunc.f32 v16;
	v14 =	vcvt.f32.s32 v14  }
0x39d: {  	v9 =	vcvt.f32.s32 v9;
	v20 =	vshll.u32 v12, $0x4;
	v12 =	vcvt.s32.f32 v12;
	v17 =	vld.idx.msk [tilespmem:v10+s16+$0x0], $0xffff  }
0x39e: {  	s1 =	simm.s32 $0xF70;
	v11 =	vcvt.f32.s32 v11;
	v8 =	vcvt.s32.f32 v8  }
0x39f: {  	v13 =	vcvt.f32.s32 v13;
	v15 =	vcvt.f32.s32 v15;
	v59 =	vsub.f32 v3, v12;
	v3 =	vld [tilespmem:s1+$0xFFFFFF90]  }
0x3a0: {  	v16 =	vcvt.f32.s32 v16;
	v18 =	vshll.u32 v14, $0x4;
	v0 =	vsub.f32 v0, v8;
	v10 =	vld.idx.msk [tilespmem:v10+s15+$0x0], $0xffff  }
0x3a1: {  	v19 =	vshll.u32 v11, $0x4;
	v21 =	vshll.u32 v13, $0x4;
	v22 =	vshll.u32 v15, $0x4  }
0x3a2: {  	v23 =	vld [tilespmem:s1+$0x0];
	v19 =	vor.u32 v60, v19;
	v8 =	vshll.u32 v9, $0x4;
	v0 =	vmul.f32 v0, v17  }
0x3a3: {  	v17 =	vor.u32 v60, v18;
	v18 =	vor.u32 v60, v8;
	v8 =	vshll.u32 v16, $0x4  }
0x3a4: {  	v3 =	vmax.f32 v3, $0.0e+00;
	v36 =	vor.u32 v60, v8;
	v8 =	vcvt.s32.f32 v9  }
0x3a5: {  	v28 =	vmul.f32 $5.900000000e+01, v3;
	v9 =	vcvt.s32.f32 v11;
	v34 =	vadd.f32 v0, v10;
	v10 =	vld [tilespmem:s1+$0xFFFFFFA0]  }
0x3a6: {  	v11 =	vld [tilespmem:s1+$0xFFFFFFB0];
	v0 =	vcvt.s32.f32 v14;
	v14 =	vcvt.s32.f32 v15;
	v61 =	vsub.f32 v1, v8  }
0x3a7: {  	v1 =	vmax.f32 v23, $0.0e+00;
	v62 =	vsub.f32 v2, v9;
	v2 =	vcvt.s32.f32 v16  }
0x3a8: {  	v16 =	vmin.f32 v28, $5.899998860e+01;
	v0 =	vsub.f32 v7, v0;
	v7 =	vcvt.s32.f32 v13;
	v13 =	vld [tilespmem:s1+$0xFFFFFFC0]  }
0x3a9: {  	v21 =	vor.u32 v60, v21;
	v8 =	vld [tilespmem:s1+$0xFFFFFFD0];
	v24 =	vmul.f32 $5.900000000e+01, v1;
	v27 =	vtrunc.f32 v16  }
0x3aa: {  	v9 =	vld [tilespmem:s1+$0xFFFFFFE0];
	v38 =	vcvt.f32.s32 v27;
	v63 =	vsub.f32 v4, v7;
	v1 =	vmax.f32 v10, $0.0e+00  }
0x3ab: {  	v7 =	vmax.f32 v11, $0.0e+00;
	v11 =	vmin.f32 v24, $5.899998860e+01;
	v4 =	vmul.f32 $5.900000000e+01, v1  }
0x3ac: {  	v1 =	vsub.f32 v5, v14;
	v5 =	vmul.f32 $5.900000000e+01, v7;
	v7 =	vtrunc.f32 v11  }
0x3ad: {  	v20 =	vor.u32 v60, v20;
	v11 =	vmax.f32 v13, $0.0e+00;
	v13 =	vcvt.f32.s32 v7  }
0x3ae: {  	v35 =	vor.u32 v60, v22;
	v10 =	vld [tilespmem:s1+$0xFFFFFFF0];
	v37 =	vcvt.s32.f32 v38;
	v8 =	vmax.f32 v8, $0.0e+00  }
0x3af: {  	v16 =	vld.idx.msk [tilespmem:v21+s16+$0x0], $0xffff;
	v12 =	vmax.f32 v9, $0.0e+00;
	v8 =	vmul.f32 $5.900000000e+01, v8;
	v9 =	vshll.u32 v13, $0x4  }
0x3b0: {  	v14 =	vmul.f32 $5.900000000e+01, v12;
	v12 =	vld.idx.msk [tilespmem:v19+s16+$0x0], $0xffff;
	v15 =	vmin.f32 v4, $5.899998860e+01;
	v23 =	vor.u32 v60, v9  }
0x3b1: {  	v2 =	vsub.f32 v6, v2;
	v7 =	vmul.f32 $5.900000000e+01, v11;
	v11 =	vld.idx.msk [tilespmem:v17+s16+$0x0], $0xffff;
	v25 =	vtrunc.f32 v15  }
0x3b2: {  	v15 =	vld.idx.msk [tilespmem:v20+s16+$0x0], $0xffff;
	v26 =	vmin.f32 v8, $5.899998860e+01;
	v29 =	vmin.f32 v14, $5.899998860e+01;
	v13 =	vcvt.s32.f32 v13  }
0x3b3: {  	v10 =	vmax.f32 v10, $0.0e+00;
	v9 =	vld.idx.msk [tilespmem:v18+s16+$0x0], $0xffff;
	v26 =	vtrunc.f32 v26;
	v29 =	vtrunc.f32 v29  }
0x3b4: {  	v22 =	vmin.f32 v7, $5.899998860e+01;
	v39 =	vcvt.f32.s32 v25;
	v25 =	vld.idx.msk [tilespmem:v18+s15+$0x0], $0xffff;
	v3 =	vmul.f32 $5.900000000e+01, v10  }
0x3b5: {  	v10 =	vmin.f32 v5, $5.899998860e+01;
	v30 =	vtrunc.f32 v22;
	v32 =	vcvt.f32.s32 v26;
	v45 =	vld.idx.msk [tilespmem:v23+s16+$0x0], $0xffff  }
0x3b6: {  	v13 =	vsub.f32 v24, v13;
	v33 =	vcvt.f32.s32 v29;
	v42 =	vcvt.f32.s32 v30;
	v30 =	vld.idx.msk [tilespmem:v17+s15+$0x0], $0xffff  }
0x3b7: {  	[tilespmem:s25+$0x0] =	vst v34;
	v10 =	vtrunc.f32 v10;
	v17 =	vshll.u32 v39, $0x4;
	v34 =	vcvt.s32.f32 v39;
	v41 =	vld.idx.msk [tilespmem:v23+s15+$0x0], $0xffff  }
0x3b8: {  	v22 =	vld.idx.msk [tilespmem:v35+s16+$0x0], $0xffff;
	v31 =	vmin.f32 v3, $5.899998860e+01;
	v40 =	vcvt.f32.s32 v10;
	v10 =	vshll.u32 v38, $0x4  }
0x3b9: {  	v27 =	vor.u32 v60, v17;
	v17 =	vld.idx.msk [tilespmem:v21+s15+$0x0], $0xffff;
	v6 =	vtrunc.f32 v31;
	v24 =	vshll.u32 v42, $0x4  }
0x3ba: {  	v21 =	vld.idx.msk [tilespmem:v36+s15+$0x0], $0xffff;
	v29 =	vor.u32 v60, v10;
	v31 =	vcvt.f32.s32 v6;
	v13 =	vmul.f32 v13, v45  }
0x3bb: {  	v18 =	vshll.u32 v40, $0x4;
	v6 =	vld.idx.msk [tilespmem:v19+s15+$0x0], $0xffff;
	v19 =	vshll.u32 v32, $0x4;
	v24 =	vor.u32 v60, v24  }
0x3bc: {  	v23 =	vld.idx.msk [tilespmem:v36+s16+$0x0], $0xffff;
	v36 =	vcvt.s32.f32 v40;
	v26 =	vor.u32 v60, v18;
	v41 =	vadd.f32 v13, v41  }
0x3bd: {  	s30 =	simm.s32 $0x8;
	s29 =	simm.s32 $0x8F70;
	v10 =	vld.idx.msk [tilespmem:v20+s15+$0x0], $0xffff;
	v20 =	vor.u32 v60, v19;
	v45 =	vshll.u32 v33, $0x4;
	v13 =	vshll.u32 v31, $0x4  }
0x3be: {  	s2 =	simm.s32 $0x1370;
	s26 =	simm.s32 $0x8BF0;
	s28 =	simm.s32 $0xBF0;
	v19 =	vld.idx.msk [tilespmem:v35+s15+$0x0], $0xffff;
	v35 =	vcvt.s32.f32 v42;
	v18 =	vor.u32 v60, v45;
	v13 =	vor.u32 v60, v13;
	[tilespmem:s29+$0x0] =	vst v41  }
.LBB2_13:
0x3bf: {  	v38 =	vld [tilespmem:s2+$0x0];
	s30 =	sadd.s32 $0x8, s30;
	v28 =	vsub.f32 v28, v37;
	v32 =	vcvt.s32.f32 v32;
	v33 =	vcvt.s32.f32 v33  }
0x3c0: {  	v4 =	vsub.f32 v4, v34;
	v31 =	vcvt.s32.f32 v31;
	v37 =	vld [tilespmem:s2+$0xFFFFFFA0];
	p1 =	slt.u32 s30, $0x78;
	v5 =	vsub.f32 v5, v36  }
0x3c1: {  	v11 =	vmul.f32 v0, v11;
	v7 =	vsub.f32 v7, v35;
	v34 =	vld [tilespmem:s2+$0xFFFFFFB0];
	v8 =	vsub.f32 v8, v32;
	v0 =	vmovc v28  }
0x3c2: {  	v9 =	vmul.f32 v61, v9;
	v14 =	vsub.f32 v14, v33;
	v3 =	vsub.f32 v3, v31;
	v61 =	vmovc v4;
	v28 =	vld [tilespmem:s2+$0xFFFFFFC0]  }
0x3c3: {  	v4 =	vadd.f32 v11, v30;
	v32 =	vmul.f32 v62, v12;
	v33 =	vmul.f32 v59, v15;
	v62 =	vmovc v5;
	v31 =	vld [tilespmem:s2+$0xFFFFFFD0]  }
0x3c4: {  	v35 =	vmul.f32 v63, v16;
	v36 =	vmul.f32 v1, v22;
	v59 =	vmovc v7;
	v63 =	vmovc v8;
	v12 =	vld [tilespmem:s2+$0xFFFFFFE0];
	v5 =	vmax.f32 v38, $0.0e+00  }
0x3c5: {  	v1 =	vmovc v14;
	v38 =	vmul.f32 v2, v23;
	v2 =	vmovc v3;
	v7 =	vmax.f32 v37, $0.0e+00;
	v15 =	vld [tilespmem:s2+$0xFFFFFFF0];
	v37 =	vmul.f32 $5.900000000e+01, v5;
	[tilespmem:s25+$0xFFFFFF90] =	vst v4  }
0x3c6: {  	v8 =	vadd.f32 v9, v25;
	v3 =	vld [tilespmem:s2+$0xFFFFFF90];
	v4 =	vmul.f32 $5.900000000e+01, v7;
	v5 =	vmax.f32 v34, $0.0e+00  }
0x3c7: {  	v5 =	vmul.f32 $5.900000000e+01, v5;
	v7 =	vmax.f32 v28, $0.0e+00;
	v9 =	vmin.f32 v37, $5.899998860e+01;
	v11 =	vld.idx.msk [tilespmem:v29+s16+$0x0], $0xffff  }
0x3c8: {  	v7 =	vmul.f32 $5.900000000e+01, v7;
	v14 =	vmax.f32 v31, $0.0e+00;
	v16 =	vtrunc.f32 v9;
	v9 =	vld.idx.msk [tilespmem:v27+s16+$0x0], $0xffff;
	[tilespmem:s25+$0xFFFFFFA0] =	vst v8  }
0x3c9: {  	v8 =	vmul.f32 $5.900000000e+01, v14;
	v14 =	vmax.f32 v12, $0.0e+00;
	v31 =	vcvt.f32.s32 v16;
	v12 =	vld.idx.msk [tilespmem:v26+s16+$0x0], $0xffff  }
0x3ca: {  	v25 =	vmin.f32 v4, $5.899998860e+01;
	v14 =	vmul.f32 $5.900000000e+01, v14;
	v16 =	vmax.f32 v15, $0.0e+00;
	v15 =	vld.idx.msk [tilespmem:v24+s16+$0x0], $0xffff  }
0x3cb: {  	v22 =	vmax.f32 v3, $0.0e+00;
	v3 =	vmul.f32 $5.900000000e+01, v16;
	v23 =	vshll.u32 v31, $0x4;
	v16 =	vld.idx.msk [tilespmem:v20+s16+$0x0], $0xffff  }
0x3cc: {  	v34 =	vmin.f32 v5, $5.899998860e+01;
	v28 =	vmul.f32 $5.900000000e+01, v22;
	v39 =	vor.u32 v60, v23;
	v22 =	vld.idx.msk [tilespmem:v18+s16+$0x0], $0xffff  }
0x3cd: {  	v40 =	vmin.f32 v7, $5.899998860e+01;
	v41 =	vmin.f32 v8, $5.899998860e+01;
	v42 =	vmin.f32 v14, $5.899998860e+01;
	v23 =	vld.idx.msk [tilespmem:v13+s16+$0x0], $0xffff  }
0x3ce: {  	v44 =	vtrunc.f32 v25;
	v45 =	vmin.f32 v3, $5.899998860e+01;
	v43 =	vmin.f32 v28, $5.899998860e+01;
	v30 =	vld.idx.msk [tilespmem:v29+s15+$0x0], $0xffff  }
0x3cf: {  	v34 =	vtrunc.f32 v34;
	v29 =	vtrunc.f32 v43;
	v25 =	vld.idx.msk [tilespmem:v27+s15+$0x0], $0xffff;
	v27 =	vadd.f32 v32, v6  }
0x3d0: {  	v32 =	vtrunc.f32 v40;
	v40 =	vtrunc.f32 v41;
	v6 =	vld.idx.msk [tilespmem:v26+s15+$0x0], $0xffff;
	v26 =	vadd.f32 v33, v10  }
0x3d1: {  	v17 =	vadd.f32 v35, v17;
	v41 =	vtrunc.f32 v45;
	v33 =	vtrunc.f32 v42;
	v42 =	vld.idx.msk [tilespmem:v39+s16+$0x0], $0xffff;
	[tilespmem:s25+$0xFFFFFFB0] =	vst v27  }
0x3d2: {  	v19 =	vadd.f32 v36, v19;
	v43 =	vcvt.f32.s32 v44;
	v35 =	vcvt.f32.s32 v29;
	v10 =	vld.idx.msk [tilespmem:v24+s15+$0x0], $0xffff;
	[tilespmem:s25+$0xFFFFFFC0] =	vst v26  }
0x3d3: {  	v21 =	vadd.f32 v38, v21;
	v36 =	vcvt.f32.s32 v34;
	v24 =	vcvt.s32.f32 v31;
	v34 =	vld.idx.msk [tilespmem:v39+s15+$0x0], $0xffff;
	[tilespmem:s25+$0xFFFFFFD0] =	vst v17  }
0x3d4: {  	v38 =	vcvt.f32.s32 v32;
	v32 =	vcvt.f32.s32 v40;
	v26 =	vshll.u32 v35, $0x4;
	v17 =	vld.idx.msk [tilespmem:v20+s15+$0x0], $0xffff;
	[tilespmem:s25+$0xFFFFFFE0] =	vst v19  }
0x3d5: {  	v33 =	vcvt.f32.s32 v33;
	v31 =	vcvt.f32.s32 v41;
	v20 =	vsub.f32 v37, v24;
	v19 =	vld.idx.msk [tilespmem:v18+s15+$0x0], $0xffff;
	[tilespmem:s25+$0xFFFFFFF0] =	vst v21;
	s25 =	smov.u32 s29  }
0x3d6: {  	v24 =	vshll.u32 v36, $0x4;
	v37 =	vshll.u32 v38, $0x4;
	v18 =	vshll.u32 v43, $0x4;
	v21 =	vld.idx.msk [tilespmem:v13+s15+$0x0], $0xffff  }
0x3d7: {  	v39 =	vshll.u32 v33, $0x4;
	v13 =	vshll.u32 v32, $0x4;
	v20 =	vmul.f32 v20, v42  }
.Ltmp7:
0x3d8: {  	v29 =	vor.u32 v60, v26;
	v40 =	vshll.u32 v31, $0x4;
	v27 =	vor.u32 v60, v18;
	(pc) =	sbr.rel @p1 .LBB2_13-.Ltmp7, $4  }
0x3d9: {  	v26 =	vor.u32 v60, v24;
	v24 =	vor.u32 v60, v37;
	v41 =	vadd.f32 v20, v34  }
0x3da: {  	s29 =	sadd.s32 $0x400, s29;
	v18 =	vor.u32 v60, v39;
	v20 =	vor.u32 v60, v13;
	v13 =	vor.u32 v60, v40  }
0x3db: {  	v37 =	vcvt.s32.f32 v35;
	v34 =	vcvt.s32.f32 v43;
	[tilespmem:s29+$0x0] =	vst v41  }
0x3dc: {  	s2 =	sadd.s32 $0x400, s2;
	v36 =	vcvt.s32.f32 v36;
	v35 =	vcvt.s32.f32 v38  }
0x3dd: {  	_ =	sdelay $0x3  }
0x3de: {  	v38 =	vld.idx.msk [tilespmem:v29+s16+$0x0], $0xffff  }
0x3df: {  	v39 =	vld.idx.msk [tilespmem:v27+s16+$0x0], $0xffff  }
0x3e0: {  	v32 =	vcvt.s32.f32 v32;
	v43 =	vld.idx.msk [tilespmem:v26+s16+$0x0], $0xffff  }
0x3e1: {  	v28 =	vsub.f32 v28, v37;
	v0 =	vmul.f32 v0, v11;
	v11 =	vld.idx.msk [tilespmem:v24+s16+$0x0], $0xffff;
	v9 =	vmul.f32 v61, v9  }
0x3e2: {  	v4 =	vsub.f32 v4, v34;
	v44 =	vld.idx.msk [tilespmem:v20+s16+$0x0], $0xffff;
	v12 =	vmul.f32 v62, v12;
	v15 =	vmul.f32 v59, v15  }
0x3e3: {  	v16 =	vmul.f32 v63, v16;
	v1 =	vmul.f32 v1, v22;
	v0 =	vadd.f32 v0, v30;
	v30 =	vld.idx.msk [tilespmem:v18+s16+$0x0], $0xffff  }
0x3e4: {  	v2 =	vmul.f32 v2, v23;
	v5 =	vsub.f32 v5, v36;
	v9 =	vadd.f32 v9, v25;
	v25 =	vld.idx.msk [tilespmem:v13+s16+$0x0], $0xffff  }
0x3e5: {  	v33 =	vcvt.s32.f32 v33;
	v7 =	vsub.f32 v7, v35;
	v6 =	vadd.f32 v12, v6;
	[tilespmem:s25+$0xFFFFFF90] =	vst v0;
	v0 =	vld.idx.msk [tilespmem:v29+s15+$0x0], $0xffff  }
0x3e6: {  	v8 =	vsub.f32 v8, v32;
	v10 =	vadd.f32 v15, v10;
	[tilespmem:s25+$0xFFFFFFA0] =	vst v9;
	v9 =	vld.idx.msk [tilespmem:v27+s15+$0x0], $0xffff  }
0x3e7: {  	v14 =	vsub.f32 v14, v33;
	v12 =	vld.idx.msk [tilespmem:v26+s15+$0x0], $0xffff;
	[tilespmem:s25+$0xFFFFFFB0] =	vst v6;
	v6 =	vadd.f32 v16, v17  }
0x3e8: {  	v15 =	vld.idx.msk [tilespmem:v24+s15+$0x0], $0xffff;
	v1 =	vadd.f32 v1, v19;
	[tilespmem:s25+$0xFFFFFFC0] =	vst v10;
	v10 =	vmul.f32 v28, v38  }
0x3e9: {  	v2 =	vadd.f32 v2, v21;
	v4 =	vmul.f32 v4, v39;
	[tilespmem:s25+$0xFFFFFFD0] =	vst v6;
	v6 =	vld.idx.msk [tilespmem:v20+s15+$0x0], $0xffff  }
0x3ea: {  	v16 =	vcvt.s32.f32 v31;
	[tilespmem:s25+$0xFFFFFFE0] =	vst v1;
	v1 =	vld.idx.msk [tilespmem:v18+s15+$0x0], $0xffff;
	v5 =	vmul.f32 v5, v43;
	v0 =	vadd.f32 v10, v0  }
0x3eb: {  	[tilespmem:s25+$0xFFFFFFF0] =	vst v2;
	v2 =	vld.idx.msk [tilespmem:v13+s15+$0x0], $0xffff;
	v7 =	vmul.f32 v7, v11;
	v4 =	vadd.f32 v4, v9  }
0x3ec: {  	v8 =	vmul.f32 v8, v44;
	v3 =	vsub.f32 v3, v16;
	[tilespmem:s29+$0xFFFFFF90] =	vst v0;
	v0 =	vadd.f32 v5, v12  }
0x3ed: {  	v5 =	vmul.f32 v14, v30;
	[tilespmem:s29+$0xFFFFFFA0] =	vst v4;
	v4 =	vadd.f32 v7, v15  }
0x3ee: {  	v3 =	vmul.f32 v3, v25;
	[tilespmem:s29+$0xFFFFFFB0] =	vst v0;
	v0 =	vadd.f32 v8, v6  }
0x3ef: {  	[tilespmem:s29+$0xFFFFFFC0] =	vst v4;
	v1 =	vadd.f32 v5, v1  }
0x3f0: {  	[tilespmem:s29+$0xFFFFFFD0] =	vst v0;
	v0 =	vadd.f32 v3, v2  }
0x3f1: {  	[tilespmem:s29+$0xFFFFFFE0] =	vst v1  }
0x3f2: {  	[tilespmem:s29+$0xFFFFFFF0] =	vst v0  }
0x3f3: {  	v0 =	vld [tilespmem:s28+$0x0]  }
0x3f4: {  	v1 =	vld [tilespmem:s28+$0xFFFFFFA0]  }
0x3f5: {  	v2 =	vld [tilespmem:s28+$0xFFFFFFB0]  }
0x3f6: {  	v3 =	vld [tilespmem:s28+$0xFFFFFFC0]  }
0x3f7: {  	v4 =	vld [tilespmem:s28+$0xFFFFFFD0]  }
0x3f8: {  	v5 =	vld [tilespmem:s28+$0xFFFFFFE0];
	_ =	sdelay $0x1  }
0x3f9: {  	v6 =	vld [tilespmem:s28+$0xFFFFFFF0]  }
0x3fa: {  	v7 =	vld [tilespmem:s28+$0xFFFFFF90];
	v0 =	vmax.f32 v0, $0.0e+00;
	v1 =	vmax.f32 v1, $0.0e+00  }
0x3fb: {  	v2 =	vmax.f32 v2, $0.0e+00;
	v3 =	vmax.f32 v3, $0.0e+00;
	v0 =	vmul.f32 $5.900000000e+01, v0  }
0x3fc: {  	v4 =	vmax.f32 v4, $0.0e+00;
	v5 =	vmax.f32 v5, $0.0e+00;
	v1 =	vmul.f32 $5.900000000e+01, v1  }
0x3fd: {  	v2 =	vmul.f32 $5.900000000e+01, v2;
	v3 =	vmul.f32 $5.900000000e+01, v3;
	v8 =	vmin.f32 v0, $5.899998860e+01  }
0x3fe: {  	v6 =	vmax.f32 v6, $0.0e+00;
	v4 =	vmul.f32 $5.900000000e+01, v4;
	v8 =	vtrunc.f32 v8  }
0x3ff: {  	v7 =	vmax.f32 v7, $0.0e+00;
	v5 =	vmul.f32 $5.900000000e+01, v5;
	v8 =	vcvt.f32.s32 v8  }
0x400: {  	v6 =	vmul.f32 $5.900000000e+01, v6;
	v7 =	vmul.f32 $5.900000000e+01, v7;
	v9 =	vmin.f32 v1, $5.899998860e+01  }
0x401: {  	v11 =	vmin.f32 v2, $5.899998860e+01;
	v12 =	vmin.f32 v3, $5.899998860e+01;
	v10 =	vshll.u32 v8, $0x4  }
0x402: {  	v14 =	vmin.f32 v7, $5.899998860e+01;
	v9 =	vtrunc.f32 v9;
	v10 =	vor.u32 v60, v10  }
0x403: {  	v13 =	vmin.f32 v4, $5.899998860e+01;
	v14 =	vtrunc.f32 v14;
	v11 =	vtrunc.f32 v11  }
0x404: {  	v15 =	vmin.f32 v5, $5.899998860e+01;
	v12 =	vtrunc.f32 v12;
	v13 =	vtrunc.f32 v13  }
0x405: {  	v16 =	vmin.f32 v6, $5.899998860e+01;
	v15 =	vtrunc.f32 v15;
	v12 =	vcvt.f32.s32 v12  }
0x406: {  	v16 =	vtrunc.f32 v16;
	v14 =	vcvt.f32.s32 v14  }
0x407: {  	v9 =	vcvt.f32.s32 v9;
	v20 =	vshll.u32 v12, $0x4;
	v12 =	vcvt.s32.f32 v12;
	v17 =	vld.idx.msk [tilespmem:v10+s16+$0x0], $0xffff  }
0x408: {  	s1 =	simm.s32 $0xFF0;
	v11 =	vcvt.f32.s32 v11;
	v8 =	vcvt.s32.f32 v8  }
0x409: {  	v13 =	vcvt.f32.s32 v13;
	v15 =	vcvt.f32.s32 v15;
	v59 =	vsub.f32 v3, v12;
	v3 =	vld [tilespmem:s1+$0xFFFFFF90]  }
0x40a: {  	v16 =	vcvt.f32.s32 v16;
	v18 =	vshll.u32 v14, $0x4;
	v0 =	vsub.f32 v0, v8;
	v10 =	vld.idx.msk [tilespmem:v10+s15+$0x0], $0xffff  }
0x40b: {  	v19 =	vshll.u32 v11, $0x4;
	v21 =	vshll.u32 v13, $0x4;
	v22 =	vshll.u32 v15, $0x4  }
0x40c: {  	v23 =	vld [tilespmem:s1+$0x0];
	v19 =	vor.u32 v60, v19;
	v8 =	vshll.u32 v9, $0x4;
	v0 =	vmul.f32 v0, v17  }
0x40d: {  	v17 =	vor.u32 v60, v18;
	v18 =	vor.u32 v60, v8;
	v8 =	vshll.u32 v16, $0x4  }
0x40e: {  	v3 =	vmax.f32 v3, $0.0e+00;
	v36 =	vor.u32 v60, v8;
	v8 =	vcvt.s32.f32 v9  }
0x40f: {  	v28 =	vmul.f32 $5.900000000e+01, v3;
	v9 =	vcvt.s32.f32 v11;
	v34 =	vadd.f32 v0, v10;
	v10 =	vld [tilespmem:s1+$0xFFFFFFA0]  }
0x410: {  	v11 =	vld [tilespmem:s1+$0xFFFFFFB0];
	v0 =	vcvt.s32.f32 v14;
	v14 =	vcvt.s32.f32 v15;
	v61 =	vsub.f32 v1, v8  }
0x411: {  	v1 =	vmax.f32 v23, $0.0e+00;
	v62 =	vsub.f32 v2, v9;
	v2 =	vcvt.s32.f32 v16  }
0x412: {  	v16 =	vmin.f32 v28, $5.899998860e+01;
	v0 =	vsub.f32 v7, v0;
	v7 =	vcvt.s32.f32 v13;
	v13 =	vld [tilespmem:s1+$0xFFFFFFC0]  }
0x413: {  	v21 =	vor.u32 v60, v21;
	v8 =	vld [tilespmem:s1+$0xFFFFFFD0];
	v24 =	vmul.f32 $5.900000000e+01, v1;
	v27 =	vtrunc.f32 v16  }
0x414: {  	v9 =	vld [tilespmem:s1+$0xFFFFFFE0];
	v38 =	vcvt.f32.s32 v27;
	v63 =	vsub.f32 v4, v7;
	v1 =	vmax.f32 v10, $0.0e+00  }
0x415: {  	v7 =	vmax.f32 v11, $0.0e+00;
	v11 =	vmin.f32 v24, $5.899998860e+01;
	v4 =	vmul.f32 $5.900000000e+01, v1  }
0x416: {  	v1 =	vsub.f32 v5, v14;
	v5 =	vmul.f32 $5.900000000e+01, v7;
	v7 =	vtrunc.f32 v11  }
0x417: {  	v20 =	vor.u32 v60, v20;
	v11 =	vmax.f32 v13, $0.0e+00;
	v13 =	vcvt.f32.s32 v7  }
0x418: {  	v35 =	vor.u32 v60, v22;
	v10 =	vld [tilespmem:s1+$0xFFFFFFF0];
	v37 =	vcvt.s32.f32 v38;
	v8 =	vmax.f32 v8, $0.0e+00  }
0x419: {  	v16 =	vld.idx.msk [tilespmem:v21+s16+$0x0], $0xffff;
	v12 =	vmax.f32 v9, $0.0e+00;
	v8 =	vmul.f32 $5.900000000e+01, v8;
	v9 =	vshll.u32 v13, $0x4  }
0x41a: {  	v14 =	vmul.f32 $5.900000000e+01, v12;
	v12 =	vld.idx.msk [tilespmem:v19+s16+$0x0], $0xffff;
	v15 =	vmin.f32 v4, $5.899998860e+01;
	v23 =	vor.u32 v60, v9  }
0x41b: {  	v2 =	vsub.f32 v6, v2;
	v7 =	vmul.f32 $5.900000000e+01, v11;
	v11 =	vld.idx.msk [tilespmem:v17+s16+$0x0], $0xffff;
	v25 =	vtrunc.f32 v15  }
0x41c: {  	v15 =	vld.idx.msk [tilespmem:v20+s16+$0x0], $0xffff;
	v26 =	vmin.f32 v8, $5.899998860e+01;
	v29 =	vmin.f32 v14, $5.899998860e+01;
	v13 =	vcvt.s32.f32 v13  }
0x41d: {  	v10 =	vmax.f32 v10, $0.0e+00;
	v9 =	vld.idx.msk [tilespmem:v18+s16+$0x0], $0xffff;
	v26 =	vtrunc.f32 v26;
	v29 =	vtrunc.f32 v29  }
0x41e: {  	v22 =	vmin.f32 v7, $5.899998860e+01;
	v39 =	vcvt.f32.s32 v25;
	v25 =	vld.idx.msk [tilespmem:v18+s15+$0x0], $0xffff;
	v3 =	vmul.f32 $5.900000000e+01, v10  }
0x41f: {  	v10 =	vmin.f32 v5, $5.899998860e+01;
	v30 =	vtrunc.f32 v22;
	v32 =	vcvt.f32.s32 v26;
	v45 =	vld.idx.msk [tilespmem:v23+s16+$0x0], $0xffff  }
0x420: {  	v13 =	vsub.f32 v24, v13;
	v33 =	vcvt.f32.s32 v29;
	v42 =	vcvt.f32.s32 v30;
	v30 =	vld.idx.msk [tilespmem:v17+s15+$0x0], $0xffff  }
0x421: {  	[tilespmem:s26+$0x0] =	vst v34;
	v10 =	vtrunc.f32 v10;
	v17 =	vshll.u32 v39, $0x4;
	v34 =	vcvt.s32.f32 v39;
	v41 =	vld.idx.msk [tilespmem:v23+s15+$0x0], $0xffff  }
0x422: {  	v22 =	vld.idx.msk [tilespmem:v35+s16+$0x0], $0xffff;
	v31 =	vmin.f32 v3, $5.899998860e+01;
	v40 =	vcvt.f32.s32 v10;
	v10 =	vshll.u32 v38, $0x4  }
0x423: {  	v27 =	vor.u32 v60, v17;
	v17 =	vld.idx.msk [tilespmem:v21+s15+$0x0], $0xffff;
	v6 =	vtrunc.f32 v31;
	v24 =	vshll.u32 v42, $0x4  }
0x424: {  	v21 =	vld.idx.msk [tilespmem:v36+s15+$0x0], $0xffff;
	v29 =	vor.u32 v60, v10;
	v31 =	vcvt.f32.s32 v6;
	v13 =	vmul.f32 v13, v45  }
0x425: {  	v18 =	vshll.u32 v40, $0x4;
	v6 =	vld.idx.msk [tilespmem:v19+s15+$0x0], $0xffff;
	v19 =	vshll.u32 v32, $0x4;
	v24 =	vor.u32 v60, v24  }
0x426: {  	v23 =	vld.idx.msk [tilespmem:v36+s16+$0x0], $0xffff;
	v36 =	vcvt.s32.f32 v40;
	v26 =	vor.u32 v60, v18;
	v41 =	vadd.f32 v13, v41  }
0x427: {  	s30 =	simm.s32 $0x8;
	s29 =	simm.s32 $0x8FF0;
	v10 =	vld.idx.msk [tilespmem:v20+s15+$0x0], $0xffff;
	v20 =	vor.u32 v60, v19;
	v45 =	vshll.u32 v33, $0x4;
	v13 =	vshll.u32 v31, $0x4  }
0x428: {  	s2 =	simm.s32 $0x13F0;
	s25 =	simm.s32 $0x8C70;
	s28 =	simm.s32 $0xC70;
	v19 =	vld.idx.msk [tilespmem:v35+s15+$0x0], $0xffff;
	v35 =	vcvt.s32.f32 v42;
	v18 =	vor.u32 v60, v45;
	v13 =	vor.u32 v60, v13;
	[tilespmem:s29+$0x0] =	vst v41  }
.LBB2_15:
0x429: {  	v38 =	vld [tilespmem:s2+$0x0];
	s30 =	sadd.s32 $0x8, s30;
	v28 =	vsub.f32 v28, v37;
	v32 =	vcvt.s32.f32 v32;
	v33 =	vcvt.s32.f32 v33  }
0x42a: {  	v4 =	vsub.f32 v4, v34;
	v31 =	vcvt.s32.f32 v31;
	v37 =	vld [tilespmem:s2+$0xFFFFFFA0];
	p1 =	slt.u32 s30, $0x78;
	v5 =	vsub.f32 v5, v36  }
0x42b: {  	v11 =	vmul.f32 v0, v11;
	v7 =	vsub.f32 v7, v35;
	v34 =	vld [tilespmem:s2+$0xFFFFFFB0];
	v8 =	vsub.f32 v8, v32;
	v0 =	vmovc v28  }
0x42c: {  	v9 =	vmul.f32 v61, v9;
	v14 =	vsub.f32 v14, v33;
	v3 =	vsub.f32 v3, v31;
	v61 =	vmovc v4;
	v28 =	vld [tilespmem:s2+$0xFFFFFFC0]  }
0x42d: {  	v4 =	vadd.f32 v11, v30;
	v32 =	vmul.f32 v62, v12;
	v33 =	vmul.f32 v59, v15;
	v62 =	vmovc v5;
	v31 =	vld [tilespmem:s2+$0xFFFFFFD0]  }
0x42e: {  	v35 =	vmul.f32 v63, v16;
	v36 =	vmul.f32 v1, v22;
	v59 =	vmovc v7;
	v63 =	vmovc v8;
	v12 =	vld [tilespmem:s2+$0xFFFFFFE0];
	v5 =	vmax.f32 v38, $0.0e+00  }
0x42f: {  	v1 =	vmovc v14;
	v38 =	vmul.f32 v2, v23;
	v2 =	vmovc v3;
	v7 =	vmax.f32 v37, $0.0e+00;
	v15 =	vld [tilespmem:s2+$0xFFFFFFF0];
	v37 =	vmul.f32 $5.900000000e+01, v5;
	[tilespmem:s26+$0xFFFFFF90] =	vst v4  }
0x430: {  	v8 =	vadd.f32 v9, v25;
	v3 =	vld [tilespmem:s2+$0xFFFFFF90];
	v4 =	vmul.f32 $5.900000000e+01, v7;
	v5 =	vmax.f32 v34, $0.0e+00  }
0x431: {  	v5 =	vmul.f32 $5.900000000e+01, v5;
	v7 =	vmax.f32 v28, $0.0e+00;
	v9 =	vmin.f32 v37, $5.899998860e+01;
	v11 =	vld.idx.msk [tilespmem:v29+s16+$0x0], $0xffff  }
0x432: {  	v7 =	vmul.f32 $5.900000000e+01, v7;
	v14 =	vmax.f32 v31, $0.0e+00;
	v16 =	vtrunc.f32 v9;
	v9 =	vld.idx.msk [tilespmem:v27+s16+$0x0], $0xffff;
	[tilespmem:s26+$0xFFFFFFA0] =	vst v8  }
0x433: {  	v8 =	vmul.f32 $5.900000000e+01, v14;
	v14 =	vmax.f32 v12, $0.0e+00;
	v31 =	vcvt.f32.s32 v16;
	v12 =	vld.idx.msk [tilespmem:v26+s16+$0x0], $0xffff  }
0x434: {  	v25 =	vmin.f32 v4, $5.899998860e+01;
	v14 =	vmul.f32 $5.900000000e+01, v14;
	v16 =	vmax.f32 v15, $0.0e+00;
	v15 =	vld.idx.msk [tilespmem:v24+s16+$0x0], $0xffff  }
0x435: {  	v22 =	vmax.f32 v3, $0.0e+00;
	v3 =	vmul.f32 $5.900000000e+01, v16;
	v23 =	vshll.u32 v31, $0x4;
	v16 =	vld.idx.msk [tilespmem:v20+s16+$0x0], $0xffff  }
0x436: {  	v34 =	vmin.f32 v5, $5.899998860e+01;
	v28 =	vmul.f32 $5.900000000e+01, v22;
	v39 =	vor.u32 v60, v23;
	v22 =	vld.idx.msk [tilespmem:v18+s16+$0x0], $0xffff  }
0x437: {  	v40 =	vmin.f32 v7, $5.899998860e+01;
	v41 =	vmin.f32 v8, $5.899998860e+01;
	v42 =	vmin.f32 v14, $5.899998860e+01;
	v23 =	vld.idx.msk [tilespmem:v13+s16+$0x0], $0xffff  }
0x438: {  	v44 =	vtrunc.f32 v25;
	v45 =	vmin.f32 v3, $5.899998860e+01;
	v43 =	vmin.f32 v28, $5.899998860e+01;
	v30 =	vld.idx.msk [tilespmem:v29+s15+$0x0], $0xffff  }
0x439: {  	v34 =	vtrunc.f32 v34;
	v29 =	vtrunc.f32 v43;
	v25 =	vld.idx.msk [tilespmem:v27+s15+$0x0], $0xffff;
	v27 =	vadd.f32 v32, v6  }
0x43a: {  	v32 =	vtrunc.f32 v40;
	v40 =	vtrunc.f32 v41;
	v6 =	vld.idx.msk [tilespmem:v26+s15+$0x0], $0xffff;
	v26 =	vadd.f32 v33, v10  }
0x43b: {  	v17 =	vadd.f32 v35, v17;
	v41 =	vtrunc.f32 v45;
	v33 =	vtrunc.f32 v42;
	v42 =	vld.idx.msk [tilespmem:v39+s16+$0x0], $0xffff;
	[tilespmem:s26+$0xFFFFFFB0] =	vst v27  }
0x43c: {  	v19 =	vadd.f32 v36, v19;
	v43 =	vcvt.f32.s32 v44;
	v35 =	vcvt.f32.s32 v29;
	v10 =	vld.idx.msk [tilespmem:v24+s15+$0x0], $0xffff;
	[tilespmem:s26+$0xFFFFFFC0] =	vst v26  }
0x43d: {  	v21 =	vadd.f32 v38, v21;
	v36 =	vcvt.f32.s32 v34;
	v24 =	vcvt.s32.f32 v31;
	v34 =	vld.idx.msk [tilespmem:v39+s15+$0x0], $0xffff;
	[tilespmem:s26+$0xFFFFFFD0] =	vst v17  }
0x43e: {  	v38 =	vcvt.f32.s32 v32;
	v32 =	vcvt.f32.s32 v40;
	v26 =	vshll.u32 v35, $0x4;
	v17 =	vld.idx.msk [tilespmem:v20+s15+$0x0], $0xffff;
	[tilespmem:s26+$0xFFFFFFE0] =	vst v19  }
0x43f: {  	v33 =	vcvt.f32.s32 v33;
	v31 =	vcvt.f32.s32 v41;
	v20 =	vsub.f32 v37, v24;
	v19 =	vld.idx.msk [tilespmem:v18+s15+$0x0], $0xffff;
	[tilespmem:s26+$0xFFFFFFF0] =	vst v21;
	s26 =	smov.u32 s29  }
0x440: {  	v24 =	vshll.u32 v36, $0x4;
	v37 =	vshll.u32 v38, $0x4;
	v18 =	vshll.u32 v43, $0x4;
	v21 =	vld.idx.msk [tilespmem:v13+s15+$0x0], $0xffff  }
0x441: {  	v39 =	vshll.u32 v33, $0x4;
	v13 =	vshll.u32 v32, $0x4;
	v20 =	vmul.f32 v20, v42  }
.Ltmp8:
0x442: {  	v29 =	vor.u32 v60, v26;
	v40 =	vshll.u32 v31, $0x4;
	v27 =	vor.u32 v60, v18;
	(pc) =	sbr.rel @p1 .LBB2_15-.Ltmp8, $4  }
0x443: {  	v26 =	vor.u32 v60, v24;
	v24 =	vor.u32 v60, v37;
	v41 =	vadd.f32 v20, v34  }
0x444: {  	s29 =	sadd.s32 $0x400, s29;
	v18 =	vor.u32 v60, v39;
	v20 =	vor.u32 v60, v13;
	v13 =	vor.u32 v60, v40  }
0x445: {  	v37 =	vcvt.s32.f32 v35;
	v34 =	vcvt.s32.f32 v43;
	[tilespmem:s29+$0x0] =	vst v41  }
0x446: {  	s2 =	sadd.s32 $0x400, s2;
	v36 =	vcvt.s32.f32 v36;
	v35 =	vcvt.s32.f32 v38  }
0x447: {  	_ =	sdelay $0x3  }
0x448: {  	v38 =	vld.idx.msk [tilespmem:v29+s16+$0x0], $0xffff  }
0x449: {  	v39 =	vld.idx.msk [tilespmem:v27+s16+$0x0], $0xffff  }
0x44a: {  	v32 =	vcvt.s32.f32 v32;
	v43 =	vld.idx.msk [tilespmem:v26+s16+$0x0], $0xffff  }
0x44b: {  	v28 =	vsub.f32 v28, v37;
	v0 =	vmul.f32 v0, v11;
	v11 =	vld.idx.msk [tilespmem:v24+s16+$0x0], $0xffff;
	v9 =	vmul.f32 v61, v9  }
0x44c: {  	v4 =	vsub.f32 v4, v34;
	v44 =	vld.idx.msk [tilespmem:v20+s16+$0x0], $0xffff;
	v12 =	vmul.f32 v62, v12;
	v15 =	vmul.f32 v59, v15  }
0x44d: {  	v16 =	vmul.f32 v63, v16;
	v1 =	vmul.f32 v1, v22;
	v0 =	vadd.f32 v0, v30;
	v30 =	vld.idx.msk [tilespmem:v18+s16+$0x0], $0xffff  }
0x44e: {  	v2 =	vmul.f32 v2, v23;
	v5 =	vsub.f32 v5, v36;
	v9 =	vadd.f32 v9, v25;
	v25 =	vld.idx.msk [tilespmem:v13+s16+$0x0], $0xffff  }
0x44f: {  	v33 =	vcvt.s32.f32 v33;
	v7 =	vsub.f32 v7, v35;
	v6 =	vadd.f32 v12, v6;
	[tilespmem:s26+$0xFFFFFF90] =	vst v0;
	v0 =	vld.idx.msk [tilespmem:v29+s15+$0x0], $0xffff  }
0x450: {  	v8 =	vsub.f32 v8, v32;
	v10 =	vadd.f32 v15, v10;
	[tilespmem:s26+$0xFFFFFFA0] =	vst v9;
	v9 =	vld.idx.msk [tilespmem:v27+s15+$0x0], $0xffff  }
0x451: {  	v14 =	vsub.f32 v14, v33;
	v12 =	vld.idx.msk [tilespmem:v26+s15+$0x0], $0xffff;
	[tilespmem:s26+$0xFFFFFFB0] =	vst v6;
	v6 =	vadd.f32 v16, v17  }
0x452: {  	v15 =	vld.idx.msk [tilespmem:v24+s15+$0x0], $0xffff;
	v1 =	vadd.f32 v1, v19;
	[tilespmem:s26+$0xFFFFFFC0] =	vst v10;
	v10 =	vmul.f32 v28, v38  }
0x453: {  	v2 =	vadd.f32 v2, v21;
	v4 =	vmul.f32 v4, v39;
	[tilespmem:s26+$0xFFFFFFD0] =	vst v6;
	v6 =	vld.idx.msk [tilespmem:v20+s15+$0x0], $0xffff  }
0x454: {  	v16 =	vcvt.s32.f32 v31;
	[tilespmem:s26+$0xFFFFFFE0] =	vst v1;
	v1 =	vld.idx.msk [tilespmem:v18+s15+$0x0], $0xffff;
	v5 =	vmul.f32 v5, v43;
	v0 =	vadd.f32 v10, v0  }
0x455: {  	[tilespmem:s26+$0xFFFFFFF0] =	vst v2;
	v2 =	vld.idx.msk [tilespmem:v13+s15+$0x0], $0xffff;
	v7 =	vmul.f32 v7, v11;
	v4 =	vadd.f32 v4, v9  }
0x456: {  	v8 =	vmul.f32 v8, v44;
	v3 =	vsub.f32 v3, v16;
	[tilespmem:s29+$0xFFFFFF90] =	vst v0;
	v0 =	vadd.f32 v5, v12  }
0x457: {  	v5 =	vmul.f32 v14, v30;
	[tilespmem:s29+$0xFFFFFFA0] =	vst v4;
	v4 =	vadd.f32 v7, v15  }
0x458: {  	v3 =	vmul.f32 v3, v25;
	[tilespmem:s29+$0xFFFFFFB0] =	vst v0;
	v0 =	vadd.f32 v8, v6  }
0x459: {  	[tilespmem:s29+$0xFFFFFFC0] =	vst v4;
	v1 =	vadd.f32 v5, v1  }
0x45a: {  	[tilespmem:s29+$0xFFFFFFD0] =	vst v0;
	v0 =	vadd.f32 v3, v2  }
0x45b: {  	[tilespmem:s29+$0xFFFFFFE0] =	vst v1  }
0x45c: {  	[tilespmem:s29+$0xFFFFFFF0] =	vst v0  }
0x45d: {  	v0 =	vld [tilespmem:s28+$0x0]  }
0x45e: {  	v1 =	vld [tilespmem:s28+$0xFFFFFFA0]  }
0x45f: {  	v2 =	vld [tilespmem:s28+$0xFFFFFFB0]  }
0x460: {  	v3 =	vld [tilespmem:s28+$0xFFFFFFC0]  }
0x461: {  	v4 =	vld [tilespmem:s28+$0xFFFFFFD0]  }
0x462: {  	v5 =	vld [tilespmem:s28+$0xFFFFFFE0];
	_ =	sdelay $0x1  }
0x463: {  	v6 =	vld [tilespmem:s28+$0xFFFFFFF0]  }
0x464: {  	v7 =	vld [tilespmem:s28+$0xFFFFFF90];
	v0 =	vmax.f32 v0, $0.0e+00;
	v1 =	vmax.f32 v1, $0.0e+00  }
0x465: {  	v2 =	vmax.f32 v2, $0.0e+00;
	v3 =	vmax.f32 v3, $0.0e+00;
	v0 =	vmul.f32 $5.900000000e+01, v0  }
0x466: {  	v4 =	vmax.f32 v4, $0.0e+00;
	v5 =	vmax.f32 v5, $0.0e+00;
	v1 =	vmul.f32 $5.900000000e+01, v1  }
0x467: {  	v2 =	vmul.f32 $5.900000000e+01, v2;
	v3 =	vmul.f32 $5.900000000e+01, v3;
	v8 =	vmin.f32 v0, $5.899998860e+01  }
0x468: {  	v6 =	vmax.f32 v6, $0.0e+00;
	v4 =	vmul.f32 $5.900000000e+01, v4;
	v8 =	vtrunc.f32 v8  }
0x469: {  	v7 =	vmax.f32 v7, $0.0e+00;
	v5 =	vmul.f32 $5.900000000e+01, v5;
	v8 =	vcvt.f32.s32 v8  }
0x46a: {  	v10 =	vmul.f32 $5.900000000e+01, v6;
	v7 =	vmul.f32 $5.900000000e+01, v7  }
0x46b: {  	v9 =	vmin.f32 v1, $5.899998860e+01;
	v11 =	vmin.f32 v2, $5.899998860e+01;
	v6 =	vshll.u32 v8, $0x4  }
0x46c: {  	v12 =	vmin.f32 v3, $5.899998860e+01;
	v14 =	vmin.f32 v7, $5.899998860e+01;
	v6 =	vor.u32 v60, v6  }
0x46d: {  	v13 =	vmin.f32 v4, $5.899998860e+01;
	v9 =	vtrunc.f32 v9;
	v14 =	vtrunc.f32 v14  }
0x46e: {  	v15 =	vmin.f32 v5, $5.899998860e+01;
	v11 =	vtrunc.f32 v11;
	v12 =	vtrunc.f32 v12  }
0x46f: {  	v16 =	vmin.f32 v10, $5.899998860e+01;
	v13 =	vtrunc.f32 v13;
	v15 =	vtrunc.f32 v15  }
0x470: {  	v16 =	vtrunc.f32 v16;
	v14 =	vcvt.f32.s32 v14  }
0x471: {  	v9 =	vcvt.f32.s32 v9;
	v11 =	vcvt.f32.s32 v11;
	v17 =	vld.idx.msk [tilespmem:v6+s16+$0x0], $0xffff  }
0x472: {  	v12 =	vcvt.f32.s32 v12;
	v8 =	vcvt.s32.f32 v8  }
0x473: {  	v13 =	vcvt.f32.s32 v13;
	v15 =	vcvt.f32.s32 v15  }
0x474: {  	v16 =	vcvt.f32.s32 v16;
	v18 =	vshll.u32 v14, $0x4;
	v0 =	vsub.f32 v0, v8;
	v6 =	vld.idx.msk [tilespmem:v6+s15+$0x0], $0xffff  }
0x475: {  	v19 =	vshll.u32 v11, $0x4;
	v20 =	vshll.u32 v12, $0x4;
	v21 =	vshll.u32 v13, $0x4  }
0x476: {  	s1 =	simm.s32 $0x1070;
	v22 =	vshll.u32 v15, $0x4;
	v8 =	vshll.u32 v9, $0x4;
	v0 =	vmul.f32 v0, v17  }
0x477: {  	v23 =	vld [tilespmem:s1+$0x0];
	v17 =	vor.u32 v60, v18;
	v18 =	vor.u32 v60, v8;
	v8 =	vshll.u32 v16, $0x4  }
0x478: {  	v37 =	vor.u32 v60, v8;
	v8 =	vcvt.s32.f32 v9;
	v9 =	vcvt.s32.f32 v11;
	v11 =	vld [tilespmem:s1+$0xFFFFFFB0]  }
0x479: {  	v12 =	vcvt.s32.f32 v12;
	v19 =	vor.u32 v60, v19;
	v34 =	vadd.f32 v0, v6;
	v6 =	vld [tilespmem:s1+$0xFFFFFFA0]  }
0x47a: {  	v20 =	vor.u32 v60, v20;
	v0 =	vcvt.s32.f32 v14;
	v14 =	vcvt.s32.f32 v15;
	v15 =	vld [tilespmem:s1+$0xFFFFFFF0]  }
0x47b: {  	v21 =	vor.u32 v60, v21;
	v35 =	vor.u32 v60, v22;
	v61 =	vsub.f32 v1, v8;
	v8 =	vld [tilespmem:s1+$0xFFFFFFD0]  }
0x47c: {  	v1 =	vmax.f32 v23, $0.0e+00;
	v0 =	vsub.f32 v7, v0;
	v7 =	vcvt.s32.f32 v13;
	v13 =	vld [tilespmem:s1+$0xFFFFFFC0]  }
0x47d: {  	v62 =	vsub.f32 v2, v9;
	v2 =	vcvt.s32.f32 v16;
	v9 =	vld [tilespmem:s1+$0xFFFFFFE0];
	v24 =	vmul.f32 $5.900000000e+01, v1  }
0x47e: {  	v1 =	vsub.f32 v3, v12;
	v12 =	vld [tilespmem:s1+$0xFFFFFF90];
	v59 =	vsub.f32 v5, v14;
	v3 =	vmax.f32 v6, $0.0e+00  }
0x47f: {  	v63 =	vsub.f32 v4, v7;
	v4 =	vmul.f32 $5.900000000e+01, v3;
	v3 =	vmax.f32 v11, $0.0e+00  }
0x480: {  	v7 =	vmin.f32 v24, $5.899998860e+01;
	v8 =	vmax.f32 v8, $0.0e+00;
	v6 =	vmul.f32 $5.900000000e+01, v3  }
0x481: {  	v3 =	vtrunc.f32 v7;
	v5 =	vmax.f32 v13, $0.0e+00;
	v8 =	vmul.f32 $5.900000000e+01, v8  }
0x482: {  	v15 =	vmax.f32 v15, $0.0e+00;
	v13 =	vcvt.f32.s32 v3;
	v7 =	vmul.f32 $5.900000000e+01, v5  }
0x483: {  	v3 =	vmax.f32 v9, $0.0e+00;
	v5 =	vmin.f32 v4, $5.899998860e+01;
	v9 =	vmax.f32 v12, $0.0e+00  }
0x484: {  	v11 =	vld.idx.msk [tilespmem:v17+s16+$0x0], $0xffff;
	v28 =	vmul.f32 $5.900000000e+01, v9;
	v14 =	vmul.f32 $5.900000000e+01, v3;
	v12 =	vshll.u32 v13, $0x4  }
0x485: {  	v9 =	vld.idx.msk [tilespmem:v18+s16+$0x0], $0xffff;
	v3 =	vmul.f32 $5.900000000e+01, v15;
	v16 =	vmin.f32 v6, $5.899998860e+01;
	v23 =	vor.u32 v60, v12  }
0x486: {  	v5 =	vtrunc.f32 v5;
	v15 =	vld.idx.msk [tilespmem:v20+s16+$0x0], $0xffff;
	v26 =	vmin.f32 v8, $5.899998860e+01;
	v27 =	vtrunc.f32 v16  }
0x487: {  	v22 =	vmin.f32 v7, $5.899998860e+01;
	v16 =	vld.idx.msk [tilespmem:v21+s16+$0x0], $0xffff;
	v26 =	vtrunc.f32 v26;
	v13 =	vcvt.s32.f32 v13  }
0x488: {  	v39 =	vcvt.f32.s32 v5;
	v12 =	vld.idx.msk [tilespmem:v19+s16+$0x0], $0xffff;
	v25 =	vmin.f32 v28, $5.899998860e+01;
	v30 =	vtrunc.f32 v22  }
0x489: {  	v29 =	vmin.f32 v14, $5.899998860e+01;
	v22 =	vld.idx.msk [tilespmem:v35+s16+$0x0], $0xffff;
	v40 =	vcvt.f32.s32 v27;
	v32 =	vcvt.f32.s32 v26  }
0x48a: {  	v31 =	vmin.f32 v3, $5.899998860e+01;
	v25 =	vtrunc.f32 v25;
	v29 =	vtrunc.f32 v29;
	v45 =	vld.idx.msk [tilespmem:v23+s16+$0x0], $0xffff  }
0x48b: {  	v2 =	vsub.f32 v10, v2;
	v10 =	vtrunc.f32 v31;
	v42 =	vcvt.f32.s32 v30;
	v30 =	vld.idx.msk [tilespmem:v17+s15+$0x0], $0xffff  }
0x48c: {  	v5 =	vsub.f32 v24, v13;
	v13 =	vshll.u32 v39, $0x4;
	v38 =	vcvt.f32.s32 v25;
	v41 =	vld.idx.msk [tilespmem:v23+s15+$0x0], $0xffff  }
0x48d: {  	v33 =	vcvt.f32.s32 v29;
	v31 =	vcvt.f32.s32 v10;
	v25 =	vld.idx.msk [tilespmem:v18+s15+$0x0], $0xffff;
	v17 =	vshll.u32 v40, $0x4  }
0x48e: {  	[tilespmem:s25+$0x0] =	vst v34;
	v10 =	vld.idx.msk [tilespmem:v20+s15+$0x0], $0xffff;
	v24 =	vshll.u32 v42, $0x4;
	v26 =	vor.u32 v60, v17;
	v34 =	vcvt.s32.f32 v42  }
0x48f: {  	v27 =	vshll.u32 v38, $0x4;
	v24 =	vor.u32 v60, v24;
	v23 =	vld.idx.msk [tilespmem:v37+s16+$0x0], $0xffff;
	v18 =	vmul.f32 v5, v45  }
0x490: {  	v29 =	vor.u32 v60, v27;
	v27 =	vor.u32 v60, v13;
	v5 =	vld.idx.msk [tilespmem:v19+s15+$0x0], $0xffff;
	v19 =	vshll.u32 v32, $0x4  }
0x491: {  	v13 =	vshll.u32 v31, $0x4;
	v20 =	vor.u32 v60, v19;
	v19 =	vld.idx.msk [tilespmem:v35+s15+$0x0], $0xffff;
	v41 =	vadd.f32 v18, v41  }
0x492: {  	s28 =	simm.s32 $0x9070;
	v36 =	vcvt.s32.f32 v38;
	v13 =	vor.u32 v60, v13;
	v45 =	vshll.u32 v33, $0x4;
	v18 =	vld.idx.msk [tilespmem:v21+s15+$0x0], $0xffff  }
0x493: {  	s2 =	simm.s32 $0x1470;
	s26 =	simm.s32 $0x8;
	v17 =	vor.u32 v60, v45;
	v35 =	vcvt.s32.f32 v39;
	v21 =	vld.idx.msk [tilespmem:v37+s15+$0x0], $0xffff;
	v37 =	vcvt.s32.f32 v40;
	[tilespmem:s28+$0x0] =	vst v41  }
.LBB2_17:
0x494: {  	v38 =	vld [tilespmem:s2+$0x0];
	s26 =	sadd.s32 $0x8, s26;
	v28 =	vsub.f32 v28, v36;
	v32 =	vcvt.s32.f32 v32;
	v33 =	vcvt.s32.f32 v33  }
0x495: {  	v4 =	vsub.f32 v4, v35;
	v31 =	vcvt.s32.f32 v31;
	v36 =	vld [tilespmem:s2+$0xFFFFFFA0];
	p1 =	slt.u32 s26, $0x78;
	v6 =	vsub.f32 v6, v37  }
0x496: {  	v11 =	vmul.f32 v0, v11;
	v7 =	vsub.f32 v7, v34;
	v35 =	vld [tilespmem:s2+$0xFFFFFFB0];
	v8 =	vsub.f32 v8, v32;
	v0 =	vmovc v28  }
0x497: {  	v9 =	vmul.f32 v61, v9;
	v14 =	vsub.f32 v14, v33;
	v3 =	vsub.f32 v3, v31;
	v61 =	vmovc v4;
	v28 =	vld [tilespmem:s2+$0xFFFFFFC0]  }
0x498: {  	v4 =	vadd.f32 v11, v30;
	v32 =	vmul.f32 v62, v12;
	v33 =	vmul.f32 v1, v15;
	v62 =	vmovc v6;
	v31 =	vld [tilespmem:s2+$0xFFFFFFD0]  }
0x499: {  	v34 =	vmul.f32 v63, v16;
	v37 =	vmul.f32 v59, v22;
	v1 =	vmovc v7;
	v63 =	vmovc v8;
	v12 =	vld [tilespmem:s2+$0xFFFFFFE0];
	v6 =	vmax.f32 v38, $0.0e+00  }
0x49a: {  	v59 =	vmovc v14;
	v38 =	vmul.f32 v2, v23;
	v2 =	vmovc v3;
	v7 =	vmax.f32 v36, $0.0e+00;
	v15 =	vld [tilespmem:s2+$0xFFFFFFF0];
	v36 =	vmul.f32 $5.900000000e+01, v6;
	[tilespmem:s25+$0xFFFFFF90] =	vst v4  }
0x49b: {  	v8 =	vadd.f32 v9, v25;
	v3 =	vld [tilespmem:s2+$0xFFFFFF90];
	v4 =	vmul.f32 $5.900000000e+01, v7;
	v6 =	vmax.f32 v35, $0.0e+00  }
0x49c: {  	v6 =	vmul.f32 $5.900000000e+01, v6;
	v7 =	vmax.f32 v28, $0.0e+00;
	v9 =	vmin.f32 v36, $5.899998860e+01;
	v11 =	vld.idx.msk [tilespmem:v29+s16+$0x0], $0xffff  }
0x49d: {  	v7 =	vmul.f32 $5.900000000e+01, v7;
	v14 =	vmax.f32 v31, $0.0e+00;
	v16 =	vtrunc.f32 v9;
	v9 =	vld.idx.msk [tilespmem:v27+s16+$0x0], $0xffff;
	[tilespmem:s25+$0xFFFFFFA0] =	vst v8  }
0x49e: {  	v8 =	vmul.f32 $5.900000000e+01, v14;
	v14 =	vmax.f32 v12, $0.0e+00;
	v31 =	vcvt.f32.s32 v16;
	v12 =	vld.idx.msk [tilespmem:v26+s16+$0x0], $0xffff  }
0x49f: {  	v25 =	vmin.f32 v4, $5.899998860e+01;
	v14 =	vmul.f32 $5.900000000e+01, v14;
	v16 =	vmax.f32 v15, $0.0e+00;
	v15 =	vld.idx.msk [tilespmem:v24+s16+$0x0], $0xffff  }
0x4a0: {  	v22 =	vmax.f32 v3, $0.0e+00;
	v3 =	vmul.f32 $5.900000000e+01, v16;
	v23 =	vshll.u32 v31, $0x4;
	v16 =	vld.idx.msk [tilespmem:v20+s16+$0x0], $0xffff  }
0x4a1: {  	v35 =	vmin.f32 v6, $5.899998860e+01;
	v28 =	vmul.f32 $5.900000000e+01, v22;
	v39 =	vor.u32 v60, v23;
	v22 =	vld.idx.msk [tilespmem:v17+s16+$0x0], $0xffff  }
0x4a2: {  	v40 =	vmin.f32 v7, $5.899998860e+01;
	v41 =	vmin.f32 v8, $5.899998860e+01;
	v42 =	vmin.f32 v14, $5.899998860e+01;
	v23 =	vld.idx.msk [tilespmem:v13+s16+$0x0], $0xffff  }
0x4a3: {  	v44 =	vtrunc.f32 v25;
	v45 =	vmin.f32 v3, $5.899998860e+01;
	v43 =	vmin.f32 v28, $5.899998860e+01;
	v30 =	vld.idx.msk [tilespmem:v29+s15+$0x0], $0xffff  }
0x4a4: {  	v35 =	vtrunc.f32 v35;
	v29 =	vtrunc.f32 v43;
	v25 =	vld.idx.msk [tilespmem:v27+s15+$0x0], $0xffff;
	v27 =	vadd.f32 v32, v5  }
0x4a5: {  	v32 =	vtrunc.f32 v40;
	v40 =	vtrunc.f32 v41;
	v5 =	vld.idx.msk [tilespmem:v26+s15+$0x0], $0xffff;
	v26 =	vadd.f32 v33, v10  }
0x4a6: {  	v18 =	vadd.f32 v34, v18;
	v41 =	vtrunc.f32 v45;
	v33 =	vtrunc.f32 v42;
	v42 =	vld.idx.msk [tilespmem:v39+s16+$0x0], $0xffff;
	[tilespmem:s25+$0xFFFFFFB0] =	vst v27  }
0x4a7: {  	v19 =	vadd.f32 v37, v19;
	v43 =	vcvt.f32.s32 v44;
	v34 =	vcvt.f32.s32 v29;
	v10 =	vld.idx.msk [tilespmem:v24+s15+$0x0], $0xffff;
	[tilespmem:s25+$0xFFFFFFC0] =	vst v26  }
0x4a8: {  	v21 =	vadd.f32 v38, v21;
	v37 =	vcvt.f32.s32 v35;
	v24 =	vcvt.s32.f32 v31;
	v35 =	vld.idx.msk [tilespmem:v39+s15+$0x0], $0xffff;
	[tilespmem:s25+$0xFFFFFFD0] =	vst v18  }
0x4a9: {  	v38 =	vcvt.f32.s32 v32;
	v32 =	vcvt.f32.s32 v40;
	v26 =	vshll.u32 v34, $0x4;
	v18 =	vld.idx.msk [tilespmem:v20+s15+$0x0], $0xffff;
	[tilespmem:s25+$0xFFFFFFE0] =	vst v19  }
0x4aa: {  	v33 =	vcvt.f32.s32 v33;
	v31 =	vcvt.f32.s32 v41;
	v20 =	vsub.f32 v36, v24;
	v19 =	vld.idx.msk [tilespmem:v17+s15+$0x0], $0xffff;
	[tilespmem:s25+$0xFFFFFFF0] =	vst v21;
	s25 =	smov.u32 s28  }
0x4ab: {  	v24 =	vshll.u32 v37, $0x4;
	v36 =	vshll.u32 v38, $0x4;
	v17 =	vshll.u32 v43, $0x4;
	v21 =	vld.idx.msk [tilespmem:v13+s15+$0x0], $0xffff  }
0x4ac: {  	v39 =	vshll.u32 v33, $0x4;
	v13 =	vshll.u32 v32, $0x4;
	v20 =	vmul.f32 v20, v42  }
.Ltmp9:
0x4ad: {  	v29 =	vor.u32 v60, v26;
	v40 =	vshll.u32 v31, $0x4;
	v27 =	vor.u32 v60, v17;
	(pc) =	sbr.rel @p1 .LBB2_17-.Ltmp9, $4  }
0x4ae: {  	v26 =	vor.u32 v60, v24;
	v24 =	vor.u32 v60, v36;
	v41 =	vadd.f32 v20, v35  }
0x4af: {  	s28 =	sadd.s32 $0x400, s28;
	v17 =	vor.u32 v60, v39;
	v20 =	vor.u32 v60, v13;
	v13 =	vor.u32 v60, v40  }
0x4b0: {  	v36 =	vcvt.s32.f32 v34;
	v35 =	vcvt.s32.f32 v43;
	[tilespmem:s28+$0x0] =	vst v41  }
0x4b1: {  	s2 =	sadd.s32 $0x400, s2;
	v37 =	vcvt.s32.f32 v37;
	v34 =	vcvt.s32.f32 v38  }
0x4b2: {  	_ =	sdelay $0x3  }
0x4b3: {  	v38 =	vld.idx.msk [tilespmem:v29+s16+$0x0], $0xffff  }
0x4b4: {  	v39 =	vld.idx.msk [tilespmem:v27+s16+$0x0], $0xffff  }
0x4b5: {  	v44 =	vld.idx.msk [tilespmem:v26+s16+$0x0], $0xffff  }
0x4b6: {  	v0 =	vmul.f32 v0, v11;
	v11 =	vld.idx.msk [tilespmem:v24+s16+$0x0], $0xffff  }
0x4b7: {  	v45 =	vld.idx.msk [tilespmem:v20+s16+$0x0], $0xffff  }
0x4b8: {  	v28 =	vsub.f32 v28, v36;
	v9 =	vmul.f32 v61, v9;
	v61 =	vld.idx.msk [tilespmem:v17+s16+$0x0], $0xffff  }
0x4b9: {  	v4 =	vsub.f32 v4, v35;
	v32 =	vcvt.s32.f32 v32;
	v12 =	vmul.f32 v62, v12;
	v62 =	vld.idx.msk [tilespmem:v13+s16+$0x0], $0xffff  }
0x4ba: {  	v33 =	vcvt.s32.f32 v33;
	v16 =	vmul.f32 v63, v16;
	v63 =	vld.idx.msk [tilespmem:v29+s15+$0x0], $0xffff;
	v0 =	vadd.f32 v0, v30  }
0x4bb: {  	v1 =	vmul.f32 v1, v15;
	v29 =	vld.idx.msk [tilespmem:v27+s15+$0x0], $0xffff;
	v2 =	vmul.f32 v2, v23;
	v9 =	vadd.f32 v9, v25  }
0x4bc: {  	v36 =	vld.idx.msk [tilespmem:v24+s15+$0x0], $0xffff;
	v8 =	vsub.f32 v8, v32;
	v5 =	vadd.f32 v12, v5;
	[tilespmem:s25+$0xFFFFFF90] =	vst v0  }
0x4bd: {  	v41 =	vld.idx.msk [tilespmem:v20+s15+$0x0], $0xffff;
	v14 =	vsub.f32 v14, v33;
	v1 =	vadd.f32 v1, v10;
	[tilespmem:s25+$0xFFFFFFA0] =	vst v9  }
0x4be: {  	v25 =	vmul.f32 v59, v22;
	v32 =	vld.idx.msk [tilespmem:v26+s15+$0x0], $0xffff;
	v33 =	vadd.f32 v16, v18;
	[tilespmem:s25+$0xFFFFFFB0] =	vst v5  }
0x4bf: {  	v6 =	vsub.f32 v6, v37;
	v2 =	vadd.f32 v2, v21;
	[tilespmem:s25+$0xFFFFFFC0] =	vst v1;
	v40 =	vmul.f32 v28, v38  }
0x4c0: {  	v7 =	vsub.f32 v7, v34;
	v37 =	vadd.f32 v25, v19;
	[tilespmem:s25+$0xFFFFFFD0] =	vst v33;
	v4 =	vmul.f32 v4, v39  }
0x4c1: {  	v42 =	vcvt.s32.f32 v31;
	v43 =	vld.idx.msk [tilespmem:v17+s15+$0x0], $0xffff;
	[tilespmem:s25+$0xFFFFFFF0] =	vst v2;
	v6 =	vmul.f32 v6, v44;
	v0 =	vadd.f32 v40, v63  }
0x4c2: {  	v44 =	vld.idx.msk [tilespmem:v13+s15+$0x0], $0xffff;
	v7 =	vmul.f32 v7, v11;
	[tilespmem:s25+$0xFFFFFFE0] =	vst v37;
	v4 =	vadd.f32 v4, v29  }
0x4c3: {  	v3 =	vsub.f32 v3, v42;
	v8 =	vmul.f32 v8, v45;
	v45 =	vadd.f32 v6, v32;
	[tilespmem:s28+$0xFFFFFF90] =	vst v0  }
0x4c4: {  	v59 =	vmul.f32 v14, v61;
	v61 =	vadd.f32 v7, v36;
	[tilespmem:s28+$0xFFFFFFA0] =	vst v4  }
0x4c5: {  	p1 =	sne.s32 s23, $0x1F;
	v3 =	vmul.f32 v3, v62;
	v62 =	vadd.f32 v8, v41;
	[tilespmem:s28+$0xFFFFFFB0] =	vst v45  }
.Ltmp10:
0x4c6: {  	s1 =	sshrl.u32 s23, $0x1;
	s2 =	sshll.u32 s23, $0xC;
	v1 =	vadd.f32 v59, v43;
	[tilespmem:s28+$0xFFFFFFC0] =	vst v61;
	(pc) =	sbr.rel @p1 .LBB2_20-.Ltmp10, $4  }
0x4c7: {  	s1 =	sor.u32 s8, s1;
	s26 =	sand.u32 $0x1000, s2;
	[tilespmem:s28+$0xFFFFFFD0] =	vst v62;
	v63 =	vadd.f32 v3, v44  }
0x4c8: {  	s31 =	sadd.s32 s3, s26;
	s25 =	sshll.u32 s1, $0xD;
	[tilespmem:s28+$0xFFFFFFE0] =	vst v1  }
0x4c9: {  	s1 =	sadd.s32 s25, s31;
	[tilespmem:s28+$0xFFFFFFF0] =	vst v63  }
0x4ca: {  	[hbm4b:s1+s4] =	stream.linear.scatter [tilespmem:s17], [sflag:$0x3], $0x4000, $0x38;
	[tilespmem:$0x10880] =	vst v63  }
.Ltmp11:
0x4cb: {  	(pc) =	sbr.rel .LBB2_21-.Ltmp11, $4  }
0x4cc: {  	_ = 	snop  }
0x4cd: {  	_ =	swait.ge [sflag:s18], $0x4000  }
0x4ce: {  	[sflag:s18] =	ssyncset.done $0x0  }
0x4cf: {  	[sflag:s18] =	ssyncadd.s32 $0xFFFFC000  }
.LBB2_20:
0x4d0: {  	s1 =	sadd.s32 $0x2, s24  }
0x4d1: {  	s2 =	sshrl.u32 s1, $0x2;
	s1 =	sshll.u32 s1, $0xB  }
0x4d2: {  	s2 =	sadd.s32 s8, s2;
	s1 =	sand.u32 $0x1000, s1  }
0x4d3: {  	s2 =	sshll.u32 s2, $0xD;
	s1 =	sadd.s32 s0, s1  }
.Ltmp12:
0x4d4: {  	s1 =	sadd.s32 s2, s1;
	(pc) =	sbr.rel @p0 .LBB2_22-.Ltmp12, $4  }
0x4d5: {  	[tilespmem:s12], [sflag:$0x1] =	stream.linear.gather [hbm4b:s1+s4], $0x4000, $0x38;
	[tilespmem:$0x10880] =	vst v63  }
0x4d6: {  	_ =	swait.ge [sflag:s18], $0x4000  }
0x4d7: {  	[sflag:s18] =	ssyncset.done $0x0  }
0x4d8: {  	[sflag:s18] =	ssyncadd.s32 $0xFFFFC000  }
.LBB2_21:
0x4d9: {  	_ =	swait.ge [sflag:s19], $0x4000  }
0x4da: {  	[sflag:s19] =	ssyncset.done $0x0  }
0x4db: {  	[sflag:s19] =	ssyncadd.s32 $0xFFFFC000  }
.LBB2_22:
0x4dc: {  	s1 =	simm.s32 $0x48C0  }
0x4dd: {  	v0 =	vld [tilespmem:s1+$0x30]  }
0x4de: {  	v1 =	vld [tilespmem:s1+$0xFFFFFFD0]  }
0x4df: {  	v2 =	vld [tilespmem:s1+$0xFFFFFFE0]  }
0x4e0: {  	v3 =	vld [tilespmem:s1+$0xFFFFFFF0]  }
0x4e1: {  	v4 =	vld [tilespmem:s1+$0x0]  }
0x4e2: {  	v5 =	vld [tilespmem:s1+$0x10]  }
0x4e3: {  	v6 =	vld [tilespmem:s1+$0x20]  }
0x4e4: {  	v7 =	vld [tilespmem:s1+$0xFFFFFFC0]  }
0x4e5: {  	v0 =	vmax.f32 v0, $0.0e+00  }
0x4e6: {  	v1 =	vmax.f32 v1, $0.0e+00;
	v2 =	vmax.f32 v2, $0.0e+00;
	v3 =	vmax.f32 v3, $0.0e+00  }
0x4e7: {  	v4 =	vmax.f32 v4, $0.0e+00;
	v5 =	vmax.f32 v5, $0.0e+00;
	v0 =	vmul.f32 $5.900000000e+01, v0  }
0x4e8: {  	v6 =	vmax.f32 v6, $0.0e+00;
	v1 =	vmul.f32 $5.900000000e+01, v1;
	v2 =	vmul.f32 $5.900000000e+01, v2  }
0x4e9: {  	v7 =	vmax.f32 v7, $0.0e+00;
	v3 =	vmul.f32 $5.900000000e+01, v3;
	v4 =	vmul.f32 $5.900000000e+01, v4  }
0x4ea: {  	v5 =	vmul.f32 $5.900000000e+01, v5;
	v6 =	vmul.f32 $5.900000000e+01, v6;
	v8 =	vmin.f32 v0, $5.899998860e+01  }
0x4eb: {  	v7 =	vmul.f32 $5.900000000e+01, v7;
	v8 =	vtrunc.f32 v8  }
0x4ec: {  	v9 =	vmin.f32 v1, $5.899998860e+01;
	v11 =	vmin.f32 v2, $5.899998860e+01;
	v8 =	vcvt.f32.s32 v8  }
0x4ed: {  	v12 =	vmin.f32 v3, $5.899998860e+01;
	v13 =	vmin.f32 v4, $5.899998860e+01;
	v14 =	vmin.f32 v7, $5.899998860e+01  }
0x4ee: {  	v15 =	vmin.f32 v5, $5.899998860e+01;
	v12 =	vtrunc.f32 v12;
	v10 =	vshll.u32 v8, $0x4  }
0x4ef: {  	v9 =	vtrunc.f32 v9;
	v12 =	vcvt.f32.s32 v12;
	v10 =	vor.u32 v60, v10  }
0x4f0: {  	v16 =	vmin.f32 v6, $5.899998860e+01;
	v14 =	vtrunc.f32 v14;
	v11 =	vtrunc.f32 v11  }
0x4f1: {  	v13 =	vtrunc.f32 v13;
	v20 =	vshll.u32 v12, $0x4;
	v12 =	vcvt.s32.f32 v12  }
0x4f2: {  	s2 =	simm.s32 $0x4CC0;
	v15 =	vtrunc.f32 v15;
	v16 =	vtrunc.f32 v16  }
0x4f3: {  	v14 =	vcvt.f32.s32 v14;
	v9 =	vcvt.f32.s32 v9;
	v59 =	vsub.f32 v3, v12;
	v3 =	vld [tilespmem:s2+$0xFFFFFFC0]  }
0x4f4: {  	v11 =	vcvt.f32.s32 v11;
	v13 =	vcvt.f32.s32 v13;
	v17 =	vld.idx.msk [tilespmem:v10+s16+$0x0], $0xffff  }
0x4f5: {  	v15 =	vcvt.f32.s32 v15;
	v8 =	vcvt.s32.f32 v8  }
0x4f6: {  	v16 =	vcvt.f32.s32 v16;
	v18 =	vshll.u32 v14, $0x4;
	v19 =	vshll.u32 v11, $0x4;
	v10 =	vld.idx.msk [tilespmem:v10+s15+$0x0], $0xffff  }
0x4f7: {  	v21 =	vshll.u32 v13, $0x4;
	v22 =	vshll.u32 v15, $0x4;
	v0 =	vsub.f32 v0, v8  }
0x4f8: {  	v23 =	vld [tilespmem:s2+$0x30];
	v19 =	vor.u32 v60, v19;
	v20 =	vor.u32 v60, v20;
	v3 =	vmax.f32 v3, $0.0e+00  }
0x4f9: {  	v8 =	vshll.u32 v9, $0x4;
	v28 =	vmul.f32 $5.900000000e+01, v3;
	v0 =	vmul.f32 v0, v17  }
0x4fa: {  	v17 =	vor.u32 v60, v18;
	v18 =	vor.u32 v60, v8;
	v8 =	vshll.u32 v16, $0x4  }
0x4fb: {  	v36 =	vor.u32 v60, v8;
	v8 =	vcvt.s32.f32 v9;
	v34 =	vadd.f32 v0, v10;
	v10 =	vld [tilespmem:s2+$0xFFFFFFD0]  }
0x4fc: {  	v24 =	vor.u32 v60, v21;
	v9 =	vcvt.s32.f32 v11;
	v11 =	vld [tilespmem:s2+$0xFFFFFFE0];
	v0 =	vcvt.s32.f32 v14  }
0x4fd: {  	v14 =	vcvt.s32.f32 v15;
	v61 =	vsub.f32 v1, v8;
	v8 =	vld [tilespmem:s2+$0x0];
	v1 =	vmax.f32 v23, $0.0e+00  }
0x4fe: {  	v62 =	vsub.f32 v2, v9;
	v9 =	vld [tilespmem:s2+$0x10];
	v0 =	vsub.f32 v7, v0;
	v7 =	vcvt.s32.f32 v13  }
0x4ff: {  	v2 =	vcvt.s32.f32 v16;
	v16 =	vmin.f32 v28, $5.899998860e+01;
	v13 =	vld [tilespmem:s2+$0xFFFFFFF0];
	v15 =	vmul.f32 $5.900000000e+01, v1  }
0x500: {  	v27 =	vtrunc.f32 v16;
	v63 =	vsub.f32 v4, v7;
	v1 =	vmax.f32 v10, $0.0e+00  }
0x501: {  	v7 =	vmax.f32 v11, $0.0e+00;
	v11 =	vmin.f32 v15, $5.899998860e+01;
	v4 =	vmul.f32 $5.900000000e+01, v1  }
0x502: {  	v1 =	vsub.f32 v5, v14;
	v5 =	vmul.f32 $5.900000000e+01, v7;
	v7 =	vtrunc.f32 v11  }
0x503: {  	v35 =	vor.u32 v60, v22;
	v38 =	vcvt.f32.s32 v27;
	v10 =	vld [tilespmem:s2+$0x20];
	v22 =	vcvt.f32.s32 v7  }
0x504: {  	v8 =	vmax.f32 v8, $0.0e+00;
	v12 =	vmax.f32 v9, $0.0e+00;
	v11 =	vmax.f32 v13, $0.0e+00  }
0x505: {  	v16 =	vld.idx.msk [tilespmem:v24+s16+$0x0], $0xffff;
	v8 =	vmul.f32 $5.900000000e+01, v8;
	v13 =	vmul.f32 $5.900000000e+01, v12;
	v9 =	vshll.u32 v22, $0x4  }
0x506: {  	v12 =	vld.idx.msk [tilespmem:v19+s16+$0x0], $0xffff;
	v7 =	vmul.f32 $5.900000000e+01, v11;
	v14 =	vmin.f32 v4, $5.899998860e+01;
	v23 =	vor.u32 v60, v9  }
0x507: {  	v11 =	vld.idx.msk [tilespmem:v17+s16+$0x0], $0xffff;
	v25 =	vtrunc.f32 v14;
	v26 =	vmin.f32 v8, $5.899998860e+01;
	v29 =	vmin.f32 v13, $5.899998860e+01  }
0x508: {  	v14 =	vld.idx.msk [tilespmem:v20+s16+$0x0], $0xffff;
	v27 =	vcvt.s32.f32 v22;
	v10 =	vmax.f32 v10, $0.0e+00;
	v26 =	vtrunc.f32 v26  }
0x509: {  	v22 =	vld.idx.msk [tilespmem:v36+s16+$0x0], $0xffff;
	v21 =	vmin.f32 v7, $5.899998860e+01;
	v29 =	vtrunc.f32 v29;
	v39 =	vcvt.f32.s32 v25  }
0x50a: {  	v2 =	vsub.f32 v6, v2;
	v9 =	vld.idx.msk [tilespmem:v18+s16+$0x0], $0xffff;
	v3 =	vmul.f32 $5.900000000e+01, v10;
	v30 =	vtrunc.f32 v21  }
0x50b: {  	v10 =	vmin.f32 v5, $5.899998860e+01;
	v32 =	vcvt.f32.s32 v26;
	v33 =	vcvt.f32.s32 v29;
	v37 =	vld.idx.msk [tilespmem:v23+s16+$0x0], $0xffff  }
0x50c: {  	s31 =	simm.s32 $0xC8C0;
	v15 =	vsub.f32 v15, v27;
	v10 =	vtrunc.f32 v10;
	v41 =	vcvt.f32.s32 v30;
	v30 =	vld.idx.msk [tilespmem:v17+s15+$0x0], $0xffff  }
0x50d: {  	[tilespmem:s31+$0x30] =	vst v34;
	v17 =	vshll.u32 v39, $0x4;
	v34 =	vcvt.s32.f32 v39;
	v31 =	vmin.f32 v3, $5.899998860e+01;
	v23 =	vld.idx.msk [tilespmem:v23+s15+$0x0], $0xffff  }
0x50e: {  	v25 =	vld.idx.msk [tilespmem:v18+s15+$0x0], $0xffff;
	v40 =	vcvt.f32.s32 v10;
	v10 =	vshll.u32 v38, $0x4;
	v45 =	vshll.u32 v33, $0x4  }
0x50f: {  	v21 =	vld.idx.msk [tilespmem:v35+s16+$0x0], $0xffff;
	v26 =	vor.u32 v60, v17;
	v6 =	vtrunc.f32 v31;
	v42 =	vshll.u32 v41, $0x4  }
0x510: {  	v17 =	vld.idx.msk [tilespmem:v24+s15+$0x0], $0xffff;
	v29 =	vor.u32 v60, v10;
	v31 =	vcvt.f32.s32 v6;
	v15 =	vmul.f32 v15, v37  }
0x511: {  	v18 =	vshll.u32 v40, $0x4;
	v6 =	vld.idx.msk [tilespmem:v19+s15+$0x0], $0xffff;
	v19 =	vshll.u32 v32, $0x4;
	v24 =	vor.u32 v60, v42  }
0x512: {  	v10 =	vld.idx.msk [tilespmem:v20+s15+$0x0], $0xffff;
	v27 =	vor.u32 v60, v18;
	v20 =	vor.u32 v60, v19;
	v43 =	vadd.f32 v15, v23  }
0x513: {  	s28 =	simm.s32 $0xC970;
	s30 =	simm.s32 $0xCCC0;
	v19 =	vld.idx.msk [tilespmem:v35+s15+$0x0], $0xffff;
	v18 =	vor.u32 v60, v45;
	v37 =	vcvt.s32.f32 v38;
	v15 =	vshll.u32 v31, $0x4  }
0x514: {  	s29 =	simm.s32 $0x4970;
	s1 =	simm.s32 $0x50C0;
	s2 =	simm.s32 $0x8;
	v35 =	vcvt.s32.f32 v41;
	v23 =	vld.idx.msk [tilespmem:v36+s15+$0x0], $0xffff;
	v36 =	vcvt.s32.f32 v40;
	v15 =	vor.u32 v60, v15;
	[tilespmem:s30+$0x30] =	vst v43  }
.LBB2_23:
0x515: {  	v38 =	vld [tilespmem:s1+$0x30];
	s2 =	sadd.s32 $0x8, s2;
	v28 =	vsub.f32 v28, v37;
	v32 =	vcvt.s32.f32 v32;
	v33 =	vcvt.s32.f32 v33  }
0x516: {  	v4 =	vsub.f32 v4, v34;
	v31 =	vcvt.s32.f32 v31;
	v37 =	vld [tilespmem:s1+$0xFFFFFFD0];
	p0 =	slt.u32 s2, $0x78;
	v5 =	vsub.f32 v5, v36  }
0x517: {  	v11 =	vmul.f32 v0, v11;
	v7 =	vsub.f32 v7, v35;
	v34 =	vld [tilespmem:s1+$0xFFFFFFE0];
	v8 =	vsub.f32 v8, v32;
	v0 =	vmovc v28  }
0x518: {  	v9 =	vmul.f32 v61, v9;
	v13 =	vsub.f32 v13, v33;
	v3 =	vsub.f32 v3, v31;
	v61 =	vmovc v4;
	v28 =	vld [tilespmem:s1+$0xFFFFFFF0]  }
0x519: {  	v4 =	vadd.f32 v11, v30;
	v32 =	vmul.f32 v62, v12;
	v33 =	vmul.f32 v59, v14;
	v62 =	vmovc v5;
	v31 =	vld [tilespmem:s1+$0x0]  }
0x51a: {  	v35 =	vmul.f32 v63, v16;
	v36 =	vmul.f32 v1, v21;
	v59 =	vmovc v7;
	v63 =	vmovc v8;
	v12 =	vld [tilespmem:s1+$0x10];
	v5 =	vmax.f32 v38, $0.0e+00  }
0x51b: {  	v1 =	vmovc v13;
	v38 =	vmul.f32 v2, v22;
	v2 =	vmovc v3;
	v7 =	vmax.f32 v37, $0.0e+00;
	v14 =	vld [tilespmem:s1+$0x20];
	v37 =	vmul.f32 $5.900000000e+01, v5;
	[tilespmem:s31+$0xFFFFFFC0] =	vst v4  }
0x51c: {  	v8 =	vadd.f32 v9, v25;
	v3 =	vld [tilespmem:s1+$0xFFFFFFC0];
	v4 =	vmul.f32 $5.900000000e+01, v7;
	v5 =	vmax.f32 v34, $0.0e+00  }
0x51d: {  	v5 =	vmul.f32 $5.900000000e+01, v5;
	v7 =	vmax.f32 v28, $0.0e+00;
	v9 =	vmin.f32 v37, $5.899998860e+01;
	v11 =	vld.idx.msk [tilespmem:v29+s16+$0x0], $0xffff  }
0x51e: {  	v7 =	vmul.f32 $5.900000000e+01, v7;
	v13 =	vmax.f32 v31, $0.0e+00;
	v16 =	vtrunc.f32 v9;
	v9 =	vld.idx.msk [tilespmem:v26+s16+$0x0], $0xffff;
	[tilespmem:s31+$0xFFFFFFD0] =	vst v8  }
0x51f: {  	v8 =	vmul.f32 $5.900000000e+01, v13;
	v13 =	vmax.f32 v12, $0.0e+00;
	v31 =	vcvt.f32.s32 v16;
	v12 =	vld.idx.msk [tilespmem:v27+s16+$0x0], $0xffff  }
0x520: {  	v25 =	vmin.f32 v4, $5.899998860e+01;
	v13 =	vmul.f32 $5.900000000e+01, v13;
	v16 =	vmax.f32 v14, $0.0e+00;
	v14 =	vld.idx.msk [tilespmem:v24+s16+$0x0], $0xffff  }
0x521: {  	v21 =	vmax.f32 v3, $0.0e+00;
	v3 =	vmul.f32 $5.900000000e+01, v16;
	v22 =	vshll.u32 v31, $0x4;
	v16 =	vld.idx.msk [tilespmem:v20+s16+$0x0], $0xffff  }
0x522: {  	v34 =	vmin.f32 v5, $5.899998860e+01;
	v28 =	vmul.f32 $5.900000000e+01, v21;
	v39 =	vor.u32 v60, v22;
	v21 =	vld.idx.msk [tilespmem:v18+s16+$0x0], $0xffff  }
0x523: {  	v40 =	vmin.f32 v7, $5.899998860e+01;
	v41 =	vmin.f32 v8, $5.899998860e+01;
	v42 =	vmin.f32 v13, $5.899998860e+01;
	v22 =	vld.idx.msk [tilespmem:v15+s16+$0x0], $0xffff  }
0x524: {  	v44 =	vtrunc.f32 v25;
	v45 =	vmin.f32 v3, $5.899998860e+01;
	v43 =	vmin.f32 v28, $5.899998860e+01;
	v30 =	vld.idx.msk [tilespmem:v29+s15+$0x0], $0xffff  }
0x525: {  	v34 =	vtrunc.f32 v34;
	v29 =	vtrunc.f32 v43;
	v25 =	vld.idx.msk [tilespmem:v26+s15+$0x0], $0xffff;
	v26 =	vadd.f32 v32, v6  }
0x526: {  	v32 =	vtrunc.f32 v40;
	v40 =	vtrunc.f32 v41;
	v6 =	vld.idx.msk [tilespmem:v27+s15+$0x0], $0xffff;
	v27 =	vadd.f32 v33, v10  }
0x527: {  	v17 =	vadd.f32 v35, v17;
	v41 =	vtrunc.f32 v45;
	v33 =	vtrunc.f32 v42;
	v42 =	vld.idx.msk [tilespmem:v39+s16+$0x0], $0xffff;
	[tilespmem:s31+$0xFFFFFFE0] =	vst v26  }
0x528: {  	v19 =	vadd.f32 v36, v19;
	v43 =	vcvt.f32.s32 v44;
	v35 =	vcvt.f32.s32 v29;
	v10 =	vld.idx.msk [tilespmem:v24+s15+$0x0], $0xffff;
	[tilespmem:s31+$0xFFFFFFF0] =	vst v27  }
0x529: {  	v23 =	vadd.f32 v38, v23;
	v36 =	vcvt.f32.s32 v34;
	v24 =	vcvt.s32.f32 v31;
	v34 =	vld.idx.msk [tilespmem:v39+s15+$0x0], $0xffff;
	[tilespmem:s31+$0x0] =	vst v17  }
0x52a: {  	v38 =	vcvt.f32.s32 v32;
	v32 =	vcvt.f32.s32 v40;
	v26 =	vshll.u32 v35, $0x4;
	v17 =	vld.idx.msk [tilespmem:v20+s15+$0x0], $0xffff;
	[tilespmem:s31+$0x10] =	vst v19  }
0x52b: {  	v33 =	vcvt.f32.s32 v33;
	v31 =	vcvt.f32.s32 v41;
	v20 =	vsub.f32 v37, v24;
	v19 =	vld.idx.msk [tilespmem:v18+s15+$0x0], $0xffff;
	[tilespmem:s31+$0x20] =	vst v23;
	s31 =	smov.u32 s30  }
0x52c: {  	v24 =	vshll.u32 v36, $0x4;
	v37 =	vshll.u32 v38, $0x4;
	v18 =	vshll.u32 v43, $0x4;
	v23 =	vld.idx.msk [tilespmem:v15+s15+$0x0], $0xffff  }
0x52d: {  	v39 =	vshll.u32 v33, $0x4;
	v15 =	vshll.u32 v32, $0x4;
	v20 =	vmul.f32 v20, v42  }
.Ltmp13:
0x52e: {  	v29 =	vor.u32 v60, v26;
	v40 =	vshll.u32 v31, $0x4;
	v26 =	vor.u32 v60, v18;
	(pc) =	sbr.rel @p0 .LBB2_23-.Ltmp13, $4  }
0x52f: {  	v27 =	vor.u32 v60, v24;
	v24 =	vor.u32 v60, v37;
	v41 =	vadd.f32 v20, v34  }
0x530: {  	s30 =	sadd.s32 $0x400, s30;
	v18 =	vor.u32 v60, v39;
	v20 =	vor.u32 v60, v15;
	v15 =	vor.u32 v60, v40  }
0x531: {  	v37 =	vcvt.s32.f32 v35;
	v34 =	vcvt.s32.f32 v43;
	[tilespmem:s30+$0x30] =	vst v41  }
0x532: {  	s1 =	sadd.s32 $0x400, s1;
	v36 =	vcvt.s32.f32 v36;
	v35 =	vcvt.s32.f32 v38  }
0x533: {  	_ =	sdelay $0x3  }
0x534: {  	v38 =	vld.idx.msk [tilespmem:v29+s16+$0x0], $0xffff  }
0x535: {  	v39 =	vld.idx.msk [tilespmem:v26+s16+$0x0], $0xffff  }
0x536: {  	v32 =	vcvt.s32.f32 v32;
	v43 =	vld.idx.msk [tilespmem:v27+s16+$0x0], $0xffff  }
0x537: {  	v28 =	vsub.f32 v28, v37;
	v0 =	vmul.f32 v0, v11;
	v11 =	vld.idx.msk [tilespmem:v24+s16+$0x0], $0xffff;
	v9 =	vmul.f32 v61, v9  }
0x538: {  	v4 =	vsub.f32 v4, v34;
	v44 =	vld.idx.msk [tilespmem:v20+s16+$0x0], $0xffff;
	v12 =	vmul.f32 v62, v12;
	v14 =	vmul.f32 v59, v14  }
0x539: {  	v16 =	vmul.f32 v63, v16;
	v1 =	vmul.f32 v1, v21;
	v0 =	vadd.f32 v0, v30;
	v30 =	vld.idx.msk [tilespmem:v18+s16+$0x0], $0xffff  }
0x53a: {  	v2 =	vmul.f32 v2, v22;
	v5 =	vsub.f32 v5, v36;
	v9 =	vadd.f32 v9, v25;
	v25 =	vld.idx.msk [tilespmem:v15+s16+$0x0], $0xffff  }
0x53b: {  	v33 =	vcvt.s32.f32 v33;
	v7 =	vsub.f32 v7, v35;
	v6 =	vadd.f32 v12, v6;
	[tilespmem:s31+$0xFFFFFFC0] =	vst v0;
	v0 =	vld.idx.msk [tilespmem:v29+s15+$0x0], $0xffff  }
0x53c: {  	v8 =	vsub.f32 v8, v32;
	v10 =	vadd.f32 v14, v10;
	[tilespmem:s31+$0xFFFFFFD0] =	vst v9;
	v9 =	vld.idx.msk [tilespmem:v26+s15+$0x0], $0xffff  }
0x53d: {  	v13 =	vsub.f32 v13, v33;
	v12 =	vld.idx.msk [tilespmem:v27+s15+$0x0], $0xffff;
	[tilespmem:s31+$0xFFFFFFE0] =	vst v6;
	v6 =	vadd.f32 v16, v17  }
0x53e: {  	v14 =	vld.idx.msk [tilespmem:v24+s15+$0x0], $0xffff;
	v1 =	vadd.f32 v1, v19;
	[tilespmem:s31+$0xFFFFFFF0] =	vst v10;
	v10 =	vmul.f32 v28, v38  }
0x53f: {  	v2 =	vadd.f32 v2, v23;
	v4 =	vmul.f32 v4, v39;
	[tilespmem:s31+$0x0] =	vst v6;
	v6 =	vld.idx.msk [tilespmem:v20+s15+$0x0], $0xffff  }
0x540: {  	v16 =	vcvt.s32.f32 v31;
	[tilespmem:s31+$0x10] =	vst v1;
	v1 =	vld.idx.msk [tilespmem:v18+s15+$0x0], $0xffff;
	v5 =	vmul.f32 v5, v43;
	v0 =	vadd.f32 v10, v0  }
0x541: {  	[tilespmem:s31+$0x20] =	vst v2;
	v2 =	vld.idx.msk [tilespmem:v15+s15+$0x0], $0xffff;
	v7 =	vmul.f32 v7, v11;
	v4 =	vadd.f32 v4, v9  }
0x542: {  	v8 =	vmul.f32 v8, v44;
	v3 =	vsub.f32 v3, v16;
	[tilespmem:s30+$0xFFFFFFC0] =	vst v0;
	v0 =	vadd.f32 v5, v12  }
0x543: {  	v5 =	vmul.f32 v13, v30;
	[tilespmem:s30+$0xFFFFFFD0] =	vst v4;
	v4 =	vadd.f32 v7, v14  }
0x544: {  	v3 =	vmul.f32 v3, v25;
	[tilespmem:s30+$0xFFFFFFE0] =	vst v0;
	v0 =	vadd.f32 v8, v6  }
0x545: {  	[tilespmem:s30+$0xFFFFFFF0] =	vst v4;
	v1 =	vadd.f32 v5, v1  }
0x546: {  	[tilespmem:s30+$0x0] =	vst v0;
	v0 =	vadd.f32 v3, v2  }
0x547: {  	[tilespmem:s30+$0x10] =	vst v1  }
0x548: {  	[tilespmem:s30+$0x20] =	vst v0  }
0x549: {  	v0 =	vld [tilespmem:s29+$0x0]  }
0x54a: {  	v1 =	vld [tilespmem:s29+$0xFFFFFFA0]  }
0x54b: {  	v2 =	vld [tilespmem:s29+$0xFFFFFFB0]  }
0x54c: {  	v3 =	vld [tilespmem:s29+$0xFFFFFFC0]  }
0x54d: {  	v4 =	vld [tilespmem:s29+$0xFFFFFFD0]  }
0x54e: {  	v5 =	vld [tilespmem:s29+$0xFFFFFFE0];
	_ =	sdelay $0x1  }
0x54f: {  	v6 =	vld [tilespmem:s29+$0xFFFFFFF0]  }
0x550: {  	v7 =	vld [tilespmem:s29+$0xFFFFFF90];
	v0 =	vmax.f32 v0, $0.0e+00;
	v1 =	vmax.f32 v1, $0.0e+00  }
0x551: {  	v2 =	vmax.f32 v2, $0.0e+00;
	v3 =	vmax.f32 v3, $0.0e+00;
	v0 =	vmul.f32 $5.900000000e+01, v0  }
0x552: {  	v4 =	vmax.f32 v4, $0.0e+00;
	v5 =	vmax.f32 v5, $0.0e+00;
	v1 =	vmul.f32 $5.900000000e+01, v1  }
0x553: {  	v2 =	vmul.f32 $5.900000000e+01, v2;
	v3 =	vmul.f32 $5.900000000e+01, v3;
	v8 =	vmin.f32 v0, $5.899998860e+01  }
0x554: {  	v6 =	vmax.f32 v6, $0.0e+00;
	v4 =	vmul.f32 $5.900000000e+01, v4;
	v8 =	vtrunc.f32 v8  }
0x555: {  	v7 =	vmax.f32 v7, $0.0e+00;
	v5 =	vmul.f32 $5.900000000e+01, v5;
	v8 =	vcvt.f32.s32 v8  }
0x556: {  	v6 =	vmul.f32 $5.900000000e+01, v6;
	v7 =	vmul.f32 $5.900000000e+01, v7;
	v9 =	vmin.f32 v1, $5.899998860e+01  }
0x557: {  	v11 =	vmin.f32 v2, $5.899998860e+01;
	v12 =	vmin.f32 v3, $5.899998860e+01;
	v10 =	vshll.u32 v8, $0x4  }
0x558: {  	v14 =	vmin.f32 v7, $5.899998860e+01;
	v9 =	vtrunc.f32 v9;
	v10 =	vor.u32 v60, v10  }
0x559: {  	v13 =	vmin.f32 v4, $5.899998860e+01;
	v14 =	vtrunc.f32 v14;
	v11 =	vtrunc.f32 v11  }
0x55a: {  	v15 =	vmin.f32 v5, $5.899998860e+01;
	v12 =	vtrunc.f32 v12;
	v13 =	vtrunc.f32 v13  }
0x55b: {  	v16 =	vmin.f32 v6, $5.899998860e+01;
	v15 =	vtrunc.f32 v15;
	v12 =	vcvt.f32.s32 v12  }
0x55c: {  	v16 =	vtrunc.f32 v16;
	v14 =	vcvt.f32.s32 v14  }
0x55d: {  	v9 =	vcvt.f32.s32 v9;
	v20 =	vshll.u32 v12, $0x4;
	v12 =	vcvt.s32.f32 v12;
	v17 =	vld.idx.msk [tilespmem:v10+s16+$0x0], $0xffff  }
0x55e: {  	s1 =	simm.s32 $0x4D70;
	v11 =	vcvt.f32.s32 v11;
	v8 =	vcvt.s32.f32 v8  }
0x55f: {  	v13 =	vcvt.f32.s32 v13;
	v15 =	vcvt.f32.s32 v15;
	v59 =	vsub.f32 v3, v12;
	v3 =	vld [tilespmem:s1+$0xFFFFFF90]  }
0x560: {  	v16 =	vcvt.f32.s32 v16;
	v18 =	vshll.u32 v14, $0x4;
	v0 =	vsub.f32 v0, v8;
	v10 =	vld.idx.msk [tilespmem:v10+s15+$0x0], $0xffff  }
0x561: {  	v19 =	vshll.u32 v11, $0x4;
	v21 =	vshll.u32 v13, $0x4;
	v22 =	vshll.u32 v15, $0x4  }
0x562: {  	v23 =	vld [tilespmem:s1+$0x0];
	v19 =	vor.u32 v60, v19;
	v8 =	vshll.u32 v9, $0x4;
	v0 =	vmul.f32 v0, v17  }
0x563: {  	v17 =	vor.u32 v60, v18;
	v18 =	vor.u32 v60, v8;
	v8 =	vshll.u32 v16, $0x4  }
0x564: {  	v3 =	vmax.f32 v3, $0.0e+00;
	v36 =	vor.u32 v60, v8;
	v8 =	vcvt.s32.f32 v9  }
0x565: {  	v28 =	vmul.f32 $5.900000000e+01, v3;
	v9 =	vcvt.s32.f32 v11;
	v34 =	vadd.f32 v0, v10;
	v10 =	vld [tilespmem:s1+$0xFFFFFFA0]  }
0x566: {  	v11 =	vld [tilespmem:s1+$0xFFFFFFB0];
	v0 =	vcvt.s32.f32 v14;
	v14 =	vcvt.s32.f32 v15;
	v61 =	vsub.f32 v1, v8  }
0x567: {  	v1 =	vmax.f32 v23, $0.0e+00;
	v62 =	vsub.f32 v2, v9;
	v2 =	vcvt.s32.f32 v16  }
0x568: {  	v16 =	vmin.f32 v28, $5.899998860e+01;
	v0 =	vsub.f32 v7, v0;
	v7 =	vcvt.s32.f32 v13;
	v13 =	vld [tilespmem:s1+$0xFFFFFFC0]  }
0x569: {  	v21 =	vor.u32 v60, v21;
	v8 =	vld [tilespmem:s1+$0xFFFFFFD0];
	v24 =	vmul.f32 $5.900000000e+01, v1;
	v27 =	vtrunc.f32 v16  }
0x56a: {  	v9 =	vld [tilespmem:s1+$0xFFFFFFE0];
	v38 =	vcvt.f32.s32 v27;
	v63 =	vsub.f32 v4, v7;
	v1 =	vmax.f32 v10, $0.0e+00  }
0x56b: {  	v7 =	vmax.f32 v11, $0.0e+00;
	v11 =	vmin.f32 v24, $5.899998860e+01;
	v4 =	vmul.f32 $5.900000000e+01, v1  }
0x56c: {  	v1 =	vsub.f32 v5, v14;
	v5 =	vmul.f32 $5.900000000e+01, v7;
	v7 =	vtrunc.f32 v11  }
0x56d: {  	v20 =	vor.u32 v60, v20;
	v11 =	vmax.f32 v13, $0.0e+00;
	v13 =	vcvt.f32.s32 v7  }
0x56e: {  	v35 =	vor.u32 v60, v22;
	v10 =	vld [tilespmem:s1+$0xFFFFFFF0];
	v37 =	vcvt.s32.f32 v38;
	v8 =	vmax.f32 v8, $0.0e+00  }
0x56f: {  	v16 =	vld.idx.msk [tilespmem:v21+s16+$0x0], $0xffff;
	v12 =	vmax.f32 v9, $0.0e+00;
	v8 =	vmul.f32 $5.900000000e+01, v8;
	v9 =	vshll.u32 v13, $0x4  }
0x570: {  	v14 =	vmul.f32 $5.900000000e+01, v12;
	v12 =	vld.idx.msk [tilespmem:v19+s16+$0x0], $0xffff;
	v15 =	vmin.f32 v4, $5.899998860e+01;
	v23 =	vor.u32 v60, v9  }
0x571: {  	v2 =	vsub.f32 v6, v2;
	v7 =	vmul.f32 $5.900000000e+01, v11;
	v11 =	vld.idx.msk [tilespmem:v17+s16+$0x0], $0xffff;
	v25 =	vtrunc.f32 v15  }
0x572: {  	v15 =	vld.idx.msk [tilespmem:v20+s16+$0x0], $0xffff;
	v26 =	vmin.f32 v8, $5.899998860e+01;
	v29 =	vmin.f32 v14, $5.899998860e+01;
	v13 =	vcvt.s32.f32 v13  }
0x573: {  	v10 =	vmax.f32 v10, $0.0e+00;
	v9 =	vld.idx.msk [tilespmem:v18+s16+$0x0], $0xffff;
	v26 =	vtrunc.f32 v26;
	v29 =	vtrunc.f32 v29  }
0x574: {  	v22 =	vmin.f32 v7, $5.899998860e+01;
	v39 =	vcvt.f32.s32 v25;
	v25 =	vld.idx.msk [tilespmem:v18+s15+$0x0], $0xffff;
	v3 =	vmul.f32 $5.900000000e+01, v10  }
0x575: {  	v10 =	vmin.f32 v5, $5.899998860e+01;
	v30 =	vtrunc.f32 v22;
	v32 =	vcvt.f32.s32 v26;
	v45 =	vld.idx.msk [tilespmem:v23+s16+$0x0], $0xffff  }
0x576: {  	v13 =	vsub.f32 v24, v13;
	v33 =	vcvt.f32.s32 v29;
	v42 =	vcvt.f32.s32 v30;
	v30 =	vld.idx.msk [tilespmem:v17+s15+$0x0], $0xffff  }
0x577: {  	[tilespmem:s28+$0x0] =	vst v34;
	v10 =	vtrunc.f32 v10;
	v17 =	vshll.u32 v39, $0x4;
	v34 =	vcvt.s32.f32 v39;
	v41 =	vld.idx.msk [tilespmem:v23+s15+$0x0], $0xffff  }
0x578: {  	v22 =	vld.idx.msk [tilespmem:v35+s16+$0x0], $0xffff;
	v31 =	vmin.f32 v3, $5.899998860e+01;
	v40 =	vcvt.f32.s32 v10;
	v10 =	vshll.u32 v38, $0x4  }
0x579: {  	v27 =	vor.u32 v60, v17;
	v17 =	vld.idx.msk [tilespmem:v21+s15+$0x0], $0xffff;
	v6 =	vtrunc.f32 v31;
	v24 =	vshll.u32 v42, $0x4  }
0x57a: {  	v21 =	vld.idx.msk [tilespmem:v36+s15+$0x0], $0xffff;
	v29 =	vor.u32 v60, v10;
	v31 =	vcvt.f32.s32 v6;
	v13 =	vmul.f32 v13, v45  }
0x57b: {  	v18 =	vshll.u32 v40, $0x4;
	v6 =	vld.idx.msk [tilespmem:v19+s15+$0x0], $0xffff;
	v19 =	vshll.u32 v32, $0x4;
	v24 =	vor.u32 v60, v24  }
0x57c: {  	v23 =	vld.idx.msk [tilespmem:v36+s16+$0x0], $0xffff;
	v36 =	vcvt.s32.f32 v40;
	v26 =	vor.u32 v60, v18;
	v41 =	vadd.f32 v13, v41  }
0x57d: {  	s2 =	simm.s32 $0x8;
	s31 =	simm.s32 $0xCD70;
	v10 =	vld.idx.msk [tilespmem:v20+s15+$0x0], $0xffff;
	v20 =	vor.u32 v60, v19;
	v45 =	vshll.u32 v33, $0x4;
	v13 =	vshll.u32 v31, $0x4  }
0x57e: {  	s30 =	simm.s32 $0x49F0;
	s29 =	simm.s32 $0xC9F0;
	s1 =	simm.s32 $0x5170;
	v19 =	vld.idx.msk [tilespmem:v35+s15+$0x0], $0xffff;
	v35 =	vcvt.s32.f32 v42;
	v18 =	vor.u32 v60, v45;
	v13 =	vor.u32 v60, v13;
	[tilespmem:s31+$0x0] =	vst v41  }
.LBB2_25:
0x57f: {  	v38 =	vld [tilespmem:s1+$0x0];
	s2 =	sadd.s32 $0x8, s2;
	v28 =	vsub.f32 v28, v37;
	v32 =	vcvt.s32.f32 v32;
	v33 =	vcvt.s32.f32 v33  }
0x580: {  	v4 =	vsub.f32 v4, v34;
	v31 =	vcvt.s32.f32 v31;
	v37 =	vld [tilespmem:s1+$0xFFFFFFA0];
	p0 =	slt.u32 s2, $0x78;
	v5 =	vsub.f32 v5, v36  }
0x581: {  	v11 =	vmul.f32 v0, v11;
	v7 =	vsub.f32 v7, v35;
	v34 =	vld [tilespmem:s1+$0xFFFFFFB0];
	v8 =	vsub.f32 v8, v32;
	v0 =	vmovc v28  }
0x582: {  	v9 =	vmul.f32 v61, v9;
	v14 =	vsub.f32 v14, v33;
	v3 =	vsub.f32 v3, v31;
	v61 =	vmovc v4;
	v28 =	vld [tilespmem:s1+$0xFFFFFFC0]  }
0x583: {  	v4 =	vadd.f32 v11, v30;
	v32 =	vmul.f32 v62, v12;
	v33 =	vmul.f32 v59, v15;
	v62 =	vmovc v5;
	v31 =	vld [tilespmem:s1+$0xFFFFFFD0]  }
0x584: {  	v35 =	vmul.f32 v63, v16;
	v36 =	vmul.f32 v1, v22;
	v59 =	vmovc v7;
	v63 =	vmovc v8;
	v12 =	vld [tilespmem:s1+$0xFFFFFFE0];
	v5 =	vmax.f32 v38, $0.0e+00  }
0x585: {  	v1 =	vmovc v14;
	v38 =	vmul.f32 v2, v23;
	v2 =	vmovc v3;
	v7 =	vmax.f32 v37, $0.0e+00;
	v15 =	vld [tilespmem:s1+$0xFFFFFFF0];
	v37 =	vmul.f32 $5.900000000e+01, v5;
	[tilespmem:s28+$0xFFFFFF90] =	vst v4  }
0x586: {  	v8 =	vadd.f32 v9, v25;
	v3 =	vld [tilespmem:s1+$0xFFFFFF90];
	v4 =	vmul.f32 $5.900000000e+01, v7;
	v5 =	vmax.f32 v34, $0.0e+00  }
0x587: {  	v5 =	vmul.f32 $5.900000000e+01, v5;
	v7 =	vmax.f32 v28, $0.0e+00;
	v9 =	vmin.f32 v37, $5.899998860e+01;
	v11 =	vld.idx.msk [tilespmem:v29+s16+$0x0], $0xffff  }
0x588: {  	v7 =	vmul.f32 $5.900000000e+01, v7;
	v14 =	vmax.f32 v31, $0.0e+00;
	v16 =	vtrunc.f32 v9;
	v9 =	vld.idx.msk [tilespmem:v27+s16+$0x0], $0xffff;
	[tilespmem:s28+$0xFFFFFFA0] =	vst v8  }
0x589: {  	v8 =	vmul.f32 $5.900000000e+01, v14;
	v14 =	vmax.f32 v12, $0.0e+00;
	v31 =	vcvt.f32.s32 v16;
	v12 =	vld.idx.msk [tilespmem:v26+s16+$0x0], $0xffff  }
0x58a: {  	v25 =	vmin.f32 v4, $5.899998860e+01;
	v14 =	vmul.f32 $5.900000000e+01, v14;
	v16 =	vmax.f32 v15, $0.0e+00;
	v15 =	vld.idx.msk [tilespmem:v24+s16+$0x0], $0xffff  }
0x58b: {  	v22 =	vmax.f32 v3, $0.0e+00;
	v3 =	vmul.f32 $5.900000000e+01, v16;
	v23 =	vshll.u32 v31, $0x4;
	v16 =	vld.idx.msk [tilespmem:v20+s16+$0x0], $0xffff  }
0x58c: {  	v34 =	vmin.f32 v5, $5.899998860e+01;
	v28 =	vmul.f32 $5.900000000e+01, v22;
	v39 =	vor.u32 v60, v23;
	v22 =	vld.idx.msk [tilespmem:v18+s16+$0x0], $0xffff  }
0x58d: {  	v40 =	vmin.f32 v7, $5.899998860e+01;
	v41 =	vmin.f32 v8, $5.899998860e+01;
	v42 =	vmin.f32 v14, $5.899998860e+01;
	v23 =	vld.idx.msk [tilespmem:v13+s16+$0x0], $0xffff  }
0x58e: {  	v44 =	vtrunc.f32 v25;
	v45 =	vmin.f32 v3, $5.899998860e+01;
	v43 =	vmin.f32 v28, $5.899998860e+01;
	v30 =	vld.idx.msk [tilespmem:v29+s15+$0x0], $0xffff  }
0x58f: {  	v34 =	vtrunc.f32 v34;
	v29 =	vtrunc.f32 v43;
	v25 =	vld.idx.msk [tilespmem:v27+s15+$0x0], $0xffff;
	v27 =	vadd.f32 v32, v6  }
0x590: {  	v32 =	vtrunc.f32 v40;
	v40 =	vtrunc.f32 v41;
	v6 =	vld.idx.msk [tilespmem:v26+s15+$0x0], $0xffff;
	v26 =	vadd.f32 v33, v10  }
0x591: {  	v17 =	vadd.f32 v35, v17;
	v41 =	vtrunc.f32 v45;
	v33 =	vtrunc.f32 v42;
	v42 =	vld.idx.msk [tilespmem:v39+s16+$0x0], $0xffff;
	[tilespmem:s28+$0xFFFFFFB0] =	vst v27  }
0x592: {  	v19 =	vadd.f32 v36, v19;
	v43 =	vcvt.f32.s32 v44;
	v35 =	vcvt.f32.s32 v29;
	v10 =	vld.idx.msk [tilespmem:v24+s15+$0x0], $0xffff;
	[tilespmem:s28+$0xFFFFFFC0] =	vst v26  }
0x593: {  	v21 =	vadd.f32 v38, v21;
	v36 =	vcvt.f32.s32 v34;
	v24 =	vcvt.s32.f32 v31;
	v34 =	vld.idx.msk [tilespmem:v39+s15+$0x0], $0xffff;
	[tilespmem:s28+$0xFFFFFFD0] =	vst v17  }
0x594: {  	v38 =	vcvt.f32.s32 v32;
	v32 =	vcvt.f32.s32 v40;
	v26 =	vshll.u32 v35, $0x4;
	v17 =	vld.idx.msk [tilespmem:v20+s15+$0x0], $0xffff;
	[tilespmem:s28+$0xFFFFFFE0] =	vst v19  }
0x595: {  	v33 =	vcvt.f32.s32 v33;
	v31 =	vcvt.f32.s32 v41;
	v20 =	vsub.f32 v37, v24;
	v19 =	vld.idx.msk [tilespmem:v18+s15+$0x0], $0xffff;
	[tilespmem:s28+$0xFFFFFFF0] =	vst v21;
	s28 =	smov.u32 s31  }
0x596: {  	v24 =	vshll.u32 v36, $0x4;
	v37 =	vshll.u32 v38, $0x4;
	v18 =	vshll.u32 v43, $0x4;
	v21 =	vld.idx.msk [tilespmem:v13+s15+$0x0], $0xffff  }
0x597: {  	v39 =	vshll.u32 v33, $0x4;
	v13 =	vshll.u32 v32, $0x4;
	v20 =	vmul.f32 v20, v42  }
.Ltmp14:
0x598: {  	v29 =	vor.u32 v60, v26;
	v40 =	vshll.u32 v31, $0x4;
	v27 =	vor.u32 v60, v18;
	(pc) =	sbr.rel @p0 .LBB2_25-.Ltmp14, $4  }
0x599: {  	v26 =	vor.u32 v60, v24;
	v24 =	vor.u32 v60, v37;
	v41 =	vadd.f32 v20, v34  }
0x59a: {  	s31 =	sadd.s32 $0x400, s31;
	v18 =	vor.u32 v60, v39;
	v20 =	vor.u32 v60, v13;
	v13 =	vor.u32 v60, v40  }
0x59b: {  	v37 =	vcvt.s32.f32 v35;
	v34 =	vcvt.s32.f32 v43;
	[tilespmem:s31+$0x0] =	vst v41  }
0x59c: {  	s1 =	sadd.s32 $0x400, s1;
	v36 =	vcvt.s32.f32 v36;
	v35 =	vcvt.s32.f32 v38  }
0x59d: {  	_ =	sdelay $0x3  }
0x59e: {  	v38 =	vld.idx.msk [tilespmem:v29+s16+$0x0], $0xffff  }
0x59f: {  	v39 =	vld.idx.msk [tilespmem:v27+s16+$0x0], $0xffff  }
0x5a0: {  	v32 =	vcvt.s32.f32 v32;
	v43 =	vld.idx.msk [tilespmem:v26+s16+$0x0], $0xffff  }
0x5a1: {  	v28 =	vsub.f32 v28, v37;
	v0 =	vmul.f32 v0, v11;
	v11 =	vld.idx.msk [tilespmem:v24+s16+$0x0], $0xffff;
	v9 =	vmul.f32 v61, v9  }
0x5a2: {  	v4 =	vsub.f32 v4, v34;
	v44 =	vld.idx.msk [tilespmem:v20+s16+$0x0], $0xffff;
	v12 =	vmul.f32 v62, v12;
	v15 =	vmul.f32 v59, v15  }
0x5a3: {  	v16 =	vmul.f32 v63, v16;
	v1 =	vmul.f32 v1, v22;
	v0 =	vadd.f32 v0, v30;
	v30 =	vld.idx.msk [tilespmem:v18+s16+$0x0], $0xffff  }
0x5a4: {  	v2 =	vmul.f32 v2, v23;
	v5 =	vsub.f32 v5, v36;
	v9 =	vadd.f32 v9, v25;
	v25 =	vld.idx.msk [tilespmem:v13+s16+$0x0], $0xffff  }
0x5a5: {  	v33 =	vcvt.s32.f32 v33;
	v7 =	vsub.f32 v7, v35;
	v6 =	vadd.f32 v12, v6;
	[tilespmem:s28+$0xFFFFFF90] =	vst v0;
	v0 =	vld.idx.msk [tilespmem:v29+s15+$0x0], $0xffff  }
0x5a6: {  	v8 =	vsub.f32 v8, v32;
	v10 =	vadd.f32 v15, v10;
	[tilespmem:s28+$0xFFFFFFA0] =	vst v9;
	v9 =	vld.idx.msk [tilespmem:v27+s15+$0x0], $0xffff  }
0x5a7: {  	v14 =	vsub.f32 v14, v33;
	v12 =	vld.idx.msk [tilespmem:v26+s15+$0x0], $0xffff;
	[tilespmem:s28+$0xFFFFFFB0] =	vst v6;
	v6 =	vadd.f32 v16, v17  }
0x5a8: {  	v15 =	vld.idx.msk [tilespmem:v24+s15+$0x0], $0xffff;
	v1 =	vadd.f32 v1, v19;
	[tilespmem:s28+$0xFFFFFFC0] =	vst v10;
	v10 =	vmul.f32 v28, v38  }
0x5a9: {  	v2 =	vadd.f32 v2, v21;
	v4 =	vmul.f32 v4, v39;
	[tilespmem:s28+$0xFFFFFFD0] =	vst v6;
	v6 =	vld.idx.msk [tilespmem:v20+s15+$0x0], $0xffff  }
0x5aa: {  	v16 =	vcvt.s32.f32 v31;
	[tilespmem:s28+$0xFFFFFFE0] =	vst v1;
	v1 =	vld.idx.msk [tilespmem:v18+s15+$0x0], $0xffff;
	v5 =	vmul.f32 v5, v43;
	v0 =	vadd.f32 v10, v0  }
0x5ab: {  	[tilespmem:s28+$0xFFFFFFF0] =	vst v2;
	v2 =	vld.idx.msk [tilespmem:v13+s15+$0x0], $0xffff;
	v7 =	vmul.f32 v7, v11;
	v4 =	vadd.f32 v4, v9  }
0x5ac: {  	v8 =	vmul.f32 v8, v44;
	v3 =	vsub.f32 v3, v16;
	[tilespmem:s31+$0xFFFFFF90] =	vst v0;
	v0 =	vadd.f32 v5, v12  }
0x5ad: {  	v5 =	vmul.f32 v14, v30;
	[tilespmem:s31+$0xFFFFFFA0] =	vst v4;
	v4 =	vadd.f32 v7, v15  }
0x5ae: {  	v3 =	vmul.f32 v3, v25;
	[tilespmem:s31+$0xFFFFFFB0] =	vst v0;
	v0 =	vadd.f32 v8, v6  }
0x5af: {  	[tilespmem:s31+$0xFFFFFFC0] =	vst v4;
	v1 =	vadd.f32 v5, v1  }
0x5b0: {  	[tilespmem:s31+$0xFFFFFFD0] =	vst v0;
	v0 =	vadd.f32 v3, v2  }
0x5b1: {  	[tilespmem:s31+$0xFFFFFFE0] =	vst v1  }
0x5b2: {  	[tilespmem:s31+$0xFFFFFFF0] =	vst v0  }
0x5b3: {  	v0 =	vld [tilespmem:s30+$0x0]  }
0x5b4: {  	v1 =	vld [tilespmem:s30+$0xFFFFFFA0]  }
0x5b5: {  	v2 =	vld [tilespmem:s30+$0xFFFFFFB0]  }
0x5b6: {  	v3 =	vld [tilespmem:s30+$0xFFFFFFC0]  }
0x5b7: {  	v4 =	vld [tilespmem:s30+$0xFFFFFFD0]  }
0x5b8: {  	v5 =	vld [tilespmem:s30+$0xFFFFFFE0];
	_ =	sdelay $0x1  }
0x5b9: {  	v6 =	vld [tilespmem:s30+$0xFFFFFFF0]  }
0x5ba: {  	v7 =	vld [tilespmem:s30+$0xFFFFFF90];
	v0 =	vmax.f32 v0, $0.0e+00;
	v1 =	vmax.f32 v1, $0.0e+00  }
0x5bb: {  	v2 =	vmax.f32 v2, $0.0e+00;
	v3 =	vmax.f32 v3, $0.0e+00;
	v0 =	vmul.f32 $5.900000000e+01, v0  }
0x5bc: {  	v4 =	vmax.f32 v4, $0.0e+00;
	v5 =	vmax.f32 v5, $0.0e+00;
	v1 =	vmul.f32 $5.900000000e+01, v1  }
0x5bd: {  	v2 =	vmul.f32 $5.900000000e+01, v2;
	v3 =	vmul.f32 $5.900000000e+01, v3;
	v8 =	vmin.f32 v0, $5.899998860e+01  }
0x5be: {  	v6 =	vmax.f32 v6, $0.0e+00;
	v4 =	vmul.f32 $5.900000000e+01, v4;
	v8 =	vtrunc.f32 v8  }
0x5bf: {  	v7 =	vmax.f32 v7, $0.0e+00;
	v5 =	vmul.f32 $5.900000000e+01, v5;
	v8 =	vcvt.f32.s32 v8  }
0x5c0: {  	v6 =	vmul.f32 $5.900000000e+01, v6;
	v7 =	vmul.f32 $5.900000000e+01, v7;
	v9 =	vmin.f32 v1, $5.899998860e+01  }
0x5c1: {  	v11 =	vmin.f32 v2, $5.899998860e+01;
	v12 =	vmin.f32 v3, $5.899998860e+01;
	v10 =	vshll.u32 v8, $0x4  }
0x5c2: {  	v14 =	vmin.f32 v7, $5.899998860e+01;
	v9 =	vtrunc.f32 v9;
	v10 =	vor.u32 v60, v10  }
0x5c3: {  	v13 =	vmin.f32 v4, $5.899998860e+01;
	v14 =	vtrunc.f32 v14;
	v11 =	vtrunc.f32 v11  }
0x5c4: {  	v15 =	vmin.f32 v5, $5.899998860e+01;
	v12 =	vtrunc.f32 v12;
	v13 =	vtrunc.f32 v13  }
0x5c5: {  	v16 =	vmin.f32 v6, $5.899998860e+01;
	v15 =	vtrunc.f32 v15;
	v12 =	vcvt.f32.s32 v12  }
0x5c6: {  	v16 =	vtrunc.f32 v16;
	v14 =	vcvt.f32.s32 v14  }
0x5c7: {  	v9 =	vcvt.f32.s32 v9;
	v20 =	vshll.u32 v12, $0x4;
	v12 =	vcvt.s32.f32 v12;
	v17 =	vld.idx.msk [tilespmem:v10+s16+$0x0], $0xffff  }
0x5c8: {  	s1 =	simm.s32 $0x4DF0;
	v11 =	vcvt.f32.s32 v11;
	v8 =	vcvt.s32.f32 v8  }
0x5c9: {  	v13 =	vcvt.f32.s32 v13;
	v15 =	vcvt.f32.s32 v15;
	v59 =	vsub.f32 v3, v12;
	v3 =	vld [tilespmem:s1+$0xFFFFFF90]  }
0x5ca: {  	v16 =	vcvt.f32.s32 v16;
	v18 =	vshll.u32 v14, $0x4;
	v0 =	vsub.f32 v0, v8;
	v10 =	vld.idx.msk [tilespmem:v10+s15+$0x0], $0xffff  }
0x5cb: {  	v19 =	vshll.u32 v11, $0x4;
	v21 =	vshll.u32 v13, $0x4;
	v22 =	vshll.u32 v15, $0x4  }
0x5cc: {  	v23 =	vld [tilespmem:s1+$0x0];
	v19 =	vor.u32 v60, v19;
	v8 =	vshll.u32 v9, $0x4;
	v0 =	vmul.f32 v0, v17  }
0x5cd: {  	v17 =	vor.u32 v60, v18;
	v18 =	vor.u32 v60, v8;
	v8 =	vshll.u32 v16, $0x4  }
0x5ce: {  	v3 =	vmax.f32 v3, $0.0e+00;
	v36 =	vor.u32 v60, v8;
	v8 =	vcvt.s32.f32 v9  }
0x5cf: {  	v28 =	vmul.f32 $5.900000000e+01, v3;
	v9 =	vcvt.s32.f32 v11;
	v34 =	vadd.f32 v0, v10;
	v10 =	vld [tilespmem:s1+$0xFFFFFFA0]  }
0x5d0: {  	v11 =	vld [tilespmem:s1+$0xFFFFFFB0];
	v0 =	vcvt.s32.f32 v14;
	v14 =	vcvt.s32.f32 v15;
	v61 =	vsub.f32 v1, v8  }
0x5d1: {  	v1 =	vmax.f32 v23, $0.0e+00;
	v62 =	vsub.f32 v2, v9;
	v2 =	vcvt.s32.f32 v16  }
0x5d2: {  	v16 =	vmin.f32 v28, $5.899998860e+01;
	v0 =	vsub.f32 v7, v0;
	v7 =	vcvt.s32.f32 v13;
	v13 =	vld [tilespmem:s1+$0xFFFFFFC0]  }
0x5d3: {  	v21 =	vor.u32 v60, v21;
	v8 =	vld [tilespmem:s1+$0xFFFFFFD0];
	v24 =	vmul.f32 $5.900000000e+01, v1;
	v27 =	vtrunc.f32 v16  }
0x5d4: {  	v9 =	vld [tilespmem:s1+$0xFFFFFFE0];
	v38 =	vcvt.f32.s32 v27;
	v63 =	vsub.f32 v4, v7;
	v1 =	vmax.f32 v10, $0.0e+00  }
0x5d5: {  	v7 =	vmax.f32 v11, $0.0e+00;
	v11 =	vmin.f32 v24, $5.899998860e+01;
	v4 =	vmul.f32 $5.900000000e+01, v1  }
0x5d6: {  	v1 =	vsub.f32 v5, v14;
	v5 =	vmul.f32 $5.900000000e+01, v7;
	v7 =	vtrunc.f32 v11  }
0x5d7: {  	v20 =	vor.u32 v60, v20;
	v11 =	vmax.f32 v13, $0.0e+00;
	v13 =	vcvt.f32.s32 v7  }
0x5d8: {  	v35 =	vor.u32 v60, v22;
	v10 =	vld [tilespmem:s1+$0xFFFFFFF0];
	v37 =	vcvt.s32.f32 v38;
	v8 =	vmax.f32 v8, $0.0e+00  }
0x5d9: {  	v16 =	vld.idx.msk [tilespmem:v21+s16+$0x0], $0xffff;
	v12 =	vmax.f32 v9, $0.0e+00;
	v8 =	vmul.f32 $5.900000000e+01, v8;
	v9 =	vshll.u32 v13, $0x4  }
0x5da: {  	v14 =	vmul.f32 $5.900000000e+01, v12;
	v12 =	vld.idx.msk [tilespmem:v19+s16+$0x0], $0xffff;
	v15 =	vmin.f32 v4, $5.899998860e+01;
	v23 =	vor.u32 v60, v9  }
0x5db: {  	v2 =	vsub.f32 v6, v2;
	v7 =	vmul.f32 $5.900000000e+01, v11;
	v11 =	vld.idx.msk [tilespmem:v17+s16+$0x0], $0xffff;
	v25 =	vtrunc.f32 v15  }
0x5dc: {  	v15 =	vld.idx.msk [tilespmem:v20+s16+$0x0], $0xffff;
	v26 =	vmin.f32 v8, $5.899998860e+01;
	v29 =	vmin.f32 v14, $5.899998860e+01;
	v13 =	vcvt.s32.f32 v13  }
0x5dd: {  	v10 =	vmax.f32 v10, $0.0e+00;
	v9 =	vld.idx.msk [tilespmem:v18+s16+$0x0], $0xffff;
	v26 =	vtrunc.f32 v26;
	v29 =	vtrunc.f32 v29  }
0x5de: {  	v22 =	vmin.f32 v7, $5.899998860e+01;
	v39 =	vcvt.f32.s32 v25;
	v25 =	vld.idx.msk [tilespmem:v18+s15+$0x0], $0xffff;
	v3 =	vmul.f32 $5.900000000e+01, v10  }
0x5df: {  	v10 =	vmin.f32 v5, $5.899998860e+01;
	v30 =	vtrunc.f32 v22;
	v32 =	vcvt.f32.s32 v26;
	v45 =	vld.idx.msk [tilespmem:v23+s16+$0x0], $0xffff  }
0x5e0: {  	v13 =	vsub.f32 v24, v13;
	v33 =	vcvt.f32.s32 v29;
	v42 =	vcvt.f32.s32 v30;
	v30 =	vld.idx.msk [tilespmem:v17+s15+$0x0], $0xffff  }
0x5e1: {  	[tilespmem:s29+$0x0] =	vst v34;
	v10 =	vtrunc.f32 v10;
	v17 =	vshll.u32 v39, $0x4;
	v34 =	vcvt.s32.f32 v39;
	v41 =	vld.idx.msk [tilespmem:v23+s15+$0x0], $0xffff  }
0x5e2: {  	v22 =	vld.idx.msk [tilespmem:v35+s16+$0x0], $0xffff;
	v31 =	vmin.f32 v3, $5.899998860e+01;
	v40 =	vcvt.f32.s32 v10;
	v10 =	vshll.u32 v38, $0x4  }
0x5e3: {  	v27 =	vor.u32 v60, v17;
	v17 =	vld.idx.msk [tilespmem:v21+s15+$0x0], $0xffff;
	v6 =	vtrunc.f32 v31;
	v24 =	vshll.u32 v42, $0x4  }
0x5e4: {  	v21 =	vld.idx.msk [tilespmem:v36+s15+$0x0], $0xffff;
	v29 =	vor.u32 v60, v10;
	v31 =	vcvt.f32.s32 v6;
	v13 =	vmul.f32 v13, v45  }
0x5e5: {  	v18 =	vshll.u32 v40, $0x4;
	v6 =	vld.idx.msk [tilespmem:v19+s15+$0x0], $0xffff;
	v19 =	vshll.u32 v32, $0x4;
	v24 =	vor.u32 v60, v24  }
0x5e6: {  	v23 =	vld.idx.msk [tilespmem:v36+s16+$0x0], $0xffff;
	v36 =	vcvt.s32.f32 v40;
	v26 =	vor.u32 v60, v18;
	v41 =	vadd.f32 v13, v41  }
0x5e7: {  	s2 =	simm.s32 $0x8;
	s31 =	simm.s32 $0xCDF0;
	v10 =	vld.idx.msk [tilespmem:v20+s15+$0x0], $0xffff;
	v20 =	vor.u32 v60, v19;
	v45 =	vshll.u32 v33, $0x4;
	v13 =	vshll.u32 v31, $0x4  }
0x5e8: {  	s28 =	simm.s32 $0xCA70;
	s30 =	simm.s32 $0x4A70;
	s1 =	simm.s32 $0x51F0;
	v19 =	vld.idx.msk [tilespmem:v35+s15+$0x0], $0xffff;
	v35 =	vcvt.s32.f32 v42;
	v18 =	vor.u32 v60, v45;
	v13 =	vor.u32 v60, v13;
	[tilespmem:s31+$0x0] =	vst v41  }
.LBB2_27:
0x5e9: {  	v38 =	vld [tilespmem:s1+$0x0];
	s2 =	sadd.s32 $0x8, s2;
	v28 =	vsub.f32 v28, v37;
	v32 =	vcvt.s32.f32 v32;
	v33 =	vcvt.s32.f32 v33  }
0x5ea: {  	v4 =	vsub.f32 v4, v34;
	v31 =	vcvt.s32.f32 v31;
	v37 =	vld [tilespmem:s1+$0xFFFFFFA0];
	p0 =	slt.u32 s2, $0x78;
	v5 =	vsub.f32 v5, v36  }
0x5eb: {  	v11 =	vmul.f32 v0, v11;
	v7 =	vsub.f32 v7, v35;
	v34 =	vld [tilespmem:s1+$0xFFFFFFB0];
	v8 =	vsub.f32 v8, v32;
	v0 =	vmovc v28  }
0x5ec: {  	v9 =	vmul.f32 v61, v9;
	v14 =	vsub.f32 v14, v33;
	v3 =	vsub.f32 v3, v31;
	v61 =	vmovc v4;
	v28 =	vld [tilespmem:s1+$0xFFFFFFC0]  }
0x5ed: {  	v4 =	vadd.f32 v11, v30;
	v32 =	vmul.f32 v62, v12;
	v33 =	vmul.f32 v59, v15;
	v62 =	vmovc v5;
	v31 =	vld [tilespmem:s1+$0xFFFFFFD0]  }
0x5ee: {  	v35 =	vmul.f32 v63, v16;
	v36 =	vmul.f32 v1, v22;
	v59 =	vmovc v7;
	v63 =	vmovc v8;
	v12 =	vld [tilespmem:s1+$0xFFFFFFE0];
	v5 =	vmax.f32 v38, $0.0e+00  }
0x5ef: {  	v1 =	vmovc v14;
	v38 =	vmul.f32 v2, v23;
	v2 =	vmovc v3;
	v7 =	vmax.f32 v37, $0.0e+00;
	v15 =	vld [tilespmem:s1+$0xFFFFFFF0];
	v37 =	vmul.f32 $5.900000000e+01, v5;
	[tilespmem:s29+$0xFFFFFF90] =	vst v4  }
0x5f0: {  	v8 =	vadd.f32 v9, v25;
	v3 =	vld [tilespmem:s1+$0xFFFFFF90];
	v4 =	vmul.f32 $5.900000000e+01, v7;
	v5 =	vmax.f32 v34, $0.0e+00  }
0x5f1: {  	v5 =	vmul.f32 $5.900000000e+01, v5;
	v7 =	vmax.f32 v28, $0.0e+00;
	v9 =	vmin.f32 v37, $5.899998860e+01;
	v11 =	vld.idx.msk [tilespmem:v29+s16+$0x0], $0xffff  }
0x5f2: {  	v7 =	vmul.f32 $5.900000000e+01, v7;
	v14 =	vmax.f32 v31, $0.0e+00;
	v16 =	vtrunc.f32 v9;
	v9 =	vld.idx.msk [tilespmem:v27+s16+$0x0], $0xffff;
	[tilespmem:s29+$0xFFFFFFA0] =	vst v8  }
0x5f3: {  	v8 =	vmul.f32 $5.900000000e+01, v14;
	v14 =	vmax.f32 v12, $0.0e+00;
	v31 =	vcvt.f32.s32 v16;
	v12 =	vld.idx.msk [tilespmem:v26+s16+$0x0], $0xffff  }
0x5f4: {  	v25 =	vmin.f32 v4, $5.899998860e+01;
	v14 =	vmul.f32 $5.900000000e+01, v14;
	v16 =	vmax.f32 v15, $0.0e+00;
	v15 =	vld.idx.msk [tilespmem:v24+s16+$0x0], $0xffff  }
0x5f5: {  	v22 =	vmax.f32 v3, $0.0e+00;
	v3 =	vmul.f32 $5.900000000e+01, v16;
	v23 =	vshll.u32 v31, $0x4;
	v16 =	vld.idx.msk [tilespmem:v20+s16+$0x0], $0xffff  }
0x5f6: {  	v34 =	vmin.f32 v5, $5.899998860e+01;
	v28 =	vmul.f32 $5.900000000e+01, v22;
	v39 =	vor.u32 v60, v23;
	v22 =	vld.idx.msk [tilespmem:v18+s16+$0x0], $0xffff  }
0x5f7: {  	v40 =	vmin.f32 v7, $5.899998860e+01;
	v41 =	vmin.f32 v8, $5.899998860e+01;
	v42 =	vmin.f32 v14, $5.899998860e+01;
	v23 =	vld.idx.msk [tilespmem:v13+s16+$0x0], $0xffff  }
0x5f8: {  	v44 =	vtrunc.f32 v25;
	v45 =	vmin.f32 v3, $5.899998860e+01;
	v43 =	vmin.f32 v28, $5.899998860e+01;
	v30 =	vld.idx.msk [tilespmem:v29+s15+$0x0], $0xffff  }
0x5f9: {  	v34 =	vtrunc.f32 v34;
	v29 =	vtrunc.f32 v43;
	v25 =	vld.idx.msk [tilespmem:v27+s15+$0x0], $0xffff;
	v27 =	vadd.f32 v32, v6  }
0x5fa: {  	v32 =	vtrunc.f32 v40;
	v40 =	vtrunc.f32 v41;
	v6 =	vld.idx.msk [tilespmem:v26+s15+$0x0], $0xffff;
	v26 =	vadd.f32 v33, v10  }
0x5fb: {  	v17 =	vadd.f32 v35, v17;
	v41 =	vtrunc.f32 v45;
	v33 =	vtrunc.f32 v42;
	v42 =	vld.idx.msk [tilespmem:v39+s16+$0x0], $0xffff;
	[tilespmem:s29+$0xFFFFFFB0] =	vst v27  }
0x5fc: {  	v19 =	vadd.f32 v36, v19;
	v43 =	vcvt.f32.s32 v44;
	v35 =	vcvt.f32.s32 v29;
	v10 =	vld.idx.msk [tilespmem:v24+s15+$0x0], $0xffff;
	[tilespmem:s29+$0xFFFFFFC0] =	vst v26  }
0x5fd: {  	v21 =	vadd.f32 v38, v21;
	v36 =	vcvt.f32.s32 v34;
	v24 =	vcvt.s32.f32 v31;
	v34 =	vld.idx.msk [tilespmem:v39+s15+$0x0], $0xffff;
	[tilespmem:s29+$0xFFFFFFD0] =	vst v17  }
0x5fe: {  	v38 =	vcvt.f32.s32 v32;
	v32 =	vcvt.f32.s32 v40;
	v26 =	vshll.u32 v35, $0x4;
	v17 =	vld.idx.msk [tilespmem:v20+s15+$0x0], $0xffff;
	[tilespmem:s29+$0xFFFFFFE0] =	vst v19  }
0x5ff: {  	v33 =	vcvt.f32.s32 v33;
	v31 =	vcvt.f32.s32 v41;
	v20 =	vsub.f32 v37, v24;
	v19 =	vld.idx.msk [tilespmem:v18+s15+$0x0], $0xffff;
	[tilespmem:s29+$0xFFFFFFF0] =	vst v21;
	s29 =	smov.u32 s31  }
0x600: {  	v24 =	vshll.u32 v36, $0x4;
	v37 =	vshll.u32 v38, $0x4;
	v18 =	vshll.u32 v43, $0x4;
	v21 =	vld.idx.msk [tilespmem:v13+s15+$0x0], $0xffff  }
0x601: {  	v39 =	vshll.u32 v33, $0x4;
	v13 =	vshll.u32 v32, $0x4;
	v20 =	vmul.f32 v20, v42  }
.Ltmp15:
0x602: {  	v29 =	vor.u32 v60, v26;
	v40 =	vshll.u32 v31, $0x4;
	v27 =	vor.u32 v60, v18;
	(pc) =	sbr.rel @p0 .LBB2_27-.Ltmp15, $4  }
0x603: {  	v26 =	vor.u32 v60, v24;
	v24 =	vor.u32 v60, v37;
	v41 =	vadd.f32 v20, v34  }
0x604: {  	s31 =	sadd.s32 $0x400, s31;
	v18 =	vor.u32 v60, v39;
	v20 =	vor.u32 v60, v13;
	v13 =	vor.u32 v60, v40  }
0x605: {  	v37 =	vcvt.s32.f32 v35;
	v34 =	vcvt.s32.f32 v43;
	[tilespmem:s31+$0x0] =	vst v41  }
0x606: {  	s1 =	sadd.s32 $0x400, s1;
	v36 =	vcvt.s32.f32 v36;
	v35 =	vcvt.s32.f32 v38  }
0x607: {  	_ =	sdelay $0x3  }
0x608: {  	v38 =	vld.idx.msk [tilespmem:v29+s16+$0x0], $0xffff  }
0x609: {  	v39 =	vld.idx.msk [tilespmem:v27+s16+$0x0], $0xffff  }
0x60a: {  	v32 =	vcvt.s32.f32 v32;
	v43 =	vld.idx.msk [tilespmem:v26+s16+$0x0], $0xffff  }
0x60b: {  	v28 =	vsub.f32 v28, v37;
	v0 =	vmul.f32 v0, v11;
	v11 =	vld.idx.msk [tilespmem:v24+s16+$0x0], $0xffff;
	v9 =	vmul.f32 v61, v9  }
0x60c: {  	v4 =	vsub.f32 v4, v34;
	v44 =	vld.idx.msk [tilespmem:v20+s16+$0x0], $0xffff;
	v12 =	vmul.f32 v62, v12;
	v15 =	vmul.f32 v59, v15  }
0x60d: {  	v16 =	vmul.f32 v63, v16;
	v1 =	vmul.f32 v1, v22;
	v0 =	vadd.f32 v0, v30;
	v30 =	vld.idx.msk [tilespmem:v18+s16+$0x0], $0xffff  }
0x60e: {  	v2 =	vmul.f32 v2, v23;
	v5 =	vsub.f32 v5, v36;
	v9 =	vadd.f32 v9, v25;
	v25 =	vld.idx.msk [tilespmem:v13+s16+$0x0], $0xffff  }
0x60f: {  	v33 =	vcvt.s32.f32 v33;
	v7 =	vsub.f32 v7, v35;
	v6 =	vadd.f32 v12, v6;
	[tilespmem:s29+$0xFFFFFF90] =	vst v0;
	v0 =	vld.idx.msk [tilespmem:v29+s15+$0x0], $0xffff  }
0x610: {  	v8 =	vsub.f32 v8, v32;
	v10 =	vadd.f32 v15, v10;
	[tilespmem:s29+$0xFFFFFFA0] =	vst v9;
	v9 =	vld.idx.msk [tilespmem:v27+s15+$0x0], $0xffff  }
0x611: {  	v14 =	vsub.f32 v14, v33;
	v12 =	vld.idx.msk [tilespmem:v26+s15+$0x0], $0xffff;
	[tilespmem:s29+$0xFFFFFFB0] =	vst v6;
	v6 =	vadd.f32 v16, v17  }
0x612: {  	v15 =	vld.idx.msk [tilespmem:v24+s15+$0x0], $0xffff;
	v1 =	vadd.f32 v1, v19;
	[tilespmem:s29+$0xFFFFFFC0] =	vst v10;
	v10 =	vmul.f32 v28, v38  }
0x613: {  	v2 =	vadd.f32 v2, v21;
	v4 =	vmul.f32 v4, v39;
	[tilespmem:s29+$0xFFFFFFD0] =	vst v6;
	v6 =	vld.idx.msk [tilespmem:v20+s15+$0x0], $0xffff  }
0x614: {  	v16 =	vcvt.s32.f32 v31;
	[tilespmem:s29+$0xFFFFFFE0] =	vst v1;
	v1 =	vld.idx.msk [tilespmem:v18+s15+$0x0], $0xffff;
	v5 =	vmul.f32 v5, v43;
	v0 =	vadd.f32 v10, v0  }
0x615: {  	[tilespmem:s29+$0xFFFFFFF0] =	vst v2;
	v2 =	vld.idx.msk [tilespmem:v13+s15+$0x0], $0xffff;
	v7 =	vmul.f32 v7, v11;
	v4 =	vadd.f32 v4, v9  }
0x616: {  	v8 =	vmul.f32 v8, v44;
	v3 =	vsub.f32 v3, v16;
	[tilespmem:s31+$0xFFFFFF90] =	vst v0;
	v0 =	vadd.f32 v5, v12  }
0x617: {  	v5 =	vmul.f32 v14, v30;
	[tilespmem:s31+$0xFFFFFFA0] =	vst v4;
	v4 =	vadd.f32 v7, v15  }
0x618: {  	v3 =	vmul.f32 v3, v25;
	[tilespmem:s31+$0xFFFFFFB0] =	vst v0;
	v0 =	vadd.f32 v8, v6  }
0x619: {  	[tilespmem:s31+$0xFFFFFFC0] =	vst v4;
	v1 =	vadd.f32 v5, v1  }
0x61a: {  	[tilespmem:s31+$0xFFFFFFD0] =	vst v0;
	v0 =	vadd.f32 v3, v2  }
0x61b: {  	[tilespmem:s31+$0xFFFFFFE0] =	vst v1  }
0x61c: {  	[tilespmem:s31+$0xFFFFFFF0] =	vst v0  }
0x61d: {  	v0 =	vld [tilespmem:s30+$0x0]  }
0x61e: {  	v1 =	vld [tilespmem:s30+$0xFFFFFFA0]  }
0x61f: {  	v2 =	vld [tilespmem:s30+$0xFFFFFFB0]  }
0x620: {  	v3 =	vld [tilespmem:s30+$0xFFFFFFC0]  }
0x621: {  	v4 =	vld [tilespmem:s30+$0xFFFFFFD0]  }
0x622: {  	v5 =	vld [tilespmem:s30+$0xFFFFFFE0];
	_ =	sdelay $0x1  }
0x623: {  	v6 =	vld [tilespmem:s30+$0xFFFFFFF0]  }
0x624: {  	v7 =	vld [tilespmem:s30+$0xFFFFFF90];
	v0 =	vmax.f32 v0, $0.0e+00;
	v1 =	vmax.f32 v1, $0.0e+00  }
0x625: {  	v2 =	vmax.f32 v2, $0.0e+00;
	v3 =	vmax.f32 v3, $0.0e+00;
	v0 =	vmul.f32 $5.900000000e+01, v0  }
0x626: {  	v4 =	vmax.f32 v4, $0.0e+00;
	v5 =	vmax.f32 v5, $0.0e+00;
	v1 =	vmul.f32 $5.900000000e+01, v1  }
0x627: {  	v2 =	vmul.f32 $5.900000000e+01, v2;
	v3 =	vmul.f32 $5.900000000e+01, v3;
	v8 =	vmin.f32 v0, $5.899998860e+01  }
0x628: {  	v6 =	vmax.f32 v6, $0.0e+00;
	v4 =	vmul.f32 $5.900000000e+01, v4;
	v8 =	vtrunc.f32 v8  }
0x629: {  	v7 =	vmax.f32 v7, $0.0e+00;
	v5 =	vmul.f32 $5.900000000e+01, v5;
	v8 =	vcvt.f32.s32 v8  }
0x62a: {  	v6 =	vmul.f32 $5.900000000e+01, v6;
	v7 =	vmul.f32 $5.900000000e+01, v7;
	v9 =	vmin.f32 v1, $5.899998860e+01  }
0x62b: {  	v11 =	vmin.f32 v2, $5.899998860e+01;
	v12 =	vmin.f32 v3, $5.899998860e+01;
	v10 =	vshll.u32 v8, $0x4  }
0x62c: {  	v14 =	vmin.f32 v7, $5.899998860e+01;
	v9 =	vtrunc.f32 v9;
	v10 =	vor.u32 v60, v10  }
0x62d: {  	v13 =	vmin.f32 v4, $5.899998860e+01;
	v14 =	vtrunc.f32 v14;
	v11 =	vtrunc.f32 v11  }
0x62e: {  	v15 =	vmin.f32 v5, $5.899998860e+01;
	v12 =	vtrunc.f32 v12;
	v13 =	vtrunc.f32 v13  }
0x62f: {  	v16 =	vmin.f32 v6, $5.899998860e+01;
	v15 =	vtrunc.f32 v15;
	v12 =	vcvt.f32.s32 v12  }
0x630: {  	v16 =	vtrunc.f32 v16;
	v14 =	vcvt.f32.s32 v14  }
0x631: {  	v9 =	vcvt.f32.s32 v9;
	v20 =	vshll.u32 v12, $0x4;
	v12 =	vcvt.s32.f32 v12;
	v17 =	vld.idx.msk [tilespmem:v10+s16+$0x0], $0xffff  }
0x632: {  	s1 =	simm.s32 $0x4E70;
	v11 =	vcvt.f32.s32 v11;
	v8 =	vcvt.s32.f32 v8  }
0x633: {  	v13 =	vcvt.f32.s32 v13;
	v15 =	vcvt.f32.s32 v15;
	v59 =	vsub.f32 v3, v12;
	v3 =	vld [tilespmem:s1+$0xFFFFFF90]  }
0x634: {  	v16 =	vcvt.f32.s32 v16;
	v18 =	vshll.u32 v14, $0x4;
	v0 =	vsub.f32 v0, v8;
	v10 =	vld.idx.msk [tilespmem:v10+s15+$0x0], $0xffff  }
0x635: {  	v19 =	vshll.u32 v11, $0x4;
	v21 =	vshll.u32 v13, $0x4;
	v22 =	vshll.u32 v15, $0x4  }
0x636: {  	v23 =	vld [tilespmem:s1+$0x0];
	v19 =	vor.u32 v60, v19;
	v8 =	vshll.u32 v9, $0x4;
	v0 =	vmul.f32 v0, v17  }
0x637: {  	v17 =	vor.u32 v60, v18;
	v18 =	vor.u32 v60, v8;
	v8 =	vshll.u32 v16, $0x4  }
0x638: {  	v3 =	vmax.f32 v3, $0.0e+00;
	v36 =	vor.u32 v60, v8;
	v8 =	vcvt.s32.f32 v9  }
0x639: {  	v28 =	vmul.f32 $5.900000000e+01, v3;
	v9 =	vcvt.s32.f32 v11;
	v34 =	vadd.f32 v0, v10;
	v10 =	vld [tilespmem:s1+$0xFFFFFFA0]  }
0x63a: {  	v11 =	vld [tilespmem:s1+$0xFFFFFFB0];
	v0 =	vcvt.s32.f32 v14;
	v14 =	vcvt.s32.f32 v15;
	v61 =	vsub.f32 v1, v8  }
0x63b: {  	v1 =	vmax.f32 v23, $0.0e+00;
	v62 =	vsub.f32 v2, v9;
	v2 =	vcvt.s32.f32 v16  }
0x63c: {  	v16 =	vmin.f32 v28, $5.899998860e+01;
	v0 =	vsub.f32 v7, v0;
	v7 =	vcvt.s32.f32 v13;
	v13 =	vld [tilespmem:s1+$0xFFFFFFC0]  }
0x63d: {  	v21 =	vor.u32 v60, v21;
	v8 =	vld [tilespmem:s1+$0xFFFFFFD0];
	v24 =	vmul.f32 $5.900000000e+01, v1;
	v27 =	vtrunc.f32 v16  }
0x63e: {  	v9 =	vld [tilespmem:s1+$0xFFFFFFE0];
	v38 =	vcvt.f32.s32 v27;
	v63 =	vsub.f32 v4, v7;
	v1 =	vmax.f32 v10, $0.0e+00  }
0x63f: {  	v7 =	vmax.f32 v11, $0.0e+00;
	v11 =	vmin.f32 v24, $5.899998860e+01;
	v4 =	vmul.f32 $5.900000000e+01, v1  }
0x640: {  	v1 =	vsub.f32 v5, v14;
	v5 =	vmul.f32 $5.900000000e+01, v7;
	v7 =	vtrunc.f32 v11  }
0x641: {  	v20 =	vor.u32 v60, v20;
	v11 =	vmax.f32 v13, $0.0e+00;
	v13 =	vcvt.f32.s32 v7  }
0x642: {  	v35 =	vor.u32 v60, v22;
	v10 =	vld [tilespmem:s1+$0xFFFFFFF0];
	v37 =	vcvt.s32.f32 v38;
	v8 =	vmax.f32 v8, $0.0e+00  }
0x643: {  	v16 =	vld.idx.msk [tilespmem:v21+s16+$0x0], $0xffff;
	v12 =	vmax.f32 v9, $0.0e+00;
	v8 =	vmul.f32 $5.900000000e+01, v8;
	v9 =	vshll.u32 v13, $0x4  }
0x644: {  	v14 =	vmul.f32 $5.900000000e+01, v12;
	v12 =	vld.idx.msk [tilespmem:v19+s16+$0x0], $0xffff;
	v15 =	vmin.f32 v4, $5.899998860e+01;
	v23 =	vor.u32 v60, v9  }
0x645: {  	v2 =	vsub.f32 v6, v2;
	v7 =	vmul.f32 $5.900000000e+01, v11;
	v11 =	vld.idx.msk [tilespmem:v17+s16+$0x0], $0xffff;
	v25 =	vtrunc.f32 v15  }
0x646: {  	v15 =	vld.idx.msk [tilespmem:v20+s16+$0x0], $0xffff;
	v26 =	vmin.f32 v8, $5.899998860e+01;
	v29 =	vmin.f32 v14, $5.899998860e+01;
	v13 =	vcvt.s32.f32 v13  }
0x647: {  	v10 =	vmax.f32 v10, $0.0e+00;
	v9 =	vld.idx.msk [tilespmem:v18+s16+$0x0], $0xffff;
	v26 =	vtrunc.f32 v26;
	v29 =	vtrunc.f32 v29  }
0x648: {  	v22 =	vmin.f32 v7, $5.899998860e+01;
	v39 =	vcvt.f32.s32 v25;
	v25 =	vld.idx.msk [tilespmem:v18+s15+$0x0], $0xffff;
	v3 =	vmul.f32 $5.900000000e+01, v10  }
0x649: {  	v10 =	vmin.f32 v5, $5.899998860e+01;
	v30 =	vtrunc.f32 v22;
	v32 =	vcvt.f32.s32 v26;
	v45 =	vld.idx.msk [tilespmem:v23+s16+$0x0], $0xffff  }
0x64a: {  	v13 =	vsub.f32 v24, v13;
	v33 =	vcvt.f32.s32 v29;
	v42 =	vcvt.f32.s32 v30;
	v30 =	vld.idx.msk [tilespmem:v17+s15+$0x0], $0xffff  }
0x64b: {  	[tilespmem:s28+$0x0] =	vst v34;
	v10 =	vtrunc.f32 v10;
	v17 =	vshll.u32 v39, $0x4;
	v34 =	vcvt.s32.f32 v39;
	v41 =	vld.idx.msk [tilespmem:v23+s15+$0x0], $0xffff  }
0x64c: {  	v22 =	vld.idx.msk [tilespmem:v35+s16+$0x0], $0xffff;
	v31 =	vmin.f32 v3, $5.899998860e+01;
	v40 =	vcvt.f32.s32 v10;
	v10 =	vshll.u32 v38, $0x4  }
0x64d: {  	v27 =	vor.u32 v60, v17;
	v17 =	vld.idx.msk [tilespmem:v21+s15+$0x0], $0xffff;
	v6 =	vtrunc.f32 v31;
	v24 =	vshll.u32 v42, $0x4  }
0x64e: {  	v21 =	vld.idx.msk [tilespmem:v36+s15+$0x0], $0xffff;
	v29 =	vor.u32 v60, v10;
	v31 =	vcvt.f32.s32 v6;
	v13 =	vmul.f32 v13, v45  }
0x64f: {  	v18 =	vshll.u32 v40, $0x4;
	v6 =	vld.idx.msk [tilespmem:v19+s15+$0x0], $0xffff;
	v19 =	vshll.u32 v32, $0x4;
	v24 =	vor.u32 v60, v24  }
0x650: {  	v23 =	vld.idx.msk [tilespmem:v36+s16+$0x0], $0xffff;
	v36 =	vcvt.s32.f32 v40;
	v26 =	vor.u32 v60, v18;
	v41 =	vadd.f32 v13, v41  }
0x651: {  	s2 =	simm.s32 $0x8;
	s31 =	simm.s32 $0xCE70;
	v10 =	vld.idx.msk [tilespmem:v20+s15+$0x0], $0xffff;
	v20 =	vor.u32 v60, v19;
	v45 =	vshll.u32 v33, $0x4;
	v13 =	vshll.u32 v31, $0x4  }
0x652: {  	s29 =	simm.s32 $0xCAF0;
	s30 =	simm.s32 $0x4AF0;
	s1 =	simm.s32 $0x5270;
	v19 =	vld.idx.msk [tilespmem:v35+s15+$0x0], $0xffff;
	v35 =	vcvt.s32.f32 v42;
	v18 =	vor.u32 v60, v45;
	v13 =	vor.u32 v60, v13;
	[tilespmem:s31+$0x0] =	vst v41  }
.LBB2_29:
0x653: {  	v38 =	vld [tilespmem:s1+$0x0];
	s2 =	sadd.s32 $0x8, s2;
	v28 =	vsub.f32 v28, v37;
	v32 =	vcvt.s32.f32 v32;
	v33 =	vcvt.s32.f32 v33  }
0x654: {  	v4 =	vsub.f32 v4, v34;
	v31 =	vcvt.s32.f32 v31;
	v37 =	vld [tilespmem:s1+$0xFFFFFFA0];
	p0 =	slt.u32 s2, $0x78;
	v5 =	vsub.f32 v5, v36  }
0x655: {  	v11 =	vmul.f32 v0, v11;
	v7 =	vsub.f32 v7, v35;
	v34 =	vld [tilespmem:s1+$0xFFFFFFB0];
	v8 =	vsub.f32 v8, v32;
	v0 =	vmovc v28  }
0x656: {  	v9 =	vmul.f32 v61, v9;
	v14 =	vsub.f32 v14, v33;
	v3 =	vsub.f32 v3, v31;
	v61 =	vmovc v4;
	v28 =	vld [tilespmem:s1+$0xFFFFFFC0]  }
0x657: {  	v4 =	vadd.f32 v11, v30;
	v32 =	vmul.f32 v62, v12;
	v33 =	vmul.f32 v59, v15;
	v62 =	vmovc v5;
	v31 =	vld [tilespmem:s1+$0xFFFFFFD0]  }
0x658: {  	v35 =	vmul.f32 v63, v16;
	v36 =	vmul.f32 v1, v22;
	v59 =	vmovc v7;
	v63 =	vmovc v8;
	v12 =	vld [tilespmem:s1+$0xFFFFFFE0];
	v5 =	vmax.f32 v38, $0.0e+00  }
0x659: {  	v1 =	vmovc v14;
	v38 =	vmul.f32 v2, v23;
	v2 =	vmovc v3;
	v7 =	vmax.f32 v37, $0.0e+00;
	v15 =	vld [tilespmem:s1+$0xFFFFFFF0];
	v37 =	vmul.f32 $5.900000000e+01, v5;
	[tilespmem:s28+$0xFFFFFF90] =	vst v4  }
0x65a: {  	v8 =	vadd.f32 v9, v25;
	v3 =	vld [tilespmem:s1+$0xFFFFFF90];
	v4 =	vmul.f32 $5.900000000e+01, v7;
	v5 =	vmax.f32 v34, $0.0e+00  }
0x65b: {  	v5 =	vmul.f32 $5.900000000e+01, v5;
	v7 =	vmax.f32 v28, $0.0e+00;
	v9 =	vmin.f32 v37, $5.899998860e+01;
	v11 =	vld.idx.msk [tilespmem:v29+s16+$0x0], $0xffff  }
0x65c: {  	v7 =	vmul.f32 $5.900000000e+01, v7;
	v14 =	vmax.f32 v31, $0.0e+00;
	v16 =	vtrunc.f32 v9;
	v9 =	vld.idx.msk [tilespmem:v27+s16+$0x0], $0xffff;
	[tilespmem:s28+$0xFFFFFFA0] =	vst v8  }
0x65d: {  	v8 =	vmul.f32 $5.900000000e+01, v14;
	v14 =	vmax.f32 v12, $0.0e+00;
	v31 =	vcvt.f32.s32 v16;
	v12 =	vld.idx.msk [tilespmem:v26+s16+$0x0], $0xffff  }
0x65e: {  	v25 =	vmin.f32 v4, $5.899998860e+01;
	v14 =	vmul.f32 $5.900000000e+01, v14;
	v16 =	vmax.f32 v15, $0.0e+00;
	v15 =	vld.idx.msk [tilespmem:v24+s16+$0x0], $0xffff  }
0x65f: {  	v22 =	vmax.f32 v3, $0.0e+00;
	v3 =	vmul.f32 $5.900000000e+01, v16;
	v23 =	vshll.u32 v31, $0x4;
	v16 =	vld.idx.msk [tilespmem:v20+s16+$0x0], $0xffff  }
0x660: {  	v34 =	vmin.f32 v5, $5.899998860e+01;
	v28 =	vmul.f32 $5.900000000e+01, v22;
	v39 =	vor.u32 v60, v23;
	v22 =	vld.idx.msk [tilespmem:v18+s16+$0x0], $0xffff  }
0x661: {  	v40 =	vmin.f32 v7, $5.899998860e+01;
	v41 =	vmin.f32 v8, $5.899998860e+01;
	v42 =	vmin.f32 v14, $5.899998860e+01;
	v23 =	vld.idx.msk [tilespmem:v13+s16+$0x0], $0xffff  }
0x662: {  	v44 =	vtrunc.f32 v25;
	v45 =	vmin.f32 v3, $5.899998860e+01;
	v43 =	vmin.f32 v28, $5.899998860e+01;
	v30 =	vld.idx.msk [tilespmem:v29+s15+$0x0], $0xffff  }
0x663: {  	v34 =	vtrunc.f32 v34;
	v29 =	vtrunc.f32 v43;
	v25 =	vld.idx.msk [tilespmem:v27+s15+$0x0], $0xffff;
	v27 =	vadd.f32 v32, v6  }
0x664: {  	v32 =	vtrunc.f32 v40;
	v40 =	vtrunc.f32 v41;
	v6 =	vld.idx.msk [tilespmem:v26+s15+$0x0], $0xffff;
	v26 =	vadd.f32 v33, v10  }
0x665: {  	v17 =	vadd.f32 v35, v17;
	v41 =	vtrunc.f32 v45;
	v33 =	vtrunc.f32 v42;
	v42 =	vld.idx.msk [tilespmem:v39+s16+$0x0], $0xffff;
	[tilespmem:s28+$0xFFFFFFB0] =	vst v27  }
0x666: {  	v19 =	vadd.f32 v36, v19;
	v43 =	vcvt.f32.s32 v44;
	v35 =	vcvt.f32.s32 v29;
	v10 =	vld.idx.msk [tilespmem:v24+s15+$0x0], $0xffff;
	[tilespmem:s28+$0xFFFFFFC0] =	vst v26  }
0x667: {  	v21 =	vadd.f32 v38, v21;
	v36 =	vcvt.f32.s32 v34;
	v24 =	vcvt.s32.f32 v31;
	v34 =	vld.idx.msk [tilespmem:v39+s15+$0x0], $0xffff;
	[tilespmem:s28+$0xFFFFFFD0] =	vst v17  }
0x668: {  	v38 =	vcvt.f32.s32 v32;
	v32 =	vcvt.f32.s32 v40;
	v26 =	vshll.u32 v35, $0x4;
	v17 =	vld.idx.msk [tilespmem:v20+s15+$0x0], $0xffff;
	[tilespmem:s28+$0xFFFFFFE0] =	vst v19  }
0x669: {  	v33 =	vcvt.f32.s32 v33;
	v31 =	vcvt.f32.s32 v41;
	v20 =	vsub.f32 v37, v24;
	v19 =	vld.idx.msk [tilespmem:v18+s15+$0x0], $0xffff;
	[tilespmem:s28+$0xFFFFFFF0] =	vst v21;
	s28 =	smov.u32 s31  }
0x66a: {  	v24 =	vshll.u32 v36, $0x4;
	v37 =	vshll.u32 v38, $0x4;
	v18 =	vshll.u32 v43, $0x4;
	v21 =	vld.idx.msk [tilespmem:v13+s15+$0x0], $0xffff  }
0x66b: {  	v39 =	vshll.u32 v33, $0x4;
	v13 =	vshll.u32 v32, $0x4;
	v20 =	vmul.f32 v20, v42  }
.Ltmp16:
0x66c: {  	v29 =	vor.u32 v60, v26;
	v40 =	vshll.u32 v31, $0x4;
	v27 =	vor.u32 v60, v18;
	(pc) =	sbr.rel @p0 .LBB2_29-.Ltmp16, $4  }
0x66d: {  	v26 =	vor.u32 v60, v24;
	v24 =	vor.u32 v60, v37;
	v41 =	vadd.f32 v20, v34  }
0x66e: {  	s31 =	sadd.s32 $0x400, s31;
	v18 =	vor.u32 v60, v39;
	v20 =	vor.u32 v60, v13;
	v13 =	vor.u32 v60, v40  }
0x66f: {  	v37 =	vcvt.s32.f32 v35;
	v34 =	vcvt.s32.f32 v43;
	[tilespmem:s31+$0x0] =	vst v41  }
0x670: {  	s1 =	sadd.s32 $0x400, s1;
	v36 =	vcvt.s32.f32 v36;
	v35 =	vcvt.s32.f32 v38  }
0x671: {  	_ =	sdelay $0x3  }
0x672: {  	v38 =	vld.idx.msk [tilespmem:v29+s16+$0x0], $0xffff  }
0x673: {  	v39 =	vld.idx.msk [tilespmem:v27+s16+$0x0], $0xffff  }
0x674: {  	v32 =	vcvt.s32.f32 v32;
	v43 =	vld.idx.msk [tilespmem:v26+s16+$0x0], $0xffff  }
0x675: {  	v28 =	vsub.f32 v28, v37;
	v0 =	vmul.f32 v0, v11;
	v11 =	vld.idx.msk [tilespmem:v24+s16+$0x0], $0xffff;
	v9 =	vmul.f32 v61, v9  }
0x676: {  	v4 =	vsub.f32 v4, v34;
	v44 =	vld.idx.msk [tilespmem:v20+s16+$0x0], $0xffff;
	v12 =	vmul.f32 v62, v12;
	v15 =	vmul.f32 v59, v15  }
0x677: {  	v16 =	vmul.f32 v63, v16;
	v1 =	vmul.f32 v1, v22;
	v0 =	vadd.f32 v0, v30;
	v30 =	vld.idx.msk [tilespmem:v18+s16+$0x0], $0xffff  }
0x678: {  	v2 =	vmul.f32 v2, v23;
	v5 =	vsub.f32 v5, v36;
	v9 =	vadd.f32 v9, v25;
	v25 =	vld.idx.msk [tilespmem:v13+s16+$0x0], $0xffff  }
0x679: {  	v33 =	vcvt.s32.f32 v33;
	v7 =	vsub.f32 v7, v35;
	v6 =	vadd.f32 v12, v6;
	[tilespmem:s28+$0xFFFFFF90] =	vst v0;
	v0 =	vld.idx.msk [tilespmem:v29+s15+$0x0], $0xffff  }
0x67a: {  	v8 =	vsub.f32 v8, v32;
	v10 =	vadd.f32 v15, v10;
	[tilespmem:s28+$0xFFFFFFA0] =	vst v9;
	v9 =	vld.idx.msk [tilespmem:v27+s15+$0x0], $0xffff  }
0x67b: {  	v14 =	vsub.f32 v14, v33;
	v12 =	vld.idx.msk [tilespmem:v26+s15+$0x0], $0xffff;
	[tilespmem:s28+$0xFFFFFFB0] =	vst v6;
	v6 =	vadd.f32 v16, v17  }
0x67c: {  	v15 =	vld.idx.msk [tilespmem:v24+s15+$0x0], $0xffff;
	v1 =	vadd.f32 v1, v19;
	[tilespmem:s28+$0xFFFFFFC0] =	vst v10;
	v10 =	vmul.f32 v28, v38  }
0x67d: {  	v2 =	vadd.f32 v2, v21;
	v4 =	vmul.f32 v4, v39;
	[tilespmem:s28+$0xFFFFFFD0] =	vst v6;
	v6 =	vld.idx.msk [tilespmem:v20+s15+$0x0], $0xffff  }
0x67e: {  	v16 =	vcvt.s32.f32 v31;
	[tilespmem:s28+$0xFFFFFFE0] =	vst v1;
	v1 =	vld.idx.msk [tilespmem:v18+s15+$0x0], $0xffff;
	v5 =	vmul.f32 v5, v43;
	v0 =	vadd.f32 v10, v0  }
0x67f: {  	[tilespmem:s28+$0xFFFFFFF0] =	vst v2;
	v2 =	vld.idx.msk [tilespmem:v13+s15+$0x0], $0xffff;
	v7 =	vmul.f32 v7, v11;
	v4 =	vadd.f32 v4, v9  }
0x680: {  	v8 =	vmul.f32 v8, v44;
	v3 =	vsub.f32 v3, v16;
	[tilespmem:s31+$0xFFFFFF90] =	vst v0;
	v0 =	vadd.f32 v5, v12  }
0x681: {  	v5 =	vmul.f32 v14, v30;
	[tilespmem:s31+$0xFFFFFFA0] =	vst v4;
	v4 =	vadd.f32 v7, v15  }
0x682: {  	v3 =	vmul.f32 v3, v25;
	[tilespmem:s31+$0xFFFFFFB0] =	vst v0;
	v0 =	vadd.f32 v8, v6  }
0x683: {  	[tilespmem:s31+$0xFFFFFFC0] =	vst v4;
	v1 =	vadd.f32 v5, v1  }
0x684: {  	[tilespmem:s31+$0xFFFFFFD0] =	vst v0;
	v0 =	vadd.f32 v3, v2  }
0x685: {  	[tilespmem:s31+$0xFFFFFFE0] =	vst v1  }
0x686: {  	[tilespmem:s31+$0xFFFFFFF0] =	vst v0  }
0x687: {  	v0 =	vld [tilespmem:s30+$0x0]  }
0x688: {  	v1 =	vld [tilespmem:s30+$0xFFFFFFA0]  }
0x689: {  	v2 =	vld [tilespmem:s30+$0xFFFFFFB0]  }
0x68a: {  	v3 =	vld [tilespmem:s30+$0xFFFFFFC0]  }
0x68b: {  	v4 =	vld [tilespmem:s30+$0xFFFFFFD0]  }
0x68c: {  	v5 =	vld [tilespmem:s30+$0xFFFFFFE0];
	_ =	sdelay $0x1  }
0x68d: {  	v6 =	vld [tilespmem:s30+$0xFFFFFFF0]  }
0x68e: {  	v7 =	vld [tilespmem:s30+$0xFFFFFF90];
	v0 =	vmax.f32 v0, $0.0e+00;
	v1 =	vmax.f32 v1, $0.0e+00  }
0x68f: {  	v2 =	vmax.f32 v2, $0.0e+00;
	v3 =	vmax.f32 v3, $0.0e+00;
	v0 =	vmul.f32 $5.900000000e+01, v0  }
0x690: {  	v4 =	vmax.f32 v4, $0.0e+00;
	v5 =	vmax.f32 v5, $0.0e+00;
	v1 =	vmul.f32 $5.900000000e+01, v1  }
0x691: {  	v2 =	vmul.f32 $5.900000000e+01, v2;
	v3 =	vmul.f32 $5.900000000e+01, v3;
	v8 =	vmin.f32 v0, $5.899998860e+01  }
0x692: {  	v6 =	vmax.f32 v6, $0.0e+00;
	v4 =	vmul.f32 $5.900000000e+01, v4;
	v8 =	vtrunc.f32 v8  }
0x693: {  	v7 =	vmax.f32 v7, $0.0e+00;
	v5 =	vmul.f32 $5.900000000e+01, v5;
	v8 =	vcvt.f32.s32 v8  }
0x694: {  	v6 =	vmul.f32 $5.900000000e+01, v6;
	v7 =	vmul.f32 $5.900000000e+01, v7;
	v9 =	vmin.f32 v1, $5.899998860e+01  }
0x695: {  	v11 =	vmin.f32 v2, $5.899998860e+01;
	v12 =	vmin.f32 v3, $5.899998860e+01;
	v10 =	vshll.u32 v8, $0x4  }
0x696: {  	v14 =	vmin.f32 v7, $5.899998860e+01;
	v9 =	vtrunc.f32 v9;
	v10 =	vor.u32 v60, v10  }
0x697: {  	v13 =	vmin.f32 v4, $5.899998860e+01;
	v14 =	vtrunc.f32 v14;
	v11 =	vtrunc.f32 v11  }
0x698: {  	v15 =	vmin.f32 v5, $5.899998860e+01;
	v12 =	vtrunc.f32 v12;
	v13 =	vtrunc.f32 v13  }
0x699: {  	v16 =	vmin.f32 v6, $5.899998860e+01;
	v15 =	vtrunc.f32 v15;
	v12 =	vcvt.f32.s32 v12  }
0x69a: {  	v16 =	vtrunc.f32 v16;
	v14 =	vcvt.f32.s32 v14  }
0x69b: {  	v9 =	vcvt.f32.s32 v9;
	v20 =	vshll.u32 v12, $0x4;
	v12 =	vcvt.s32.f32 v12;
	v17 =	vld.idx.msk [tilespmem:v10+s16+$0x0], $0xffff  }
0x69c: {  	s1 =	simm.s32 $0x4EF0;
	v11 =	vcvt.f32.s32 v11;
	v8 =	vcvt.s32.f32 v8  }
0x69d: {  	v13 =	vcvt.f32.s32 v13;
	v15 =	vcvt.f32.s32 v15;
	v59 =	vsub.f32 v3, v12;
	v3 =	vld [tilespmem:s1+$0xFFFFFF90]  }
0x69e: {  	v16 =	vcvt.f32.s32 v16;
	v18 =	vshll.u32 v14, $0x4;
	v0 =	vsub.f32 v0, v8;
	v10 =	vld.idx.msk [tilespmem:v10+s15+$0x0], $0xffff  }
0x69f: {  	v19 =	vshll.u32 v11, $0x4;
	v21 =	vshll.u32 v13, $0x4;
	v22 =	vshll.u32 v15, $0x4  }
0x6a0: {  	v23 =	vld [tilespmem:s1+$0x0];
	v19 =	vor.u32 v60, v19;
	v8 =	vshll.u32 v9, $0x4;
	v0 =	vmul.f32 v0, v17  }
0x6a1: {  	v17 =	vor.u32 v60, v18;
	v18 =	vor.u32 v60, v8;
	v8 =	vshll.u32 v16, $0x4  }
0x6a2: {  	v3 =	vmax.f32 v3, $0.0e+00;
	v36 =	vor.u32 v60, v8;
	v8 =	vcvt.s32.f32 v9  }
0x6a3: {  	v28 =	vmul.f32 $5.900000000e+01, v3;
	v9 =	vcvt.s32.f32 v11;
	v34 =	vadd.f32 v0, v10;
	v10 =	vld [tilespmem:s1+$0xFFFFFFA0]  }
0x6a4: {  	v11 =	vld [tilespmem:s1+$0xFFFFFFB0];
	v0 =	vcvt.s32.f32 v14;
	v14 =	vcvt.s32.f32 v15;
	v61 =	vsub.f32 v1, v8  }
0x6a5: {  	v1 =	vmax.f32 v23, $0.0e+00;
	v62 =	vsub.f32 v2, v9;
	v2 =	vcvt.s32.f32 v16  }
0x6a6: {  	v16 =	vmin.f32 v28, $5.899998860e+01;
	v0 =	vsub.f32 v7, v0;
	v7 =	vcvt.s32.f32 v13;
	v13 =	vld [tilespmem:s1+$0xFFFFFFC0]  }
0x6a7: {  	v21 =	vor.u32 v60, v21;
	v8 =	vld [tilespmem:s1+$0xFFFFFFD0];
	v24 =	vmul.f32 $5.900000000e+01, v1;
	v27 =	vtrunc.f32 v16  }
0x6a8: {  	v9 =	vld [tilespmem:s1+$0xFFFFFFE0];
	v38 =	vcvt.f32.s32 v27;
	v63 =	vsub.f32 v4, v7;
	v1 =	vmax.f32 v10, $0.0e+00  }
0x6a9: {  	v7 =	vmax.f32 v11, $0.0e+00;
	v11 =	vmin.f32 v24, $5.899998860e+01;
	v4 =	vmul.f32 $5.900000000e+01, v1  }
0x6aa: {  	v1 =	vsub.f32 v5, v14;
	v5 =	vmul.f32 $5.900000000e+01, v7;
	v7 =	vtrunc.f32 v11  }
0x6ab: {  	v20 =	vor.u32 v60, v20;
	v11 =	vmax.f32 v13, $0.0e+00;
	v13 =	vcvt.f32.s32 v7  }
0x6ac: {  	v35 =	vor.u32 v60, v22;
	v10 =	vld [tilespmem:s1+$0xFFFFFFF0];
	v37 =	vcvt.s32.f32 v38;
	v8 =	vmax.f32 v8, $0.0e+00  }
0x6ad: {  	v16 =	vld.idx.msk [tilespmem:v21+s16+$0x0], $0xffff;
	v12 =	vmax.f32 v9, $0.0e+00;
	v8 =	vmul.f32 $5.900000000e+01, v8;
	v9 =	vshll.u32 v13, $0x4  }
0x6ae: {  	v14 =	vmul.f32 $5.900000000e+01, v12;
	v12 =	vld.idx.msk [tilespmem:v19+s16+$0x0], $0xffff;
	v15 =	vmin.f32 v4, $5.899998860e+01;
	v23 =	vor.u32 v60, v9  }
0x6af: {  	v2 =	vsub.f32 v6, v2;
	v7 =	vmul.f32 $5.900000000e+01, v11;
	v11 =	vld.idx.msk [tilespmem:v17+s16+$0x0], $0xffff;
	v25 =	vtrunc.f32 v15  }
0x6b0: {  	v15 =	vld.idx.msk [tilespmem:v20+s16+$0x0], $0xffff;
	v26 =	vmin.f32 v8, $5.899998860e+01;
	v29 =	vmin.f32 v14, $5.899998860e+01;
	v13 =	vcvt.s32.f32 v13  }
0x6b1: {  	v10 =	vmax.f32 v10, $0.0e+00;
	v9 =	vld.idx.msk [tilespmem:v18+s16+$0x0], $0xffff;
	v26 =	vtrunc.f32 v26;
	v29 =	vtrunc.f32 v29  }
0x6b2: {  	v22 =	vmin.f32 v7, $5.899998860e+01;
	v39 =	vcvt.f32.s32 v25;
	v25 =	vld.idx.msk [tilespmem:v18+s15+$0x0], $0xffff;
	v3 =	vmul.f32 $5.900000000e+01, v10  }
0x6b3: {  	v10 =	vmin.f32 v5, $5.899998860e+01;
	v30 =	vtrunc.f32 v22;
	v32 =	vcvt.f32.s32 v26;
	v45 =	vld.idx.msk [tilespmem:v23+s16+$0x0], $0xffff  }
0x6b4: {  	v13 =	vsub.f32 v24, v13;
	v33 =	vcvt.f32.s32 v29;
	v42 =	vcvt.f32.s32 v30;
	v30 =	vld.idx.msk [tilespmem:v17+s15+$0x0], $0xffff  }
0x6b5: {  	[tilespmem:s29+$0x0] =	vst v34;
	v10 =	vtrunc.f32 v10;
	v17 =	vshll.u32 v39, $0x4;
	v34 =	vcvt.s32.f32 v39;
	v41 =	vld.idx.msk [tilespmem:v23+s15+$0x0], $0xffff  }
0x6b6: {  	v22 =	vld.idx.msk [tilespmem:v35+s16+$0x0], $0xffff;
	v31 =	vmin.f32 v3, $5.899998860e+01;
	v40 =	vcvt.f32.s32 v10;
	v10 =	vshll.u32 v38, $0x4  }
0x6b7: {  	v27 =	vor.u32 v60, v17;
	v17 =	vld.idx.msk [tilespmem:v21+s15+$0x0], $0xffff;
	v6 =	vtrunc.f32 v31;
	v24 =	vshll.u32 v42, $0x4  }
0x6b8: {  	v21 =	vld.idx.msk [tilespmem:v36+s15+$0x0], $0xffff;
	v29 =	vor.u32 v60, v10;
	v31 =	vcvt.f32.s32 v6;
	v13 =	vmul.f32 v13, v45  }
0x6b9: {  	v18 =	vshll.u32 v40, $0x4;
	v6 =	vld.idx.msk [tilespmem:v19+s15+$0x0], $0xffff;
	v19 =	vshll.u32 v32, $0x4;
	v24 =	vor.u32 v60, v24  }
0x6ba: {  	v23 =	vld.idx.msk [tilespmem:v36+s16+$0x0], $0xffff;
	v36 =	vcvt.s32.f32 v40;
	v26 =	vor.u32 v60, v18;
	v41 =	vadd.f32 v13, v41  }
0x6bb: {  	s2 =	simm.s32 $0x8;
	s31 =	simm.s32 $0xCEF0;
	v10 =	vld.idx.msk [tilespmem:v20+s15+$0x0], $0xffff;
	v20 =	vor.u32 v60, v19;
	v45 =	vshll.u32 v33, $0x4;
	v13 =	vshll.u32 v31, $0x4  }
0x6bc: {  	s28 =	simm.s32 $0xCB70;
	s30 =	simm.s32 $0x4B70;
	s1 =	simm.s32 $0x52F0;
	v19 =	vld.idx.msk [tilespmem:v35+s15+$0x0], $0xffff;
	v35 =	vcvt.s32.f32 v42;
	v18 =	vor.u32 v60, v45;
	v13 =	vor.u32 v60, v13;
	[tilespmem:s31+$0x0] =	vst v41  }
.LBB2_31:
0x6bd: {  	v38 =	vld [tilespmem:s1+$0x0];
	s2 =	sadd.s32 $0x8, s2;
	v28 =	vsub.f32 v28, v37;
	v32 =	vcvt.s32.f32 v32;
	v33 =	vcvt.s32.f32 v33  }
0x6be: {  	v4 =	vsub.f32 v4, v34;
	v31 =	vcvt.s32.f32 v31;
	v37 =	vld [tilespmem:s1+$0xFFFFFFA0];
	p0 =	slt.u32 s2, $0x78;
	v5 =	vsub.f32 v5, v36  }
0x6bf: {  	v11 =	vmul.f32 v0, v11;
	v7 =	vsub.f32 v7, v35;
	v34 =	vld [tilespmem:s1+$0xFFFFFFB0];
	v8 =	vsub.f32 v8, v32;
	v0 =	vmovc v28  }
0x6c0: {  	v9 =	vmul.f32 v61, v9;
	v14 =	vsub.f32 v14, v33;
	v3 =	vsub.f32 v3, v31;
	v61 =	vmovc v4;
	v28 =	vld [tilespmem:s1+$0xFFFFFFC0]  }
0x6c1: {  	v4 =	vadd.f32 v11, v30;
	v32 =	vmul.f32 v62, v12;
	v33 =	vmul.f32 v59, v15;
	v62 =	vmovc v5;
	v31 =	vld [tilespmem:s1+$0xFFFFFFD0]  }
0x6c2: {  	v35 =	vmul.f32 v63, v16;
	v36 =	vmul.f32 v1, v22;
	v59 =	vmovc v7;
	v63 =	vmovc v8;
	v12 =	vld [tilespmem:s1+$0xFFFFFFE0];
	v5 =	vmax.f32 v38, $0.0e+00  }
0x6c3: {  	v1 =	vmovc v14;
	v38 =	vmul.f32 v2, v23;
	v2 =	vmovc v3;
	v7 =	vmax.f32 v37, $0.0e+00;
	v15 =	vld [tilespmem:s1+$0xFFFFFFF0];
	v37 =	vmul.f32 $5.900000000e+01, v5;
	[tilespmem:s29+$0xFFFFFF90] =	vst v4  }
0x6c4: {  	v8 =	vadd.f32 v9, v25;
	v3 =	vld [tilespmem:s1+$0xFFFFFF90];
	v4 =	vmul.f32 $5.900000000e+01, v7;
	v5 =	vmax.f32 v34, $0.0e+00  }
0x6c5: {  	v5 =	vmul.f32 $5.900000000e+01, v5;
	v7 =	vmax.f32 v28, $0.0e+00;
	v9 =	vmin.f32 v37, $5.899998860e+01;
	v11 =	vld.idx.msk [tilespmem:v29+s16+$0x0], $0xffff  }
0x6c6: {  	v7 =	vmul.f32 $5.900000000e+01, v7;
	v14 =	vmax.f32 v31, $0.0e+00;
	v16 =	vtrunc.f32 v9;
	v9 =	vld.idx.msk [tilespmem:v27+s16+$0x0], $0xffff;
	[tilespmem:s29+$0xFFFFFFA0] =	vst v8  }
0x6c7: {  	v8 =	vmul.f32 $5.900000000e+01, v14;
	v14 =	vmax.f32 v12, $0.0e+00;
	v31 =	vcvt.f32.s32 v16;
	v12 =	vld.idx.msk [tilespmem:v26+s16+$0x0], $0xffff  }
0x6c8: {  	v25 =	vmin.f32 v4, $5.899998860e+01;
	v14 =	vmul.f32 $5.900000000e+01, v14;
	v16 =	vmax.f32 v15, $0.0e+00;
	v15 =	vld.idx.msk [tilespmem:v24+s16+$0x0], $0xffff  }
0x6c9: {  	v22 =	vmax.f32 v3, $0.0e+00;
	v3 =	vmul.f32 $5.900000000e+01, v16;
	v23 =	vshll.u32 v31, $0x4;
	v16 =	vld.idx.msk [tilespmem:v20+s16+$0x0], $0xffff  }
0x6ca: {  	v34 =	vmin.f32 v5, $5.899998860e+01;
	v28 =	vmul.f32 $5.900000000e+01, v22;
	v39 =	vor.u32 v60, v23;
	v22 =	vld.idx.msk [tilespmem:v18+s16+$0x0], $0xffff  }
0x6cb: {  	v40 =	vmin.f32 v7, $5.899998860e+01;
	v41 =	vmin.f32 v8, $5.899998860e+01;
	v42 =	vmin.f32 v14, $5.899998860e+01;
	v23 =	vld.idx.msk [tilespmem:v13+s16+$0x0], $0xffff  }
0x6cc: {  	v44 =	vtrunc.f32 v25;
	v45 =	vmin.f32 v3, $5.899998860e+01;
	v43 =	vmin.f32 v28, $5.899998860e+01;
	v30 =	vld.idx.msk [tilespmem:v29+s15+$0x0], $0xffff  }
0x6cd: {  	v34 =	vtrunc.f32 v34;
	v29 =	vtrunc.f32 v43;
	v25 =	vld.idx.msk [tilespmem:v27+s15+$0x0], $0xffff;
	v27 =	vadd.f32 v32, v6  }
0x6ce: {  	v32 =	vtrunc.f32 v40;
	v40 =	vtrunc.f32 v41;
	v6 =	vld.idx.msk [tilespmem:v26+s15+$0x0], $0xffff;
	v26 =	vadd.f32 v33, v10  }
0x6cf: {  	v17 =	vadd.f32 v35, v17;
	v41 =	vtrunc.f32 v45;
	v33 =	vtrunc.f32 v42;
	v42 =	vld.idx.msk [tilespmem:v39+s16+$0x0], $0xffff;
	[tilespmem:s29+$0xFFFFFFB0] =	vst v27  }
0x6d0: {  	v19 =	vadd.f32 v36, v19;
	v43 =	vcvt.f32.s32 v44;
	v35 =	vcvt.f32.s32 v29;
	v10 =	vld.idx.msk [tilespmem:v24+s15+$0x0], $0xffff;
	[tilespmem:s29+$0xFFFFFFC0] =	vst v26  }
0x6d1: {  	v21 =	vadd.f32 v38, v21;
	v36 =	vcvt.f32.s32 v34;
	v24 =	vcvt.s32.f32 v31;
	v34 =	vld.idx.msk [tilespmem:v39+s15+$0x0], $0xffff;
	[tilespmem:s29+$0xFFFFFFD0] =	vst v17  }
0x6d2: {  	v38 =	vcvt.f32.s32 v32;
	v32 =	vcvt.f32.s32 v40;
	v26 =	vshll.u32 v35, $0x4;
	v17 =	vld.idx.msk [tilespmem:v20+s15+$0x0], $0xffff;
	[tilespmem:s29+$0xFFFFFFE0] =	vst v19  }
0x6d3: {  	v33 =	vcvt.f32.s32 v33;
	v31 =	vcvt.f32.s32 v41;
	v20 =	vsub.f32 v37, v24;
	v19 =	vld.idx.msk [tilespmem:v18+s15+$0x0], $0xffff;
	[tilespmem:s29+$0xFFFFFFF0] =	vst v21;
	s29 =	smov.u32 s31  }
0x6d4: {  	v24 =	vshll.u32 v36, $0x4;
	v37 =	vshll.u32 v38, $0x4;
	v18 =	vshll.u32 v43, $0x4;
	v21 =	vld.idx.msk [tilespmem:v13+s15+$0x0], $0xffff  }
0x6d5: {  	v39 =	vshll.u32 v33, $0x4;
	v13 =	vshll.u32 v32, $0x4;
	v20 =	vmul.f32 v20, v42  }
.Ltmp17:
0x6d6: {  	v29 =	vor.u32 v60, v26;
	v40 =	vshll.u32 v31, $0x4;
	v27 =	vor.u32 v60, v18;
	(pc) =	sbr.rel @p0 .LBB2_31-.Ltmp17, $4  }
0x6d7: {  	v26 =	vor.u32 v60, v24;
	v24 =	vor.u32 v60, v37;
	v41 =	vadd.f32 v20, v34  }
0x6d8: {  	s31 =	sadd.s32 $0x400, s31;
	v18 =	vor.u32 v60, v39;
	v20 =	vor.u32 v60, v13;
	v13 =	vor.u32 v60, v40  }
0x6d9: {  	v37 =	vcvt.s32.f32 v35;
	v34 =	vcvt.s32.f32 v43;
	[tilespmem:s31+$0x0] =	vst v41  }
0x6da: {  	s1 =	sadd.s32 $0x400, s1;
	v36 =	vcvt.s32.f32 v36;
	v35 =	vcvt.s32.f32 v38  }
0x6db: {  	_ =	sdelay $0x3  }
0x6dc: {  	v38 =	vld.idx.msk [tilespmem:v29+s16+$0x0], $0xffff  }
0x6dd: {  	v39 =	vld.idx.msk [tilespmem:v27+s16+$0x0], $0xffff  }
0x6de: {  	v32 =	vcvt.s32.f32 v32;
	v43 =	vld.idx.msk [tilespmem:v26+s16+$0x0], $0xffff  }
0x6df: {  	v28 =	vsub.f32 v28, v37;
	v0 =	vmul.f32 v0, v11;
	v11 =	vld.idx.msk [tilespmem:v24+s16+$0x0], $0xffff;
	v9 =	vmul.f32 v61, v9  }
0x6e0: {  	v4 =	vsub.f32 v4, v34;
	v44 =	vld.idx.msk [tilespmem:v20+s16+$0x0], $0xffff;
	v12 =	vmul.f32 v62, v12;
	v15 =	vmul.f32 v59, v15  }
0x6e1: {  	v16 =	vmul.f32 v63, v16;
	v1 =	vmul.f32 v1, v22;
	v0 =	vadd.f32 v0, v30;
	v30 =	vld.idx.msk [tilespmem:v18+s16+$0x0], $0xffff  }
0x6e2: {  	v2 =	vmul.f32 v2, v23;
	v5 =	vsub.f32 v5, v36;
	v9 =	vadd.f32 v9, v25;
	v25 =	vld.idx.msk [tilespmem:v13+s16+$0x0], $0xffff  }
0x6e3: {  	v33 =	vcvt.s32.f32 v33;
	v7 =	vsub.f32 v7, v35;
	v6 =	vadd.f32 v12, v6;
	[tilespmem:s29+$0xFFFFFF90] =	vst v0;
	v0 =	vld.idx.msk [tilespmem:v29+s15+$0x0], $0xffff  }
0x6e4: {  	v8 =	vsub.f32 v8, v32;
	v10 =	vadd.f32 v15, v10;
	[tilespmem:s29+$0xFFFFFFA0] =	vst v9;
	v9 =	vld.idx.msk [tilespmem:v27+s15+$0x0], $0xffff  }
0x6e5: {  	v14 =	vsub.f32 v14, v33;
	v12 =	vld.idx.msk [tilespmem:v26+s15+$0x0], $0xffff;
	[tilespmem:s29+$0xFFFFFFB0] =	vst v6;
	v6 =	vadd.f32 v16, v17  }
0x6e6: {  	v15 =	vld.idx.msk [tilespmem:v24+s15+$0x0], $0xffff;
	v1 =	vadd.f32 v1, v19;
	[tilespmem:s29+$0xFFFFFFC0] =	vst v10;
	v10 =	vmul.f32 v28, v38  }
0x6e7: {  	v2 =	vadd.f32 v2, v21;
	v4 =	vmul.f32 v4, v39;
	[tilespmem:s29+$0xFFFFFFD0] =	vst v6;
	v6 =	vld.idx.msk [tilespmem:v20+s15+$0x0], $0xffff  }
0x6e8: {  	v16 =	vcvt.s32.f32 v31;
	[tilespmem:s29+$0xFFFFFFE0] =	vst v1;
	v1 =	vld.idx.msk [tilespmem:v18+s15+$0x0], $0xffff;
	v5 =	vmul.f32 v5, v43;
	v0 =	vadd.f32 v10, v0  }
0x6e9: {  	[tilespmem:s29+$0xFFFFFFF0] =	vst v2;
	v2 =	vld.idx.msk [tilespmem:v13+s15+$0x0], $0xffff;
	v7 =	vmul.f32 v7, v11;
	v4 =	vadd.f32 v4, v9  }
0x6ea: {  	v8 =	vmul.f32 v8, v44;
	v3 =	vsub.f32 v3, v16;
	[tilespmem:s31+$0xFFFFFF90] =	vst v0;
	v0 =	vadd.f32 v5, v12  }
0x6eb: {  	v5 =	vmul.f32 v14, v30;
	[tilespmem:s31+$0xFFFFFFA0] =	vst v4;
	v4 =	vadd.f32 v7, v15  }
0x6ec: {  	v3 =	vmul.f32 v3, v25;
	[tilespmem:s31+$0xFFFFFFB0] =	vst v0;
	v0 =	vadd.f32 v8, v6  }
0x6ed: {  	[tilespmem:s31+$0xFFFFFFC0] =	vst v4;
	v1 =	vadd.f32 v5, v1  }
0x6ee: {  	[tilespmem:s31+$0xFFFFFFD0] =	vst v0;
	v0 =	vadd.f32 v3, v2  }
0x6ef: {  	[tilespmem:s31+$0xFFFFFFE0] =	vst v1  }
0x6f0: {  	[tilespmem:s31+$0xFFFFFFF0] =	vst v0  }
0x6f1: {  	v0 =	vld [tilespmem:s30+$0x0]  }
0x6f2: {  	v1 =	vld [tilespmem:s30+$0xFFFFFFA0]  }
0x6f3: {  	v2 =	vld [tilespmem:s30+$0xFFFFFFB0]  }
0x6f4: {  	v3 =	vld [tilespmem:s30+$0xFFFFFFC0]  }
0x6f5: {  	v4 =	vld [tilespmem:s30+$0xFFFFFFD0]  }
0x6f6: {  	v5 =	vld [tilespmem:s30+$0xFFFFFFE0];
	_ =	sdelay $0x1  }
0x6f7: {  	v6 =	vld [tilespmem:s30+$0xFFFFFFF0]  }
0x6f8: {  	v7 =	vld [tilespmem:s30+$0xFFFFFF90];
	v0 =	vmax.f32 v0, $0.0e+00;
	v1 =	vmax.f32 v1, $0.0e+00  }
0x6f9: {  	v2 =	vmax.f32 v2, $0.0e+00;
	v3 =	vmax.f32 v3, $0.0e+00;
	v0 =	vmul.f32 $5.900000000e+01, v0  }
0x6fa: {  	v4 =	vmax.f32 v4, $0.0e+00;
	v5 =	vmax.f32 v5, $0.0e+00;
	v1 =	vmul.f32 $5.900000000e+01, v1  }
0x6fb: {  	v2 =	vmul.f32 $5.900000000e+01, v2;
	v3 =	vmul.f32 $5.900000000e+01, v3;
	v8 =	vmin.f32 v0, $5.899998860e+01  }
0x6fc: {  	v6 =	vmax.f32 v6, $0.0e+00;
	v4 =	vmul.f32 $5.900000000e+01, v4;
	v8 =	vtrunc.f32 v8  }
0x6fd: {  	v7 =	vmax.f32 v7, $0.0e+00;
	v5 =	vmul.f32 $5.900000000e+01, v5;
	v8 =	vcvt.f32.s32 v8  }
0x6fe: {  	v6 =	vmul.f32 $5.900000000e+01, v6;
	v7 =	vmul.f32 $5.900000000e+01, v7;
	v9 =	vmin.f32 v1, $5.899998860e+01  }
0x6ff: {  	v11 =	vmin.f32 v2, $5.899998860e+01;
	v12 =	vmin.f32 v3, $5.899998860e+01;
	v10 =	vshll.u32 v8, $0x4  }
0x700: {  	v14 =	vmin.f32 v7, $5.899998860e+01;
	v9 =	vtrunc.f32 v9;
	v10 =	vor.u32 v60, v10  }
0x701: {  	v13 =	vmin.f32 v4, $5.899998860e+01;
	v14 =	vtrunc.f32 v14;
	v11 =	vtrunc.f32 v11  }
0x702: {  	v15 =	vmin.f32 v5, $5.899998860e+01;
	v12 =	vtrunc.f32 v12;
	v13 =	vtrunc.f32 v13  }
0x703: {  	v16 =	vmin.f32 v6, $5.899998860e+01;
	v15 =	vtrunc.f32 v15;
	v12 =	vcvt.f32.s32 v12  }
0x704: {  	v16 =	vtrunc.f32 v16;
	v14 =	vcvt.f32.s32 v14  }
0x705: {  	v9 =	vcvt.f32.s32 v9;
	v20 =	vshll.u32 v12, $0x4;
	v12 =	vcvt.s32.f32 v12;
	v17 =	vld.idx.msk [tilespmem:v10+s16+$0x0], $0xffff  }
0x706: {  	s1 =	simm.s32 $0x4F70;
	v11 =	vcvt.f32.s32 v11;
	v8 =	vcvt.s32.f32 v8  }
0x707: {  	v13 =	vcvt.f32.s32 v13;
	v15 =	vcvt.f32.s32 v15;
	v59 =	vsub.f32 v3, v12;
	v3 =	vld [tilespmem:s1+$0xFFFFFF90]  }
0x708: {  	v16 =	vcvt.f32.s32 v16;
	v18 =	vshll.u32 v14, $0x4;
	v0 =	vsub.f32 v0, v8;
	v10 =	vld.idx.msk [tilespmem:v10+s15+$0x0], $0xffff  }
0x709: {  	v19 =	vshll.u32 v11, $0x4;
	v21 =	vshll.u32 v13, $0x4;
	v22 =	vshll.u32 v15, $0x4  }
0x70a: {  	v23 =	vld [tilespmem:s1+$0x0];
	v19 =	vor.u32 v60, v19;
	v8 =	vshll.u32 v9, $0x4;
	v0 =	vmul.f32 v0, v17  }
0x70b: {  	v17 =	vor.u32 v60, v18;
	v18 =	vor.u32 v60, v8;
	v8 =	vshll.u32 v16, $0x4  }
0x70c: {  	v3 =	vmax.f32 v3, $0.0e+00;
	v36 =	vor.u32 v60, v8;
	v8 =	vcvt.s32.f32 v9  }
0x70d: {  	v28 =	vmul.f32 $5.900000000e+01, v3;
	v9 =	vcvt.s32.f32 v11;
	v34 =	vadd.f32 v0, v10;
	v10 =	vld [tilespmem:s1+$0xFFFFFFA0]  }
0x70e: {  	v11 =	vld [tilespmem:s1+$0xFFFFFFB0];
	v0 =	vcvt.s32.f32 v14;
	v14 =	vcvt.s32.f32 v15;
	v61 =	vsub.f32 v1, v8  }
0x70f: {  	v1 =	vmax.f32 v23, $0.0e+00;
	v62 =	vsub.f32 v2, v9;
	v2 =	vcvt.s32.f32 v16  }
0x710: {  	v16 =	vmin.f32 v28, $5.899998860e+01;
	v0 =	vsub.f32 v7, v0;
	v7 =	vcvt.s32.f32 v13;
	v13 =	vld [tilespmem:s1+$0xFFFFFFC0]  }
0x711: {  	v21 =	vor.u32 v60, v21;
	v8 =	vld [tilespmem:s1+$0xFFFFFFD0];
	v24 =	vmul.f32 $5.900000000e+01, v1;
	v27 =	vtrunc.f32 v16  }
0x712: {  	v9 =	vld [tilespmem:s1+$0xFFFFFFE0];
	v38 =	vcvt.f32.s32 v27;
	v63 =	vsub.f32 v4, v7;
	v1 =	vmax.f32 v10, $0.0e+00  }
0x713: {  	v7 =	vmax.f32 v11, $0.0e+00;
	v11 =	vmin.f32 v24, $5.899998860e+01;
	v4 =	vmul.f32 $5.900000000e+01, v1  }
0x714: {  	v1 =	vsub.f32 v5, v14;
	v5 =	vmul.f32 $5.900000000e+01, v7;
	v7 =	vtrunc.f32 v11  }
0x715: {  	v20 =	vor.u32 v60, v20;
	v11 =	vmax.f32 v13, $0.0e+00;
	v13 =	vcvt.f32.s32 v7  }
0x716: {  	v35 =	vor.u32 v60, v22;
	v10 =	vld [tilespmem:s1+$0xFFFFFFF0];
	v37 =	vcvt.s32.f32 v38;
	v8 =	vmax.f32 v8, $0.0e+00  }
0x717: {  	v16 =	vld.idx.msk [tilespmem:v21+s16+$0x0], $0xffff;
	v12 =	vmax.f32 v9, $0.0e+00;
	v8 =	vmul.f32 $5.900000000e+01, v8;
	v9 =	vshll.u32 v13, $0x4  }
0x718: {  	v14 =	vmul.f32 $5.900000000e+01, v12;
	v12 =	vld.idx.msk [tilespmem:v19+s16+$0x0], $0xffff;
	v15 =	vmin.f32 v4, $5.899998860e+01;
	v23 =	vor.u32 v60, v9  }
0x719: {  	v2 =	vsub.f32 v6, v2;
	v7 =	vmul.f32 $5.900000000e+01, v11;
	v11 =	vld.idx.msk [tilespmem:v17+s16+$0x0], $0xffff;
	v25 =	vtrunc.f32 v15  }
0x71a: {  	v15 =	vld.idx.msk [tilespmem:v20+s16+$0x0], $0xffff;
	v26 =	vmin.f32 v8, $5.899998860e+01;
	v29 =	vmin.f32 v14, $5.899998860e+01;
	v13 =	vcvt.s32.f32 v13  }
0x71b: {  	v10 =	vmax.f32 v10, $0.0e+00;
	v9 =	vld.idx.msk [tilespmem:v18+s16+$0x0], $0xffff;
	v26 =	vtrunc.f32 v26;
	v29 =	vtrunc.f32 v29  }
0x71c: {  	v22 =	vmin.f32 v7, $5.899998860e+01;
	v39 =	vcvt.f32.s32 v25;
	v25 =	vld.idx.msk [tilespmem:v18+s15+$0x0], $0xffff;
	v3 =	vmul.f32 $5.900000000e+01, v10  }
0x71d: {  	v10 =	vmin.f32 v5, $5.899998860e+01;
	v30 =	vtrunc.f32 v22;
	v32 =	vcvt.f32.s32 v26;
	v45 =	vld.idx.msk [tilespmem:v23+s16+$0x0], $0xffff  }
0x71e: {  	v13 =	vsub.f32 v24, v13;
	v33 =	vcvt.f32.s32 v29;
	v42 =	vcvt.f32.s32 v30;
	v30 =	vld.idx.msk [tilespmem:v17+s15+$0x0], $0xffff  }
0x71f: {  	[tilespmem:s28+$0x0] =	vst v34;
	v10 =	vtrunc.f32 v10;
	v17 =	vshll.u32 v39, $0x4;
	v34 =	vcvt.s32.f32 v39;
	v41 =	vld.idx.msk [tilespmem:v23+s15+$0x0], $0xffff  }
0x720: {  	v22 =	vld.idx.msk [tilespmem:v35+s16+$0x0], $0xffff;
	v31 =	vmin.f32 v3, $5.899998860e+01;
	v40 =	vcvt.f32.s32 v10;
	v10 =	vshll.u32 v38, $0x4  }
0x721: {  	v27 =	vor.u32 v60, v17;
	v17 =	vld.idx.msk [tilespmem:v21+s15+$0x0], $0xffff;
	v6 =	vtrunc.f32 v31;
	v24 =	vshll.u32 v42, $0x4  }
0x722: {  	v21 =	vld.idx.msk [tilespmem:v36+s15+$0x0], $0xffff;
	v29 =	vor.u32 v60, v10;
	v31 =	vcvt.f32.s32 v6;
	v13 =	vmul.f32 v13, v45  }
0x723: {  	v18 =	vshll.u32 v40, $0x4;
	v6 =	vld.idx.msk [tilespmem:v19+s15+$0x0], $0xffff;
	v19 =	vshll.u32 v32, $0x4;
	v24 =	vor.u32 v60, v24  }
0x724: {  	v23 =	vld.idx.msk [tilespmem:v36+s16+$0x0], $0xffff;
	v36 =	vcvt.s32.f32 v40;
	v26 =	vor.u32 v60, v18;
	v41 =	vadd.f32 v13, v41  }
0x725: {  	s2 =	simm.s32 $0x8;
	s31 =	simm.s32 $0xCF70;
	v10 =	vld.idx.msk [tilespmem:v20+s15+$0x0], $0xffff;
	v20 =	vor.u32 v60, v19;
	v45 =	vshll.u32 v33, $0x4;
	v13 =	vshll.u32 v31, $0x4  }
0x726: {  	s29 =	simm.s32 $0xCBF0;
	s30 =	simm.s32 $0x4BF0;
	s1 =	simm.s32 $0x5370;
	v19 =	vld.idx.msk [tilespmem:v35+s15+$0x0], $0xffff;
	v35 =	vcvt.s32.f32 v42;
	v18 =	vor.u32 v60, v45;
	v13 =	vor.u32 v60, v13;
	[tilespmem:s31+$0x0] =	vst v41  }
.LBB2_33:
0x727: {  	v38 =	vld [tilespmem:s1+$0x0];
	s2 =	sadd.s32 $0x8, s2;
	v28 =	vsub.f32 v28, v37;
	v32 =	vcvt.s32.f32 v32;
	v33 =	vcvt.s32.f32 v33  }
0x728: {  	v4 =	vsub.f32 v4, v34;
	v31 =	vcvt.s32.f32 v31;
	v37 =	vld [tilespmem:s1+$0xFFFFFFA0];
	p0 =	slt.u32 s2, $0x78;
	v5 =	vsub.f32 v5, v36  }
0x729: {  	v11 =	vmul.f32 v0, v11;
	v7 =	vsub.f32 v7, v35;
	v34 =	vld [tilespmem:s1+$0xFFFFFFB0];
	v8 =	vsub.f32 v8, v32;
	v0 =	vmovc v28  }
0x72a: {  	v9 =	vmul.f32 v61, v9;
	v14 =	vsub.f32 v14, v33;
	v3 =	vsub.f32 v3, v31;
	v61 =	vmovc v4;
	v28 =	vld [tilespmem:s1+$0xFFFFFFC0]  }
0x72b: {  	v4 =	vadd.f32 v11, v30;
	v32 =	vmul.f32 v62, v12;
	v33 =	vmul.f32 v59, v15;
	v62 =	vmovc v5;
	v31 =	vld [tilespmem:s1+$0xFFFFFFD0]  }
0x72c: {  	v35 =	vmul.f32 v63, v16;
	v36 =	vmul.f32 v1, v22;
	v59 =	vmovc v7;
	v63 =	vmovc v8;
	v12 =	vld [tilespmem:s1+$0xFFFFFFE0];
	v5 =	vmax.f32 v38, $0.0e+00  }
0x72d: {  	v1 =	vmovc v14;
	v38 =	vmul.f32 v2, v23;
	v2 =	vmovc v3;
	v7 =	vmax.f32 v37, $0.0e+00;
	v15 =	vld [tilespmem:s1+$0xFFFFFFF0];
	v37 =	vmul.f32 $5.900000000e+01, v5;
	[tilespmem:s28+$0xFFFFFF90] =	vst v4  }
0x72e: {  	v8 =	vadd.f32 v9, v25;
	v3 =	vld [tilespmem:s1+$0xFFFFFF90];
	v4 =	vmul.f32 $5.900000000e+01, v7;
	v5 =	vmax.f32 v34, $0.0e+00  }
0x72f: {  	v5 =	vmul.f32 $5.900000000e+01, v5;
	v7 =	vmax.f32 v28, $0.0e+00;
	v9 =	vmin.f32 v37, $5.899998860e+01;
	v11 =	vld.idx.msk [tilespmem:v29+s16+$0x0], $0xffff  }
0x730: {  	v7 =	vmul.f32 $5.900000000e+01, v7;
	v14 =	vmax.f32 v31, $0.0e+00;
	v16 =	vtrunc.f32 v9;
	v9 =	vld.idx.msk [tilespmem:v27+s16+$0x0], $0xffff;
	[tilespmem:s28+$0xFFFFFFA0] =	vst v8  }
0x731: {  	v8 =	vmul.f32 $5.900000000e+01, v14;
	v14 =	vmax.f32 v12, $0.0e+00;
	v31 =	vcvt.f32.s32 v16;
	v12 =	vld.idx.msk [tilespmem:v26+s16+$0x0], $0xffff  }
0x732: {  	v25 =	vmin.f32 v4, $5.899998860e+01;
	v14 =	vmul.f32 $5.900000000e+01, v14;
	v16 =	vmax.f32 v15, $0.0e+00;
	v15 =	vld.idx.msk [tilespmem:v24+s16+$0x0], $0xffff  }
0x733: {  	v22 =	vmax.f32 v3, $0.0e+00;
	v3 =	vmul.f32 $5.900000000e+01, v16;
	v23 =	vshll.u32 v31, $0x4;
	v16 =	vld.idx.msk [tilespmem:v20+s16+$0x0], $0xffff  }
0x734: {  	v34 =	vmin.f32 v5, $5.899998860e+01;
	v28 =	vmul.f32 $5.900000000e+01, v22;
	v39 =	vor.u32 v60, v23;
	v22 =	vld.idx.msk [tilespmem:v18+s16+$0x0], $0xffff  }
0x735: {  	v40 =	vmin.f32 v7, $5.899998860e+01;
	v41 =	vmin.f32 v8, $5.899998860e+01;
	v42 =	vmin.f32 v14, $5.899998860e+01;
	v23 =	vld.idx.msk [tilespmem:v13+s16+$0x0], $0xffff  }
0x736: {  	v44 =	vtrunc.f32 v25;
	v45 =	vmin.f32 v3, $5.899998860e+01;
	v43 =	vmin.f32 v28, $5.899998860e+01;
	v30 =	vld.idx.msk [tilespmem:v29+s15+$0x0], $0xffff  }
0x737: {  	v34 =	vtrunc.f32 v34;
	v29 =	vtrunc.f32 v43;
	v25 =	vld.idx.msk [tilespmem:v27+s15+$0x0], $0xffff;
	v27 =	vadd.f32 v32, v6  }
0x738: {  	v32 =	vtrunc.f32 v40;
	v40 =	vtrunc.f32 v41;
	v6 =	vld.idx.msk [tilespmem:v26+s15+$0x0], $0xffff;
	v26 =	vadd.f32 v33, v10  }
0x739: {  	v17 =	vadd.f32 v35, v17;
	v41 =	vtrunc.f32 v45;
	v33 =	vtrunc.f32 v42;
	v42 =	vld.idx.msk [tilespmem:v39+s16+$0x0], $0xffff;
	[tilespmem:s28+$0xFFFFFFB0] =	vst v27  }
0x73a: {  	v19 =	vadd.f32 v36, v19;
	v43 =	vcvt.f32.s32 v44;
	v35 =	vcvt.f32.s32 v29;
	v10 =	vld.idx.msk [tilespmem:v24+s15+$0x0], $0xffff;
	[tilespmem:s28+$0xFFFFFFC0] =	vst v26  }
0x73b: {  	v21 =	vadd.f32 v38, v21;
	v36 =	vcvt.f32.s32 v34;
	v24 =	vcvt.s32.f32 v31;
	v34 =	vld.idx.msk [tilespmem:v39+s15+$0x0], $0xffff;
	[tilespmem:s28+$0xFFFFFFD0] =	vst v17  }
0x73c: {  	v38 =	vcvt.f32.s32 v32;
	v32 =	vcvt.f32.s32 v40;
	v26 =	vshll.u32 v35, $0x4;
	v17 =	vld.idx.msk [tilespmem:v20+s15+$0x0], $0xffff;
	[tilespmem:s28+$0xFFFFFFE0] =	vst v19  }
0x73d: {  	v33 =	vcvt.f32.s32 v33;
	v31 =	vcvt.f32.s32 v41;
	v20 =	vsub.f32 v37, v24;
	v19 =	vld.idx.msk [tilespmem:v18+s15+$0x0], $0xffff;
	[tilespmem:s28+$0xFFFFFFF0] =	vst v21;
	s28 =	smov.u32 s31  }
0x73e: {  	v24 =	vshll.u32 v36, $0x4;
	v37 =	vshll.u32 v38, $0x4;
	v18 =	vshll.u32 v43, $0x4;
	v21 =	vld.idx.msk [tilespmem:v13+s15+$0x0], $0xffff  }
0x73f: {  	v39 =	vshll.u32 v33, $0x4;
	v13 =	vshll.u32 v32, $0x4;
	v20 =	vmul.f32 v20, v42  }
.Ltmp18:
0x740: {  	v29 =	vor.u32 v60, v26;
	v40 =	vshll.u32 v31, $0x4;
	v27 =	vor.u32 v60, v18;
	(pc) =	sbr.rel @p0 .LBB2_33-.Ltmp18, $4  }
0x741: {  	v26 =	vor.u32 v60, v24;
	v24 =	vor.u32 v60, v37;
	v41 =	vadd.f32 v20, v34  }
0x742: {  	s31 =	sadd.s32 $0x400, s31;
	v18 =	vor.u32 v60, v39;
	v20 =	vor.u32 v60, v13;
	v13 =	vor.u32 v60, v40  }
0x743: {  	v37 =	vcvt.s32.f32 v35;
	v34 =	vcvt.s32.f32 v43;
	[tilespmem:s31+$0x0] =	vst v41  }
0x744: {  	s1 =	sadd.s32 $0x400, s1;
	v36 =	vcvt.s32.f32 v36;
	v35 =	vcvt.s32.f32 v38  }
0x745: {  	_ =	sdelay $0x3  }
0x746: {  	v38 =	vld.idx.msk [tilespmem:v29+s16+$0x0], $0xffff  }
0x747: {  	v39 =	vld.idx.msk [tilespmem:v27+s16+$0x0], $0xffff  }
0x748: {  	v32 =	vcvt.s32.f32 v32;
	v43 =	vld.idx.msk [tilespmem:v26+s16+$0x0], $0xffff  }
0x749: {  	v28 =	vsub.f32 v28, v37;
	v0 =	vmul.f32 v0, v11;
	v11 =	vld.idx.msk [tilespmem:v24+s16+$0x0], $0xffff;
	v9 =	vmul.f32 v61, v9  }
0x74a: {  	v4 =	vsub.f32 v4, v34;
	v44 =	vld.idx.msk [tilespmem:v20+s16+$0x0], $0xffff;
	v12 =	vmul.f32 v62, v12;
	v15 =	vmul.f32 v59, v15  }
0x74b: {  	v16 =	vmul.f32 v63, v16;
	v1 =	vmul.f32 v1, v22;
	v0 =	vadd.f32 v0, v30;
	v30 =	vld.idx.msk [tilespmem:v18+s16+$0x0], $0xffff  }
0x74c: {  	v2 =	vmul.f32 v2, v23;
	v5 =	vsub.f32 v5, v36;
	v9 =	vadd.f32 v9, v25;
	v25 =	vld.idx.msk [tilespmem:v13+s16+$0x0], $0xffff  }
0x74d: {  	v33 =	vcvt.s32.f32 v33;
	v7 =	vsub.f32 v7, v35;
	v6 =	vadd.f32 v12, v6;
	[tilespmem:s28+$0xFFFFFF90] =	vst v0;
	v0 =	vld.idx.msk [tilespmem:v29+s15+$0x0], $0xffff  }
0x74e: {  	v8 =	vsub.f32 v8, v32;
	v10 =	vadd.f32 v15, v10;
	[tilespmem:s28+$0xFFFFFFA0] =	vst v9;
	v9 =	vld.idx.msk [tilespmem:v27+s15+$0x0], $0xffff  }
0x74f: {  	v14 =	vsub.f32 v14, v33;
	v12 =	vld.idx.msk [tilespmem:v26+s15+$0x0], $0xffff;
	[tilespmem:s28+$0xFFFFFFB0] =	vst v6;
	v6 =	vadd.f32 v16, v17  }
0x750: {  	v15 =	vld.idx.msk [tilespmem:v24+s15+$0x0], $0xffff;
	v1 =	vadd.f32 v1, v19;
	[tilespmem:s28+$0xFFFFFFC0] =	vst v10;
	v10 =	vmul.f32 v28, v38  }
0x751: {  	v2 =	vadd.f32 v2, v21;
	v4 =	vmul.f32 v4, v39;
	[tilespmem:s28+$0xFFFFFFD0] =	vst v6;
	v6 =	vld.idx.msk [tilespmem:v20+s15+$0x0], $0xffff  }
0x752: {  	v16 =	vcvt.s32.f32 v31;
	[tilespmem:s28+$0xFFFFFFE0] =	vst v1;
	v1 =	vld.idx.msk [tilespmem:v18+s15+$0x0], $0xffff;
	v5 =	vmul.f32 v5, v43;
	v0 =	vadd.f32 v10, v0  }
0x753: {  	[tilespmem:s28+$0xFFFFFFF0] =	vst v2;
	v2 =	vld.idx.msk [tilespmem:v13+s15+$0x0], $0xffff;
	v7 =	vmul.f32 v7, v11;
	v4 =	vadd.f32 v4, v9  }
0x754: {  	v8 =	vmul.f32 v8, v44;
	v3 =	vsub.f32 v3, v16;
	[tilespmem:s31+$0xFFFFFF90] =	vst v0;
	v0 =	vadd.f32 v5, v12  }
0x755: {  	v5 =	vmul.f32 v14, v30;
	[tilespmem:s31+$0xFFFFFFA0] =	vst v4;
	v4 =	vadd.f32 v7, v15  }
0x756: {  	v3 =	vmul.f32 v3, v25;
	[tilespmem:s31+$0xFFFFFFB0] =	vst v0;
	v0 =	vadd.f32 v8, v6  }
0x757: {  	[tilespmem:s31+$0xFFFFFFC0] =	vst v4;
	v1 =	vadd.f32 v5, v1  }
0x758: {  	[tilespmem:s31+$0xFFFFFFD0] =	vst v0;
	v0 =	vadd.f32 v3, v2  }
0x759: {  	[tilespmem:s31+$0xFFFFFFE0] =	vst v1  }
0x75a: {  	[tilespmem:s31+$0xFFFFFFF0] =	vst v0  }
0x75b: {  	v0 =	vld [tilespmem:s30+$0x0]  }
0x75c: {  	v1 =	vld [tilespmem:s30+$0xFFFFFFA0]  }
0x75d: {  	v2 =	vld [tilespmem:s30+$0xFFFFFFB0]  }
0x75e: {  	v3 =	vld [tilespmem:s30+$0xFFFFFFC0]  }
0x75f: {  	v4 =	vld [tilespmem:s30+$0xFFFFFFD0]  }
0x760: {  	v5 =	vld [tilespmem:s30+$0xFFFFFFE0];
	_ =	sdelay $0x1  }
0x761: {  	v6 =	vld [tilespmem:s30+$0xFFFFFFF0]  }
0x762: {  	v7 =	vld [tilespmem:s30+$0xFFFFFF90];
	v0 =	vmax.f32 v0, $0.0e+00;
	v1 =	vmax.f32 v1, $0.0e+00  }
0x763: {  	v2 =	vmax.f32 v2, $0.0e+00;
	v3 =	vmax.f32 v3, $0.0e+00;
	v0 =	vmul.f32 $5.900000000e+01, v0  }
0x764: {  	v4 =	vmax.f32 v4, $0.0e+00;
	v5 =	vmax.f32 v5, $0.0e+00;
	v1 =	vmul.f32 $5.900000000e+01, v1  }
0x765: {  	v2 =	vmul.f32 $5.900000000e+01, v2;
	v3 =	vmul.f32 $5.900000000e+01, v3;
	v8 =	vmin.f32 v0, $5.899998860e+01  }
0x766: {  	v6 =	vmax.f32 v6, $0.0e+00;
	v4 =	vmul.f32 $5.900000000e+01, v4;
	v8 =	vtrunc.f32 v8  }
0x767: {  	v7 =	vmax.f32 v7, $0.0e+00;
	v5 =	vmul.f32 $5.900000000e+01, v5;
	v8 =	vcvt.f32.s32 v8  }
0x768: {  	v6 =	vmul.f32 $5.900000000e+01, v6;
	v7 =	vmul.f32 $5.900000000e+01, v7;
	v9 =	vmin.f32 v1, $5.899998860e+01  }
0x769: {  	v11 =	vmin.f32 v2, $5.899998860e+01;
	v12 =	vmin.f32 v3, $5.899998860e+01;
	v10 =	vshll.u32 v8, $0x4  }
0x76a: {  	v14 =	vmin.f32 v7, $5.899998860e+01;
	v9 =	vtrunc.f32 v9;
	v10 =	vor.u32 v60, v10  }
0x76b: {  	v13 =	vmin.f32 v4, $5.899998860e+01;
	v14 =	vtrunc.f32 v14;
	v11 =	vtrunc.f32 v11  }
0x76c: {  	v15 =	vmin.f32 v5, $5.899998860e+01;
	v12 =	vtrunc.f32 v12;
	v13 =	vtrunc.f32 v13  }
0x76d: {  	v16 =	vmin.f32 v6, $5.899998860e+01;
	v15 =	vtrunc.f32 v15;
	v12 =	vcvt.f32.s32 v12  }
0x76e: {  	v16 =	vtrunc.f32 v16;
	v14 =	vcvt.f32.s32 v14  }
0x76f: {  	v9 =	vcvt.f32.s32 v9;
	v20 =	vshll.u32 v12, $0x4;
	v12 =	vcvt.s32.f32 v12;
	v17 =	vld.idx.msk [tilespmem:v10+s16+$0x0], $0xffff  }
0x770: {  	s1 =	simm.s32 $0x4FF0;
	v11 =	vcvt.f32.s32 v11;
	v8 =	vcvt.s32.f32 v8  }
0x771: {  	v13 =	vcvt.f32.s32 v13;
	v15 =	vcvt.f32.s32 v15;
	v59 =	vsub.f32 v3, v12;
	v3 =	vld [tilespmem:s1+$0xFFFFFF90]  }
0x772: {  	v16 =	vcvt.f32.s32 v16;
	v18 =	vshll.u32 v14, $0x4;
	v0 =	vsub.f32 v0, v8;
	v10 =	vld.idx.msk [tilespmem:v10+s15+$0x0], $0xffff  }
0x773: {  	v19 =	vshll.u32 v11, $0x4;
	v21 =	vshll.u32 v13, $0x4;
	v22 =	vshll.u32 v15, $0x4  }
0x774: {  	v23 =	vld [tilespmem:s1+$0x0];
	v19 =	vor.u32 v60, v19;
	v8 =	vshll.u32 v9, $0x4;
	v0 =	vmul.f32 v0, v17  }
0x775: {  	v17 =	vor.u32 v60, v18;
	v18 =	vor.u32 v60, v8;
	v8 =	vshll.u32 v16, $0x4  }
0x776: {  	v3 =	vmax.f32 v3, $0.0e+00;
	v36 =	vor.u32 v60, v8;
	v8 =	vcvt.s32.f32 v9  }
0x777: {  	v28 =	vmul.f32 $5.900000000e+01, v3;
	v9 =	vcvt.s32.f32 v11;
	v34 =	vadd.f32 v0, v10;
	v10 =	vld [tilespmem:s1+$0xFFFFFFA0]  }
0x778: {  	v11 =	vld [tilespmem:s1+$0xFFFFFFB0];
	v0 =	vcvt.s32.f32 v14;
	v14 =	vcvt.s32.f32 v15;
	v61 =	vsub.f32 v1, v8  }
0x779: {  	v1 =	vmax.f32 v23, $0.0e+00;
	v62 =	vsub.f32 v2, v9;
	v2 =	vcvt.s32.f32 v16  }
0x77a: {  	v16 =	vmin.f32 v28, $5.899998860e+01;
	v0 =	vsub.f32 v7, v0;
	v7 =	vcvt.s32.f32 v13;
	v13 =	vld [tilespmem:s1+$0xFFFFFFC0]  }
0x77b: {  	v21 =	vor.u32 v60, v21;
	v8 =	vld [tilespmem:s1+$0xFFFFFFD0];
	v24 =	vmul.f32 $5.900000000e+01, v1;
	v27 =	vtrunc.f32 v16  }
0x77c: {  	v9 =	vld [tilespmem:s1+$0xFFFFFFE0];
	v38 =	vcvt.f32.s32 v27;
	v63 =	vsub.f32 v4, v7;
	v1 =	vmax.f32 v10, $0.0e+00  }
0x77d: {  	v7 =	vmax.f32 v11, $0.0e+00;
	v11 =	vmin.f32 v24, $5.899998860e+01;
	v4 =	vmul.f32 $5.900000000e+01, v1  }
0x77e: {  	v1 =	vsub.f32 v5, v14;
	v5 =	vmul.f32 $5.900000000e+01, v7;
	v7 =	vtrunc.f32 v11  }
0x77f: {  	v20 =	vor.u32 v60, v20;
	v11 =	vmax.f32 v13, $0.0e+00;
	v13 =	vcvt.f32.s32 v7  }
0x780: {  	v35 =	vor.u32 v60, v22;
	v10 =	vld [tilespmem:s1+$0xFFFFFFF0];
	v37 =	vcvt.s32.f32 v38;
	v8 =	vmax.f32 v8, $0.0e+00  }
0x781: {  	v16 =	vld.idx.msk [tilespmem:v21+s16+$0x0], $0xffff;
	v12 =	vmax.f32 v9, $0.0e+00;
	v8 =	vmul.f32 $5.900000000e+01, v8;
	v9 =	vshll.u32 v13, $0x4  }
0x782: {  	v14 =	vmul.f32 $5.900000000e+01, v12;
	v12 =	vld.idx.msk [tilespmem:v19+s16+$0x0], $0xffff;
	v15 =	vmin.f32 v4, $5.899998860e+01;
	v23 =	vor.u32 v60, v9  }
0x783: {  	v2 =	vsub.f32 v6, v2;
	v7 =	vmul.f32 $5.900000000e+01, v11;
	v11 =	vld.idx.msk [tilespmem:v17+s16+$0x0], $0xffff;
	v25 =	vtrunc.f32 v15  }
0x784: {  	v15 =	vld.idx.msk [tilespmem:v20+s16+$0x0], $0xffff;
	v26 =	vmin.f32 v8, $5.899998860e+01;
	v29 =	vmin.f32 v14, $5.899998860e+01;
	v13 =	vcvt.s32.f32 v13  }
0x785: {  	v10 =	vmax.f32 v10, $0.0e+00;
	v9 =	vld.idx.msk [tilespmem:v18+s16+$0x0], $0xffff;
	v26 =	vtrunc.f32 v26;
	v29 =	vtrunc.f32 v29  }
0x786: {  	v22 =	vmin.f32 v7, $5.899998860e+01;
	v39 =	vcvt.f32.s32 v25;
	v25 =	vld.idx.msk [tilespmem:v18+s15+$0x0], $0xffff;
	v3 =	vmul.f32 $5.900000000e+01, v10  }
0x787: {  	v10 =	vmin.f32 v5, $5.899998860e+01;
	v30 =	vtrunc.f32 v22;
	v32 =	vcvt.f32.s32 v26;
	v45 =	vld.idx.msk [tilespmem:v23+s16+$0x0], $0xffff  }
0x788: {  	v13 =	vsub.f32 v24, v13;
	v33 =	vcvt.f32.s32 v29;
	v42 =	vcvt.f32.s32 v30;
	v30 =	vld.idx.msk [tilespmem:v17+s15+$0x0], $0xffff  }
0x789: {  	[tilespmem:s29+$0x0] =	vst v34;
	v10 =	vtrunc.f32 v10;
	v17 =	vshll.u32 v39, $0x4;
	v34 =	vcvt.s32.f32 v39;
	v41 =	vld.idx.msk [tilespmem:v23+s15+$0x0], $0xffff  }
0x78a: {  	v22 =	vld.idx.msk [tilespmem:v35+s16+$0x0], $0xffff;
	v31 =	vmin.f32 v3, $5.899998860e+01;
	v40 =	vcvt.f32.s32 v10;
	v10 =	vshll.u32 v38, $0x4  }
0x78b: {  	v27 =	vor.u32 v60, v17;
	v17 =	vld.idx.msk [tilespmem:v21+s15+$0x0], $0xffff;
	v6 =	vtrunc.f32 v31;
	v24 =	vshll.u32 v42, $0x4  }
0x78c: {  	v21 =	vld.idx.msk [tilespmem:v36+s15+$0x0], $0xffff;
	v29 =	vor.u32 v60, v10;
	v31 =	vcvt.f32.s32 v6;
	v13 =	vmul.f32 v13, v45  }
0x78d: {  	v18 =	vshll.u32 v40, $0x4;
	v6 =	vld.idx.msk [tilespmem:v19+s15+$0x0], $0xffff;
	v19 =	vshll.u32 v32, $0x4;
	v24 =	vor.u32 v60, v24  }
0x78e: {  	v23 =	vld.idx.msk [tilespmem:v36+s16+$0x0], $0xffff;
	v36 =	vcvt.s32.f32 v40;
	v26 =	vor.u32 v60, v18;
	v41 =	vadd.f32 v13, v41  }
0x78f: {  	s2 =	simm.s32 $0x8;
	s31 =	simm.s32 $0xCFF0;
	v10 =	vld.idx.msk [tilespmem:v20+s15+$0x0], $0xffff;
	v20 =	vor.u32 v60, v19;
	v45 =	vshll.u32 v33, $0x4;
	v13 =	vshll.u32 v31, $0x4  }
0x790: {  	s28 =	simm.s32 $0xCC70;
	s30 =	simm.s32 $0x4C70;
	s1 =	simm.s32 $0x53F0;
	v19 =	vld.idx.msk [tilespmem:v35+s15+$0x0], $0xffff;
	v35 =	vcvt.s32.f32 v42;
	v18 =	vor.u32 v60, v45;
	v13 =	vor.u32 v60, v13;
	[tilespmem:s31+$0x0] =	vst v41  }
.LBB2_35:
0x791: {  	v38 =	vld [tilespmem:s1+$0x0];
	s2 =	sadd.s32 $0x8, s2;
	v28 =	vsub.f32 v28, v37;
	v32 =	vcvt.s32.f32 v32;
	v33 =	vcvt.s32.f32 v33  }
0x792: {  	v4 =	vsub.f32 v4, v34;
	v31 =	vcvt.s32.f32 v31;
	v37 =	vld [tilespmem:s1+$0xFFFFFFA0];
	p0 =	slt.u32 s2, $0x78;
	v5 =	vsub.f32 v5, v36  }
0x793: {  	v11 =	vmul.f32 v0, v11;
	v7 =	vsub.f32 v7, v35;
	v34 =	vld [tilespmem:s1+$0xFFFFFFB0];
	v8 =	vsub.f32 v8, v32;
	v0 =	vmovc v28  }
0x794: {  	v9 =	vmul.f32 v61, v9;
	v14 =	vsub.f32 v14, v33;
	v3 =	vsub.f32 v3, v31;
	v61 =	vmovc v4;
	v28 =	vld [tilespmem:s1+$0xFFFFFFC0]  }
0x795: {  	v4 =	vadd.f32 v11, v30;
	v32 =	vmul.f32 v62, v12;
	v33 =	vmul.f32 v59, v15;
	v62 =	vmovc v5;
	v31 =	vld [tilespmem:s1+$0xFFFFFFD0]  }
0x796: {  	v35 =	vmul.f32 v63, v16;
	v36 =	vmul.f32 v1, v22;
	v59 =	vmovc v7;
	v63 =	vmovc v8;
	v12 =	vld [tilespmem:s1+$0xFFFFFFE0];
	v5 =	vmax.f32 v38, $0.0e+00  }
0x797: {  	v1 =	vmovc v14;
	v38 =	vmul.f32 v2, v23;
	v2 =	vmovc v3;
	v7 =	vmax.f32 v37, $0.0e+00;
	v15 =	vld [tilespmem:s1+$0xFFFFFFF0];
	v37 =	vmul.f32 $5.900000000e+01, v5;
	[tilespmem:s29+$0xFFFFFF90] =	vst v4  }
0x798: {  	v8 =	vadd.f32 v9, v25;
	v3 =	vld [tilespmem:s1+$0xFFFFFF90];
	v4 =	vmul.f32 $5.900000000e+01, v7;
	v5 =	vmax.f32 v34, $0.0e+00  }
0x799: {  	v5 =	vmul.f32 $5.900000000e+01, v5;
	v7 =	vmax.f32 v28, $0.0e+00;
	v9 =	vmin.f32 v37, $5.899998860e+01;
	v11 =	vld.idx.msk [tilespmem:v29+s16+$0x0], $0xffff  }
0x79a: {  	v7 =	vmul.f32 $5.900000000e+01, v7;
	v14 =	vmax.f32 v31, $0.0e+00;
	v16 =	vtrunc.f32 v9;
	v9 =	vld.idx.msk [tilespmem:v27+s16+$0x0], $0xffff;
	[tilespmem:s29+$0xFFFFFFA0] =	vst v8  }
0x79b: {  	v8 =	vmul.f32 $5.900000000e+01, v14;
	v14 =	vmax.f32 v12, $0.0e+00;
	v31 =	vcvt.f32.s32 v16;
	v12 =	vld.idx.msk [tilespmem:v26+s16+$0x0], $0xffff  }
0x79c: {  	v25 =	vmin.f32 v4, $5.899998860e+01;
	v14 =	vmul.f32 $5.900000000e+01, v14;
	v16 =	vmax.f32 v15, $0.0e+00;
	v15 =	vld.idx.msk [tilespmem:v24+s16+$0x0], $0xffff  }
0x79d: {  	v22 =	vmax.f32 v3, $0.0e+00;
	v3 =	vmul.f32 $5.900000000e+01, v16;
	v23 =	vshll.u32 v31, $0x4;
	v16 =	vld.idx.msk [tilespmem:v20+s16+$0x0], $0xffff  }
0x79e: {  	v34 =	vmin.f32 v5, $5.899998860e+01;
	v28 =	vmul.f32 $5.900000000e+01, v22;
	v39 =	vor.u32 v60, v23;
	v22 =	vld.idx.msk [tilespmem:v18+s16+$0x0], $0xffff  }
0x79f: {  	v40 =	vmin.f32 v7, $5.899998860e+01;
	v41 =	vmin.f32 v8, $5.899998860e+01;
	v42 =	vmin.f32 v14, $5.899998860e+01;
	v23 =	vld.idx.msk [tilespmem:v13+s16+$0x0], $0xffff  }
0x7a0: {  	v44 =	vtrunc.f32 v25;
	v45 =	vmin.f32 v3, $5.899998860e+01;
	v43 =	vmin.f32 v28, $5.899998860e+01;
	v30 =	vld.idx.msk [tilespmem:v29+s15+$0x0], $0xffff  }
0x7a1: {  	v34 =	vtrunc.f32 v34;
	v29 =	vtrunc.f32 v43;
	v25 =	vld.idx.msk [tilespmem:v27+s15+$0x0], $0xffff;
	v27 =	vadd.f32 v32, v6  }
0x7a2: {  	v32 =	vtrunc.f32 v40;
	v40 =	vtrunc.f32 v41;
	v6 =	vld.idx.msk [tilespmem:v26+s15+$0x0], $0xffff;
	v26 =	vadd.f32 v33, v10  }
0x7a3: {  	v17 =	vadd.f32 v35, v17;
	v41 =	vtrunc.f32 v45;
	v33 =	vtrunc.f32 v42;
	v42 =	vld.idx.msk [tilespmem:v39+s16+$0x0], $0xffff;
	[tilespmem:s29+$0xFFFFFFB0] =	vst v27  }
0x7a4: {  	v19 =	vadd.f32 v36, v19;
	v43 =	vcvt.f32.s32 v44;
	v35 =	vcvt.f32.s32 v29;
	v10 =	vld.idx.msk [tilespmem:v24+s15+$0x0], $0xffff;
	[tilespmem:s29+$0xFFFFFFC0] =	vst v26  }
0x7a5: {  	v21 =	vadd.f32 v38, v21;
	v36 =	vcvt.f32.s32 v34;
	v24 =	vcvt.s32.f32 v31;
	v34 =	vld.idx.msk [tilespmem:v39+s15+$0x0], $0xffff;
	[tilespmem:s29+$0xFFFFFFD0] =	vst v17  }
0x7a6: {  	v38 =	vcvt.f32.s32 v32;
	v32 =	vcvt.f32.s32 v40;
	v26 =	vshll.u32 v35, $0x4;
	v17 =	vld.idx.msk [tilespmem:v20+s15+$0x0], $0xffff;
	[tilespmem:s29+$0xFFFFFFE0] =	vst v19  }
0x7a7: {  	v33 =	vcvt.f32.s32 v33;
	v31 =	vcvt.f32.s32 v41;
	v20 =	vsub.f32 v37, v24;
	v19 =	vld.idx.msk [tilespmem:v18+s15+$0x0], $0xffff;
	[tilespmem:s29+$0xFFFFFFF0] =	vst v21;
	s29 =	smov.u32 s31  }
0x7a8: {  	v24 =	vshll.u32 v36, $0x4;
	v37 =	vshll.u32 v38, $0x4;
	v18 =	vshll.u32 v43, $0x4;
	v21 =	vld.idx.msk [tilespmem:v13+s15+$0x0], $0xffff  }
0x7a9: {  	v39 =	vshll.u32 v33, $0x4;
	v13 =	vshll.u32 v32, $0x4;
	v20 =	vmul.f32 v20, v42  }
.Ltmp19:
0x7aa: {  	v29 =	vor.u32 v60, v26;
	v40 =	vshll.u32 v31, $0x4;
	v27 =	vor.u32 v60, v18;
	(pc) =	sbr.rel @p0 .LBB2_35-.Ltmp19, $4  }
0x7ab: {  	v26 =	vor.u32 v60, v24;
	v24 =	vor.u32 v60, v37;
	v41 =	vadd.f32 v20, v34  }
0x7ac: {  	s31 =	sadd.s32 $0x400, s31;
	v18 =	vor.u32 v60, v39;
	v20 =	vor.u32 v60, v13;
	v13 =	vor.u32 v60, v40  }
0x7ad: {  	v37 =	vcvt.s32.f32 v35;
	v34 =	vcvt.s32.f32 v43;
	[tilespmem:s31+$0x0] =	vst v41  }
0x7ae: {  	s1 =	sadd.s32 $0x400, s1;
	v36 =	vcvt.s32.f32 v36;
	v35 =	vcvt.s32.f32 v38  }
0x7af: {  	_ =	sdelay $0x3  }
0x7b0: {  	v38 =	vld.idx.msk [tilespmem:v29+s16+$0x0], $0xffff  }
0x7b1: {  	v39 =	vld.idx.msk [tilespmem:v27+s16+$0x0], $0xffff  }
0x7b2: {  	v32 =	vcvt.s32.f32 v32;
	v43 =	vld.idx.msk [tilespmem:v26+s16+$0x0], $0xffff  }
0x7b3: {  	v28 =	vsub.f32 v28, v37;
	v0 =	vmul.f32 v0, v11;
	v11 =	vld.idx.msk [tilespmem:v24+s16+$0x0], $0xffff;
	v9 =	vmul.f32 v61, v9  }
0x7b4: {  	v4 =	vsub.f32 v4, v34;
	v44 =	vld.idx.msk [tilespmem:v20+s16+$0x0], $0xffff;
	v12 =	vmul.f32 v62, v12;
	v15 =	vmul.f32 v59, v15  }
0x7b5: {  	v16 =	vmul.f32 v63, v16;
	v1 =	vmul.f32 v1, v22;
	v0 =	vadd.f32 v0, v30;
	v30 =	vld.idx.msk [tilespmem:v18+s16+$0x0], $0xffff  }
0x7b6: {  	v2 =	vmul.f32 v2, v23;
	v5 =	vsub.f32 v5, v36;
	v9 =	vadd.f32 v9, v25;
	v25 =	vld.idx.msk [tilespmem:v13+s16+$0x0], $0xffff  }
0x7b7: {  	v33 =	vcvt.s32.f32 v33;
	v7 =	vsub.f32 v7, v35;
	v6 =	vadd.f32 v12, v6;
	[tilespmem:s29+$0xFFFFFF90] =	vst v0;
	v0 =	vld.idx.msk [tilespmem:v29+s15+$0x0], $0xffff  }
0x7b8: {  	v8 =	vsub.f32 v8, v32;
	v10 =	vadd.f32 v15, v10;
	[tilespmem:s29+$0xFFFFFFA0] =	vst v9;
	v9 =	vld.idx.msk [tilespmem:v27+s15+$0x0], $0xffff  }
0x7b9: {  	v14 =	vsub.f32 v14, v33;
	v12 =	vld.idx.msk [tilespmem:v26+s15+$0x0], $0xffff;
	[tilespmem:s29+$0xFFFFFFB0] =	vst v6;
	v6 =	vadd.f32 v16, v17  }
0x7ba: {  	v15 =	vld.idx.msk [tilespmem:v24+s15+$0x0], $0xffff;
	v1 =	vadd.f32 v1, v19;
	[tilespmem:s29+$0xFFFFFFC0] =	vst v10;
	v10 =	vmul.f32 v28, v38  }
0x7bb: {  	v2 =	vadd.f32 v2, v21;
	v4 =	vmul.f32 v4, v39;
	[tilespmem:s29+$0xFFFFFFD0] =	vst v6;
	v6 =	vld.idx.msk [tilespmem:v20+s15+$0x0], $0xffff  }
0x7bc: {  	v16 =	vcvt.s32.f32 v31;
	[tilespmem:s29+$0xFFFFFFE0] =	vst v1;
	v1 =	vld.idx.msk [tilespmem:v18+s15+$0x0], $0xffff;
	v5 =	vmul.f32 v5, v43;
	v0 =	vadd.f32 v10, v0  }
0x7bd: {  	[tilespmem:s29+$0xFFFFFFF0] =	vst v2;
	v2 =	vld.idx.msk [tilespmem:v13+s15+$0x0], $0xffff;
	v7 =	vmul.f32 v7, v11;
	v4 =	vadd.f32 v4, v9  }
0x7be: {  	v8 =	vmul.f32 v8, v44;
	v3 =	vsub.f32 v3, v16;
	[tilespmem:s31+$0xFFFFFF90] =	vst v0;
	v0 =	vadd.f32 v5, v12  }
0x7bf: {  	v5 =	vmul.f32 v14, v30;
	[tilespmem:s31+$0xFFFFFFA0] =	vst v4;
	v4 =	vadd.f32 v7, v15  }
0x7c0: {  	v3 =	vmul.f32 v3, v25;
	[tilespmem:s31+$0xFFFFFFB0] =	vst v0;
	v0 =	vadd.f32 v8, v6  }
0x7c1: {  	[tilespmem:s31+$0xFFFFFFC0] =	vst v4;
	v1 =	vadd.f32 v5, v1  }
0x7c2: {  	[tilespmem:s31+$0xFFFFFFD0] =	vst v0;
	v0 =	vadd.f32 v3, v2  }
0x7c3: {  	[tilespmem:s31+$0xFFFFFFE0] =	vst v1  }
0x7c4: {  	[tilespmem:s31+$0xFFFFFFF0] =	vst v0  }
0x7c5: {  	v0 =	vld [tilespmem:s30+$0x0]  }
0x7c6: {  	v1 =	vld [tilespmem:s30+$0xFFFFFFA0]  }
0x7c7: {  	v2 =	vld [tilespmem:s30+$0xFFFFFFB0]  }
0x7c8: {  	v3 =	vld [tilespmem:s30+$0xFFFFFFC0]  }
0x7c9: {  	v4 =	vld [tilespmem:s30+$0xFFFFFFD0]  }
0x7ca: {  	v5 =	vld [tilespmem:s30+$0xFFFFFFE0];
	_ =	sdelay $0x1  }
0x7cb: {  	v6 =	vld [tilespmem:s30+$0xFFFFFFF0]  }
0x7cc: {  	v7 =	vld [tilespmem:s30+$0xFFFFFF90];
	v0 =	vmax.f32 v0, $0.0e+00;
	v1 =	vmax.f32 v1, $0.0e+00  }
0x7cd: {  	v2 =	vmax.f32 v2, $0.0e+00;
	v3 =	vmax.f32 v3, $0.0e+00;
	v0 =	vmul.f32 $5.900000000e+01, v0  }
0x7ce: {  	v4 =	vmax.f32 v4, $0.0e+00;
	v5 =	vmax.f32 v5, $0.0e+00;
	v1 =	vmul.f32 $5.900000000e+01, v1  }
0x7cf: {  	v2 =	vmul.f32 $5.900000000e+01, v2;
	v3 =	vmul.f32 $5.900000000e+01, v3;
	v8 =	vmin.f32 v0, $5.899998860e+01  }
0x7d0: {  	v6 =	vmax.f32 v6, $0.0e+00;
	v4 =	vmul.f32 $5.900000000e+01, v4;
	v8 =	vtrunc.f32 v8  }
0x7d1: {  	v7 =	vmax.f32 v7, $0.0e+00;
	v5 =	vmul.f32 $5.900000000e+01, v5;
	v8 =	vcvt.f32.s32 v8  }
0x7d2: {  	v10 =	vmul.f32 $5.900000000e+01, v6;
	v7 =	vmul.f32 $5.900000000e+01, v7  }
0x7d3: {  	v9 =	vmin.f32 v1, $5.899998860e+01;
	v11 =	vmin.f32 v2, $5.899998860e+01;
	v6 =	vshll.u32 v8, $0x4  }
0x7d4: {  	v12 =	vmin.f32 v3, $5.899998860e+01;
	v14 =	vmin.f32 v7, $5.899998860e+01;
	v6 =	vor.u32 v60, v6  }
0x7d5: {  	v13 =	vmin.f32 v4, $5.899998860e+01;
	v9 =	vtrunc.f32 v9;
	v14 =	vtrunc.f32 v14  }
0x7d6: {  	v15 =	vmin.f32 v5, $5.899998860e+01;
	v11 =	vtrunc.f32 v11;
	v12 =	vtrunc.f32 v12  }
0x7d7: {  	v16 =	vmin.f32 v10, $5.899998860e+01;
	v13 =	vtrunc.f32 v13;
	v15 =	vtrunc.f32 v15  }
0x7d8: {  	v16 =	vtrunc.f32 v16;
	v14 =	vcvt.f32.s32 v14  }
0x7d9: {  	v9 =	vcvt.f32.s32 v9;
	v11 =	vcvt.f32.s32 v11;
	v17 =	vld.idx.msk [tilespmem:v6+s16+$0x0], $0xffff  }
0x7da: {  	v12 =	vcvt.f32.s32 v12;
	v8 =	vcvt.s32.f32 v8  }
0x7db: {  	v13 =	vcvt.f32.s32 v13;
	v15 =	vcvt.f32.s32 v15  }
0x7dc: {  	v16 =	vcvt.f32.s32 v16;
	v18 =	vshll.u32 v14, $0x4;
	v0 =	vsub.f32 v0, v8;
	v6 =	vld.idx.msk [tilespmem:v6+s15+$0x0], $0xffff  }
0x7dd: {  	v19 =	vshll.u32 v11, $0x4;
	v20 =	vshll.u32 v12, $0x4;
	v21 =	vshll.u32 v13, $0x4  }
0x7de: {  	s1 =	simm.s32 $0x5070;
	v22 =	vshll.u32 v15, $0x4;
	v8 =	vshll.u32 v9, $0x4;
	v0 =	vmul.f32 v0, v17  }
0x7df: {  	v23 =	vld [tilespmem:s1+$0x0];
	v17 =	vor.u32 v60, v18;
	v18 =	vor.u32 v60, v8;
	v8 =	vshll.u32 v16, $0x4  }
0x7e0: {  	v37 =	vor.u32 v60, v8;
	v8 =	vcvt.s32.f32 v9;
	v9 =	vcvt.s32.f32 v11;
	v11 =	vld [tilespmem:s1+$0xFFFFFFB0]  }
0x7e1: {  	v12 =	vcvt.s32.f32 v12;
	v19 =	vor.u32 v60, v19;
	v34 =	vadd.f32 v0, v6;
	v6 =	vld [tilespmem:s1+$0xFFFFFFA0]  }
0x7e2: {  	v20 =	vor.u32 v60, v20;
	v0 =	vcvt.s32.f32 v14;
	v14 =	vcvt.s32.f32 v15;
	v15 =	vld [tilespmem:s1+$0xFFFFFFF0]  }
0x7e3: {  	v21 =	vor.u32 v60, v21;
	v35 =	vor.u32 v60, v22;
	v61 =	vsub.f32 v1, v8;
	v8 =	vld [tilespmem:s1+$0xFFFFFFD0]  }
0x7e4: {  	v1 =	vmax.f32 v23, $0.0e+00;
	v0 =	vsub.f32 v7, v0;
	v7 =	vcvt.s32.f32 v13;
	v13 =	vld [tilespmem:s1+$0xFFFFFFC0]  }
0x7e5: {  	v62 =	vsub.f32 v2, v9;
	v2 =	vcvt.s32.f32 v16;
	v9 =	vld [tilespmem:s1+$0xFFFFFFE0];
	v24 =	vmul.f32 $5.900000000e+01, v1  }
0x7e6: {  	v1 =	vsub.f32 v3, v12;
	v12 =	vld [tilespmem:s1+$0xFFFFFF90];
	v59 =	vsub.f32 v5, v14;
	v3 =	vmax.f32 v6, $0.0e+00  }
0x7e7: {  	v63 =	vsub.f32 v4, v7;
	v4 =	vmul.f32 $5.900000000e+01, v3;
	v3 =	vmax.f32 v11, $0.0e+00  }
0x7e8: {  	v7 =	vmin.f32 v24, $5.899998860e+01;
	v8 =	vmax.f32 v8, $0.0e+00;
	v6 =	vmul.f32 $5.900000000e+01, v3  }
0x7e9: {  	v3 =	vtrunc.f32 v7;
	v5 =	vmax.f32 v13, $0.0e+00;
	v8 =	vmul.f32 $5.900000000e+01, v8  }
0x7ea: {  	v15 =	vmax.f32 v15, $0.0e+00;
	v13 =	vcvt.f32.s32 v3;
	v7 =	vmul.f32 $5.900000000e+01, v5  }
0x7eb: {  	v3 =	vmax.f32 v9, $0.0e+00;
	v5 =	vmin.f32 v4, $5.899998860e+01;
	v9 =	vmax.f32 v12, $0.0e+00  }
0x7ec: {  	v11 =	vld.idx.msk [tilespmem:v17+s16+$0x0], $0xffff;
	v28 =	vmul.f32 $5.900000000e+01, v9;
	v14 =	vmul.f32 $5.900000000e+01, v3;
	v12 =	vshll.u32 v13, $0x4  }
0x7ed: {  	v9 =	vld.idx.msk [tilespmem:v18+s16+$0x0], $0xffff;
	v3 =	vmul.f32 $5.900000000e+01, v15;
	v16 =	vmin.f32 v6, $5.899998860e+01;
	v23 =	vor.u32 v60, v12  }
0x7ee: {  	v5 =	vtrunc.f32 v5;
	v15 =	vld.idx.msk [tilespmem:v20+s16+$0x0], $0xffff;
	v26 =	vmin.f32 v8, $5.899998860e+01;
	v27 =	vtrunc.f32 v16  }
0x7ef: {  	v22 =	vmin.f32 v7, $5.899998860e+01;
	v16 =	vld.idx.msk [tilespmem:v21+s16+$0x0], $0xffff;
	v26 =	vtrunc.f32 v26;
	v13 =	vcvt.s32.f32 v13  }
0x7f0: {  	v39 =	vcvt.f32.s32 v5;
	v12 =	vld.idx.msk [tilespmem:v19+s16+$0x0], $0xffff;
	v25 =	vmin.f32 v28, $5.899998860e+01;
	v30 =	vtrunc.f32 v22  }
0x7f1: {  	v29 =	vmin.f32 v14, $5.899998860e+01;
	v22 =	vld.idx.msk [tilespmem:v35+s16+$0x0], $0xffff;
	v40 =	vcvt.f32.s32 v27;
	v32 =	vcvt.f32.s32 v26  }
0x7f2: {  	v31 =	vmin.f32 v3, $5.899998860e+01;
	v25 =	vtrunc.f32 v25;
	v29 =	vtrunc.f32 v29;
	v45 =	vld.idx.msk [tilespmem:v23+s16+$0x0], $0xffff  }
0x7f3: {  	v2 =	vsub.f32 v10, v2;
	v10 =	vtrunc.f32 v31;
	v42 =	vcvt.f32.s32 v30;
	v30 =	vld.idx.msk [tilespmem:v17+s15+$0x0], $0xffff  }
0x7f4: {  	v5 =	vsub.f32 v24, v13;
	v13 =	vshll.u32 v39, $0x4;
	v38 =	vcvt.f32.s32 v25;
	v41 =	vld.idx.msk [tilespmem:v23+s15+$0x0], $0xffff  }
0x7f5: {  	v33 =	vcvt.f32.s32 v29;
	v31 =	vcvt.f32.s32 v10;
	v25 =	vld.idx.msk [tilespmem:v18+s15+$0x0], $0xffff;
	v17 =	vshll.u32 v40, $0x4  }
0x7f6: {  	[tilespmem:s28+$0x0] =	vst v34;
	v10 =	vld.idx.msk [tilespmem:v20+s15+$0x0], $0xffff;
	v24 =	vshll.u32 v42, $0x4;
	v26 =	vor.u32 v60, v17;
	v34 =	vcvt.s32.f32 v42  }
0x7f7: {  	v27 =	vshll.u32 v38, $0x4;
	v24 =	vor.u32 v60, v24;
	v23 =	vld.idx.msk [tilespmem:v37+s16+$0x0], $0xffff;
	v18 =	vmul.f32 v5, v45  }
0x7f8: {  	v29 =	vor.u32 v60, v27;
	v27 =	vor.u32 v60, v13;
	v5 =	vld.idx.msk [tilespmem:v19+s15+$0x0], $0xffff;
	v19 =	vshll.u32 v32, $0x4  }
0x7f9: {  	v13 =	vshll.u32 v31, $0x4;
	v20 =	vor.u32 v60, v19;
	v19 =	vld.idx.msk [tilespmem:v35+s15+$0x0], $0xffff;
	v41 =	vadd.f32 v18, v41  }
0x7fa: {  	s29 =	simm.s32 $0xD070;
	v36 =	vcvt.s32.f32 v38;
	v13 =	vor.u32 v60, v13;
	v45 =	vshll.u32 v33, $0x4;
	v18 =	vld.idx.msk [tilespmem:v21+s15+$0x0], $0xffff  }
0x7fb: {  	s2 =	simm.s32 $0x8;
	s1 =	simm.s32 $0x5470;
	v17 =	vor.u32 v60, v45;
	v35 =	vcvt.s32.f32 v39;
	v21 =	vld.idx.msk [tilespmem:v37+s15+$0x0], $0xffff;
	v37 =	vcvt.s32.f32 v40;
	[tilespmem:s29+$0x0] =	vst v41  }
.LBB2_37:
0x7fc: {  	v38 =	vld [tilespmem:s1+$0x0];
	s2 =	sadd.s32 $0x8, s2;
	v28 =	vsub.f32 v28, v36;
	v32 =	vcvt.s32.f32 v32;
	v33 =	vcvt.s32.f32 v33  }
0x7fd: {  	v4 =	vsub.f32 v4, v35;
	v31 =	vcvt.s32.f32 v31;
	v36 =	vld [tilespmem:s1+$0xFFFFFFA0];
	p0 =	slt.u32 s2, $0x78;
	v6 =	vsub.f32 v6, v37  }
0x7fe: {  	v11 =	vmul.f32 v0, v11;
	v7 =	vsub.f32 v7, v34;
	v35 =	vld [tilespmem:s1+$0xFFFFFFB0];
	v8 =	vsub.f32 v8, v32;
	v0 =	vmovc v28  }
0x7ff: {  	v9 =	vmul.f32 v61, v9;
	v14 =	vsub.f32 v14, v33;
	v3 =	vsub.f32 v3, v31;
	v61 =	vmovc v4;
	v28 =	vld [tilespmem:s1+$0xFFFFFFC0]  }
0x800: {  	v4 =	vadd.f32 v11, v30;
	v32 =	vmul.f32 v62, v12;
	v33 =	vmul.f32 v1, v15;
	v62 =	vmovc v6;
	v31 =	vld [tilespmem:s1+$0xFFFFFFD0]  }
0x801: {  	v34 =	vmul.f32 v63, v16;
	v37 =	vmul.f32 v59, v22;
	v1 =	vmovc v7;
	v63 =	vmovc v8;
	v12 =	vld [tilespmem:s1+$0xFFFFFFE0];
	v6 =	vmax.f32 v38, $0.0e+00  }
0x802: {  	v59 =	vmovc v14;
	v38 =	vmul.f32 v2, v23;
	v2 =	vmovc v3;
	v7 =	vmax.f32 v36, $0.0e+00;
	v15 =	vld [tilespmem:s1+$0xFFFFFFF0];
	v36 =	vmul.f32 $5.900000000e+01, v6;
	[tilespmem:s28+$0xFFFFFF90] =	vst v4  }
0x803: {  	v8 =	vadd.f32 v9, v25;
	v3 =	vld [tilespmem:s1+$0xFFFFFF90];
	v4 =	vmul.f32 $5.900000000e+01, v7;
	v6 =	vmax.f32 v35, $0.0e+00  }
0x804: {  	v6 =	vmul.f32 $5.900000000e+01, v6;
	v7 =	vmax.f32 v28, $0.0e+00;
	v9 =	vmin.f32 v36, $5.899998860e+01;
	v11 =	vld.idx.msk [tilespmem:v29+s16+$0x0], $0xffff  }
0x805: {  	v7 =	vmul.f32 $5.900000000e+01, v7;
	v14 =	vmax.f32 v31, $0.0e+00;
	v16 =	vtrunc.f32 v9;
	v9 =	vld.idx.msk [tilespmem:v27+s16+$0x0], $0xffff;
	[tilespmem:s28+$0xFFFFFFA0] =	vst v8  }
0x806: {  	v8 =	vmul.f32 $5.900000000e+01, v14;
	v14 =	vmax.f32 v12, $0.0e+00;
	v31 =	vcvt.f32.s32 v16;
	v12 =	vld.idx.msk [tilespmem:v26+s16+$0x0], $0xffff  }
0x807: {  	v25 =	vmin.f32 v4, $5.899998860e+01;
	v14 =	vmul.f32 $5.900000000e+01, v14;
	v16 =	vmax.f32 v15, $0.0e+00;
	v15 =	vld.idx.msk [tilespmem:v24+s16+$0x0], $0xffff  }
0x808: {  	v22 =	vmax.f32 v3, $0.0e+00;
	v3 =	vmul.f32 $5.900000000e+01, v16;
	v23 =	vshll.u32 v31, $0x4;
	v16 =	vld.idx.msk [tilespmem:v20+s16+$0x0], $0xffff  }
0x809: {  	v35 =	vmin.f32 v6, $5.899998860e+01;
	v28 =	vmul.f32 $5.900000000e+01, v22;
	v39 =	vor.u32 v60, v23;
	v22 =	vld.idx.msk [tilespmem:v17+s16+$0x0], $0xffff  }
0x80a: {  	v40 =	vmin.f32 v7, $5.899998860e+01;
	v41 =	vmin.f32 v8, $5.899998860e+01;
	v42 =	vmin.f32 v14, $5.899998860e+01;
	v23 =	vld.idx.msk [tilespmem:v13+s16+$0x0], $0xffff  }
0x80b: {  	v44 =	vtrunc.f32 v25;
	v45 =	vmin.f32 v3, $5.899998860e+01;
	v43 =	vmin.f32 v28, $5.899998860e+01;
	v30 =	vld.idx.msk [tilespmem:v29+s15+$0x0], $0xffff  }
0x80c: {  	v35 =	vtrunc.f32 v35;
	v29 =	vtrunc.f32 v43;
	v25 =	vld.idx.msk [tilespmem:v27+s15+$0x0], $0xffff;
	v27 =	vadd.f32 v32, v5  }
0x80d: {  	v32 =	vtrunc.f32 v40;
	v40 =	vtrunc.f32 v41;
	v5 =	vld.idx.msk [tilespmem:v26+s15+$0x0], $0xffff;
	v26 =	vadd.f32 v33, v10  }
0x80e: {  	v18 =	vadd.f32 v34, v18;
	v41 =	vtrunc.f32 v45;
	v33 =	vtrunc.f32 v42;
	v42 =	vld.idx.msk [tilespmem:v39+s16+$0x0], $0xffff;
	[tilespmem:s28+$0xFFFFFFB0] =	vst v27  }
0x80f: {  	v19 =	vadd.f32 v37, v19;
	v43 =	vcvt.f32.s32 v44;
	v34 =	vcvt.f32.s32 v29;
	v10 =	vld.idx.msk [tilespmem:v24+s15+$0x0], $0xffff;
	[tilespmem:s28+$0xFFFFFFC0] =	vst v26  }
0x810: {  	v21 =	vadd.f32 v38, v21;
	v37 =	vcvt.f32.s32 v35;
	v24 =	vcvt.s32.f32 v31;
	v35 =	vld.idx.msk [tilespmem:v39+s15+$0x0], $0xffff;
	[tilespmem:s28+$0xFFFFFFD0] =	vst v18  }
0x811: {  	v38 =	vcvt.f32.s32 v32;
	v32 =	vcvt.f32.s32 v40;
	v26 =	vshll.u32 v34, $0x4;
	v18 =	vld.idx.msk [tilespmem:v20+s15+$0x0], $0xffff;
	[tilespmem:s28+$0xFFFFFFE0] =	vst v19  }
0x812: {  	v33 =	vcvt.f32.s32 v33;
	v31 =	vcvt.f32.s32 v41;
	v20 =	vsub.f32 v36, v24;
	v19 =	vld.idx.msk [tilespmem:v17+s15+$0x0], $0xffff;
	[tilespmem:s28+$0xFFFFFFF0] =	vst v21;
	s28 =	smov.u32 s29  }
0x813: {  	v24 =	vshll.u32 v37, $0x4;
	v36 =	vshll.u32 v38, $0x4;
	v17 =	vshll.u32 v43, $0x4;
	v21 =	vld.idx.msk [tilespmem:v13+s15+$0x0], $0xffff  }
0x814: {  	v39 =	vshll.u32 v33, $0x4;
	v13 =	vshll.u32 v32, $0x4;
	v20 =	vmul.f32 v20, v42  }
.Ltmp20:
0x815: {  	v29 =	vor.u32 v60, v26;
	v40 =	vshll.u32 v31, $0x4;
	v27 =	vor.u32 v60, v17;
	(pc) =	sbr.rel @p0 .LBB2_37-.Ltmp20, $4  }
0x816: {  	v26 =	vor.u32 v60, v24;
	v24 =	vor.u32 v60, v36;
	v41 =	vadd.f32 v20, v35  }
0x817: {  	s29 =	sadd.s32 $0x400, s29;
	v17 =	vor.u32 v60, v39;
	v20 =	vor.u32 v60, v13;
	v13 =	vor.u32 v60, v40  }
0x818: {  	v36 =	vcvt.s32.f32 v34;
	v35 =	vcvt.s32.f32 v43;
	[tilespmem:s29+$0x0] =	vst v41  }
0x819: {  	s1 =	sadd.s32 $0x400, s1;
	v37 =	vcvt.s32.f32 v37;
	v34 =	vcvt.s32.f32 v38  }
0x81a: {  	_ =	sdelay $0x3  }
0x81b: {  	v38 =	vld.idx.msk [tilespmem:v29+s16+$0x0], $0xffff  }
0x81c: {  	v39 =	vld.idx.msk [tilespmem:v27+s16+$0x0], $0xffff  }
0x81d: {  	v44 =	vld.idx.msk [tilespmem:v26+s16+$0x0], $0xffff  }
0x81e: {  	v0 =	vmul.f32 v0, v11;
	v11 =	vld.idx.msk [tilespmem:v24+s16+$0x0], $0xffff  }
0x81f: {  	v45 =	vld.idx.msk [tilespmem:v20+s16+$0x0], $0xffff  }
0x820: {  	v28 =	vsub.f32 v28, v36;
	v9 =	vmul.f32 v61, v9;
	v61 =	vld.idx.msk [tilespmem:v17+s16+$0x0], $0xffff  }
0x821: {  	v4 =	vsub.f32 v4, v35;
	v32 =	vcvt.s32.f32 v32;
	v12 =	vmul.f32 v62, v12;
	v62 =	vld.idx.msk [tilespmem:v13+s16+$0x0], $0xffff  }
0x822: {  	v33 =	vcvt.s32.f32 v33;
	v16 =	vmul.f32 v63, v16;
	v63 =	vld.idx.msk [tilespmem:v29+s15+$0x0], $0xffff;
	v0 =	vadd.f32 v0, v30  }
0x823: {  	v1 =	vmul.f32 v1, v15;
	v29 =	vld.idx.msk [tilespmem:v27+s15+$0x0], $0xffff;
	v2 =	vmul.f32 v2, v23;
	v9 =	vadd.f32 v9, v25  }
0x824: {  	v36 =	vld.idx.msk [tilespmem:v24+s15+$0x0], $0xffff;
	v8 =	vsub.f32 v8, v32;
	v5 =	vadd.f32 v12, v5;
	[tilespmem:s28+$0xFFFFFF90] =	vst v0  }
0x825: {  	v41 =	vld.idx.msk [tilespmem:v20+s15+$0x0], $0xffff;
	v14 =	vsub.f32 v14, v33;
	v1 =	vadd.f32 v1, v10;
	[tilespmem:s28+$0xFFFFFFA0] =	vst v9  }
0x826: {  	v25 =	vmul.f32 v59, v22;
	v32 =	vld.idx.msk [tilespmem:v26+s15+$0x0], $0xffff;
	v33 =	vadd.f32 v16, v18;
	[tilespmem:s28+$0xFFFFFFB0] =	vst v5  }
0x827: {  	v6 =	vsub.f32 v6, v37;
	v2 =	vadd.f32 v2, v21;
	[tilespmem:s28+$0xFFFFFFC0] =	vst v1;
	v40 =	vmul.f32 v28, v38  }
0x828: {  	v7 =	vsub.f32 v7, v34;
	v37 =	vadd.f32 v25, v19;
	[tilespmem:s28+$0xFFFFFFD0] =	vst v33;
	v4 =	vmul.f32 v4, v39  }
0x829: {  	v42 =	vcvt.s32.f32 v31;
	v43 =	vld.idx.msk [tilespmem:v17+s15+$0x0], $0xffff;
	[tilespmem:s28+$0xFFFFFFF0] =	vst v2;
	v6 =	vmul.f32 v6, v44;
	v0 =	vadd.f32 v40, v63  }
0x82a: {  	v44 =	vld.idx.msk [tilespmem:v13+s15+$0x0], $0xffff;
	v7 =	vmul.f32 v7, v11;
	[tilespmem:s28+$0xFFFFFFE0] =	vst v37;
	v4 =	vadd.f32 v4, v29  }
0x82b: {  	v3 =	vsub.f32 v3, v42;
	v8 =	vmul.f32 v8, v45;
	v45 =	vadd.f32 v6, v32;
	[tilespmem:s29+$0xFFFFFF90] =	vst v0  }
0x82c: {  	v59 =	vmul.f32 v14, v61;
	v61 =	vadd.f32 v7, v36;
	[tilespmem:s29+$0xFFFFFFA0] =	vst v4  }
0x82d: {  	p0 =	seq.s32 s23, $0x1F;
	v3 =	vmul.f32 v3, v62;
	v62 =	vadd.f32 v8, v41;
	[tilespmem:s29+$0xFFFFFFB0] =	vst v45  }
.Ltmp21:
0x82e: {  	v1 =	vadd.f32 v59, v43;
	[tilespmem:s29+$0xFFFFFFC0] =	vst v61;
	(pc) =	sbr.rel @p0 .LBB2_40-.Ltmp21, $4  }
0x82f: {  	s1 =	sadd.s32 s26, s3;
	[tilespmem:s29+$0xFFFFFFD0] =	vst v62;
	v63 =	vadd.f32 v3, v44  }
0x830: {  	s1 =	sadd.s32 s25, s1;
	[tilespmem:s29+$0xFFFFFFE0] =	vst v1  }
0x831: {  	s1 =	sadd.s32 $0x800, s1;
	[tilespmem:s29+$0xFFFFFFF0] =	vst v63  }
0x832: {  	[hbm4b:s1+s4] =	stream.linear.scatter [tilespmem:s20], [sflag:$0x4], $0x4000, $0x38;
	[tilespmem:$0x10880] =	vst v63  }
0x833: {  	s1 =	sadd.s32 $0x3, s24  }
.Ltmp22:
0x834: {  	s2 =	sshrl.u32 s1, $0x2;
	s1 =	sshll.u32 s1, $0xB;
	(pc) =	sbr.rel .LBB2_2-.Ltmp22, $4  }
0x835: {  	s2 =	sadd.s32 s8, s2;
	s1 =	sand.u32 $0x1800, s1  }
0x836: {  	s2 =	sshll.u32 s2, $0xD;
	s1 =	sadd.s32 s0, s1  }
0x837: {  	s23 =	sadd.s32 $0x1, s23;
	s1 =	sadd.s32 s2, s1  }
0x838: {  	[tilespmem:s13], [sflag:$0x2] =	stream.linear.gather [hbm4b:s1+s4], $0x4000, $0x38;
	[tilespmem:$0x10880] =	vst v63  }
.LBB2_41:
0x839: {  	_ =	sfence.sel $0x180000  }
0x83a: {  	[bflag:$0x0] =	sbarrier.arrive $0xFFFF  }
0x83b: {  	_ =	strace $0x90000047  }
0x83c: {  	s0 =	stileid.u32;
	[bflag:$0x2] =	sbarrier.arrive $0xFFFF  }
0x83d: {  	p0 =	sne.s32 s0, $0x0;
	s0 =	rddreg [dreg:$0x3]  }
0x83e: {  	s0 =	sadd.s32 @!p0 $0x100000, s0  }
0x83f: {  	[sflag:s0] =	ssyncadd.tile.s32 @!p0 $0x1;
	_ =	shalt  }
.Lfunc_end2:
_tile_overlayer_lowered:
.L_overlay_start_2:
0x840: {  	(tag) =	ssettag $0x2  }
0x841: {  	s0 =	rddreg [dreg:$0x0];
	s2 =	stileid.u32  }
0x842: {  	s1 =	rddreg [dreg:$0x1];
	p0 =	sne.s32 s2, $0x0  }
0x843: {  	s3 =	rddreg [dreg:$0x2];
	[bflag:$0x3] =	sbarrier.arrive $0xFFFF;
	s2 =	simm.s32 @!p0 $0x1C05  }
0x844: {  	[timem:s3], [sflag:s2] =	dma.local @!p0 [hbm:s0], s1  }
0x845: {  	s0 =	simm.s32 @!p0 $0x5  }
0x846: {  	_ =	swait.ge @!p0 [sflag:s0], s1  }
0x847: {  	s1 =	ssub.s32 @!p0 $0x0, s1;
	[sflag:s0] =	ssyncset.done @!p0 $0x0  }
0x848: {  	[sflag:s0] =	ssyncadd.s32 @!p0 s1  }
0x849: {  	[bflag:$0x3] =	sbarrier.arrive $0xFFFF  }
0x84a: {  	_ =	shalt  }

</sc_bundles>
